<compile_context>
chip_gen: v7x
topology: tpu7x:2x2x1
jax: 0.10.2.dev20260603
libtpu: 0.0.44.dev20260713+nightly
codegen_flags: <defaults>
</compile_context>

<pallas_src>
import functools

import jax
import jax.numpy as jnp
from jax import lax
from jax.experimental import pallas as pl
from jax.experimental.pallas import tpu as pltpu, tpu_sc as plsc

N = 1000000
NZ = 64
B = 16384

_info = plsc.get_sparse_core_info()
_NC, _NS, _L = _info.num_cores, _info.num_subcores, _info.num_lanes
_NW = _NC * _NS
_NBLK = (N + 127) // 128
_BPWF = _NBLK // _NW
_REM = _NBLK - _BPWF * _NW
_CB = 1
_ICH = 2048
_SROWS = 64
_WLSZ = 4096


def _make_gather():
    mesh = plsc.VectorSubcoreMesh(core_axis_name="c", subcore_axis_name="s")

    @functools.partial(
        pl.kernel,
        mesh=mesh,
        out_type=jax.ShapeDtypeStruct((B, NZ), jnp.float32),
        scratch_types=[
            pltpu.VMEM((_ICH,), jnp.int32),
            pltpu.VMEM((_WLSZ + _L,), jnp.int32),
            pltpu.VMEM((_WLSZ + _L,), jnp.int32),
            pltpu.VMEM((10, NZ, _CB * 128), jnp.float32),
            pltpu.VMEM((_SROWS, NZ), jnp.float32),
            pltpu.SMEM((_BPWF + 2,), jnp.int32),
            pltpu.SMEM((_BPWF + 2,), jnp.int32),
            pltpu.SMEM((_BPWF + 2,), jnp.int32),
            [pltpu.SemaphoreType.DMA] * 10,
            pltpu.SemaphoreType.DMA,
        ],
        compiler_params=pltpu.CompilerParams(needs_layout_passes=False),
    )
    def gather_kernel(idx_hbm, table_hbm, out_hbm, idxb_v, wl_v, wl2_v,
                      ring_v, stage_v, cnt_s, start_s, cur_s,
                      sems, sem_o):
        wid = lax.axis_index("s") * _NC + lax.axis_index("c")
        lo = _BPWF * wid + jnp.minimum(wid, _REM)
        nb = _BPWF + jnp.where(wid < _REM, 1, 0)
        nch = (nb + _CB - 1) // _CB
        jota = lax.iota(jnp.int32, _L)

        def fetch_t(t):
            gs = lo + jnp.minimum(t * _CB, nb - _CB)
            b0 = pl.multiple_of(gs * 128, 128)
            buf = lax.rem(t, 10)
            for bi, sem in enumerate(sems):
                @pl.when(buf == bi)
                def _(bi=bi, sem=sem):
                    pltpu.async_copy(
                        table_hbm.at[:, pl.ds(b0, _CB * 128)],
                        ring_v.at[bi], sem)

        def wait_t(t):
            buf = lax.rem(t, 10)
            for bi, sem in enumerate(sems):
                @pl.when(buf == bi)
                def _(bi=bi, sem=sem):
                    pltpu.make_async_copy(
                        table_hbm.at[:, pl.ds(0, _CB * 128)],
                        ring_v.at[bi], sem).wait()

        for _t in range(10):
            fetch_t(_t)

        def fa_chunk(c, off):
            pltpu.sync_copy(idx_hbm.at[pl.ds(c * _ICH, _ICH)], idxb_v)

            def fa_vec(g, off):
                v = idxb_v[pl.ds(g * _L, _L)]
                blk = v >> 7
                m = (blk >= lo) & (blk < lo + nb)
                i_vec = c * _ICH + g * _L + jota
                e = (i_vec << 15) | ((v & 127) << 8) | (blk - lo)
                cnt = plsc.all_reduce_population_count(m)
                plsc.store_compressed(wl_v.at[pl.ds(off, _L)], e, mask=m)
                return jnp.minimum(off + cnt[0], _WLSZ)

            return lax.fori_loop(0, _ICH // _L, fa_vec, off)

        total = lax.fori_loop(0, B // _ICH, fa_chunk, 0)

        def zero(k, car):
            cnt_s[k] = 0
            return car

        lax.fori_loop(0, _BPWF + 2, zero, 0)

        def hist(p, car):
            e = wl_v[pl.ds(p, _L)][0]
            bl = e & 255
            cnt_s[bl] = cnt_s[bl] + 1
            return car

        lax.fori_loop(0, total, hist, 0)

        def pref(k, acc):
            start_s[k] = acc
            cur_s[k] = acc
            return acc + cnt_s[k]

        lax.fori_loop(0, _BPWF + 2, pref, 0)

        lane0 = jota == 0

        def scat(p, car):
            e = wl_v[pl.ds(p, _L)][0]
            bl = e & 255
            pos = cur_s[bl]
            cur_s[bl] = pos + 1
            plsc.store_scatter(
                wl2_v, [jnp.full((_L,), pos, jnp.int32)],
                jnp.full((_L,), e, jnp.int32), mask=lane0)
            return car

        lax.fori_loop(0, total, scat, 0)

        def chunk(t, car):
            wait_t(t)
            buf = lax.rem(t, 10)
            gs_local = jnp.minimum(t * _CB, nb - _CB)
            p0 = start_s[jnp.minimum(t * _CB, nb)]
            p1 = start_s[jnp.minimum(t * _CB + _CB, nb)]

            def entry(p, car):
                e = wl2_v[pl.ds(p, _L)][0]
                bl = e & 255
                l = (e >> 8) & 127
                i = e >> 15
                lane = jnp.full((_L,), (bl - gs_local) * 128 + l, jnp.int32)
                bufv = jnp.full((_L,), buf, jnp.int32)
                srow = lax.rem(p, _SROWS)

                @pl.when((srow == 0) & (p > 0))
                def _():
                    pltpu.make_async_copy(
                        out_hbm.at[pl.ds(0, _SROWS)], stage_v, sem_o).wait()

                for k in range(NZ // _L):
                    stage_v[srow, pl.ds(k * _L, _L)] = plsc.load_gather(
                        ring_v, [bufv, jota + k * _L, lane])
                pltpu.async_copy(
                    stage_v.at[pl.ds(srow, 1)],
                    out_hbm.at[pl.ds(i, 1)], sem_o)
                return car

            lax.fori_loop(p0, p1, entry, 0)

            @pl.when(t + 10 < nch)
            def _():
                fetch_t(t + 10)

            return car

        lax.fori_loop(0, nch, chunk, 0)

        resid = jnp.where(total > 0, lax.rem(total - 1, _SROWS) + 1, 0)

        def dr(k, car):
            pltpu.make_async_copy(
                out_hbm.at[pl.ds(0, 1)], stage_v.at[pl.ds(0, 1)],
                sem_o).wait()
            return car

        lax.fori_loop(0, resid, dr, 0)

    return gather_kernel


_gather = _make_gather()


def kernel(idx, emb_weight):
    return _gather(idx.astype(jnp.int32), emb_weight.T)

# --- scband reference (transcript-rebuilt; emitter-appended) ---
"""Pipeline reference for scband-net-z-24361054503101 (READ-ONLY COPY).

The authoritative reference and input builder live on the scoring server;
editing this copy changes nothing except your own understanding.
"""

import jax, jax.numpy as jnp
import numpy as np

N = 1000000
NZ = 64
B = 16384

def setup_inputs(seed: int = 0) -> dict:
    key = jax.random.key(seed)
    k_idx, k_emb = jax.random.split(key)
    idx = jax.random.randint(k_idx, (B,), 0, N, dtype=jnp.int64 if jax.config.jax_enable_x64 else jnp.int32)
    # nn.Embedding default init: N(0, 1)
    emb_weight = jax.random.normal(k_emb, (N, NZ), dtype=jnp.float32)
    return {"idx": idx, "emb_weight": emb_weight}

def reference(idx, emb_weight):
    # z = self.emb(idx).squeeze()
    z = jnp.take(emb_weight, idx, axis=0)
    z = jnp.squeeze(z)
    return z

if __name__ == "__main__":
    import jax
    _d = setup_inputs()
    print(jax.jit(kernel)(*tuple(_d.values())))

</pallas_src>

<mosaic_0001>
#map = affine_map<(d0, d1) -> (0)>
#map1 = affine_map<(d0, d1) -> (0, 0)>
module attributes {stable_mosaic.version = 14 : i64} {
  func.func @gather_kernel(%arg0: i32, %arg1: i32, %arg2: memref<16384xi32, #tpu.memory_space<hbm>>, %arg3: memref<64x1000000xf32, #tpu.memory_space<hbm>>, %arg4: memref<16384x64xf32, #tpu.memory_space<hbm>>, %arg5: memref<2048xi32, #tpu.memory_space<vmem>>, %arg6: memref<4112xi32, #tpu.memory_space<vmem>>, %arg7: memref<4112xi32, #tpu.memory_space<vmem>>, %arg8: memref<10x64x128xf32, #tpu.memory_space<vmem>>, %arg9: memref<64x64xf32, #tpu.memory_space<vmem>>, %arg10: memref<246xi32, #tpu.memory_space<smem>>, %arg11: memref<246xi32, #tpu.memory_space<smem>>, %arg12: memref<246xi32, #tpu.memory_space<smem>>, %arg13: memref<!tpu.dma_semaphore, #tpu.memory_space<semaphore_mem>>, %arg14: memref<!tpu.dma_semaphore, #tpu.memory_space<semaphore_mem>>, %arg15: memref<!tpu.dma_semaphore, #tpu.memory_space<semaphore_mem>>, %arg16: memref<!tpu.dma_semaphore, #tpu.memory_space<semaphore_mem>>, %arg17: memref<!tpu.dma_semaphore, #tpu.memory_space<semaphore_mem>>, %arg18: memref<!tpu.dma_semaphore, #tpu.memory_space<semaphore_mem>>, %arg19: memref<!tpu.dma_semaphore, #tpu.memory_space<semaphore_mem>>, %arg20: memref<!tpu.dma_semaphore, #tpu.memory_space<semaphore_mem>>, %arg21: memref<!tpu.dma_semaphore, #tpu.memory_space<semaphore_mem>>, %arg22: memref<!tpu.dma_semaphore, #tpu.memory_space<semaphore_mem>>, %arg23: memref<!tpu.dma_semaphore, #tpu.memory_space<semaphore_mem>>) attributes {dimension_semantics = [#tpu.dimension_semantics<core_parallel>, #tpu.dimension_semantics<subcore_parallel>], iteration_bounds = array<i64: 2, 16>, scalar_prefetch = 0 : i64, scratch_operands = 19 : i64, tpu.core_type = #tpu.core_type<sc_vector_subcore>, window_params = [{transform_indices = #map}, {transform_indices = #map1}, {transform_indices = #map1}]} {
    %mul3A = arith.constant 2 : i32
    %mul3A_0 = arith.muli %arg1, %mul3A : i32
    %add3A = arith.addi %mul3A_0, %arg0 : i32
    %mul3A_1 = arith.constant 244 : i32
    %mul3A_2 = arith.muli %mul3A_1, %add3A : i32
    %min3A = arith.constant 5 : i32
    %min3A_3 = arith.minsi %add3A, %min3A : i32
    %add3A_4 = arith.addi %mul3A_2, %min3A_3 : i32
    %lt3A = arith.constant 5 : i32
    %lt3A_5 = arith.cmpi slt, %add3A, %lt3A : i32
    %jit3A = arith.constant 1 : i32
    %jit3A_6 = arith.constant 0 : i32
    %select_n3A = arith.select %lt3A_5, %jit3A, %jit3A_6 : i32
    %add3A_7 = arith.constant 244 : i32
    %add3A_8 = arith.addi %add3A_7, %select_n3A : i32
    %add3A_9 = arith.constant 1 : i32
    %add3A_10 = arith.addi %add3A_8, %add3A_9 : i32
    %sub3A = arith.constant 1 : i32
    %sub3A_11 = arith.subi %add3A_10, %sub3A : i32
    %jit3A_12 = arith.constant 1 : i32
    %div3A = arith.divsi %sub3A_11, %jit3A_12 : i32
    %sign3A = arith.constant 0 : i32
    %sign3A_13 = arith.cmpi sgt, %sub3A_11, %sign3A : i32
    %sign3A_14 = arith.extui %sign3A_13 : i1 to i32
    %sign3A_15 = arith.constant 0 : i32
    %sign3A_16 = arith.cmpi slt, %sub3A_11, %sign3A_15 : i32
    %sign3A_17 = arith.extui %sign3A_16 : i1 to i32
    %sign3A_18 = arith.subi %sign3A_14, %sign3A_17 : i32
    %sign3A_19 = arith.constant 0 : i32
    %sign3A_20 = arith.cmpi sgt, %jit3A_12, %sign3A_19 : i32
    %sign3A_21 = arith.extui %sign3A_20 : i1 to i32
    %sign3A_22 = arith.constant 0 : i32
    %sign3A_23 = arith.cmpi slt, %jit3A_12, %sign3A_22 : i32
    %sign3A_24 = arith.extui %sign3A_23 : i1 to i32
    %sign3A_25 = arith.subi %sign3A_21, %sign3A_24 : i32
    %ne3A = arith.cmpi ne, %sign3A_18, %sign3A_25 : i32
    %rem3A = arith.remsi %sub3A_11, %jit3A_12 : i32
    %ne3A_26 = arith.constant 0 : i32
    %ne3A_27 = arith.cmpi ne, %rem3A, %ne3A_26 : i32
    %and3A = arith.andi %ne3A, %ne3A_27 : i1
    %sub3A_28 = arith.constant 1 : i32
    %sub3A_29 = arith.subi %div3A, %sub3A_28 : i32
    %select_n3A_30 = arith.select %and3A, %sub3A_29, %div3A : i32
    %iota3A = tpu.iota {dimensions = array<i32: 0>} : vector<16xi32>
    %sub3A_31 = arith.constant 1 : i32
    %sub3A_32 = arith.subi %add3A_8, %sub3A_31 : i32
    %min3A_33 = arith.constant 0 : i32
    %min3A_34 = arith.minsi %min3A_33, %sub3A_32 : i32
    %add3A_35 = arith.addi %add3A_4, %min3A_34 : i32
    %mul3A_36 = arith.constant 128 : i32
    %mul3A_37 = arith.muli %add3A_35, %mul3A_36 : i32
    %multiple_of3A = tpu.assume_multiple %mul3A_37, 128 : i32
    %rem3A_38 = arith.constant 0 : i32
    %rem3A_39 = arith.constant 10 : i32
    %rem3A_40 = arith.remsi %rem3A_38, %rem3A_39 : i32
    %eq3A = arith.constant 0 : i32
    %eq3A_41 = arith.cmpi eq, %rem3A_40, %eq3A : i32
    %convert_element_type3A = arith.extui %eq3A_41 : i1 to i32
    %cond3A = arith.constant 0 : i32
    %cond3A_42 = arith.cmpi ne, %convert_element_type3A, %cond3A : i32
    scf.if %cond3A_42 {
      %dma_start3A = arith.constant 0 : i32
      %dma_start3A_707 = arith.constant 0 : i32
      %dma_start3A_708 = arith.constant 0 : i32
      %dma_start3A_709 = tpu.memref_slice %arg8[%dma_start3A, %dma_start3A_707, %dma_start3A_708] : memref<10x64x128xf32, #tpu.memory_space<vmem>> -> memref<1x64x128xf32, #tpu.memory_space<vmem>>
      %dma_start3A_710 = tpu.memref_squeeze %dma_start3A_709 : memref<1x64x128xf32, #tpu.memory_space<vmem>> -> memref<64x128xf32, #tpu.memory_space<vmem>>
      %dma_start3A_711 = arith.constant 0 : i32
      %dma_start3A_712 = tpu.memref_slice %arg3[%dma_start3A_711, %multiple_of3A] : memref<64x1000000xf32, #tpu.memory_space<hbm>> -> memref<64x128xf32, #tpu.memory_space<hbm>>
      %dma_start3A_713 = arith.constant 0 : i32
      %dma_start3A_714 = arith.constant 0 : i32
      %dma_start3A_715 = tpu.memref_slice %arg8[%dma_start3A, %dma_start3A_713, %dma_start3A_714] : memref<10x64x128xf32, #tpu.memory_space<vmem>> -> memref<1x64x128xf32, #tpu.memory_space<vmem>>
      %dma_start3A_716 = tpu.memref_squeeze %dma_start3A_715 : memref<1x64x128xf32, #tpu.memory_space<vmem>> -> memref<64x128xf32, #tpu.memory_space<vmem>>
      %dma_start3A_717 = arith.constant 0 : i32
      %dma_start3A_718 = tpu.memref_slice %arg3[%dma_start3A_717, %multiple_of3A] : memref<64x1000000xf32, #tpu.memory_space<hbm>> -> memref<64x128xf32, #tpu.memory_space<hbm>>
      tpu.enqueue_dma source(%dma_start3A_718 : memref<64x128xf32, #tpu.memory_space<hbm>>) target(%dma_start3A_716 : memref<64x128xf32, #tpu.memory_space<vmem>>) target_semaphore(%arg13 : memref<!tpu.dma_semaphore, #tpu.memory_space<semaphore_mem>>)
    } else {
    }
    %eq3A_43 = arith.constant 1 : i32
    %eq3A_44 = arith.cmpi eq, %rem3A_40, %eq3A_43 : i32
    %convert_element_type3A_45 = arith.extui %eq3A_44 : i1 to i32
    %cond3A_46 = arith.constant 0 : i32
    %cond3A_47 = arith.cmpi ne, %convert_element_type3A_45, %cond3A_46 : i32
    scf.if %cond3A_47 {
      %dma_start3A = arith.constant 1 : i32
      %dma_start3A_707 = arith.constant 0 : i32
      %dma_start3A_708 = arith.constant 0 : i32
      %dma_start3A_709 = tpu.memref_slice %arg8[%dma_start3A, %dma_start3A_707, %dma_start3A_708] : memref<10x64x128xf32, #tpu.memory_space<vmem>> -> memref<1x64x128xf32, #tpu.memory_space<vmem>>
      %dma_start3A_710 = tpu.memref_squeeze %dma_start3A_709 : memref<1x64x128xf32, #tpu.memory_space<vmem>> -> memref<64x128xf32, #tpu.memory_space<vmem>>
      %dma_start3A_711 = arith.constant 0 : i32
      %dma_start3A_712 = tpu.memref_slice %arg3[%dma_start3A_711, %multiple_of3A] : memref<64x1000000xf32, #tpu.memory_space<hbm>> -> memref<64x128xf32, #tpu.memory_space<hbm>>
      %dma_start3A_713 = arith.constant 0 : i32
      %dma_start3A_714 = arith.constant 0 : i32
      %dma_start3A_715 = tpu.memref_slice %arg8[%dma_start3A, %dma_start3A_713, %dma_start3A_714] : memref<10x64x128xf32, #tpu.memory_space<vmem>> -> memref<1x64x128xf32, #tpu.memory_space<vmem>>
      %dma_start3A_716 = tpu.memref_squeeze %dma_start3A_715 : memref<1x64x128xf32, #tpu.memory_space<vmem>> -> memref<64x128xf32, #tpu.memory_space<vmem>>
      %dma_start3A_717 = arith.constant 0 : i32
      %dma_start3A_718 = tpu.memref_slice %arg3[%dma_start3A_717, %multiple_of3A] : memref<64x1000000xf32, #tpu.memory_space<hbm>> -> memref<64x128xf32, #tpu.memory_space<hbm>>
      tpu.enqueue_dma source(%dma_start3A_718 : memref<64x128xf32, #tpu.memory_space<hbm>>) target(%dma_start3A_716 : memref<64x128xf32, #tpu.memory_space<vmem>>) target_semaphore(%arg14 : memref<!tpu.dma_semaphore, #tpu.memory_space<semaphore_mem>>)
    } else {
    }
    %eq3A_48 = arith.constant 2 : i32
    %eq3A_49 = arith.cmpi eq, %rem3A_40, %eq3A_48 : i32
    %convert_element_type3A_50 = arith.extui %eq3A_49 : i1 to i32
    %cond3A_51 = arith.constant 0 : i32
    %cond3A_52 = arith.cmpi ne, %convert_element_type3A_50, %cond3A_51 : i32
    scf.if %cond3A_52 {
      %dma_start3A = arith.constant 2 : i32
      %dma_start3A_707 = arith.constant 0 : i32
      %dma_start3A_708 = arith.constant 0 : i32
      %dma_start3A_709 = tpu.memref_slice %arg8[%dma_start3A, %dma_start3A_707, %dma_start3A_708] : memref<10x64x128xf32, #tpu.memory_space<vmem>> -> memref<1x64x128xf32, #tpu.memory_space<vmem>>
      %dma_start3A_710 = tpu.memref_squeeze %dma_start3A_709 : memref<1x64x128xf32, #tpu.memory_space<vmem>> -> memref<64x128xf32, #tpu.memory_space<vmem>>
      %dma_start3A_711 = arith.constant 0 : i32
      %dma_start3A_712 = tpu.memref_slice %arg3[%dma_start3A_711, %multiple_of3A] : memref<64x1000000xf32, #tpu.memory_space<hbm>> -> memref<64x128xf32, #tpu.memory_space<hbm>>
      %dma_start3A_713 = arith.constant 0 : i32
      %dma_start3A_714 = arith.constant 0 : i32
      %dma_start3A_715 = tpu.memref_slice %arg8[%dma_start3A, %dma_start3A_713, %dma_start3A_714] : memref<10x64x128xf32, #tpu.memory_space<vmem>> -> memref<1x64x128xf32, #tpu.memory_space<vmem>>
      %dma_start3A_716 = tpu.memref_squeeze %dma_start3A_715 : memref<1x64x128xf32, #tpu.memory_space<vmem>> -> memref<64x128xf32, #tpu.memory_space<vmem>>
      %dma_start3A_717 = arith.constant 0 : i32
      %dma_start3A_718 = tpu.memref_slice %arg3[%dma_start3A_717, %multiple_of3A] : memref<64x1000000xf32, #tpu.memory_space<hbm>> -> memref<64x128xf32, #tpu.memory_space<hbm>>
      tpu.enqueue_dma source(%dma_start3A_718 : memref<64x128xf32, #tpu.memory_space<hbm>>) target(%dma_start3A_716 : memref<64x128xf32, #tpu.memory_space<vmem>>) target_semaphore(%arg15 : memref<!tpu.dma_semaphore, #tpu.memory_space<semaphore_mem>>)
    } else {
    }
    %eq3A_53 = arith.constant 3 : i32
    %eq3A_54 = arith.cmpi eq, %rem3A_40, %eq3A_53 : i32
    %convert_element_type3A_55 = arith.extui %eq3A_54 : i1 to i32
    %cond3A_56 = arith.constant 0 : i32
    %cond3A_57 = arith.cmpi ne, %convert_element_type3A_55, %cond3A_56 : i32
    scf.if %cond3A_57 {
      %dma_start3A = arith.constant 3 : i32
      %dma_start3A_707 = arith.constant 0 : i32
      %dma_start3A_708 = arith.constant 0 : i32
      %dma_start3A_709 = tpu.memref_slice %arg8[%dma_start3A, %dma_start3A_707, %dma_start3A_708] : memref<10x64x128xf32, #tpu.memory_space<vmem>> -> memref<1x64x128xf32, #tpu.memory_space<vmem>>
      %dma_start3A_710 = tpu.memref_squeeze %dma_start3A_709 : memref<1x64x128xf32, #tpu.memory_space<vmem>> -> memref<64x128xf32, #tpu.memory_space<vmem>>
      %dma_start3A_711 = arith.constant 0 : i32
      %dma_start3A_712 = tpu.memref_slice %arg3[%dma_start3A_711, %multiple_of3A] : memref<64x1000000xf32, #tpu.memory_space<hbm>> -> memref<64x128xf32, #tpu.memory_space<hbm>>
      %dma_start3A_713 = arith.constant 0 : i32
      %dma_start3A_714 = arith.constant 0 : i32
      %dma_start3A_715 = tpu.memref_slice %arg8[%dma_start3A, %dma_start3A_713, %dma_start3A_714] : memref<10x64x128xf32, #tpu.memory_space<vmem>> -> memref<1x64x128xf32, #tpu.memory_space<vmem>>
      %dma_start3A_716 = tpu.memref_squeeze %dma_start3A_715 : memref<1x64x128xf32, #tpu.memory_space<vmem>> -> memref<64x128xf32, #tpu.memory_space<vmem>>
      %dma_start3A_717 = arith.constant 0 : i32
      %dma_start3A_718 = tpu.memref_slice %arg3[%dma_start3A_717, %multiple_of3A] : memref<64x1000000xf32, #tpu.memory_space<hbm>> -> memref<64x128xf32, #tpu.memory_space<hbm>>
      tpu.enqueue_dma source(%dma_start3A_718 : memref<64x128xf32, #tpu.memory_space<hbm>>) target(%dma_start3A_716 : memref<64x128xf32, #tpu.memory_space<vmem>>) target_semaphore(%arg16 : memref<!tpu.dma_semaphore, #tpu.memory_space<semaphore_mem>>)
    } else {
    }
    %eq3A_58 = arith.constant 4 : i32
    %eq3A_59 = arith.cmpi eq, %rem3A_40, %eq3A_58 : i32
    %convert_element_type3A_60 = arith.extui %eq3A_59 : i1 to i32
    %cond3A_61 = arith.constant 0 : i32
    %cond3A_62 = arith.cmpi ne, %convert_element_type3A_60, %cond3A_61 : i32
    scf.if %cond3A_62 {
      %dma_start3A = arith.constant 4 : i32
      %dma_start3A_707 = arith.constant 0 : i32
      %dma_start3A_708 = arith.constant 0 : i32
      %dma_start3A_709 = tpu.memref_slice %arg8[%dma_start3A, %dma_start3A_707, %dma_start3A_708] : memref<10x64x128xf32, #tpu.memory_space<vmem>> -> memref<1x64x128xf32, #tpu.memory_space<vmem>>
      %dma_start3A_710 = tpu.memref_squeeze %dma_start3A_709 : memref<1x64x128xf32, #tpu.memory_space<vmem>> -> memref<64x128xf32, #tpu.memory_space<vmem>>
      %dma_start3A_711 = arith.constant 0 : i32
      %dma_start3A_712 = tpu.memref_slice %arg3[%dma_start3A_711, %multiple_of3A] : memref<64x1000000xf32, #tpu.memory_space<hbm>> -> memref<64x128xf32, #tpu.memory_space<hbm>>
      %dma_start3A_713 = arith.constant 0 : i32
      %dma_start3A_714 = arith.constant 0 : i32
      %dma_start3A_715 = tpu.memref_slice %arg8[%dma_start3A, %dma_start3A_713, %dma_start3A_714] : memref<10x64x128xf32, #tpu.memory_space<vmem>> -> memref<1x64x128xf32, #tpu.memory_space<vmem>>
      %dma_start3A_716 = tpu.memref_squeeze %dma_start3A_715 : memref<1x64x128xf32, #tpu.memory_space<vmem>> -> memref<64x128xf32, #tpu.memory_space<vmem>>
      %dma_start3A_717 = arith.constant 0 : i32
      %dma_start3A_718 = tpu.memref_slice %arg3[%dma_start3A_717, %multiple_of3A] : memref<64x1000000xf32, #tpu.memory_space<hbm>> -> memref<64x128xf32, #tpu.memory_space<hbm>>
      tpu.enqueue_dma source(%dma_start3A_718 : memref<64x128xf32, #tpu.memory_space<hbm>>) target(%dma_start3A_716 : memref<64x128xf32, #tpu.memory_space<vmem>>) target_semaphore(%arg17 : memref<!tpu.dma_semaphore, #tpu.memory_space<semaphore_mem>>)
    } else {
    }
    %eq3A_63 = arith.constant 5 : i32
    %eq3A_64 = arith.cmpi eq, %rem3A_40, %eq3A_63 : i32
    %convert_element_type3A_65 = arith.extui %eq3A_64 : i1 to i32
    %cond3A_66 = arith.constant 0 : i32
    %cond3A_67 = arith.cmpi ne, %convert_element_type3A_65, %cond3A_66 : i32
    scf.if %cond3A_67 {
      %dma_start3A = arith.constant 5 : i32
      %dma_start3A_707 = arith.constant 0 : i32
      %dma_start3A_708 = arith.constant 0 : i32
      %dma_start3A_709 = tpu.memref_slice %arg8[%dma_start3A, %dma_start3A_707, %dma_start3A_708] : memref<10x64x128xf32, #tpu.memory_space<vmem>> -> memref<1x64x128xf32, #tpu.memory_space<vmem>>
      %dma_start3A_710 = tpu.memref_squeeze %dma_start3A_709 : memref<1x64x128xf32, #tpu.memory_space<vmem>> -> memref<64x128xf32, #tpu.memory_space<vmem>>
      %dma_start3A_711 = arith.constant 0 : i32
      %dma_start3A_712 = tpu.memref_slice %arg3[%dma_start3A_711, %multiple_of3A] : memref<64x1000000xf32, #tpu.memory_space<hbm>> -> memref<64x128xf32, #tpu.memory_space<hbm>>
      %dma_start3A_713 = arith.constant 0 : i32
      %dma_start3A_714 = arith.constant 0 : i32
      %dma_start3A_715 = tpu.memref_slice %arg8[%dma_start3A, %dma_start3A_713, %dma_start3A_714] : memref<10x64x128xf32, #tpu.memory_space<vmem>> -> memref<1x64x128xf32, #tpu.memory_space<vmem>>
      %dma_start3A_716 = tpu.memref_squeeze %dma_start3A_715 : memref<1x64x128xf32, #tpu.memory_space<vmem>> -> memref<64x128xf32, #tpu.memory_space<vmem>>
      %dma_start3A_717 = arith.constant 0 : i32
      %dma_start3A_718 = tpu.memref_slice %arg3[%dma_start3A_717, %multiple_of3A] : memref<64x1000000xf32, #tpu.memory_space<hbm>> -> memref<64x128xf32, #tpu.memory_space<hbm>>
      tpu.enqueue_dma source(%dma_start3A_718 : memref<64x128xf32, #tpu.memory_space<hbm>>) target(%dma_start3A_716 : memref<64x128xf32, #tpu.memory_space<vmem>>) target_semaphore(%arg18 : memref<!tpu.dma_semaphore, #tpu.memory_space<semaphore_mem>>)
    } else {
    }
    %eq3A_68 = arith.constant 6 : i32
    %eq3A_69 = arith.cmpi eq, %rem3A_40, %eq3A_68 : i32
    %convert_element_type3A_70 = arith.extui %eq3A_69 : i1 to i32
    %cond3A_71 = arith.constant 0 : i32
    %cond3A_72 = arith.cmpi ne, %convert_element_type3A_70, %cond3A_71 : i32
    scf.if %cond3A_72 {
      %dma_start3A = arith.constant 6 : i32
      %dma_start3A_707 = arith.constant 0 : i32
      %dma_start3A_708 = arith.constant 0 : i32
      %dma_start3A_709 = tpu.memref_slice %arg8[%dma_start3A, %dma_start3A_707, %dma_start3A_708] : memref<10x64x128xf32, #tpu.memory_space<vmem>> -> memref<1x64x128xf32, #tpu.memory_space<vmem>>
      %dma_start3A_710 = tpu.memref_squeeze %dma_start3A_709 : memref<1x64x128xf32, #tpu.memory_space<vmem>> -> memref<64x128xf32, #tpu.memory_space<vmem>>
      %dma_start3A_711 = arith.constant 0 : i32
      %dma_start3A_712 = tpu.memref_slice %arg3[%dma_start3A_711, %multiple_of3A] : memref<64x1000000xf32, #tpu.memory_space<hbm>> -> memref<64x128xf32, #tpu.memory_space<hbm>>
      %dma_start3A_713 = arith.constant 0 : i32
      %dma_start3A_714 = arith.constant 0 : i32
      %dma_start3A_715 = tpu.memref_slice %arg8[%dma_start3A, %dma_start3A_713, %dma_start3A_714] : memref<10x64x128xf32, #tpu.memory_space<vmem>> -> memref<1x64x128xf32, #tpu.memory_space<vmem>>
      %dma_start3A_716 = tpu.memref_squeeze %dma_start3A_715 : memref<1x64x128xf32, #tpu.memory_space<vmem>> -> memref<64x128xf32, #tpu.memory_space<vmem>>
      %dma_start3A_717 = arith.constant 0 : i32
      %dma_start3A_718 = tpu.memref_slice %arg3[%dma_start3A_717, %multiple_of3A] : memref<64x1000000xf32, #tpu.memory_space<hbm>> -> memref<64x128xf32, #tpu.memory_space<hbm>>
      tpu.enqueue_dma source(%dma_start3A_718 : memref<64x128xf32, #tpu.memory_space<hbm>>) target(%dma_start3A_716 : memref<64x128xf32, #tpu.memory_space<vmem>>) target_semaphore(%arg19 : memref<!tpu.dma_semaphore, #tpu.memory_space<semaphore_mem>>)
    } else {
    }
    %eq3A_73 = arith.constant 7 : i32
    %eq3A_74 = arith.cmpi eq, %rem3A_40, %eq3A_73 : i32
    %convert_element_type3A_75 = arith.extui %eq3A_74 : i1 to i32
    %cond3A_76 = arith.constant 0 : i32
    %cond3A_77 = arith.cmpi ne, %convert_element_type3A_75, %cond3A_76 : i32
    scf.if %cond3A_77 {
      %dma_start3A = arith.constant 7 : i32
      %dma_start3A_707 = arith.constant 0 : i32
      %dma_start3A_708 = arith.constant 0 : i32
      %dma_start3A_709 = tpu.memref_slice %arg8[%dma_start3A, %dma_start3A_707, %dma_start3A_708] : memref<10x64x128xf32, #tpu.memory_space<vmem>> -> memref<1x64x128xf32, #tpu.memory_space<vmem>>
      %dma_start3A_710 = tpu.memref_squeeze %dma_start3A_709 : memref<1x64x128xf32, #tpu.memory_space<vmem>> -> memref<64x128xf32, #tpu.memory_space<vmem>>
      %dma_start3A_711 = arith.constant 0 : i32
      %dma_start3A_712 = tpu.memref_slice %arg3[%dma_start3A_711, %multiple_of3A] : memref<64x1000000xf32, #tpu.memory_space<hbm>> -> memref<64x128xf32, #tpu.memory_space<hbm>>
      %dma_start3A_713 = arith.constant 0 : i32
      %dma_start3A_714 = arith.constant 0 : i32
      %dma_start3A_715 = tpu.memref_slice %arg8[%dma_start3A, %dma_start3A_713, %dma_start3A_714] : memref<10x64x128xf32, #tpu.memory_space<vmem>> -> memref<1x64x128xf32, #tpu.memory_space<vmem>>
      %dma_start3A_716 = tpu.memref_squeeze %dma_start3A_715 : memref<1x64x128xf32, #tpu.memory_space<vmem>> -> memref<64x128xf32, #tpu.memory_space<vmem>>
      %dma_start3A_717 = arith.constant 0 : i32
      %dma_start3A_718 = tpu.memref_slice %arg3[%dma_start3A_717, %multiple_of3A] : memref<64x1000000xf32, #tpu.memory_space<hbm>> -> memref<64x128xf32, #tpu.memory_space<hbm>>
      tpu.enqueue_dma source(%dma_start3A_718 : memref<64x128xf32, #tpu.memory_space<hbm>>) target(%dma_start3A_716 : memref<64x128xf32, #tpu.memory_space<vmem>>) target_semaphore(%arg20 : memref<!tpu.dma_semaphore, #tpu.memory_space<semaphore_mem>>)
    } else {
    }
    %eq3A_78 = arith.constant 8 : i32
    %eq3A_79 = arith.cmpi eq, %rem3A_40, %eq3A_78 : i32
    %convert_element_type3A_80 = arith.extui %eq3A_79 : i1 to i32
    %cond3A_81 = arith.constant 0 : i32
    %cond3A_82 = arith.cmpi ne, %convert_element_type3A_80, %cond3A_81 : i32
    scf.if %cond3A_82 {
      %dma_start3A = arith.constant 8 : i32
      %dma_start3A_707 = arith.constant 0 : i32
      %dma_start3A_708 = arith.constant 0 : i32
      %dma_start3A_709 = tpu.memref_slice %arg8[%dma_start3A, %dma_start3A_707, %dma_start3A_708] : memref<10x64x128xf32, #tpu.memory_space<vmem>> -> memref<1x64x128xf32, #tpu.memory_space<vmem>>
      %dma_start3A_710 = tpu.memref_squeeze %dma_start3A_709 : memref<1x64x128xf32, #tpu.memory_space<vmem>> -> memref<64x128xf32, #tpu.memory_space<vmem>>
      %dma_start3A_711 = arith.constant 0 : i32
      %dma_start3A_712 = tpu.memref_slice %arg3[%dma_start3A_711, %multiple_of3A] : memref<64x1000000xf32, #tpu.memory_space<hbm>> -> memref<64x128xf32, #tpu.memory_space<hbm>>
      %dma_start3A_713 = arith.constant 0 : i32
      %dma_start3A_714 = arith.constant 0 : i32
      %dma_start3A_715 = tpu.memref_slice %arg8[%dma_start3A, %dma_start3A_713, %dma_start3A_714] : memref<10x64x128xf32, #tpu.memory_space<vmem>> -> memref<1x64x128xf32, #tpu.memory_space<vmem>>
      %dma_start3A_716 = tpu.memref_squeeze %dma_start3A_715 : memref<1x64x128xf32, #tpu.memory_space<vmem>> -> memref<64x128xf32, #tpu.memory_space<vmem>>
      %dma_start3A_717 = arith.constant 0 : i32
      %dma_start3A_718 = tpu.memref_slice %arg3[%dma_start3A_717, %multiple_of3A] : memref<64x1000000xf32, #tpu.memory_space<hbm>> -> memref<64x128xf32, #tpu.memory_space<hbm>>
      tpu.enqueue_dma source(%dma_start3A_718 : memref<64x128xf32, #tpu.memory_space<hbm>>) target(%dma_start3A_716 : memref<64x128xf32, #tpu.memory_space<vmem>>) target_semaphore(%arg21 : memref<!tpu.dma_semaphore, #tpu.memory_space<semaphore_mem>>)
    } else {
    }
    %eq3A_83 = arith.constant 9 : i32
    %eq3A_84 = arith.cmpi eq, %rem3A_40, %eq3A_83 : i32
    %convert_element_type3A_85 = arith.extui %eq3A_84 : i1 to i32
    %cond3A_86 = arith.constant 0 : i32
    %cond3A_87 = arith.cmpi ne, %convert_element_type3A_85, %cond3A_86 : i32
    scf.if %cond3A_87 {
      %dma_start3A = arith.constant 9 : i32
      %dma_start3A_707 = arith.constant 0 : i32
      %dma_start3A_708 = arith.constant 0 : i32
      %dma_start3A_709 = tpu.memref_slice %arg8[%dma_start3A, %dma_start3A_707, %dma_start3A_708] : memref<10x64x128xf32, #tpu.memory_space<vmem>> -> memref<1x64x128xf32, #tpu.memory_space<vmem>>
      %dma_start3A_710 = tpu.memref_squeeze %dma_start3A_709 : memref<1x64x128xf32, #tpu.memory_space<vmem>> -> memref<64x128xf32, #tpu.memory_space<vmem>>
      %dma_start3A_711 = arith.constant 0 : i32
      %dma_start3A_712 = tpu.memref_slice %arg3[%dma_start3A_711, %multiple_of3A] : memref<64x1000000xf32, #tpu.memory_space<hbm>> -> memref<64x128xf32, #tpu.memory_space<hbm>>
      %dma_start3A_713 = arith.constant 0 : i32
      %dma_start3A_714 = arith.constant 0 : i32
      %dma_start3A_715 = tpu.memref_slice %arg8[%dma_start3A, %dma_start3A_713, %dma_start3A_714] : memref<10x64x128xf32, #tpu.memory_space<vmem>> -> memref<1x64x128xf32, #tpu.memory_space<vmem>>
      %dma_start3A_716 = tpu.memref_squeeze %dma_start3A_715 : memref<1x64x128xf32, #tpu.memory_space<vmem>> -> memref<64x128xf32, #tpu.memory_space<vmem>>
      %dma_start3A_717 = arith.constant 0 : i32
      %dma_start3A_718 = tpu.memref_slice %arg3[%dma_start3A_717, %multiple_of3A] : memref<64x1000000xf32, #tpu.memory_space<hbm>> -> memref<64x128xf32, #tpu.memory_space<hbm>>
      tpu.enqueue_dma source(%dma_start3A_718 : memref<64x128xf32, #tpu.memory_space<hbm>>) target(%dma_start3A_716 : memref<64x128xf32, #tpu.memory_space<vmem>>) target_semaphore(%arg22 : memref<!tpu.dma_semaphore, #tpu.memory_space<semaphore_mem>>)
    } else {
    }
    %sub3A_88 = arith.constant 1 : i32
    %sub3A_89 = arith.subi %add3A_8, %sub3A_88 : i32
    %min3A_90 = arith.constant 1 : i32
    %min3A_91 = arith.minsi %min3A_90, %sub3A_89 : i32
    %add3A_92 = arith.addi %add3A_4, %min3A_91 : i32
    %mul3A_93 = arith.constant 128 : i32
    %mul3A_94 = arith.muli %add3A_92, %mul3A_93 : i32
    %multiple_of3A_95 = tpu.assume_multiple %mul3A_94, 128 : i32
    %rem3A_96 = arith.constant 1 : i32
    %rem3A_97 = arith.constant 10 : i32
    %rem3A_98 = arith.remsi %rem3A_96, %rem3A_97 : i32
    %eq3A_99 = arith.constant 0 : i32
    %eq3A_100 = arith.cmpi eq, %rem3A_98, %eq3A_99 : i32
    %convert_element_type3A_101 = arith.extui %eq3A_100 : i1 to i32
    %cond3A_102 = arith.constant 0 : i32
    %cond3A_103 = arith.cmpi ne, %convert_element_type3A_101, %cond3A_102 : i32
    scf.if %cond3A_103 {
      %dma_start3A = arith.constant 0 : i32
      %dma_start3A_707 = arith.constant 0 : i32
      %dma_start3A_708 = arith.constant 0 : i32
      %dma_start3A_709 = tpu.memref_slice %arg8[%dma_start3A, %dma_start3A_707, %dma_start3A_708] : memref<10x64x128xf32, #tpu.memory_space<vmem>> -> memref<1x64x128xf32, #tpu.memory_space<vmem>>
      %dma_start3A_710 = tpu.memref_squeeze %dma_start3A_709 : memref<1x64x128xf32, #tpu.memory_space<vmem>> -> memref<64x128xf32, #tpu.memory_space<vmem>>
      %dma_start3A_711 = arith.constant 0 : i32
      %dma_start3A_712 = tpu.memref_slice %arg3[%dma_start3A_711, %multiple_of3A_95] : memref<64x1000000xf32, #tpu.memory_space<hbm>> -> memref<64x128xf32, #tpu.memory_space<hbm>>
      %dma_start3A_713 = arith.constant 0 : i32
      %dma_start3A_714 = arith.constant 0 : i32
      %dma_start3A_715 = tpu.memref_slice %arg8[%dma_start3A, %dma_start3A_713, %dma_start3A_714] : memref<10x64x128xf32, #tpu.memory_space<vmem>> -> memref<1x64x128xf32, #tpu.memory_space<vmem>>
      %dma_start3A_716 = tpu.memref_squeeze %dma_start3A_715 : memref<1x64x128xf32, #tpu.memory_space<vmem>> -> memref<64x128xf32, #tpu.memory_space<vmem>>
      %dma_start3A_717 = arith.constant 0 : i32
      %dma_start3A_718 = tpu.memref_slice %arg3[%dma_start3A_717, %multiple_of3A_95] : memref<64x1000000xf32, #tpu.memory_space<hbm>> -> memref<64x128xf32, #tpu.memory_space<hbm>>
      tpu.enqueue_dma source(%dma_start3A_718 : memref<64x128xf32, #tpu.memory_space<hbm>>) target(%dma_start3A_716 : memref<64x128xf32, #tpu.memory_space<vmem>>) target_semaphore(%arg13 : memref<!tpu.dma_semaphore, #tpu.memory_space<semaphore_mem>>)
    } else {
    }
    %eq3A_104 = arith.constant 1 : i32
    %eq3A_105 = arith.cmpi eq, %rem3A_98, %eq3A_104 : i32
    %convert_element_type3A_106 = arith.extui %eq3A_105 : i1 to i32
    %cond3A_107 = arith.constant 0 : i32
    %cond3A_108 = arith.cmpi ne, %convert_element_type3A_106, %cond3A_107 : i32
    scf.if %cond3A_108 {
      %dma_start3A = arith.constant 1 : i32
      %dma_start3A_707 = arith.constant 0 : i32
      %dma_start3A_708 = arith.constant 0 : i32
      %dma_start3A_709 = tpu.memref_slice %arg8[%dma_start3A, %dma_start3A_707, %dma_start3A_708] : memref<10x64x128xf32, #tpu.memory_space<vmem>> -> memref<1x64x128xf32, #tpu.memory_space<vmem>>
      %dma_start3A_710 = tpu.memref_squeeze %dma_start3A_709 : memref<1x64x128xf32, #tpu.memory_space<vmem>> -> memref<64x128xf32, #tpu.memory_space<vmem>>
      %dma_start3A_711 = arith.constant 0 : i32
      %dma_start3A_712 = tpu.memref_slice %arg3[%dma_start3A_711, %multiple_of3A_95] : memref<64x1000000xf32, #tpu.memory_space<hbm>> -> memref<64x128xf32, #tpu.memory_space<hbm>>
      %dma_start3A_713 = arith.constant 0 : i32
      %dma_start3A_714 = arith.constant 0 : i32
      %dma_start3A_715 = tpu.memref_slice %arg8[%dma_start3A, %dma_start3A_713, %dma_start3A_714] : memref<10x64x128xf32, #tpu.memory_space<vmem>> -> memref<1x64x128xf32, #tpu.memory_space<vmem>>
      %dma_start3A_716 = tpu.memref_squeeze %dma_start3A_715 : memref<1x64x128xf32, #tpu.memory_space<vmem>> -> memref<64x128xf32, #tpu.memory_space<vmem>>
      %dma_start3A_717 = arith.constant 0 : i32
      %dma_start3A_718 = tpu.memref_slice %arg3[%dma_start3A_717, %multiple_of3A_95] : memref<64x1000000xf32, #tpu.memory_space<hbm>> -> memref<64x128xf32, #tpu.memory_space<hbm>>
      tpu.enqueue_dma source(%dma_start3A_718 : memref<64x128xf32, #tpu.memory_space<hbm>>) target(%dma_start3A_716 : memref<64x128xf32, #tpu.memory_space<vmem>>) target_semaphore(%arg14 : memref<!tpu.dma_semaphore, #tpu.memory_space<semaphore_mem>>)
    } else {
    }
    %eq3A_109 = arith.constant 2 : i32
    %eq3A_110 = arith.cmpi eq, %rem3A_98, %eq3A_109 : i32
    %convert_element_type3A_111 = arith.extui %eq3A_110 : i1 to i32
    %cond3A_112 = arith.constant 0 : i32
    %cond3A_113 = arith.cmpi ne, %convert_element_type3A_111, %cond3A_112 : i32
    scf.if %cond3A_113 {
      %dma_start3A = arith.constant 2 : i32
      %dma_start3A_707 = arith.constant 0 : i32
      %dma_start3A_708 = arith.constant 0 : i32
      %dma_start3A_709 = tpu.memref_slice %arg8[%dma_start3A, %dma_start3A_707, %dma_start3A_708] : memref<10x64x128xf32, #tpu.memory_space<vmem>> -> memref<1x64x128xf32, #tpu.memory_space<vmem>>
      %dma_start3A_710 = tpu.memref_squeeze %dma_start3A_709 : memref<1x64x128xf32, #tpu.memory_space<vmem>> -> memref<64x128xf32, #tpu.memory_space<vmem>>
      %dma_start3A_711 = arith.constant 0 : i32
      %dma_start3A_712 = tpu.memref_slice %arg3[%dma_start3A_711, %multiple_of3A_95] : memref<64x1000000xf32, #tpu.memory_space<hbm>> -> memref<64x128xf32, #tpu.memory_space<hbm>>
      %dma_start3A_713 = arith.constant 0 : i32
      %dma_start3A_714 = arith.constant 0 : i32
      %dma_start3A_715 = tpu.memref_slice %arg8[%dma_start3A, %dma_start3A_713, %dma_start3A_714] : memref<10x64x128xf32, #tpu.memory_space<vmem>> -> memref<1x64x128xf32, #tpu.memory_space<vmem>>
      %dma_start3A_716 = tpu.memref_squeeze %dma_start3A_715 : memref<1x64x128xf32, #tpu.memory_space<vmem>> -> memref<64x128xf32, #tpu.memory_space<vmem>>
      %dma_start3A_717 = arith.constant 0 : i32
      %dma_start3A_718 = tpu.memref_slice %arg3[%dma_start3A_717, %multiple_of3A_95] : memref<64x1000000xf32, #tpu.memory_space<hbm>> -> memref<64x128xf32, #tpu.memory_space<hbm>>
      tpu.enqueue_dma source(%dma_start3A_718 : memref<64x128xf32, #tpu.memory_space<hbm>>) target(%dma_start3A_716 : memref<64x128xf32, #tpu.memory_space<vmem>>) target_semaphore(%arg15 : memref<!tpu.dma_semaphore, #tpu.memory_space<semaphore_mem>>)
    } else {
    }
    %eq3A_114 = arith.constant 3 : i32
    %eq3A_115 = arith.cmpi eq, %rem3A_98, %eq3A_114 : i32
    %convert_element_type3A_116 = arith.extui %eq3A_115 : i1 to i32
    %cond3A_117 = arith.constant 0 : i32
    %cond3A_118 = arith.cmpi ne, %convert_element_type3A_116, %cond3A_117 : i32
    scf.if %cond3A_118 {
      %dma_start3A = arith.constant 3 : i32
      %dma_start3A_707 = arith.constant 0 : i32
      %dma_start3A_708 = arith.constant 0 : i32
      %dma_start3A_709 = tpu.memref_slice %arg8[%dma_start3A, %dma_start3A_707, %dma_start3A_708] : memref<10x64x128xf32, #tpu.memory_space<vmem>> -> memref<1x64x128xf32, #tpu.memory_space<vmem>>
      %dma_start3A_710 = tpu.memref_squeeze %dma_start3A_709 : memref<1x64x128xf32, #tpu.memory_space<vmem>> -> memref<64x128xf32, #tpu.memory_space<vmem>>
      %dma_start3A_711 = arith.constant 0 : i32
      %dma_start3A_712 = tpu.memref_slice %arg3[%dma_start3A_711, %multiple_of3A_95] : memref<64x1000000xf32, #tpu.memory_space<hbm>> -> memref<64x128xf32, #tpu.memory_space<hbm>>
      %dma_start3A_713 = arith.constant 0 : i32
      %dma_start3A_714 = arith.constant 0 : i32
      %dma_start3A_715 = tpu.memref_slice %arg8[%dma_start3A, %dma_start3A_713, %dma_start3A_714] : memref<10x64x128xf32, #tpu.memory_space<vmem>> -> memref<1x64x128xf32, #tpu.memory_space<vmem>>
      %dma_start3A_716 = tpu.memref_squeeze %dma_start3A_715 : memref<1x64x128xf32, #tpu.memory_space<vmem>> -> memref<64x128xf32, #tpu.memory_space<vmem>>
      %dma_start3A_717 = arith.constant 0 : i32
      %dma_start3A_718 = tpu.memref_slice %arg3[%dma_start3A_717, %multiple_of3A_95] : memref<64x1000000xf32, #tpu.memory_space<hbm>> -> memref<64x128xf32, #tpu.memory_space<hbm>>
      tpu.enqueue_dma source(%dma_start3A_718 : memref<64x128xf32, #tpu.memory_space<hbm>>) target(%dma_start3A_716 : memref<64x128xf32, #tpu.memory_space<vmem>>) target_semaphore(%arg16 : memref<!tpu.dma_semaphore, #tpu.memory_space<semaphore_mem>>)
    } else {
    }
    %eq3A_119 = arith.constant 4 : i32
    %eq3A_120 = arith.cmpi eq, %rem3A_98, %eq3A_119 : i32
    %convert_element_type3A_121 = arith.extui %eq3A_120 : i1 to i32
    %cond3A_122 = arith.constant 0 : i32
    %cond3A_123 = arith.cmpi ne, %convert_element_type3A_121, %cond3A_122 : i32
    scf.if %cond3A_123 {
      %dma_start3A = arith.constant 4 : i32
      %dma_start3A_707 = arith.constant 0 : i32
      %dma_start3A_708 = arith.constant 0 : i32
      %dma_start3A_709 = tpu.memref_slice %arg8[%dma_start3A, %dma_start3A_707, %dma_start3A_708] : memref<10x64x128xf32, #tpu.memory_space<vmem>> -> memref<1x64x128xf32, #tpu.memory_space<vmem>>
      %dma_start3A_710 = tpu.memref_squeeze %dma_start3A_709 : memref<1x64x128xf32, #tpu.memory_space<vmem>> -> memref<64x128xf32, #tpu.memory_space<vmem>>
      %dma_start3A_711 = arith.constant 0 : i32
      %dma_start3A_712 = tpu.memref_slice %arg3[%dma_start3A_711, %multiple_of3A_95] : memref<64x1000000xf32, #tpu.memory_space<hbm>> -> memref<64x128xf32, #tpu.memory_space<hbm>>
      %dma_start3A_713 = arith.constant 0 : i32
      %dma_start3A_714 = arith.constant 0 : i32
      %dma_start3A_715 = tpu.memref_slice %arg8[%dma_start3A, %dma_start3A_713, %dma_start3A_714] : memref<10x64x128xf32, #tpu.memory_space<vmem>> -> memref<1x64x128xf32, #tpu.memory_space<vmem>>
      %dma_start3A_716 = tpu.memref_squeeze %dma_start3A_715 : memref<1x64x128xf32, #tpu.memory_space<vmem>> -> memref<64x128xf32, #tpu.memory_space<vmem>>
      %dma_start3A_717 = arith.constant 0 : i32
      %dma_start3A_718 = tpu.memref_slice %arg3[%dma_start3A_717, %multiple_of3A_95] : memref<64x1000000xf32, #tpu.memory_space<hbm>> -> memref<64x128xf32, #tpu.memory_space<hbm>>
      tpu.enqueue_dma source(%dma_start3A_718 : memref<64x128xf32, #tpu.memory_space<hbm>>) target(%dma_start3A_716 : memref<64x128xf32, #tpu.memory_space<vmem>>) target_semaphore(%arg17 : memref<!tpu.dma_semaphore, #tpu.memory_space<semaphore_mem>>)
    } else {
    }
    %eq3A_124 = arith.constant 5 : i32
    %eq3A_125 = arith.cmpi eq, %rem3A_98, %eq3A_124 : i32
    %convert_element_type3A_126 = arith.extui %eq3A_125 : i1 to i32
    %cond3A_127 = arith.constant 0 : i32
    %cond3A_128 = arith.cmpi ne, %convert_element_type3A_126, %cond3A_127 : i32
    scf.if %cond3A_128 {
      %dma_start3A = arith.constant 5 : i32
      %dma_start3A_707 = arith.constant 0 : i32
      %dma_start3A_708 = arith.constant 0 : i32
      %dma_start3A_709 = tpu.memref_slice %arg8[%dma_start3A, %dma_start3A_707, %dma_start3A_708] : memref<10x64x128xf32, #tpu.memory_space<vmem>> -> memref<1x64x128xf32, #tpu.memory_space<vmem>>
      %dma_start3A_710 = tpu.memref_squeeze %dma_start3A_709 : memref<1x64x128xf32, #tpu.memory_space<vmem>> -> memref<64x128xf32, #tpu.memory_space<vmem>>
      %dma_start3A_711 = arith.constant 0 : i32
      %dma_start3A_712 = tpu.memref_slice %arg3[%dma_start3A_711, %multiple_of3A_95] : memref<64x1000000xf32, #tpu.memory_space<hbm>> -> memref<64x128xf32, #tpu.memory_space<hbm>>
      %dma_start3A_713 = arith.constant 0 : i32
      %dma_start3A_714 = arith.constant 0 : i32
      %dma_start3A_715 = tpu.memref_slice %arg8[%dma_start3A, %dma_start3A_713, %dma_start3A_714] : memref<10x64x128xf32, #tpu.memory_space<vmem>> -> memref<1x64x128xf32, #tpu.memory_space<vmem>>
      %dma_start3A_716 = tpu.memref_squeeze %dma_start3A_715 : memref<1x64x128xf32, #tpu.memory_space<vmem>> -> memref<64x128xf32, #tpu.memory_space<vmem>>
      %dma_start3A_717 = arith.constant 0 : i32
      %dma_start3A_718 = tpu.memref_slice %arg3[%dma_start3A_717, %multiple_of3A_95] : memref<64x1000000xf32, #tpu.memory_space<hbm>> -> memref<64x128xf32, #tpu.memory_space<hbm>>
      tpu.enqueue_dma source(%dma_start3A_718 : memref<64x128xf32, #tpu.memory_space<hbm>>) target(%dma_start3A_716 : memref<64x128xf32, #tpu.memory_space<vmem>>) target_semaphore(%arg18 : memref<!tpu.dma_semaphore, #tpu.memory_space<semaphore_mem>>)
    } else {
    }
    %eq3A_129 = arith.constant 6 : i32
    %eq3A_130 = arith.cmpi eq, %rem3A_98, %eq3A_129 : i32
    %convert_element_type3A_131 = arith.extui %eq3A_130 : i1 to i32
    %cond3A_132 = arith.constant 0 : i32
    %cond3A_133 = arith.cmpi ne, %convert_element_type3A_131, %cond3A_132 : i32
    scf.if %cond3A_133 {
      %dma_start3A = arith.constant 6 : i32
      %dma_start3A_707 = arith.constant 0 : i32
      %dma_start3A_708 = arith.constant 0 : i32
      %dma_start3A_709 = tpu.memref_slice %arg8[%dma_start3A, %dma_start3A_707, %dma_start3A_708] : memref<10x64x128xf32, #tpu.memory_space<vmem>> -> memref<1x64x128xf32, #tpu.memory_space<vmem>>
      %dma_start3A_710 = tpu.memref_squeeze %dma_start3A_709 : memref<1x64x128xf32, #tpu.memory_space<vmem>> -> memref<64x128xf32, #tpu.memory_space<vmem>>
      %dma_start3A_711 = arith.constant 0 : i32
      %dma_start3A_712 = tpu.memref_slice %arg3[%dma_start3A_711, %multiple_of3A_95] : memref<64x1000000xf32, #tpu.memory_space<hbm>> -> memref<64x128xf32, #tpu.memory_space<hbm>>
      %dma_start3A_713 = arith.constant 0 : i32
      %dma_start3A_714 = arith.constant 0 : i32
      %dma_start3A_715 = tpu.memref_slice %arg8[%dma_start3A, %dma_start3A_713, %dma_start3A_714] : memref<10x64x128xf32, #tpu.memory_space<vmem>> -> memref<1x64x128xf32, #tpu.memory_space<vmem>>
      %dma_start3A_716 = tpu.memref_squeeze %dma_start3A_715 : memref<1x64x128xf32, #tpu.memory_space<vmem>> -> memref<64x128xf32, #tpu.memory_space<vmem>>
      %dma_start3A_717 = arith.constant 0 : i32
      %dma_start3A_718 = tpu.memref_slice %arg3[%dma_start3A_717, %multiple_of3A_95] : memref<64x1000000xf32, #tpu.memory_space<hbm>> -> memref<64x128xf32, #tpu.memory_space<hbm>>
      tpu.enqueue_dma source(%dma_start3A_718 : memref<64x128xf32, #tpu.memory_space<hbm>>) target(%dma_start3A_716 : memref<64x128xf32, #tpu.memory_space<vmem>>) target_semaphore(%arg19 : memref<!tpu.dma_semaphore, #tpu.memory_space<semaphore_mem>>)
    } else {
    }
    %eq3A_134 = arith.constant 7 : i32
    %eq3A_135 = arith.cmpi eq, %rem3A_98, %eq3A_134 : i32
    %convert_element_type3A_136 = arith.extui %eq3A_135 : i1 to i32
    %cond3A_137 = arith.constant 0 : i32
    %cond3A_138 = arith.cmpi ne, %convert_element_type3A_136, %cond3A_137 : i32
    scf.if %cond3A_138 {
      %dma_start3A = arith.constant 7 : i32
      %dma_start3A_707 = arith.constant 0 : i32
      %dma_start3A_708 = arith.constant 0 : i32
      %dma_start3A_709 = tpu.memref_slice %arg8[%dma_start3A, %dma_start3A_707, %dma_start3A_708] : memref<10x64x128xf32, #tpu.memory_space<vmem>> -> memref<1x64x128xf32, #tpu.memory_space<vmem>>
      %dma_start3A_710 = tpu.memref_squeeze %dma_start3A_709 : memref<1x64x128xf32, #tpu.memory_space<vmem>> -> memref<64x128xf32, #tpu.memory_space<vmem>>
      %dma_start3A_711 = arith.constant 0 : i32
      %dma_start3A_712 = tpu.memref_slice %arg3[%dma_start3A_711, %multiple_of3A_95] : memref<64x1000000xf32, #tpu.memory_space<hbm>> -> memref<64x128xf32, #tpu.memory_space<hbm>>
      %dma_start3A_713 = arith.constant 0 : i32
      %dma_start3A_714 = arith.constant 0 : i32
      %dma_start3A_715 = tpu.memref_slice %arg8[%dma_start3A, %dma_start3A_713, %dma_start3A_714] : memref<10x64x128xf32, #tpu.memory_space<vmem>> -> memref<1x64x128xf32, #tpu.memory_space<vmem>>
      %dma_start3A_716 = tpu.memref_squeeze %dma_start3A_715 : memref<1x64x128xf32, #tpu.memory_space<vmem>> -> memref<64x128xf32, #tpu.memory_space<vmem>>
      %dma_start3A_717 = arith.constant 0 : i32
      %dma_start3A_718 = tpu.memref_slice %arg3[%dma_start3A_717, %multiple_of3A_95] : memref<64x1000000xf32, #tpu.memory_space<hbm>> -> memref<64x128xf32, #tpu.memory_space<hbm>>
      tpu.enqueue_dma source(%dma_start3A_718 : memref<64x128xf32, #tpu.memory_space<hbm>>) target(%dma_start3A_716 : memref<64x128xf32, #tpu.memory_space<vmem>>) target_semaphore(%arg20 : memref<!tpu.dma_semaphore, #tpu.memory_space<semaphore_mem>>)
    } else {
    }
    %eq3A_139 = arith.constant 8 : i32
    %eq3A_140 = arith.cmpi eq, %rem3A_98, %eq3A_139 : i32
    %convert_element_type3A_141 = arith.extui %eq3A_140 : i1 to i32
    %cond3A_142 = arith.constant 0 : i32
    %cond3A_143 = arith.cmpi ne, %convert_element_type3A_141, %cond3A_142 : i32
    scf.if %cond3A_143 {
      %dma_start3A = arith.constant 8 : i32
      %dma_start3A_707 = arith.constant 0 : i32
      %dma_start3A_708 = arith.constant 0 : i32
      %dma_start3A_709 = tpu.memref_slice %arg8[%dma_start3A, %dma_start3A_707, %dma_start3A_708] : memref<10x64x128xf32, #tpu.memory_space<vmem>> -> memref<1x64x128xf32, #tpu.memory_space<vmem>>
      %dma_start3A_710 = tpu.memref_squeeze %dma_start3A_709 : memref<1x64x128xf32, #tpu.memory_space<vmem>> -> memref<64x128xf32, #tpu.memory_space<vmem>>
      %dma_start3A_711 = arith.constant 0 : i32
      %dma_start3A_712 = tpu.memref_slice %arg3[%dma_start3A_711, %multiple_of3A_95] : memref<64x1000000xf32, #tpu.memory_space<hbm>> -> memref<64x128xf32, #tpu.memory_space<hbm>>
      %dma_start3A_713 = arith.constant 0 : i32
      %dma_start3A_714 = arith.constant 0 : i32
      %dma_start3A_715 = tpu.memref_slice %arg8[%dma_start3A, %dma_start3A_713, %dma_start3A_714] : memref<10x64x128xf32, #tpu.memory_space<vmem>> -> memref<1x64x128xf32, #tpu.memory_space<vmem>>
      %dma_start3A_716 = tpu.memref_squeeze %dma_start3A_715 : memref<1x64x128xf32, #tpu.memory_space<vmem>> -> memref<64x128xf32, #tpu.memory_space<vmem>>
      %dma_start3A_717 = arith.constant 0 : i32
      %dma_start3A_718 = tpu.memref_slice %arg3[%dma_start3A_717, %multiple_of3A_95] : memref<64x1000000xf32, #tpu.memory_space<hbm>> -> memref<64x128xf32, #tpu.memory_space<hbm>>
      tpu.enqueue_dma source(%dma_start3A_718 : memref<64x128xf32, #tpu.memory_space<hbm>>) target(%dma_start3A_716 : memref<64x128xf32, #tpu.memory_space<vmem>>) target_semaphore(%arg21 : memref<!tpu.dma_semaphore, #tpu.memory_space<semaphore_mem>>)
    } else {
    }
    %eq3A_144 = arith.constant 9 : i32
    %eq3A_145 = arith.cmpi eq, %rem3A_98, %eq3A_144 : i32
    %convert_element_type3A_146 = arith.extui %eq3A_145 : i1 to i32
    %cond3A_147 = arith.constant 0 : i32
    %cond3A_148 = arith.cmpi ne, %convert_element_type3A_146, %cond3A_147 : i32
    scf.if %cond3A_148 {
      %dma_start3A = arith.constant 9 : i32
      %dma_start3A_707 = arith.constant 0 : i32
      %dma_start3A_708 = arith.constant 0 : i32
      %dma_start3A_709 = tpu.memref_slice %arg8[%dma_start3A, %dma_start3A_707, %dma_start3A_708] : memref<10x64x128xf32, #tpu.memory_space<vmem>> -> memref<1x64x128xf32, #tpu.memory_space<vmem>>
      %dma_start3A_710 = tpu.memref_squeeze %dma_start3A_709 : memref<1x64x128xf32, #tpu.memory_space<vmem>> -> memref<64x128xf32, #tpu.memory_space<vmem>>
      %dma_start3A_711 = arith.constant 0 : i32
      %dma_start3A_712 = tpu.memref_slice %arg3[%dma_start3A_711, %multiple_of3A_95] : memref<64x1000000xf32, #tpu.memory_space<hbm>> -> memref<64x128xf32, #tpu.memory_space<hbm>>
      %dma_start3A_713 = arith.constant 0 : i32
      %dma_start3A_714 = arith.constant 0 : i32
      %dma_start3A_715 = tpu.memref_slice %arg8[%dma_start3A, %dma_start3A_713, %dma_start3A_714] : memref<10x64x128xf32, #tpu.memory_space<vmem>> -> memref<1x64x128xf32, #tpu.memory_space<vmem>>
      %dma_start3A_716 = tpu.memref_squeeze %dma_start3A_715 : memref<1x64x128xf32, #tpu.memory_space<vmem>> -> memref<64x128xf32, #tpu.memory_space<vmem>>
      %dma_start3A_717 = arith.constant 0 : i32
      %dma_start3A_718 = tpu.memref_slice %arg3[%dma_start3A_717, %multiple_of3A_95] : memref<64x1000000xf32, #tpu.memory_space<hbm>> -> memref<64x128xf32, #tpu.memory_space<hbm>>
      tpu.enqueue_dma source(%dma_start3A_718 : memref<64x128xf32, #tpu.memory_space<hbm>>) target(%dma_start3A_716 : memref<64x128xf32, #tpu.memory_space<vmem>>) target_semaphore(%arg22 : memref<!tpu.dma_semaphore, #tpu.memory_space<semaphore_mem>>)
    } else {
    }
    %sub3A_149 = arith.constant 1 : i32
    %sub3A_150 = arith.subi %add3A_8, %sub3A_149 : i32
    %min3A_151 = arith.constant 2 : i32
    %min3A_152 = arith.minsi %min3A_151, %sub3A_150 : i32
    %add3A_153 = arith.addi %add3A_4, %min3A_152 : i32
    %mul3A_154 = arith.constant 128 : i32
    %mul3A_155 = arith.muli %add3A_153, %mul3A_154 : i32
    %multiple_of3A_156 = tpu.assume_multiple %mul3A_155, 128 : i32
    %rem3A_157 = arith.constant 2 : i32
    %rem3A_158 = arith.constant 10 : i32
    %rem3A_159 = arith.remsi %rem3A_157, %rem3A_158 : i32
    %eq3A_160 = arith.constant 0 : i32
    %eq3A_161 = arith.cmpi eq, %rem3A_159, %eq3A_160 : i32
    %convert_element_type3A_162 = arith.extui %eq3A_161 : i1 to i32
    %cond3A_163 = arith.constant 0 : i32
    %cond3A_164 = arith.cmpi ne, %convert_element_type3A_162, %cond3A_163 : i32
    scf.if %cond3A_164 {
      %dma_start3A = arith.constant 0 : i32
      %dma_start3A_707 = arith.constant 0 : i32
      %dma_start3A_708 = arith.constant 0 : i32
      %dma_start3A_709 = tpu.memref_slice %arg8[%dma_start3A, %dma_start3A_707, %dma_start3A_708] : memref<10x64x128xf32, #tpu.memory_space<vmem>> -> memref<1x64x128xf32, #tpu.memory_space<vmem>>
      %dma_start3A_710 = tpu.memref_squeeze %dma_start3A_709 : memref<1x64x128xf32, #tpu.memory_space<vmem>> -> memref<64x128xf32, #tpu.memory_space<vmem>>
      %dma_start3A_711 = arith.constant 0 : i32
      %dma_start3A_712 = tpu.memref_slice %arg3[%dma_start3A_711, %multiple_of3A_156] : memref<64x1000000xf32, #tpu.memory_space<hbm>> -> memref<64x128xf32, #tpu.memory_space<hbm>>
      %dma_start3A_713 = arith.constant 0 : i32
      %dma_start3A_714 = arith.constant 0 : i32
      %dma_start3A_715 = tpu.memref_slice %arg8[%dma_start3A, %dma_start3A_713, %dma_start3A_714] : memref<10x64x128xf32, #tpu.memory_space<vmem>> -> memref<1x64x128xf32, #tpu.memory_space<vmem>>
      %dma_start3A_716 = tpu.memref_squeeze %dma_start3A_715 : memref<1x64x128xf32, #tpu.memory_space<vmem>> -> memref<64x128xf32, #tpu.memory_space<vmem>>
      %dma_start3A_717 = arith.constant 0 : i32
      %dma_start3A_718 = tpu.memref_slice %arg3[%dma_start3A_717, %multiple_of3A_156] : memref<64x1000000xf32, #tpu.memory_space<hbm>> -> memref<64x128xf32, #tpu.memory_space<hbm>>
      tpu.enqueue_dma source(%dma_start3A_718 : memref<64x128xf32, #tpu.memory_space<hbm>>) target(%dma_start3A_716 : memref<64x128xf32, #tpu.memory_space<vmem>>) target_semaphore(%arg13 : memref<!tpu.dma_semaphore, #tpu.memory_space<semaphore_mem>>)
    } else {
    }
    %eq3A_165 = arith.constant 1 : i32
    %eq3A_166 = arith.cmpi eq, %rem3A_159, %eq3A_165 : i32
    %convert_element_type3A_167 = arith.extui %eq3A_166 : i1 to i32
    %cond3A_168 = arith.constant 0 : i32
    %cond3A_169 = arith.cmpi ne, %convert_element_type3A_167, %cond3A_168 : i32
    scf.if %cond3A_169 {
      %dma_start3A = arith.constant 1 : i32
      %dma_start3A_707 = arith.constant 0 : i32
      %dma_start3A_708 = arith.constant 0 : i32
      %dma_start3A_709 = tpu.memref_slice %arg8[%dma_start3A, %dma_start3A_707, %dma_start3A_708] : memref<10x64x128xf32, #tpu.memory_space<vmem>> -> memref<1x64x128xf32, #tpu.memory_space<vmem>>
      %dma_start3A_710 = tpu.memref_squeeze %dma_start3A_709 : memref<1x64x128xf32, #tpu.memory_space<vmem>> -> memref<64x128xf32, #tpu.memory_space<vmem>>
      %dma_start3A_711 = arith.constant 0 : i32
      %dma_start3A_712 = tpu.memref_slice %arg3[%dma_start3A_711, %multiple_of3A_156] : memref<64x1000000xf32, #tpu.memory_space<hbm>> -> memref<64x128xf32, #tpu.memory_space<hbm>>
      %dma_start3A_713 = arith.constant 0 : i32
      %dma_start3A_714 = arith.constant 0 : i32
      %dma_start3A_715 = tpu.memref_slice %arg8[%dma_start3A, %dma_start3A_713, %dma_start3A_714] : memref<10x64x128xf32, #tpu.memory_space<vmem>> -> memref<1x64x128xf32, #tpu.memory_space<vmem>>
      %dma_start3A_716 = tpu.memref_squeeze %dma_start3A_715 : memref<1x64x128xf32, #tpu.memory_space<vmem>> -> memref<64x128xf32, #tpu.memory_space<vmem>>
      %dma_start3A_717 = arith.constant 0 : i32
      %dma_start3A_718 = tpu.memref_slice %arg3[%dma_start3A_717, %multiple_of3A_156] : memref<64x1000000xf32, #tpu.memory_space<hbm>> -> memref<64x128xf32, #tpu.memory_space<hbm>>
      tpu.enqueue_dma source(%dma_start3A_718 : memref<64x128xf32, #tpu.memory_space<hbm>>) target(%dma_start3A_716 : memref<64x128xf32, #tpu.memory_space<vmem>>) target_semaphore(%arg14 : memref<!tpu.dma_semaphore, #tpu.memory_space<semaphore_mem>>)
    } else {
    }
    %eq3A_170 = arith.constant 2 : i32
    %eq3A_171 = arith.cmpi eq, %rem3A_159, %eq3A_170 : i32
    %convert_element_type3A_172 = arith.extui %eq3A_171 : i1 to i32
    %cond3A_173 = arith.constant 0 : i32
    %cond3A_174 = arith.cmpi ne, %convert_element_type3A_172, %cond3A_173 : i32
    scf.if %cond3A_174 {
      %dma_start3A = arith.constant 2 : i32
      %dma_start3A_707 = arith.constant 0 : i32
      %dma_start3A_708 = arith.constant 0 : i32
      %dma_start3A_709 = tpu.memref_slice %arg8[%dma_start3A, %dma_start3A_707, %dma_start3A_708] : memref<10x64x128xf32, #tpu.memory_space<vmem>> -> memref<1x64x128xf32, #tpu.memory_space<vmem>>
      %dma_start3A_710 = tpu.memref_squeeze %dma_start3A_709 : memref<1x64x128xf32, #tpu.memory_space<vmem>> -> memref<64x128xf32, #tpu.memory_space<vmem>>
      %dma_start3A_711 = arith.constant 0 : i32
      %dma_start3A_712 = tpu.memref_slice %arg3[%dma_start3A_711, %multiple_of3A_156] : memref<64x1000000xf32, #tpu.memory_space<hbm>> -> memref<64x128xf32, #tpu.memory_space<hbm>>
      %dma_start3A_713 = arith.constant 0 : i32
      %dma_start3A_714 = arith.constant 0 : i32
      %dma_start3A_715 = tpu.memref_slice %arg8[%dma_start3A, %dma_start3A_713, %dma_start3A_714] : memref<10x64x128xf32, #tpu.memory_space<vmem>> -> memref<1x64x128xf32, #tpu.memory_space<vmem>>
      %dma_start3A_716 = tpu.memref_squeeze %dma_start3A_715 : memref<1x64x128xf32, #tpu.memory_space<vmem>> -> memref<64x128xf32, #tpu.memory_space<vmem>>
      %dma_start3A_717 = arith.constant 0 : i32
      %dma_start3A_718 = tpu.memref_slice %arg3[%dma_start3A_717, %multiple_of3A_156] : memref<64x1000000xf32, #tpu.memory_space<hbm>> -> memref<64x128xf32, #tpu.memory_space<hbm>>
      tpu.enqueue_dma source(%dma_start3A_718 : memref<64x128xf32, #tpu.memory_space<hbm>>) target(%dma_start3A_716 : memref<64x128xf32, #tpu.memory_space<vmem>>) target_semaphore(%arg15 : memref<!tpu.dma_semaphore, #tpu.memory_space<semaphore_mem>>)
    } else {
    }
    %eq3A_175 = arith.constant 3 : i32
    %eq3A_176 = arith.cmpi eq, %rem3A_159, %eq3A_175 : i32
    %convert_element_type3A_177 = arith.extui %eq3A_176 : i1 to i32
    %cond3A_178 = arith.constant 0 : i32
    %cond3A_179 = arith.cmpi ne, %convert_element_type3A_177, %cond3A_178 : i32
    scf.if %cond3A_179 {
      %dma_start3A = arith.constant 3 : i32
      %dma_start3A_707 = arith.constant 0 : i32
      %dma_start3A_708 = arith.constant 0 : i32
      %dma_start3A_709 = tpu.memref_slice %arg8[%dma_start3A, %dma_start3A_707, %dma_start3A_708] : memref<10x64x128xf32, #tpu.memory_space<vmem>> -> memref<1x64x128xf32, #tpu.memory_space<vmem>>
      %dma_start3A_710 = tpu.memref_squeeze %dma_start3A_709 : memref<1x64x128xf32, #tpu.memory_space<vmem>> -> memref<64x128xf32, #tpu.memory_space<vmem>>
      %dma_start3A_711 = arith.constant 0 : i32
      %dma_start3A_712 = tpu.memref_slice %arg3[%dma_start3A_711, %multiple_of3A_156] : memref<64x1000000xf32, #tpu.memory_space<hbm>> -> memref<64x128xf32, #tpu.memory_space<hbm>>
      %dma_start3A_713 = arith.constant 0 : i32
      %dma_start3A_714 = arith.constant 0 : i32
      %dma_start3A_715 = tpu.memref_slice %arg8[%dma_start3A, %dma_start3A_713, %dma_start3A_714] : memref<10x64x128xf32, #tpu.memory_space<vmem>> -> memref<1x64x128xf32, #tpu.memory_space<vmem>>
      %dma_start3A_716 = tpu.memref_squeeze %dma_start3A_715 : memref<1x64x128xf32, #tpu.memory_space<vmem>> -> memref<64x128xf32, #tpu.memory_space<vmem>>
      %dma_start3A_717 = arith.constant 0 : i32
      %dma_start3A_718 = tpu.memref_slice %arg3[%dma_start3A_717, %multiple_of3A_156] : memref<64x1000000xf32, #tpu.memory_space<hbm>> -> memref<64x128xf32, #tpu.memory_space<hbm>>
      tpu.enqueue_dma source(%dma_start3A_718 : memref<64x128xf32, #tpu.memory_space<hbm>>) target(%dma_start3A_716 : memref<64x128xf32, #tpu.memory_space<vmem>>) target_semaphore(%arg16 : memref<!tpu.dma_semaphore, #tpu.memory_space<semaphore_mem>>)
    } else {
    }
    %eq3A_180 = arith.constant 4 : i32
    %eq3A_181 = arith.cmpi eq, %rem3A_159, %eq3A_180 : i32
    %convert_element_type3A_182 = arith.extui %eq3A_181 : i1 to i32
    %cond3A_183 = arith.constant 0 : i32
    %cond3A_184 = arith.cmpi ne, %convert_element_type3A_182, %cond3A_183 : i32
    scf.if %cond3A_184 {
      %dma_start3A = arith.constant 4 : i32
      %dma_start3A_707 = arith.constant 0 : i32
      %dma_start3A_708 = arith.constant 0 : i32
      %dma_start3A_709 = tpu.memref_slice %arg8[%dma_start3A, %dma_start3A_707, %dma_start3A_708] : memref<10x64x128xf32, #tpu.memory_space<vmem>> -> memref<1x64x128xf32, #tpu.memory_space<vmem>>
      %dma_start3A_710 = tpu.memref_squeeze %dma_start3A_709 : memref<1x64x128xf32, #tpu.memory_space<vmem>> -> memref<64x128xf32, #tpu.memory_space<vmem>>
      %dma_start3A_711 = arith.constant 0 : i32
      %dma_start3A_712 = tpu.memref_slice %arg3[%dma_start3A_711, %multiple_of3A_156] : memref<64x1000000xf32, #tpu.memory_space<hbm>> -> memref<64x128xf32, #tpu.memory_space<hbm>>
      %dma_start3A_713 = arith.constant 0 : i32
      %dma_start3A_714 = arith.constant 0 : i32
      %dma_start3A_715 = tpu.memref_slice %arg8[%dma_start3A, %dma_start3A_713, %dma_start3A_714] : memref<10x64x128xf32, #tpu.memory_space<vmem>> -> memref<1x64x128xf32, #tpu.memory_space<vmem>>
      %dma_start3A_716 = tpu.memref_squeeze %dma_start3A_715 : memref<1x64x128xf32, #tpu.memory_space<vmem>> -> memref<64x128xf32, #tpu.memory_space<vmem>>
      %dma_start3A_717 = arith.constant 0 : i32
      %dma_start3A_718 = tpu.memref_slice %arg3[%dma_start3A_717, %multiple_of3A_156] : memref<64x1000000xf32, #tpu.memory_space<hbm>> -> memref<64x128xf32, #tpu.memory_space<hbm>>
      tpu.enqueue_dma source(%dma_start3A_718 : memref<64x128xf32, #tpu.memory_space<hbm>>) target(%dma_start3A_716 : memref<64x128xf32, #tpu.memory_space<vmem>>) target_semaphore(%arg17 : memref<!tpu.dma_semaphore, #tpu.memory_space<semaphore_mem>>)
    } else {
    }
    %eq3A_185 = arith.constant 5 : i32
    %eq3A_186 = arith.cmpi eq, %rem3A_159, %eq3A_185 : i32
    %convert_element_type3A_187 = arith.extui %eq3A_186 : i1 to i32
    %cond3A_188 = arith.constant 0 : i32
    %cond3A_189 = arith.cmpi ne, %convert_element_type3A_187, %cond3A_188 : i32
    scf.if %cond3A_189 {
      %dma_start3A = arith.constant 5 : i32
      %dma_start3A_707 = arith.constant 0 : i32
      %dma_start3A_708 = arith.constant 0 : i32
      %dma_start3A_709 = tpu.memref_slice %arg8[%dma_start3A, %dma_start3A_707, %dma_start3A_708] : memref<10x64x128xf32, #tpu.memory_space<vmem>> -> memref<1x64x128xf32, #tpu.memory_space<vmem>>
      %dma_start3A_710 = tpu.memref_squeeze %dma_start3A_709 : memref<1x64x128xf32, #tpu.memory_space<vmem>> -> memref<64x128xf32, #tpu.memory_space<vmem>>
      %dma_start3A_711 = arith.constant 0 : i32
      %dma_start3A_712 = tpu.memref_slice %arg3[%dma_start3A_711, %multiple_of3A_156] : memref<64x1000000xf32, #tpu.memory_space<hbm>> -> memref<64x128xf32, #tpu.memory_space<hbm>>
      %dma_start3A_713 = arith.constant 0 : i32
      %dma_start3A_714 = arith.constant 0 : i32
      %dma_start3A_715 = tpu.memref_slice %arg8[%dma_start3A, %dma_start3A_713, %dma_start3A_714] : memref<10x64x128xf32, #tpu.memory_space<vmem>> -> memref<1x64x128xf32, #tpu.memory_space<vmem>>
      %dma_start3A_716 = tpu.memref_squeeze %dma_start3A_715 : memref<1x64x128xf32, #tpu.memory_space<vmem>> -> memref<64x128xf32, #tpu.memory_space<vmem>>
      %dma_start3A_717 = arith.constant 0 : i32
      %dma_start3A_718 = tpu.memref_slice %arg3[%dma_start3A_717, %multiple_of3A_156] : memref<64x1000000xf32, #tpu.memory_space<hbm>> -> memref<64x128xf32, #tpu.memory_space<hbm>>
      tpu.enqueue_dma source(%dma_start3A_718 : memref<64x128xf32, #tpu.memory_space<hbm>>) target(%dma_start3A_716 : memref<64x128xf32, #tpu.memory_space<vmem>>) target_semaphore(%arg18 : memref<!tpu.dma_semaphore, #tpu.memory_space<semaphore_mem>>)
    } else {
    }
    %eq3A_190 = arith.constant 6 : i32
    %eq3A_191 = arith.cmpi eq, %rem3A_159, %eq3A_190 : i32
    %convert_element_type3A_192 = arith.extui %eq3A_191 : i1 to i32
    %cond3A_193 = arith.constant 0 : i32
    %cond3A_194 = arith.cmpi ne, %convert_element_type3A_192, %cond3A_193 : i32
    scf.if %cond3A_194 {
      %dma_start3A = arith.constant 6 : i32
      %dma_start3A_707 = arith.constant 0 : i32
      %dma_start3A_708 = arith.constant 0 : i32
      %dma_start3A_709 = tpu.memref_slice %arg8[%dma_start3A, %dma_start3A_707, %dma_start3A_708] : memref<10x64x128xf32, #tpu.memory_space<vmem>> -> memref<1x64x128xf32, #tpu.memory_space<vmem>>
      %dma_start3A_710 = tpu.memref_squeeze %dma_start3A_709 : memref<1x64x128xf32, #tpu.memory_space<vmem>> -> memref<64x128xf32, #tpu.memory_space<vmem>>
      %dma_start3A_711 = arith.constant 0 : i32
      %dma_start3A_712 = tpu.memref_slice %arg3[%dma_start3A_711, %multiple_of3A_156] : memref<64x1000000xf32, #tpu.memory_space<hbm>> -> memref<64x128xf32, #tpu.memory_space<hbm>>
      %dma_start3A_713 = arith.constant 0 : i32
      %dma_start3A_714 = arith.constant 0 : i32
      %dma_start3A_715 = tpu.memref_slice %arg8[%dma_start3A, %dma_start3A_713, %dma_start3A_714] : memref<10x64x128xf32, #tpu.memory_space<vmem>> -> memref<1x64x128xf32, #tpu.memory_space<vmem>>
      %dma_start3A_716 = tpu.memref_squeeze %dma_start3A_715 : memref<1x64x128xf32, #tpu.memory_space<vmem>> -> memref<64x128xf32, #tpu.memory_space<vmem>>
      %dma_start3A_717 = arith.constant 0 : i32
      %dma_start3A_718 = tpu.memref_slice %arg3[%dma_start3A_717, %multiple_of3A_156] : memref<64x1000000xf32, #tpu.memory_space<hbm>> -> memref<64x128xf32, #tpu.memory_space<hbm>>
      tpu.enqueue_dma source(%dma_start3A_718 : memref<64x128xf32, #tpu.memory_space<hbm>>) target(%dma_start3A_716 : memref<64x128xf32, #tpu.memory_space<vmem>>) target_semaphore(%arg19 : memref<!tpu.dma_semaphore, #tpu.memory_space<semaphore_mem>>)
    } else {
    }
    %eq3A_195 = arith.constant 7 : i32
    %eq3A_196 = arith.cmpi eq, %rem3A_159, %eq3A_195 : i32
    %convert_element_type3A_197 = arith.extui %eq3A_196 : i1 to i32
    %cond3A_198 = arith.constant 0 : i32
    %cond3A_199 = arith.cmpi ne, %convert_element_type3A_197, %cond3A_198 : i32
    scf.if %cond3A_199 {
      %dma_start3A = arith.constant 7 : i32
      %dma_start3A_707 = arith.constant 0 : i32
      %dma_start3A_708 = arith.constant 0 : i32
      %dma_start3A_709 = tpu.memref_slice %arg8[%dma_start3A, %dma_start3A_707, %dma_start3A_708] : memref<10x64x128xf32, #tpu.memory_space<vmem>> -> memref<1x64x128xf32, #tpu.memory_space<vmem>>
      %dma_start3A_710 = tpu.memref_squeeze %dma_start3A_709 : memref<1x64x128xf32, #tpu.memory_space<vmem>> -> memref<64x128xf32, #tpu.memory_space<vmem>>
      %dma_start3A_711 = arith.constant 0 : i32
      %dma_start3A_712 = tpu.memref_slice %arg3[%dma_start3A_711, %multiple_of3A_156] : memref<64x1000000xf32, #tpu.memory_space<hbm>> -> memref<64x128xf32, #tpu.memory_space<hbm>>
      %dma_start3A_713 = arith.constant 0 : i32
      %dma_start3A_714 = arith.constant 0 : i32
      %dma_start3A_715 = tpu.memref_slice %arg8[%dma_start3A, %dma_start3A_713, %dma_start3A_714] : memref<10x64x128xf32, #tpu.memory_space<vmem>> -> memref<1x64x128xf32, #tpu.memory_space<vmem>>
      %dma_start3A_716 = tpu.memref_squeeze %dma_start3A_715 : memref<1x64x128xf32, #tpu.memory_space<vmem>> -> memref<64x128xf32, #tpu.memory_space<vmem>>
      %dma_start3A_717 = arith.constant 0 : i32
      %dma_start3A_718 = tpu.memref_slice %arg3[%dma_start3A_717, %multiple_of3A_156] : memref<64x1000000xf32, #tpu.memory_space<hbm>> -> memref<64x128xf32, #tpu.memory_space<hbm>>
      tpu.enqueue_dma source(%dma_start3A_718 : memref<64x128xf32, #tpu.memory_space<hbm>>) target(%dma_start3A_716 : memref<64x128xf32, #tpu.memory_space<vmem>>) target_semaphore(%arg20 : memref<!tpu.dma_semaphore, #tpu.memory_space<semaphore_mem>>)
    } else {
    }
    %eq3A_200 = arith.constant 8 : i32
    %eq3A_201 = arith.cmpi eq, %rem3A_159, %eq3A_200 : i32
    %convert_element_type3A_202 = arith.extui %eq3A_201 : i1 to i32
    %cond3A_203 = arith.constant 0 : i32
    %cond3A_204 = arith.cmpi ne, %convert_element_type3A_202, %cond3A_203 : i32
    scf.if %cond3A_204 {
      %dma_start3A = arith.constant 8 : i32
      %dma_start3A_707 = arith.constant 0 : i32
      %dma_start3A_708 = arith.constant 0 : i32
      %dma_start3A_709 = tpu.memref_slice %arg8[%dma_start3A, %dma_start3A_707, %dma_start3A_708] : memref<10x64x128xf32, #tpu.memory_space<vmem>> -> memref<1x64x128xf32, #tpu.memory_space<vmem>>
      %dma_start3A_710 = tpu.memref_squeeze %dma_start3A_709 : memref<1x64x128xf32, #tpu.memory_space<vmem>> -> memref<64x128xf32, #tpu.memory_space<vmem>>
      %dma_start3A_711 = arith.constant 0 : i32
      %dma_start3A_712 = tpu.memref_slice %arg3[%dma_start3A_711, %multiple_of3A_156] : memref<64x1000000xf32, #tpu.memory_space<hbm>> -> memref<64x128xf32, #tpu.memory_space<hbm>>
      %dma_start3A_713 = arith.constant 0 : i32
      %dma_start3A_714 = arith.constant 0 : i32
      %dma_start3A_715 = tpu.memref_slice %arg8[%dma_start3A, %dma_start3A_713, %dma_start3A_714] : memref<10x64x128xf32, #tpu.memory_space<vmem>> -> memref<1x64x128xf32, #tpu.memory_space<vmem>>
      %dma_start3A_716 = tpu.memref_squeeze %dma_start3A_715 : memref<1x64x128xf32, #tpu.memory_space<vmem>> -> memref<64x128xf32, #tpu.memory_space<vmem>>
      %dma_start3A_717 = arith.constant 0 : i32
      %dma_start3A_718 = tpu.memref_slice %arg3[%dma_start3A_717, %multiple_of3A_156] : memref<64x1000000xf32, #tpu.memory_space<hbm>> -> memref<64x128xf32, #tpu.memory_space<hbm>>
      tpu.enqueue_dma source(%dma_start3A_718 : memref<64x128xf32, #tpu.memory_space<hbm>>) target(%dma_start3A_716 : memref<64x128xf32, #tpu.memory_space<vmem>>) target_semaphore(%arg21 : memref<!tpu.dma_semaphore, #tpu.memory_space<semaphore_mem>>)
    } else {
    }
    %eq3A_205 = arith.constant 9 : i32
    %eq3A_206 = arith.cmpi eq, %rem3A_159, %eq3A_205 : i32
    %convert_element_type3A_207 = arith.extui %eq3A_206 : i1 to i32
    %cond3A_208 = arith.constant 0 : i32
    %cond3A_209 = arith.cmpi ne, %convert_element_type3A_207, %cond3A_208 : i32
    scf.if %cond3A_209 {
      %dma_start3A = arith.constant 9 : i32
      %dma_start3A_707 = arith.constant 0 : i32
      %dma_start3A_708 = arith.constant 0 : i32
      %dma_start3A_709 = tpu.memref_slice %arg8[%dma_start3A, %dma_start3A_707, %dma_start3A_708] : memref<10x64x128xf32, #tpu.memory_space<vmem>> -> memref<1x64x128xf32, #tpu.memory_space<vmem>>
      %dma_start3A_710 = tpu.memref_squeeze %dma_start3A_709 : memref<1x64x128xf32, #tpu.memory_space<vmem>> -> memref<64x128xf32, #tpu.memory_space<vmem>>
      %dma_start3A_711 = arith.constant 0 : i32
      %dma_start3A_712 = tpu.memref_slice %arg3[%dma_start3A_711, %multiple_of3A_156] : memref<64x1000000xf32, #tpu.memory_space<hbm>> -> memref<64x128xf32, #tpu.memory_space<hbm>>
      %dma_start3A_713 = arith.constant 0 : i32
      %dma_start3A_714 = arith.constant 0 : i32
      %dma_start3A_715 = tpu.memref_slice %arg8[%dma_start3A, %dma_start3A_713, %dma_start3A_714] : memref<10x64x128xf32, #tpu.memory_space<vmem>> -> memref<1x64x128xf32, #tpu.memory_space<vmem>>
      %dma_start3A_716 = tpu.memref_squeeze %dma_start3A_715 : memref<1x64x128xf32, #tpu.memory_space<vmem>> -> memref<64x128xf32, #tpu.memory_space<vmem>>
      %dma_start3A_717 = arith.constant 0 : i32
      %dma_start3A_718 = tpu.memref_slice %arg3[%dma_start3A_717, %multiple_of3A_156] : memref<64x1000000xf32, #tpu.memory_space<hbm>> -> memref<64x128xf32, #tpu.memory_space<hbm>>
      tpu.enqueue_dma source(%dma_start3A_718 : memref<64x128xf32, #tpu.memory_space<hbm>>) target(%dma_start3A_716 : memref<64x128xf32, #tpu.memory_space<vmem>>) target_semaphore(%arg22 : memref<!tpu.dma_semaphore, #tpu.memory_space<semaphore_mem>>)
    } else {
    }
    %sub3A_210 = arith.constant 1 : i32
    %sub3A_211 = arith.subi %add3A_8, %sub3A_210 : i32
    %min3A_212 = arith.constant 3 : i32
    %min3A_213 = arith.minsi %min3A_212, %sub3A_211 : i32
    %add3A_214 = arith.addi %add3A_4, %min3A_213 : i32
    %mul3A_215 = arith.constant 128 : i32
    %mul3A_216 = arith.muli %add3A_214, %mul3A_215 : i32
    %multiple_of3A_217 = tpu.assume_multiple %mul3A_216, 128 : i32
    %rem3A_218 = arith.constant 3 : i32
    %rem3A_219 = arith.constant 10 : i32
    %rem3A_220 = arith.remsi %rem3A_218, %rem3A_219 : i32
    %eq3A_221 = arith.constant 0 : i32
    %eq3A_222 = arith.cmpi eq, %rem3A_220, %eq3A_221 : i32
    %convert_element_type3A_223 = arith.extui %eq3A_222 : i1 to i32
    %cond3A_224 = arith.constant 0 : i32
    %cond3A_225 = arith.cmpi ne, %convert_element_type3A_223, %cond3A_224 : i32
    scf.if %cond3A_225 {
      %dma_start3A = arith.constant 0 : i32
      %dma_start3A_707 = arith.constant 0 : i32
      %dma_start3A_708 = arith.constant 0 : i32
      %dma_start3A_709 = tpu.memref_slice %arg8[%dma_start3A, %dma_start3A_707, %dma_start3A_708] : memref<10x64x128xf32, #tpu.memory_space<vmem>> -> memref<1x64x128xf32, #tpu.memory_space<vmem>>
      %dma_start3A_710 = tpu.memref_squeeze %dma_start3A_709 : memref<1x64x128xf32, #tpu.memory_space<vmem>> -> memref<64x128xf32, #tpu.memory_space<vmem>>
      %dma_start3A_711 = arith.constant 0 : i32
      %dma_start3A_712 = tpu.memref_slice %arg3[%dma_start3A_711, %multiple_of3A_217] : memref<64x1000000xf32, #tpu.memory_space<hbm>> -> memref<64x128xf32, #tpu.memory_space<hbm>>
      %dma_start3A_713 = arith.constant 0 : i32
      %dma_start3A_714 = arith.constant 0 : i32
      %dma_start3A_715 = tpu.memref_slice %arg8[%dma_start3A, %dma_start3A_713, %dma_start3A_714] : memref<10x64x128xf32, #tpu.memory_space<vmem>> -> memref<1x64x128xf32, #tpu.memory_space<vmem>>
      %dma_start3A_716 = tpu.memref_squeeze %dma_start3A_715 : memref<1x64x128xf32, #tpu.memory_space<vmem>> -> memref<64x128xf32, #tpu.memory_space<vmem>>
      %dma_start3A_717 = arith.constant 0 : i32
      %dma_start3A_718 = tpu.memref_slice %arg3[%dma_start3A_717, %multiple_of3A_217] : memref<64x1000000xf32, #tpu.memory_space<hbm>> -> memref<64x128xf32, #tpu.memory_space<hbm>>
      tpu.enqueue_dma source(%dma_start3A_718 : memref<64x128xf32, #tpu.memory_space<hbm>>) target(%dma_start3A_716 : memref<64x128xf32, #tpu.memory_space<vmem>>) target_semaphore(%arg13 : memref<!tpu.dma_semaphore, #tpu.memory_space<semaphore_mem>>)
    } else {
    }
    %eq3A_226 = arith.constant 1 : i32
    %eq3A_227 = arith.cmpi eq, %rem3A_220, %eq3A_226 : i32
    %convert_element_type3A_228 = arith.extui %eq3A_227 : i1 to i32
    %cond3A_229 = arith.constant 0 : i32
    %cond3A_230 = arith.cmpi ne, %convert_element_type3A_228, %cond3A_229 : i32
    scf.if %cond3A_230 {
      %dma_start3A = arith.constant 1 : i32
      %dma_start3A_707 = arith.constant 0 : i32
      %dma_start3A_708 = arith.constant 0 : i32
      %dma_start3A_709 = tpu.memref_slice %arg8[%dma_start3A, %dma_start3A_707, %dma_start3A_708] : memref<10x64x128xf32, #tpu.memory_space<vmem>> -> memref<1x64x128xf32, #tpu.memory_space<vmem>>
      %dma_start3A_710 = tpu.memref_squeeze %dma_start3A_709 : memref<1x64x128xf32, #tpu.memory_space<vmem>> -> memref<64x128xf32, #tpu.memory_space<vmem>>
      %dma_start3A_711 = arith.constant 0 : i32
      %dma_start3A_712 = tpu.memref_slice %arg3[%dma_start3A_711, %multiple_of3A_217] : memref<64x1000000xf32, #tpu.memory_space<hbm>> -> memref<64x128xf32, #tpu.memory_space<hbm>>
      %dma_start3A_713 = arith.constant 0 : i32
      %dma_start3A_714 = arith.constant 0 : i32
      %dma_start3A_715 = tpu.memref_slice %arg8[%dma_start3A, %dma_start3A_713, %dma_start3A_714] : memref<10x64x128xf32, #tpu.memory_space<vmem>> -> memref<1x64x128xf32, #tpu.memory_space<vmem>>
      %dma_start3A_716 = tpu.memref_squeeze %dma_start3A_715 : memref<1x64x128xf32, #tpu.memory_space<vmem>> -> memref<64x128xf32, #tpu.memory_space<vmem>>
      %dma_start3A_717 = arith.constant 0 : i32
      %dma_start3A_718 = tpu.memref_slice %arg3[%dma_start3A_717, %multiple_of3A_217] : memref<64x1000000xf32, #tpu.memory_space<hbm>> -> memref<64x128xf32, #tpu.memory_space<hbm>>
      tpu.enqueue_dma source(%dma_start3A_718 : memref<64x128xf32, #tpu.memory_space<hbm>>) target(%dma_start3A_716 : memref<64x128xf32, #tpu.memory_space<vmem>>) target_semaphore(%arg14 : memref<!tpu.dma_semaphore, #tpu.memory_space<semaphore_mem>>)
    } else {
    }
    %eq3A_231 = arith.constant 2 : i32
    %eq3A_232 = arith.cmpi eq, %rem3A_220, %eq3A_231 : i32
    %convert_element_type3A_233 = arith.extui %eq3A_232 : i1 to i32
    %cond3A_234 = arith.constant 0 : i32
    %cond3A_235 = arith.cmpi ne, %convert_element_type3A_233, %cond3A_234 : i32
    scf.if %cond3A_235 {
      %dma_start3A = arith.constant 2 : i32
      %dma_start3A_707 = arith.constant 0 : i32
      %dma_start3A_708 = arith.constant 0 : i32
      %dma_start3A_709 = tpu.memref_slice %arg8[%dma_start3A, %dma_start3A_707, %dma_start3A_708] : memref<10x64x128xf32, #tpu.memory_space<vmem>> -> memref<1x64x128xf32, #tpu.memory_space<vmem>>
      %dma_start3A_710 = tpu.memref_squeeze %dma_start3A_709 : memref<1x64x128xf32, #tpu.memory_space<vmem>> -> memref<64x128xf32, #tpu.memory_space<vmem>>
      %dma_start3A_711 = arith.constant 0 : i32
      %dma_start3A_712 = tpu.memref_slice %arg3[%dma_start3A_711, %multiple_of3A_217] : memref<64x1000000xf32, #tpu.memory_space<hbm>> -> memref<64x128xf32, #tpu.memory_space<hbm>>
      %dma_start3A_713 = arith.constant 0 : i32
      %dma_start3A_714 = arith.constant 0 : i32
      %dma_start3A_715 = tpu.memref_slice %arg8[%dma_start3A, %dma_start3A_713, %dma_start3A_714] : memref<10x64x128xf32, #tpu.memory_space<vmem>> -> memref<1x64x128xf32, #tpu.memory_space<vmem>>
      %dma_start3A_716 = tpu.memref_squeeze %dma_start3A_715 : memref<1x64x128xf32, #tpu.memory_space<vmem>> -> memref<64x128xf32, #tpu.memory_space<vmem>>
      %dma_start3A_717 = arith.constant 0 : i32
      %dma_start3A_718 = tpu.memref_slice %arg3[%dma_start3A_717, %multiple_of3A_217] : memref<64x1000000xf32, #tpu.memory_space<hbm>> -> memref<64x128xf32, #tpu.memory_space<hbm>>
      tpu.enqueue_dma source(%dma_start3A_718 : memref<64x128xf32, #tpu.memory_space<hbm>>) target(%dma_start3A_716 : memref<64x128xf32, #tpu.memory_space<vmem>>) target_semaphore(%arg15 : memref<!tpu.dma_semaphore, #tpu.memory_space<semaphore_mem>>)
    } else {
    }
    %eq3A_236 = arith.constant 3 : i32
    %eq3A_237 = arith.cmpi eq, %rem3A_220, %eq3A_236 : i32
    %convert_element_type3A_238 = arith.extui %eq3A_237 : i1 to i32
    %cond3A_239 = arith.constant 0 : i32
    %cond3A_240 = arith.cmpi ne, %convert_element_type3A_238, %cond3A_239 : i32
    scf.if %cond3A_240 {
      %dma_start3A = arith.constant 3 : i32
      %dma_start3A_707 = arith.constant 0 : i32
      %dma_start3A_708 = arith.constant 0 : i32
      %dma_start3A_709 = tpu.memref_slice %arg8[%dma_start3A, %dma_start3A_707, %dma_start3A_708] : memref<10x64x128xf32, #tpu.memory_space<vmem>> -> memref<1x64x128xf32, #tpu.memory_space<vmem>>
      %dma_start3A_710 = tpu.memref_squeeze %dma_start3A_709 : memref<1x64x128xf32, #tpu.memory_space<vmem>> -> memref<64x128xf32, #tpu.memory_space<vmem>>
      %dma_start3A_711 = arith.constant 0 : i32
      %dma_start3A_712 = tpu.memref_slice %arg3[%dma_start3A_711, %multiple_of3A_217] : memref<64x1000000xf32, #tpu.memory_space<hbm>> -> memref<64x128xf32, #tpu.memory_space<hbm>>
      %dma_start3A_713 = arith.constant 0 : i32
      %dma_start3A_714 = arith.constant 0 : i32
      %dma_start3A_715 = tpu.memref_slice %arg8[%dma_start3A, %dma_start3A_713, %dma_start3A_714] : memref<10x64x128xf32, #tpu.memory_space<vmem>> -> memref<1x64x128xf32, #tpu.memory_space<vmem>>
      %dma_start3A_716 = tpu.memref_squeeze %dma_start3A_715 : memref<1x64x128xf32, #tpu.memory_space<vmem>> -> memref<64x128xf32, #tpu.memory_space<vmem>>
      %dma_start3A_717 = arith.constant 0 : i32
      %dma_start3A_718 = tpu.memref_slice %arg3[%dma_start3A_717, %multiple_of3A_217] : memref<64x1000000xf32, #tpu.memory_space<hbm>> -> memref<64x128xf32, #tpu.memory_space<hbm>>
      tpu.enqueue_dma source(%dma_start3A_718 : memref<64x128xf32, #tpu.memory_space<hbm>>) target(%dma_start3A_716 : memref<64x128xf32, #tpu.memory_space<vmem>>) target_semaphore(%arg16 : memref<!tpu.dma_semaphore, #tpu.memory_space<semaphore_mem>>)
    } else {
    }
    %eq3A_241 = arith.constant 4 : i32
    %eq3A_242 = arith.cmpi eq, %rem3A_220, %eq3A_241 : i32
    %convert_element_type3A_243 = arith.extui %eq3A_242 : i1 to i32
    %cond3A_244 = arith.constant 0 : i32
    %cond3A_245 = arith.cmpi ne, %convert_element_type3A_243, %cond3A_244 : i32
    scf.if %cond3A_245 {
      %dma_start3A = arith.constant 4 : i32
      %dma_start3A_707 = arith.constant 0 : i32
      %dma_start3A_708 = arith.constant 0 : i32
      %dma_start3A_709 = tpu.memref_slice %arg8[%dma_start3A, %dma_start3A_707, %dma_start3A_708] : memref<10x64x128xf32, #tpu.memory_space<vmem>> -> memref<1x64x128xf32, #tpu.memory_space<vmem>>
      %dma_start3A_710 = tpu.memref_squeeze %dma_start3A_709 : memref<1x64x128xf32, #tpu.memory_space<vmem>> -> memref<64x128xf32, #tpu.memory_space<vmem>>
      %dma_start3A_711 = arith.constant 0 : i32
      %dma_start3A_712 = tpu.memref_slice %arg3[%dma_start3A_711, %multiple_of3A_217] : memref<64x1000000xf32, #tpu.memory_space<hbm>> -> memref<64x128xf32, #tpu.memory_space<hbm>>
      %dma_start3A_713 = arith.constant 0 : i32
      %dma_start3A_714 = arith.constant 0 : i32
      %dma_start3A_715 = tpu.memref_slice %arg8[%dma_start3A, %dma_start3A_713, %dma_start3A_714] : memref<10x64x128xf32, #tpu.memory_space<vmem>> -> memref<1x64x128xf32, #tpu.memory_space<vmem>>
      %dma_start3A_716 = tpu.memref_squeeze %dma_start3A_715 : memref<1x64x128xf32, #tpu.memory_space<vmem>> -> memref<64x128xf32, #tpu.memory_space<vmem>>
      %dma_start3A_717 = arith.constant 0 : i32
      %dma_start3A_718 = tpu.memref_slice %arg3[%dma_start3A_717, %multiple_of3A_217] : memref<64x1000000xf32, #tpu.memory_space<hbm>> -> memref<64x128xf32, #tpu.memory_space<hbm>>
      tpu.enqueue_dma source(%dma_start3A_718 : memref<64x128xf32, #tpu.memory_space<hbm>>) target(%dma_start3A_716 : memref<64x128xf32, #tpu.memory_space<vmem>>) target_semaphore(%arg17 : memref<!tpu.dma_semaphore, #tpu.memory_space<semaphore_mem>>)
    } else {
    }
    %eq3A_246 = arith.constant 5 : i32
    %eq3A_247 = arith.cmpi eq, %rem3A_220, %eq3A_246 : i32
    %convert_element_type3A_248 = arith.extui %eq3A_247 : i1 to i32
    %cond3A_249 = arith.constant 0 : i32
    %cond3A_250 = arith.cmpi ne, %convert_element_type3A_248, %cond3A_249 : i32
    scf.if %cond3A_250 {
      %dma_start3A = arith.constant 5 : i32
      %dma_start3A_707 = arith.constant 0 : i32
      %dma_start3A_708 = arith.constant 0 : i32
      %dma_start3A_709 = tpu.memref_slice %arg8[%dma_start3A, %dma_start3A_707, %dma_start3A_708] : memref<10x64x128xf32, #tpu.memory_space<vmem>> -> memref<1x64x128xf32, #tpu.memory_space<vmem>>
      %dma_start3A_710 = tpu.memref_squeeze %dma_start3A_709 : memref<1x64x128xf32, #tpu.memory_space<vmem>> -> memref<64x128xf32, #tpu.memory_space<vmem>>
      %dma_start3A_711 = arith.constant 0 : i32
      %dma_start3A_712 = tpu.memref_slice %arg3[%dma_start3A_711, %multiple_of3A_217] : memref<64x1000000xf32, #tpu.memory_space<hbm>> -> memref<64x128xf32, #tpu.memory_space<hbm>>
      %dma_start3A_713 = arith.constant 0 : i32
      %dma_start3A_714 = arith.constant 0 : i32
      %dma_start3A_715 = tpu.memref_slice %arg8[%dma_start3A, %dma_start3A_713, %dma_start3A_714] : memref<10x64x128xf32, #tpu.memory_space<vmem>> -> memref<1x64x128xf32, #tpu.memory_space<vmem>>
      %dma_start3A_716 = tpu.memref_squeeze %dma_start3A_715 : memref<1x64x128xf32, #tpu.memory_space<vmem>> -> memref<64x128xf32, #tpu.memory_space<vmem>>
      %dma_start3A_717 = arith.constant 0 : i32
      %dma_start3A_718 = tpu.memref_slice %arg3[%dma_start3A_717, %multiple_of3A_217] : memref<64x1000000xf32, #tpu.memory_space<hbm>> -> memref<64x128xf32, #tpu.memory_space<hbm>>
      tpu.enqueue_dma source(%dma_start3A_718 : memref<64x128xf32, #tpu.memory_space<hbm>>) target(%dma_start3A_716 : memref<64x128xf32, #tpu.memory_space<vmem>>) target_semaphore(%arg18 : memref<!tpu.dma_semaphore, #tpu.memory_space<semaphore_mem>>)
    } else {
    }
    %eq3A_251 = arith.constant 6 : i32
    %eq3A_252 = arith.cmpi eq, %rem3A_220, %eq3A_251 : i32
    %convert_element_type3A_253 = arith.extui %eq3A_252 : i1 to i32
    %cond3A_254 = arith.constant 0 : i32
    %cond3A_255 = arith.cmpi ne, %convert_element_type3A_253, %cond3A_254 : i32
    scf.if %cond3A_255 {
      %dma_start3A = arith.constant 6 : i32
      %dma_start3A_707 = arith.constant 0 : i32
      %dma_start3A_708 = arith.constant 0 : i32
      %dma_start3A_709 = tpu.memref_slice %arg8[%dma_start3A, %dma_start3A_707, %dma_start3A_708] : memref<10x64x128xf32, #tpu.memory_space<vmem>> -> memref<1x64x128xf32, #tpu.memory_space<vmem>>
      %dma_start3A_710 = tpu.memref_squeeze %dma_start3A_709 : memref<1x64x128xf32, #tpu.memory_space<vmem>> -> memref<64x128xf32, #tpu.memory_space<vmem>>
      %dma_start3A_711 = arith.constant 0 : i32
      %dma_start3A_712 = tpu.memref_slice %arg3[%dma_start3A_711, %multiple_of3A_217] : memref<64x1000000xf32, #tpu.memory_space<hbm>> -> memref<64x128xf32, #tpu.memory_space<hbm>>
      %dma_start3A_713 = arith.constant 0 : i32
      %dma_start3A_714 = arith.constant 0 : i32
      %dma_start3A_715 = tpu.memref_slice %arg8[%dma_start3A, %dma_start3A_713, %dma_start3A_714] : memref<10x64x128xf32, #tpu.memory_space<vmem>> -> memref<1x64x128xf32, #tpu.memory_space<vmem>>
      %dma_start3A_716 = tpu.memref_squeeze %dma_start3A_715 : memref<1x64x128xf32, #tpu.memory_space<vmem>> -> memref<64x128xf32, #tpu.memory_space<vmem>>
      %dma_start3A_717 = arith.constant 0 : i32
      %dma_start3A_718 = tpu.memref_slice %arg3[%dma_start3A_717, %multiple_of3A_217] : memref<64x1000000xf32, #tpu.memory_space<hbm>> -> memref<64x128xf32, #tpu.memory_space<hbm>>
      tpu.enqueue_dma source(%dma_start3A_718 : memref<64x128xf32, #tpu.memory_space<hbm>>) target(%dma_start3A_716 : memref<64x128xf32, #tpu.memory_space<vmem>>) target_semaphore(%arg19 : memref<!tpu.dma_semaphore, #tpu.memory_space<semaphore_mem>>)
    } else {
    }
    %eq3A_256 = arith.constant 7 : i32
    %eq3A_257 = arith.cmpi eq, %rem3A_220, %eq3A_256 : i32
    %convert_element_type3A_258 = arith.extui %eq3A_257 : i1 to i32
    %cond3A_259 = arith.constant 0 : i32
    %cond3A_260 = arith.cmpi ne, %convert_element_type3A_258, %cond3A_259 : i32
    scf.if %cond3A_260 {
      %dma_start3A = arith.constant 7 : i32
      %dma_start3A_707 = arith.constant 0 : i32
      %dma_start3A_708 = arith.constant 0 : i32
      %dma_start3A_709 = tpu.memref_slice %arg8[%dma_start3A, %dma_start3A_707, %dma_start3A_708] : memref<10x64x128xf32, #tpu.memory_space<vmem>> -> memref<1x64x128xf32, #tpu.memory_space<vmem>>
      %dma_start3A_710 = tpu.memref_squeeze %dma_start3A_709 : memref<1x64x128xf32, #tpu.memory_space<vmem>> -> memref<64x128xf32, #tpu.memory_space<vmem>>
      %dma_start3A_711 = arith.constant 0 : i32
      %dma_start3A_712 = tpu.memref_slice %arg3[%dma_start3A_711, %multiple_of3A_217] : memref<64x1000000xf32, #tpu.memory_space<hbm>> -> memref<64x128xf32, #tpu.memory_space<hbm>>
      %dma_start3A_713 = arith.constant 0 : i32
      %dma_start3A_714 = arith.constant 0 : i32
      %dma_start3A_715 = tpu.memref_slice %arg8[%dma_start3A, %dma_start3A_713, %dma_start3A_714] : memref<10x64x128xf32, #tpu.memory_space<vmem>> -> memref<1x64x128xf32, #tpu.memory_space<vmem>>
      %dma_start3A_716 = tpu.memref_squeeze %dma_start3A_715 : memref<1x64x128xf32, #tpu.memory_space<vmem>> -> memref<64x128xf32, #tpu.memory_space<vmem>>
      %dma_start3A_717 = arith.constant 0 : i32
      %dma_start3A_718 = tpu.memref_slice %arg3[%dma_start3A_717, %multiple_of3A_217] : memref<64x1000000xf32, #tpu.memory_space<hbm>> -> memref<64x128xf32, #tpu.memory_space<hbm>>
      tpu.enqueue_dma source(%dma_start3A_718 : memref<64x128xf32, #tpu.memory_space<hbm>>) target(%dma_start3A_716 : memref<64x128xf32, #tpu.memory_space<vmem>>) target_semaphore(%arg20 : memref<!tpu.dma_semaphore, #tpu.memory_space<semaphore_mem>>)
    } else {
    }
    %eq3A_261 = arith.constant 8 : i32
    %eq3A_262 = arith.cmpi eq, %rem3A_220, %eq3A_261 : i32
    %convert_element_type3A_263 = arith.extui %eq3A_262 : i1 to i32
    %cond3A_264 = arith.constant 0 : i32
    %cond3A_265 = arith.cmpi ne, %convert_element_type3A_263, %cond3A_264 : i32
    scf.if %cond3A_265 {
      %dma_start3A = arith.constant 8 : i32
      %dma_start3A_707 = arith.constant 0 : i32
      %dma_start3A_708 = arith.constant 0 : i32
      %dma_start3A_709 = tpu.memref_slice %arg8[%dma_start3A, %dma_start3A_707, %dma_start3A_708] : memref<10x64x128xf32, #tpu.memory_space<vmem>> -> memref<1x64x128xf32, #tpu.memory_space<vmem>>
      %dma_start3A_710 = tpu.memref_squeeze %dma_start3A_709 : memref<1x64x128xf32, #tpu.memory_space<vmem>> -> memref<64x128xf32, #tpu.memory_space<vmem>>
      %dma_start3A_711 = arith.constant 0 : i32
      %dma_start3A_712 = tpu.memref_slice %arg3[%dma_start3A_711, %multiple_of3A_217] : memref<64x1000000xf32, #tpu.memory_space<hbm>> -> memref<64x128xf32, #tpu.memory_space<hbm>>
      %dma_start3A_713 = arith.constant 0 : i32
      %dma_start3A_714 = arith.constant 0 : i32
      %dma_start3A_715 = tpu.memref_slice %arg8[%dma_start3A, %dma_start3A_713, %dma_start3A_714] : memref<10x64x128xf32, #tpu.memory_space<vmem>> -> memref<1x64x128xf32, #tpu.memory_space<vmem>>
      %dma_start3A_716 = tpu.memref_squeeze %dma_start3A_715 : memref<1x64x128xf32, #tpu.memory_space<vmem>> -> memref<64x128xf32, #tpu.memory_space<vmem>>
      %dma_start3A_717 = arith.constant 0 : i32
      %dma_start3A_718 = tpu.memref_slice %arg3[%dma_start3A_717, %multiple_of3A_217] : memref<64x1000000xf32, #tpu.memory_space<hbm>> -> memref<64x128xf32, #tpu.memory_space<hbm>>
      tpu.enqueue_dma source(%dma_start3A_718 : memref<64x128xf32, #tpu.memory_space<hbm>>) target(%dma_start3A_716 : memref<64x128xf32, #tpu.memory_space<vmem>>) target_semaphore(%arg21 : memref<!tpu.dma_semaphore, #tpu.memory_space<semaphore_mem>>)
    } else {
    }
    %eq3A_266 = arith.constant 9 : i32
    %eq3A_267 = arith.cmpi eq, %rem3A_220, %eq3A_266 : i32
    %convert_element_type3A_268 = arith.extui %eq3A_267 : i1 to i32
    %cond3A_269 = arith.constant 0 : i32
    %cond3A_270 = arith.cmpi ne, %convert_element_type3A_268, %cond3A_269 : i32
    scf.if %cond3A_270 {
      %dma_start3A = arith.constant 9 : i32
      %dma_start3A_707 = arith.constant 0 : i32
      %dma_start3A_708 = arith.constant 0 : i32
      %dma_start3A_709 = tpu.memref_slice %arg8[%dma_start3A, %dma_start3A_707, %dma_start3A_708] : memref<10x64x128xf32, #tpu.memory_space<vmem>> -> memref<1x64x128xf32, #tpu.memory_space<vmem>>
      %dma_start3A_710 = tpu.memref_squeeze %dma_start3A_709 : memref<1x64x128xf32, #tpu.memory_space<vmem>> -> memref<64x128xf32, #tpu.memory_space<vmem>>
      %dma_start3A_711 = arith.constant 0 : i32
      %dma_start3A_712 = tpu.memref_slice %arg3[%dma_start3A_711, %multiple_of3A_217] : memref<64x1000000xf32, #tpu.memory_space<hbm>> -> memref<64x128xf32, #tpu.memory_space<hbm>>
      %dma_start3A_713 = arith.constant 0 : i32
      %dma_start3A_714 = arith.constant 0 : i32
      %dma_start3A_715 = tpu.memref_slice %arg8[%dma_start3A, %dma_start3A_713, %dma_start3A_714] : memref<10x64x128xf32, #tpu.memory_space<vmem>> -> memref<1x64x128xf32, #tpu.memory_space<vmem>>
      %dma_start3A_716 = tpu.memref_squeeze %dma_start3A_715 : memref<1x64x128xf32, #tpu.memory_space<vmem>> -> memref<64x128xf32, #tpu.memory_space<vmem>>
      %dma_start3A_717 = arith.constant 0 : i32
      %dma_start3A_718 = tpu.memref_slice %arg3[%dma_start3A_717, %multiple_of3A_217] : memref<64x1000000xf32, #tpu.memory_space<hbm>> -> memref<64x128xf32, #tpu.memory_space<hbm>>
      tpu.enqueue_dma source(%dma_start3A_718 : memref<64x128xf32, #tpu.memory_space<hbm>>) target(%dma_start3A_716 : memref<64x128xf32, #tpu.memory_space<vmem>>) target_semaphore(%arg22 : memref<!tpu.dma_semaphore, #tpu.memory_space<semaphore_mem>>)
    } else {
    }
    %sub3A_271 = arith.constant 1 : i32
    %sub3A_272 = arith.subi %add3A_8, %sub3A_271 : i32
    %min3A_273 = arith.constant 4 : i32
    %min3A_274 = arith.minsi %min3A_273, %sub3A_272 : i32
    %add3A_275 = arith.addi %add3A_4, %min3A_274 : i32
    %mul3A_276 = arith.constant 128 : i32
    %mul3A_277 = arith.muli %add3A_275, %mul3A_276 : i32
    %multiple_of3A_278 = tpu.assume_multiple %mul3A_277, 128 : i32
    %rem3A_279 = arith.constant 4 : i32
    %rem3A_280 = arith.constant 10 : i32
    %rem3A_281 = arith.remsi %rem3A_279, %rem3A_280 : i32
    %eq3A_282 = arith.constant 0 : i32
    %eq3A_283 = arith.cmpi eq, %rem3A_281, %eq3A_282 : i32
    %convert_element_type3A_284 = arith.extui %eq3A_283 : i1 to i32
    %cond3A_285 = arith.constant 0 : i32
    %cond3A_286 = arith.cmpi ne, %convert_element_type3A_284, %cond3A_285 : i32
    scf.if %cond3A_286 {
      %dma_start3A = arith.constant 0 : i32
      %dma_start3A_707 = arith.constant 0 : i32
      %dma_start3A_708 = arith.constant 0 : i32
      %dma_start3A_709 = tpu.memref_slice %arg8[%dma_start3A, %dma_start3A_707, %dma_start3A_708] : memref<10x64x128xf32, #tpu.memory_space<vmem>> -> memref<1x64x128xf32, #tpu.memory_space<vmem>>
      %dma_start3A_710 = tpu.memref_squeeze %dma_start3A_709 : memref<1x64x128xf32, #tpu.memory_space<vmem>> -> memref<64x128xf32, #tpu.memory_space<vmem>>
      %dma_start3A_711 = arith.constant 0 : i32
      %dma_start3A_712 = tpu.memref_slice %arg3[%dma_start3A_711, %multiple_of3A_278] : memref<64x1000000xf32, #tpu.memory_space<hbm>> -> memref<64x128xf32, #tpu.memory_space<hbm>>
      %dma_start3A_713 = arith.constant 0 : i32
      %dma_start3A_714 = arith.constant 0 : i32
      %dma_start3A_715 = tpu.memref_slice %arg8[%dma_start3A, %dma_start3A_713, %dma_start3A_714] : memref<10x64x128xf32, #tpu.memory_space<vmem>> -> memref<1x64x128xf32, #tpu.memory_space<vmem>>
      %dma_start3A_716 = tpu.memref_squeeze %dma_start3A_715 : memref<1x64x128xf32, #tpu.memory_space<vmem>> -> memref<64x128xf32, #tpu.memory_space<vmem>>
      %dma_start3A_717 = arith.constant 0 : i32
      %dma_start3A_718 = tpu.memref_slice %arg3[%dma_start3A_717, %multiple_of3A_278] : memref<64x1000000xf32, #tpu.memory_space<hbm>> -> memref<64x128xf32, #tpu.memory_space<hbm>>
      tpu.enqueue_dma source(%dma_start3A_718 : memref<64x128xf32, #tpu.memory_space<hbm>>) target(%dma_start3A_716 : memref<64x128xf32, #tpu.memory_space<vmem>>) target_semaphore(%arg13 : memref<!tpu.dma_semaphore, #tpu.memory_space<semaphore_mem>>)
    } else {
    }
    %eq3A_287 = arith.constant 1 : i32
    %eq3A_288 = arith.cmpi eq, %rem3A_281, %eq3A_287 : i32
    %convert_element_type3A_289 = arith.extui %eq3A_288 : i1 to i32
    %cond3A_290 = arith.constant 0 : i32
    %cond3A_291 = arith.cmpi ne, %convert_element_type3A_289, %cond3A_290 : i32
    scf.if %cond3A_291 {
      %dma_start3A = arith.constant 1 : i32
      %dma_start3A_707 = arith.constant 0 : i32
      %dma_start3A_708 = arith.constant 0 : i32
      %dma_start3A_709 = tpu.memref_slice %arg8[%dma_start3A, %dma_start3A_707, %dma_start3A_708] : memref<10x64x128xf32, #tpu.memory_space<vmem>> -> memref<1x64x128xf32, #tpu.memory_space<vmem>>
      %dma_start3A_710 = tpu.memref_squeeze %dma_start3A_709 : memref<1x64x128xf32, #tpu.memory_space<vmem>> -> memref<64x128xf32, #tpu.memory_space<vmem>>
      %dma_start3A_711 = arith.constant 0 : i32
      %dma_start3A_712 = tpu.memref_slice %arg3[%dma_start3A_711, %multiple_of3A_278] : memref<64x1000000xf32, #tpu.memory_space<hbm>> -> memref<64x128xf32, #tpu.memory_space<hbm>>
      %dma_start3A_713 = arith.constant 0 : i32
      %dma_start3A_714 = arith.constant 0 : i32
      %dma_start3A_715 = tpu.memref_slice %arg8[%dma_start3A, %dma_start3A_713, %dma_start3A_714] : memref<10x64x128xf32, #tpu.memory_space<vmem>> -> memref<1x64x128xf32, #tpu.memory_space<vmem>>
      %dma_start3A_716 = tpu.memref_squeeze %dma_start3A_715 : memref<1x64x128xf32, #tpu.memory_space<vmem>> -> memref<64x128xf32, #tpu.memory_space<vmem>>
      %dma_start3A_717 = arith.constant 0 : i32
      %dma_start3A_718 = tpu.memref_slice %arg3[%dma_start3A_717, %multiple_of3A_278] : memref<64x1000000xf32, #tpu.memory_space<hbm>> -> memref<64x128xf32, #tpu.memory_space<hbm>>
      tpu.enqueue_dma source(%dma_start3A_718 : memref<64x128xf32, #tpu.memory_space<hbm>>) target(%dma_start3A_716 : memref<64x128xf32, #tpu.memory_space<vmem>>) target_semaphore(%arg14 : memref<!tpu.dma_semaphore, #tpu.memory_space<semaphore_mem>>)
    } else {
    }
    %eq3A_292 = arith.constant 2 : i32
    %eq3A_293 = arith.cmpi eq, %rem3A_281, %eq3A_292 : i32
    %convert_element_type3A_294 = arith.extui %eq3A_293 : i1 to i32
    %cond3A_295 = arith.constant 0 : i32
    %cond3A_296 = arith.cmpi ne, %convert_element_type3A_294, %cond3A_295 : i32
    scf.if %cond3A_296 {
      %dma_start3A = arith.constant 2 : i32
      %dma_start3A_707 = arith.constant 0 : i32
      %dma_start3A_708 = arith.constant 0 : i32
      %dma_start3A_709 = tpu.memref_slice %arg8[%dma_start3A, %dma_start3A_707, %dma_start3A_708] : memref<10x64x128xf32, #tpu.memory_space<vmem>> -> memref<1x64x128xf32, #tpu.memory_space<vmem>>
      %dma_start3A_710 = tpu.memref_squeeze %dma_start3A_709 : memref<1x64x128xf32, #tpu.memory_space<vmem>> -> memref<64x128xf32, #tpu.memory_space<vmem>>
      %dma_start3A_711 = arith.constant 0 : i32
      %dma_start3A_712 = tpu.memref_slice %arg3[%dma_start3A_711, %multiple_of3A_278] : memref<64x1000000xf32, #tpu.memory_space<hbm>> -> memref<64x128xf32, #tpu.memory_space<hbm>>
      %dma_start3A_713 = arith.constant 0 : i32
      %dma_start3A_714 = arith.constant 0 : i32
      %dma_start3A_715 = tpu.memref_slice %arg8[%dma_start3A, %dma_start3A_713, %dma_start3A_714] : memref<10x64x128xf32, #tpu.memory_space<vmem>> -> memref<1x64x128xf32, #tpu.memory_space<vmem>>
      %dma_start3A_716 = tpu.memref_squeeze %dma_start3A_715 : memref<1x64x128xf32, #tpu.memory_space<vmem>> -> memref<64x128xf32, #tpu.memory_space<vmem>>
      %dma_start3A_717 = arith.constant 0 : i32
      %dma_start3A_718 = tpu.memref_slice %arg3[%dma_start3A_717, %multiple_of3A_278] : memref<64x1000000xf32, #tpu.memory_space<hbm>> -> memref<64x128xf32, #tpu.memory_space<hbm>>
      tpu.enqueue_dma source(%dma_start3A_718 : memref<64x128xf32, #tpu.memory_space<hbm>>) target(%dma_start3A_716 : memref<64x128xf32, #tpu.memory_space<vmem>>) target_semaphore(%arg15 : memref<!tpu.dma_semaphore, #tpu.memory_space<semaphore_mem>>)
    } else {
    }
    %eq3A_297 = arith.constant 3 : i32
    %eq3A_298 = arith.cmpi eq, %rem3A_281, %eq3A_297 : i32
    %convert_element_type3A_299 = arith.extui %eq3A_298 : i1 to i32
    %cond3A_300 = arith.constant 0 : i32
    %cond3A_301 = arith.cmpi ne, %convert_element_type3A_299, %cond3A_300 : i32
    scf.if %cond3A_301 {
      %dma_start3A = arith.constant 3 : i32
      %dma_start3A_707 = arith.constant 0 : i32
      %dma_start3A_708 = arith.constant 0 : i32
      %dma_start3A_709 = tpu.memref_slice %arg8[%dma_start3A, %dma_start3A_707, %dma_start3A_708] : memref<10x64x128xf32, #tpu.memory_space<vmem>> -> memref<1x64x128xf32, #tpu.memory_space<vmem>>
      %dma_start3A_710 = tpu.memref_squeeze %dma_start3A_709 : memref<1x64x128xf32, #tpu.memory_space<vmem>> -> memref<64x128xf32, #tpu.memory_space<vmem>>
      %dma_start3A_711 = arith.constant 0 : i32
      %dma_start3A_712 = tpu.memref_slice %arg3[%dma_start3A_711, %multiple_of3A_278] : memref<64x1000000xf32, #tpu.memory_space<hbm>> -> memref<64x128xf32, #tpu.memory_space<hbm>>
      %dma_start3A_713 = arith.constant 0 : i32
      %dma_start3A_714 = arith.constant 0 : i32
      %dma_start3A_715 = tpu.memref_slice %arg8[%dma_start3A, %dma_start3A_713, %dma_start3A_714] : memref<10x64x128xf32, #tpu.memory_space<vmem>> -> memref<1x64x128xf32, #tpu.memory_space<vmem>>
      %dma_start3A_716 = tpu.memref_squeeze %dma_start3A_715 : memref<1x64x128xf32, #tpu.memory_space<vmem>> -> memref<64x128xf32, #tpu.memory_space<vmem>>
      %dma_start3A_717 = arith.constant 0 : i32
      %dma_start3A_718 = tpu.memref_slice %arg3[%dma_start3A_717, %multiple_of3A_278] : memref<64x1000000xf32, #tpu.memory_space<hbm>> -> memref<64x128xf32, #tpu.memory_space<hbm>>
      tpu.enqueue_dma source(%dma_start3A_718 : memref<64x128xf32, #tpu.memory_space<hbm>>) target(%dma_start3A_716 : memref<64x128xf32, #tpu.memory_space<vmem>>) target_semaphore(%arg16 : memref<!tpu.dma_semaphore, #tpu.memory_space<semaphore_mem>>)
    } else {
    }
    %eq3A_302 = arith.constant 4 : i32
    %eq3A_303 = arith.cmpi eq, %rem3A_281, %eq3A_302 : i32
    %convert_element_type3A_304 = arith.extui %eq3A_303 : i1 to i32
    %cond3A_305 = arith.constant 0 : i32
    %cond3A_306 = arith.cmpi ne, %convert_element_type3A_304, %cond3A_305 : i32
    scf.if %cond3A_306 {
      %dma_start3A = arith.constant 4 : i32
      %dma_start3A_707 = arith.constant 0 : i32
      %dma_start3A_708 = arith.constant 0 : i32
      %dma_start3A_709 = tpu.memref_slice %arg8[%dma_start3A, %dma_start3A_707, %dma_start3A_708] : memref<10x64x128xf32, #tpu.memory_space<vmem>> -> memref<1x64x128xf32, #tpu.memory_space<vmem>>
      %dma_start3A_710 = tpu.memref_squeeze %dma_start3A_709 : memref<1x64x128xf32, #tpu.memory_space<vmem>> -> memref<64x128xf32, #tpu.memory_space<vmem>>
      %dma_start3A_711 = arith.constant 0 : i32
      %dma_start3A_712 = tpu.memref_slice %arg3[%dma_start3A_711, %multiple_of3A_278] : memref<64x1000000xf32, #tpu.memory_space<hbm>> -> memref<64x128xf32, #tpu.memory_space<hbm>>
      %dma_start3A_713 = arith.constant 0 : i32
      %dma_start3A_714 = arith.constant 0 : i32
      %dma_start3A_715 = tpu.memref_slice %arg8[%dma_start3A, %dma_start3A_713, %dma_start3A_714] : memref<10x64x128xf32, #tpu.memory_space<vmem>> -> memref<1x64x128xf32, #tpu.memory_space<vmem>>
      %dma_start3A_716 = tpu.memref_squeeze %dma_start3A_715 : memref<1x64x128xf32, #tpu.memory_space<vmem>> -> memref<64x128xf32, #tpu.memory_space<vmem>>
      %dma_start3A_717 = arith.constant 0 : i32
      %dma_start3A_718 = tpu.memref_slice %arg3[%dma_start3A_717, %multiple_of3A_278] : memref<64x1000000xf32, #tpu.memory_space<hbm>> -> memref<64x128xf32, #tpu.memory_space<hbm>>
      tpu.enqueue_dma source(%dma_start3A_718 : memref<64x128xf32, #tpu.memory_space<hbm>>) target(%dma_start3A_716 : memref<64x128xf32, #tpu.memory_space<vmem>>) target_semaphore(%arg17 : memref<!tpu.dma_semaphore, #tpu.memory_space<semaphore_mem>>)
    } else {
    }
    %eq3A_307 = arith.constant 5 : i32
    %eq3A_308 = arith.cmpi eq, %rem3A_281, %eq3A_307 : i32
    %convert_element_type3A_309 = arith.extui %eq3A_308 : i1 to i32
    %cond3A_310 = arith.constant 0 : i32
    %cond3A_311 = arith.cmpi ne, %convert_element_type3A_309, %cond3A_310 : i32
    scf.if %cond3A_311 {
      %dma_start3A = arith.constant 5 : i32
      %dma_start3A_707 = arith.constant 0 : i32
      %dma_start3A_708 = arith.constant 0 : i32
      %dma_start3A_709 = tpu.memref_slice %arg8[%dma_start3A, %dma_start3A_707, %dma_start3A_708] : memref<10x64x128xf32, #tpu.memory_space<vmem>> -> memref<1x64x128xf32, #tpu.memory_space<vmem>>
      %dma_start3A_710 = tpu.memref_squeeze %dma_start3A_709 : memref<1x64x128xf32, #tpu.memory_space<vmem>> -> memref<64x128xf32, #tpu.memory_space<vmem>>
      %dma_start3A_711 = arith.constant 0 : i32
      %dma_start3A_712 = tpu.memref_slice %arg3[%dma_start3A_711, %multiple_of3A_278] : memref<64x1000000xf32, #tpu.memory_space<hbm>> -> memref<64x128xf32, #tpu.memory_space<hbm>>
      %dma_start3A_713 = arith.constant 0 : i32
      %dma_start3A_714 = arith.constant 0 : i32
      %dma_start3A_715 = tpu.memref_slice %arg8[%dma_start3A, %dma_start3A_713, %dma_start3A_714] : memref<10x64x128xf32, #tpu.memory_space<vmem>> -> memref<1x64x128xf32, #tpu.memory_space<vmem>>
      %dma_start3A_716 = tpu.memref_squeeze %dma_start3A_715 : memref<1x64x128xf32, #tpu.memory_space<vmem>> -> memref<64x128xf32, #tpu.memory_space<vmem>>
      %dma_start3A_717 = arith.constant 0 : i32
      %dma_start3A_718 = tpu.memref_slice %arg3[%dma_start3A_717, %multiple_of3A_278] : memref<64x1000000xf32, #tpu.memory_space<hbm>> -> memref<64x128xf32, #tpu.memory_space<hbm>>
      tpu.enqueue_dma source(%dma_start3A_718 : memref<64x128xf32, #tpu.memory_space<hbm>>) target(%dma_start3A_716 : memref<64x128xf32, #tpu.memory_space<vmem>>) target_semaphore(%arg18 : memref<!tpu.dma_semaphore, #tpu.memory_space<semaphore_mem>>)
    } else {
    }
    %eq3A_312 = arith.constant 6 : i32
    %eq3A_313 = arith.cmpi eq, %rem3A_281, %eq3A_312 : i32
    %convert_element_type3A_314 = arith.extui %eq3A_313 : i1 to i32
    %cond3A_315 = arith.constant 0 : i32
    %cond3A_316 = arith.cmpi ne, %convert_element_type3A_314, %cond3A_315 : i32
    scf.if %cond3A_316 {
      %dma_start3A = arith.constant 6 : i32
      %dma_start3A_707 = arith.constant 0 : i32
      %dma_start3A_708 = arith.constant 0 : i32
      %dma_start3A_709 = tpu.memref_slice %arg8[%dma_start3A, %dma_start3A_707, %dma_start3A_708] : memref<10x64x128xf32, #tpu.memory_space<vmem>> -> memref<1x64x128xf32, #tpu.memory_space<vmem>>
      %dma_start3A_710 = tpu.memref_squeeze %dma_start3A_709 : memref<1x64x128xf32, #tpu.memory_space<vmem>> -> memref<64x128xf32, #tpu.memory_space<vmem>>
      %dma_start3A_711 = arith.constant 0 : i32
      %dma_start3A_712 = tpu.memref_slice %arg3[%dma_start3A_711, %multiple_of3A_278] : memref<64x1000000xf32, #tpu.memory_space<hbm>> -> memref<64x128xf32, #tpu.memory_space<hbm>>
      %dma_start3A_713 = arith.constant 0 : i32
      %dma_start3A_714 = arith.constant 0 : i32
      %dma_start3A_715 = tpu.memref_slice %arg8[%dma_start3A, %dma_start3A_713, %dma_start3A_714] : memref<10x64x128xf32, #tpu.memory_space<vmem>> -> memref<1x64x128xf32, #tpu.memory_space<vmem>>
      %dma_start3A_716 = tpu.memref_squeeze %dma_start3A_715 : memref<1x64x128xf32, #tpu.memory_space<vmem>> -> memref<64x128xf32, #tpu.memory_space<vmem>>
      %dma_start3A_717 = arith.constant 0 : i32
      %dma_start3A_718 = tpu.memref_slice %arg3[%dma_start3A_717, %multiple_of3A_278] : memref<64x1000000xf32, #tpu.memory_space<hbm>> -> memref<64x128xf32, #tpu.memory_space<hbm>>
      tpu.enqueue_dma source(%dma_start3A_718 : memref<64x128xf32, #tpu.memory_space<hbm>>) target(%dma_start3A_716 : memref<64x128xf32, #tpu.memory_space<vmem>>) target_semaphore(%arg19 : memref<!tpu.dma_semaphore, #tpu.memory_space<semaphore_mem>>)
    } else {
    }
    %eq3A_317 = arith.constant 7 : i32
    %eq3A_318 = arith.cmpi eq, %rem3A_281, %eq3A_317 : i32
    %convert_element_type3A_319 = arith.extui %eq3A_318 : i1 to i32
    %cond3A_320 = arith.constant 0 : i32
    %cond3A_321 = arith.cmpi ne, %convert_element_type3A_319, %cond3A_320 : i32
    scf.if %cond3A_321 {
      %dma_start3A = arith.constant 7 : i32
      %dma_start3A_707 = arith.constant 0 : i32
      %dma_start3A_708 = arith.constant 0 : i32
      %dma_start3A_709 = tpu.memref_slice %arg8[%dma_start3A, %dma_start3A_707, %dma_start3A_708] : memref<10x64x128xf32, #tpu.memory_space<vmem>> -> memref<1x64x128xf32, #tpu.memory_space<vmem>>
      %dma_start3A_710 = tpu.memref_squeeze %dma_start3A_709 : memref<1x64x128xf32, #tpu.memory_space<vmem>> -> memref<64x128xf32, #tpu.memory_space<vmem>>
      %dma_start3A_711 = arith.constant 0 : i32
      %dma_start3A_712 = tpu.memref_slice %arg3[%dma_start3A_711, %multiple_of3A_278] : memref<64x1000000xf32, #tpu.memory_space<hbm>> -> memref<64x128xf32, #tpu.memory_space<hbm>>
      %dma_start3A_713 = arith.constant 0 : i32
      %dma_start3A_714 = arith.constant 0 : i32
      %dma_start3A_715 = tpu.memref_slice %arg8[%dma_start3A, %dma_start3A_713, %dma_start3A_714] : memref<10x64x128xf32, #tpu.memory_space<vmem>> -> memref<1x64x128xf32, #tpu.memory_space<vmem>>
      %dma_start3A_716 = tpu.memref_squeeze %dma_start3A_715 : memref<1x64x128xf32, #tpu.memory_space<vmem>> -> memref<64x128xf32, #tpu.memory_space<vmem>>
      %dma_start3A_717 = arith.constant 0 : i32
      %dma_start3A_718 = tpu.memref_slice %arg3[%dma_start3A_717, %multiple_of3A_278] : memref<64x1000000xf32, #tpu.memory_space<hbm>> -> memref<64x128xf32, #tpu.memory_space<hbm>>
      tpu.enqueue_dma source(%dma_start3A_718 : memref<64x128xf32, #tpu.memory_space<hbm>>) target(%dma_start3A_716 : memref<64x128xf32, #tpu.memory_space<vmem>>) target_semaphore(%arg20 : memref<!tpu.dma_semaphore, #tpu.memory_space<semaphore_mem>>)
    } else {
    }
    %eq3A_322 = arith.constant 8 : i32
    %eq3A_323 = arith.cmpi eq, %rem3A_281, %eq3A_322 : i32
    %convert_element_type3A_324 = arith.extui %eq3A_323 : i1 to i32
    %cond3A_325 = arith.constant 0 : i32
    %cond3A_326 = arith.cmpi ne, %convert_element_type3A_324, %cond3A_325 : i32
    scf.if %cond3A_326 {
      %dma_start3A = arith.constant 8 : i32
      %dma_start3A_707 = arith.constant 0 : i32
      %dma_start3A_708 = arith.constant 0 : i32
      %dma_start3A_709 = tpu.memref_slice %arg8[%dma_start3A, %dma_start3A_707, %dma_start3A_708] : memref<10x64x128xf32, #tpu.memory_space<vmem>> -> memref<1x64x128xf32, #tpu.memory_space<vmem>>
      %dma_start3A_710 = tpu.memref_squeeze %dma_start3A_709 : memref<1x64x128xf32, #tpu.memory_space<vmem>> -> memref<64x128xf32, #tpu.memory_space<vmem>>
      %dma_start3A_711 = arith.constant 0 : i32
      %dma_start3A_712 = tpu.memref_slice %arg3[%dma_start3A_711, %multiple_of3A_278] : memref<64x1000000xf32, #tpu.memory_space<hbm>> -> memref<64x128xf32, #tpu.memory_space<hbm>>
      %dma_start3A_713 = arith.constant 0 : i32
      %dma_start3A_714 = arith.constant 0 : i32
      %dma_start3A_715 = tpu.memref_slice %arg8[%dma_start3A, %dma_start3A_713, %dma_start3A_714] : memref<10x64x128xf32, #tpu.memory_space<vmem>> -> memref<1x64x128xf32, #tpu.memory_space<vmem>>
      %dma_start3A_716 = tpu.memref_squeeze %dma_start3A_715 : memref<1x64x128xf32, #tpu.memory_space<vmem>> -> memref<64x128xf32, #tpu.memory_space<vmem>>
      %dma_start3A_717 = arith.constant 0 : i32
      %dma_start3A_718 = tpu.memref_slice %arg3[%dma_start3A_717, %multiple_of3A_278] : memref<64x1000000xf32, #tpu.memory_space<hbm>> -> memref<64x128xf32, #tpu.memory_space<hbm>>
      tpu.enqueue_dma source(%dma_start3A_718 : memref<64x128xf32, #tpu.memory_space<hbm>>) target(%dma_start3A_716 : memref<64x128xf32, #tpu.memory_space<vmem>>) target_semaphore(%arg21 : memref<!tpu.dma_semaphore, #tpu.memory_space<semaphore_mem>>)
    } else {
    }
    %eq3A_327 = arith.constant 9 : i32
    %eq3A_328 = arith.cmpi eq, %rem3A_281, %eq3A_327 : i32
    %convert_element_type3A_329 = arith.extui %eq3A_328 : i1 to i32
    %cond3A_330 = arith.constant 0 : i32
    %cond3A_331 = arith.cmpi ne, %convert_element_type3A_329, %cond3A_330 : i32
    scf.if %cond3A_331 {
      %dma_start3A = arith.constant 9 : i32
      %dma_start3A_707 = arith.constant 0 : i32
      %dma_start3A_708 = arith.constant 0 : i32
      %dma_start3A_709 = tpu.memref_slice %arg8[%dma_start3A, %dma_start3A_707, %dma_start3A_708] : memref<10x64x128xf32, #tpu.memory_space<vmem>> -> memref<1x64x128xf32, #tpu.memory_space<vmem>>
      %dma_start3A_710 = tpu.memref_squeeze %dma_start3A_709 : memref<1x64x128xf32, #tpu.memory_space<vmem>> -> memref<64x128xf32, #tpu.memory_space<vmem>>
      %dma_start3A_711 = arith.constant 0 : i32
      %dma_start3A_712 = tpu.memref_slice %arg3[%dma_start3A_711, %multiple_of3A_278] : memref<64x1000000xf32, #tpu.memory_space<hbm>> -> memref<64x128xf32, #tpu.memory_space<hbm>>
      %dma_start3A_713 = arith.constant 0 : i32
      %dma_start3A_714 = arith.constant 0 : i32
      %dma_start3A_715 = tpu.memref_slice %arg8[%dma_start3A, %dma_start3A_713, %dma_start3A_714] : memref<10x64x128xf32, #tpu.memory_space<vmem>> -> memref<1x64x128xf32, #tpu.memory_space<vmem>>
      %dma_start3A_716 = tpu.memref_squeeze %dma_start3A_715 : memref<1x64x128xf32, #tpu.memory_space<vmem>> -> memref<64x128xf32, #tpu.memory_space<vmem>>
      %dma_start3A_717 = arith.constant 0 : i32
      %dma_start3A_718 = tpu.memref_slice %arg3[%dma_start3A_717, %multiple_of3A_278] : memref<64x1000000xf32, #tpu.memory_space<hbm>> -> memref<64x128xf32, #tpu.memory_space<hbm>>
      tpu.enqueue_dma source(%dma_start3A_718 : memref<64x128xf32, #tpu.memory_space<hbm>>) target(%dma_start3A_716 : memref<64x128xf32, #tpu.memory_space<vmem>>) target_semaphore(%arg22 : memref<!tpu.dma_semaphore, #tpu.memory_space<semaphore_mem>>)
    } else {
    }
    %sub3A_332 = arith.constant 1 : i32
    %sub3A_333 = arith.subi %add3A_8, %sub3A_332 : i32
    %min3A_334 = arith.constant 5 : i32
    %min3A_335 = arith.minsi %min3A_334, %sub3A_333 : i32
    %add3A_336 = arith.addi %add3A_4, %min3A_335 : i32
    %mul3A_337 = arith.constant 128 : i32
    %mul3A_338 = arith.muli %add3A_336, %mul3A_337 : i32
    %multiple_of3A_339 = tpu.assume_multiple %mul3A_338, 128 : i32
    %rem3A_340 = arith.constant 5 : i32
    %rem3A_341 = arith.constant 10 : i32
    %rem3A_342 = arith.remsi %rem3A_340, %rem3A_341 : i32
    %eq3A_343 = arith.constant 0 : i32
    %eq3A_344 = arith.cmpi eq, %rem3A_342, %eq3A_343 : i32
    %convert_element_type3A_345 = arith.extui %eq3A_344 : i1 to i32
    %cond3A_346 = arith.constant 0 : i32
    %cond3A_347 = arith.cmpi ne, %convert_element_type3A_345, %cond3A_346 : i32
    scf.if %cond3A_347 {
      %dma_start3A = arith.constant 0 : i32
      %dma_start3A_707 = arith.constant 0 : i32
      %dma_start3A_708 = arith.constant 0 : i32
      %dma_start3A_709 = tpu.memref_slice %arg8[%dma_start3A, %dma_start3A_707, %dma_start3A_708] : memref<10x64x128xf32, #tpu.memory_space<vmem>> -> memref<1x64x128xf32, #tpu.memory_space<vmem>>
      %dma_start3A_710 = tpu.memref_squeeze %dma_start3A_709 : memref<1x64x128xf32, #tpu.memory_space<vmem>> -> memref<64x128xf32, #tpu.memory_space<vmem>>
      %dma_start3A_711 = arith.constant 0 : i32
      %dma_start3A_712 = tpu.memref_slice %arg3[%dma_start3A_711, %multiple_of3A_339] : memref<64x1000000xf32, #tpu.memory_space<hbm>> -> memref<64x128xf32, #tpu.memory_space<hbm>>
      %dma_start3A_713 = arith.constant 0 : i32
      %dma_start3A_714 = arith.constant 0 : i32
      %dma_start3A_715 = tpu.memref_slice %arg8[%dma_start3A, %dma_start3A_713, %dma_start3A_714] : memref<10x64x128xf32, #tpu.memory_space<vmem>> -> memref<1x64x128xf32, #tpu.memory_space<vmem>>
      %dma_start3A_716 = tpu.memref_squeeze %dma_start3A_715 : memref<1x64x128xf32, #tpu.memory_space<vmem>> -> memref<64x128xf32, #tpu.memory_space<vmem>>
      %dma_start3A_717 = arith.constant 0 : i32
      %dma_start3A_718 = tpu.memref_slice %arg3[%dma_start3A_717, %multiple_of3A_339] : memref<64x1000000xf32, #tpu.memory_space<hbm>> -> memref<64x128xf32, #tpu.memory_space<hbm>>
      tpu.enqueue_dma source(%dma_start3A_718 : memref<64x128xf32, #tpu.memory_space<hbm>>) target(%dma_start3A_716 : memref<64x128xf32, #tpu.memory_space<vmem>>) target_semaphore(%arg13 : memref<!tpu.dma_semaphore, #tpu.memory_space<semaphore_mem>>)
    } else {
    }
    %eq3A_348 = arith.constant 1 : i32
    %eq3A_349 = arith.cmpi eq, %rem3A_342, %eq3A_348 : i32
    %convert_element_type3A_350 = arith.extui %eq3A_349 : i1 to i32
    %cond3A_351 = arith.constant 0 : i32
    %cond3A_352 = arith.cmpi ne, %convert_element_type3A_350, %cond3A_351 : i32
    scf.if %cond3A_352 {
      %dma_start3A = arith.constant 1 : i32
      %dma_start3A_707 = arith.constant 0 : i32
      %dma_start3A_708 = arith.constant 0 : i32
      %dma_start3A_709 = tpu.memref_slice %arg8[%dma_start3A, %dma_start3A_707, %dma_start3A_708] : memref<10x64x128xf32, #tpu.memory_space<vmem>> -> memref<1x64x128xf32, #tpu.memory_space<vmem>>
      %dma_start3A_710 = tpu.memref_squeeze %dma_start3A_709 : memref<1x64x128xf32, #tpu.memory_space<vmem>> -> memref<64x128xf32, #tpu.memory_space<vmem>>
      %dma_start3A_711 = arith.constant 0 : i32
      %dma_start3A_712 = tpu.memref_slice %arg3[%dma_start3A_711, %multiple_of3A_339] : memref<64x1000000xf32, #tpu.memory_space<hbm>> -> memref<64x128xf32, #tpu.memory_space<hbm>>
      %dma_start3A_713 = arith.constant 0 : i32
      %dma_start3A_714 = arith.constant 0 : i32
      %dma_start3A_715 = tpu.memref_slice %arg8[%dma_start3A, %dma_start3A_713, %dma_start3A_714] : memref<10x64x128xf32, #tpu.memory_space<vmem>> -> memref<1x64x128xf32, #tpu.memory_space<vmem>>
      %dma_start3A_716 = tpu.memref_squeeze %dma_start3A_715 : memref<1x64x128xf32, #tpu.memory_space<vmem>> -> memref<64x128xf32, #tpu.memory_space<vmem>>
      %dma_start3A_717 = arith.constant 0 : i32
      %dma_start3A_718 = tpu.memref_slice %arg3[%dma_start3A_717, %multiple_of3A_339] : memref<64x1000000xf32, #tpu.memory_space<hbm>> -> memref<64x128xf32, #tpu.memory_space<hbm>>
      tpu.enqueue_dma source(%dma_start3A_718 : memref<64x128xf32, #tpu.memory_space<hbm>>) target(%dma_start3A_716 : memref<64x128xf32, #tpu.memory_space<vmem>>) target_semaphore(%arg14 : memref<!tpu.dma_semaphore, #tpu.memory_space<semaphore_mem>>)
    } else {
    }
    %eq3A_353 = arith.constant 2 : i32
    %eq3A_354 = arith.cmpi eq, %rem3A_342, %eq3A_353 : i32
    %convert_element_type3A_355 = arith.extui %eq3A_354 : i1 to i32
    %cond3A_356 = arith.constant 0 : i32
    %cond3A_357 = arith.cmpi ne, %convert_element_type3A_355, %cond3A_356 : i32
    scf.if %cond3A_357 {
      %dma_start3A = arith.constant 2 : i32
      %dma_start3A_707 = arith.constant 0 : i32
      %dma_start3A_708 = arith.constant 0 : i32
      %dma_start3A_709 = tpu.memref_slice %arg8[%dma_start3A, %dma_start3A_707, %dma_start3A_708] : memref<10x64x128xf32, #tpu.memory_space<vmem>> -> memref<1x64x128xf32, #tpu.memory_space<vmem>>
      %dma_start3A_710 = tpu.memref_squeeze %dma_start3A_709 : memref<1x64x128xf32, #tpu.memory_space<vmem>> -> memref<64x128xf32, #tpu.memory_space<vmem>>
      %dma_start3A_711 = arith.constant 0 : i32
      %dma_start3A_712 = tpu.memref_slice %arg3[%dma_start3A_711, %multiple_of3A_339] : memref<64x1000000xf32, #tpu.memory_space<hbm>> -> memref<64x128xf32, #tpu.memory_space<hbm>>
      %dma_start3A_713 = arith.constant 0 : i32
      %dma_start3A_714 = arith.constant 0 : i32
      %dma_start3A_715 = tpu.memref_slice %arg8[%dma_start3A, %dma_start3A_713, %dma_start3A_714] : memref<10x64x128xf32, #tpu.memory_space<vmem>> -> memref<1x64x128xf32, #tpu.memory_space<vmem>>
      %dma_start3A_716 = tpu.memref_squeeze %dma_start3A_715 : memref<1x64x128xf32, #tpu.memory_space<vmem>> -> memref<64x128xf32, #tpu.memory_space<vmem>>
      %dma_start3A_717 = arith.constant 0 : i32
      %dma_start3A_718 = tpu.memref_slice %arg3[%dma_start3A_717, %multiple_of3A_339] : memref<64x1000000xf32, #tpu.memory_space<hbm>> -> memref<64x128xf32, #tpu.memory_space<hbm>>
      tpu.enqueue_dma source(%dma_start3A_718 : memref<64x128xf32, #tpu.memory_space<hbm>>) target(%dma_start3A_716 : memref<64x128xf32, #tpu.memory_space<vmem>>) target_semaphore(%arg15 : memref<!tpu.dma_semaphore, #tpu.memory_space<semaphore_mem>>)
    } else {
    }
    %eq3A_358 = arith.constant 3 : i32
    %eq3A_359 = arith.cmpi eq, %rem3A_342, %eq3A_358 : i32
    %convert_element_type3A_360 = arith.extui %eq3A_359 : i1 to i32
    %cond3A_361 = arith.constant 0 : i32
    %cond3A_362 = arith.cmpi ne, %convert_element_type3A_360, %cond3A_361 : i32
    scf.if %cond3A_362 {
      %dma_start3A = arith.constant 3 : i32
      %dma_start3A_707 = arith.constant 0 : i32
      %dma_start3A_708 = arith.constant 0 : i32
      %dma_start3A_709 = tpu.memref_slice %arg8[%dma_start3A, %dma_start3A_707, %dma_start3A_708] : memref<10x64x128xf32, #tpu.memory_space<vmem>> -> memref<1x64x128xf32, #tpu.memory_space<vmem>>
      %dma_start3A_710 = tpu.memref_squeeze %dma_start3A_709 : memref<1x64x128xf32, #tpu.memory_space<vmem>> -> memref<64x128xf32, #tpu.memory_space<vmem>>
      %dma_start3A_711 = arith.constant 0 : i32
      %dma_start3A_712 = tpu.memref_slice %arg3[%dma_start3A_711, %multiple_of3A_339] : memref<64x1000000xf32, #tpu.memory_space<hbm>> -> memref<64x128xf32, #tpu.memory_space<hbm>>
      %dma_start3A_713 = arith.constant 0 : i32
      %dma_start3A_714 = arith.constant 0 : i32
      %dma_start3A_715 = tpu.memref_slice %arg8[%dma_start3A, %dma_start3A_713, %dma_start3A_714] : memref<10x64x128xf32, #tpu.memory_space<vmem>> -> memref<1x64x128xf32, #tpu.memory_space<vmem>>
      %dma_start3A_716 = tpu.memref_squeeze %dma_start3A_715 : memref<1x64x128xf32, #tpu.memory_space<vmem>> -> memref<64x128xf32, #tpu.memory_space<vmem>>
      %dma_start3A_717 = arith.constant 0 : i32
      %dma_start3A_718 = tpu.memref_slice %arg3[%dma_start3A_717, %multiple_of3A_339] : memref<64x1000000xf32, #tpu.memory_space<hbm>> -> memref<64x128xf32, #tpu.memory_space<hbm>>
      tpu.enqueue_dma source(%dma_start3A_718 : memref<64x128xf32, #tpu.memory_space<hbm>>) target(%dma_start3A_716 : memref<64x128xf32, #tpu.memory_space<vmem>>) target_semaphore(%arg16 : memref<!tpu.dma_semaphore, #tpu.memory_space<semaphore_mem>>)
    } else {
    }
    %eq3A_363 = arith.constant 4 : i32
    %eq3A_364 = arith.cmpi eq, %rem3A_342, %eq3A_363 : i32
    %convert_element_type3A_365 = arith.extui %eq3A_364 : i1 to i32
    %cond3A_366 = arith.constant 0 : i32
    %cond3A_367 = arith.cmpi ne, %convert_element_type3A_365, %cond3A_366 : i32
    scf.if %cond3A_367 {
      %dma_start3A = arith.constant 4 : i32
      %dma_start3A_707 = arith.constant 0 : i32
      %dma_start3A_708 = arith.constant 0 : i32
      %dma_start3A_709 = tpu.memref_slice %arg8[%dma_start3A, %dma_start3A_707, %dma_start3A_708] : memref<10x64x128xf32, #tpu.memory_space<vmem>> -> memref<1x64x128xf32, #tpu.memory_space<vmem>>
      %dma_start3A_710 = tpu.memref_squeeze %dma_start3A_709 : memref<1x64x128xf32, #tpu.memory_space<vmem>> -> memref<64x128xf32, #tpu.memory_space<vmem>>
      %dma_start3A_711 = arith.constant 0 : i32
      %dma_start3A_712 = tpu.memref_slice %arg3[%dma_start3A_711, %multiple_of3A_339] : memref<64x1000000xf32, #tpu.memory_space<hbm>> -> memref<64x128xf32, #tpu.memory_space<hbm>>
      %dma_start3A_713 = arith.constant 0 : i32
      %dma_start3A_714 = arith.constant 0 : i32
      %dma_start3A_715 = tpu.memref_slice %arg8[%dma_start3A, %dma_start3A_713, %dma_start3A_714] : memref<10x64x128xf32, #tpu.memory_space<vmem>> -> memref<1x64x128xf32, #tpu.memory_space<vmem>>
      %dma_start3A_716 = tpu.memref_squeeze %dma_start3A_715 : memref<1x64x128xf32, #tpu.memory_space<vmem>> -> memref<64x128xf32, #tpu.memory_space<vmem>>
      %dma_start3A_717 = arith.constant 0 : i32
      %dma_start3A_718 = tpu.memref_slice %arg3[%dma_start3A_717, %multiple_of3A_339] : memref<64x1000000xf32, #tpu.memory_space<hbm>> -> memref<64x128xf32, #tpu.memory_space<hbm>>
      tpu.enqueue_dma source(%dma_start3A_718 : memref<64x128xf32, #tpu.memory_space<hbm>>) target(%dma_start3A_716 : memref<64x128xf32, #tpu.memory_space<vmem>>) target_semaphore(%arg17 : memref<!tpu.dma_semaphore, #tpu.memory_space<semaphore_mem>>)
    } else {
    }
    %eq3A_368 = arith.constant 5 : i32
    %eq3A_369 = arith.cmpi eq, %rem3A_342, %eq3A_368 : i32
    %convert_element_type3A_370 = arith.extui %eq3A_369 : i1 to i32
    %cond3A_371 = arith.constant 0 : i32
    %cond3A_372 = arith.cmpi ne, %convert_element_type3A_370, %cond3A_371 : i32
    scf.if %cond3A_372 {
      %dma_start3A = arith.constant 5 : i32
      %dma_start3A_707 = arith.constant 0 : i32
      %dma_start3A_708 = arith.constant 0 : i32
      %dma_start3A_709 = tpu.memref_slice %arg8[%dma_start3A, %dma_start3A_707, %dma_start3A_708] : memref<10x64x128xf32, #tpu.memory_space<vmem>> -> memref<1x64x128xf32, #tpu.memory_space<vmem>>
      %dma_start3A_710 = tpu.memref_squeeze %dma_start3A_709 : memref<1x64x128xf32, #tpu.memory_space<vmem>> -> memref<64x128xf32, #tpu.memory_space<vmem>>
      %dma_start3A_711 = arith.constant 0 : i32
      %dma_start3A_712 = tpu.memref_slice %arg3[%dma_start3A_711, %multiple_of3A_339] : memref<64x1000000xf32, #tpu.memory_space<hbm>> -> memref<64x128xf32, #tpu.memory_space<hbm>>
      %dma_start3A_713 = arith.constant 0 : i32
      %dma_start3A_714 = arith.constant 0 : i32
      %dma_start3A_715 = tpu.memref_slice %arg8[%dma_start3A, %dma_start3A_713, %dma_start3A_714] : memref<10x64x128xf32, #tpu.memory_space<vmem>> -> memref<1x64x128xf32, #tpu.memory_space<vmem>>
      %dma_start3A_716 = tpu.memref_squeeze %dma_start3A_715 : memref<1x64x128xf32, #tpu.memory_space<vmem>> -> memref<64x128xf32, #tpu.memory_space<vmem>>
      %dma_start3A_717 = arith.constant 0 : i32
      %dma_start3A_718 = tpu.memref_slice %arg3[%dma_start3A_717, %multiple_of3A_339] : memref<64x1000000xf32, #tpu.memory_space<hbm>> -> memref<64x128xf32, #tpu.memory_space<hbm>>
      tpu.enqueue_dma source(%dma_start3A_718 : memref<64x128xf32, #tpu.memory_space<hbm>>) target(%dma_start3A_716 : memref<64x128xf32, #tpu.memory_space<vmem>>) target_semaphore(%arg18 : memref<!tpu.dma_semaphore, #tpu.memory_space<semaphore_mem>>)
    } else {
    }
    %eq3A_373 = arith.constant 6 : i32
    %eq3A_374 = arith.cmpi eq, %rem3A_342, %eq3A_373 : i32
    %convert_element_type3A_375 = arith.extui %eq3A_374 : i1 to i32
    %cond3A_376 = arith.constant 0 : i32
    %cond3A_377 = arith.cmpi ne, %convert_element_type3A_375, %cond3A_376 : i32
    scf.if %cond3A_377 {
      %dma_start3A = arith.constant 6 : i32
      %dma_start3A_707 = arith.constant 0 : i32
      %dma_start3A_708 = arith.constant 0 : i32
      %dma_start3A_709 = tpu.memref_slice %arg8[%dma_start3A, %dma_start3A_707, %dma_start3A_708] : memref<10x64x128xf32, #tpu.memory_space<vmem>> -> memref<1x64x128xf32, #tpu.memory_space<vmem>>
      %dma_start3A_710 = tpu.memref_squeeze %dma_start3A_709 : memref<1x64x128xf32, #tpu.memory_space<vmem>> -> memref<64x128xf32, #tpu.memory_space<vmem>>
      %dma_start3A_711 = arith.constant 0 : i32
      %dma_start3A_712 = tpu.memref_slice %arg3[%dma_start3A_711, %multiple_of3A_339] : memref<64x1000000xf32, #tpu.memory_space<hbm>> -> memref<64x128xf32, #tpu.memory_space<hbm>>
      %dma_start3A_713 = arith.constant 0 : i32
      %dma_start3A_714 = arith.constant 0 : i32
      %dma_start3A_715 = tpu.memref_slice %arg8[%dma_start3A, %dma_start3A_713, %dma_start3A_714] : memref<10x64x128xf32, #tpu.memory_space<vmem>> -> memref<1x64x128xf32, #tpu.memory_space<vmem>>
      %dma_start3A_716 = tpu.memref_squeeze %dma_start3A_715 : memref<1x64x128xf32, #tpu.memory_space<vmem>> -> memref<64x128xf32, #tpu.memory_space<vmem>>
      %dma_start3A_717 = arith.constant 0 : i32
      %dma_start3A_718 = tpu.memref_slice %arg3[%dma_start3A_717, %multiple_of3A_339] : memref<64x1000000xf32, #tpu.memory_space<hbm>> -> memref<64x128xf32, #tpu.memory_space<hbm>>
      tpu.enqueue_dma source(%dma_start3A_718 : memref<64x128xf32, #tpu.memory_space<hbm>>) target(%dma_start3A_716 : memref<64x128xf32, #tpu.memory_space<vmem>>) target_semaphore(%arg19 : memref<!tpu.dma_semaphore, #tpu.memory_space<semaphore_mem>>)
    } else {
    }
    %eq3A_378 = arith.constant 7 : i32
    %eq3A_379 = arith.cmpi eq, %rem3A_342, %eq3A_378 : i32
    %convert_element_type3A_380 = arith.extui %eq3A_379 : i1 to i32
    %cond3A_381 = arith.constant 0 : i32
    %cond3A_382 = arith.cmpi ne, %convert_element_type3A_380, %cond3A_381 : i32
    scf.if %cond3A_382 {
      %dma_start3A = arith.constant 7 : i32
      %dma_start3A_707 = arith.constant 0 : i32
      %dma_start3A_708 = arith.constant 0 : i32
      %dma_start3A_709 = tpu.memref_slice %arg8[%dma_start3A, %dma_start3A_707, %dma_start3A_708] : memref<10x64x128xf32, #tpu.memory_space<vmem>> -> memref<1x64x128xf32, #tpu.memory_space<vmem>>
      %dma_start3A_710 = tpu.memref_squeeze %dma_start3A_709 : memref<1x64x128xf32, #tpu.memory_space<vmem>> -> memref<64x128xf32, #tpu.memory_space<vmem>>
      %dma_start3A_711 = arith.constant 0 : i32
      %dma_start3A_712 = tpu.memref_slice %arg3[%dma_start3A_711, %multiple_of3A_339] : memref<64x1000000xf32, #tpu.memory_space<hbm>> -> memref<64x128xf32, #tpu.memory_space<hbm>>
      %dma_start3A_713 = arith.constant 0 : i32
      %dma_start3A_714 = arith.constant 0 : i32
      %dma_start3A_715 = tpu.memref_slice %arg8[%dma_start3A, %dma_start3A_713, %dma_start3A_714] : memref<10x64x128xf32, #tpu.memory_space<vmem>> -> memref<1x64x128xf32, #tpu.memory_space<vmem>>
      %dma_start3A_716 = tpu.memref_squeeze %dma_start3A_715 : memref<1x64x128xf32, #tpu.memory_space<vmem>> -> memref<64x128xf32, #tpu.memory_space<vmem>>
      %dma_start3A_717 = arith.constant 0 : i32
      %dma_start3A_718 = tpu.memref_slice %arg3[%dma_start3A_717, %multiple_of3A_339] : memref<64x1000000xf32, #tpu.memory_space<hbm>> -> memref<64x128xf32, #tpu.memory_space<hbm>>
      tpu.enqueue_dma source(%dma_start3A_718 : memref<64x128xf32, #tpu.memory_space<hbm>>) target(%dma_start3A_716 : memref<64x128xf32, #tpu.memory_space<vmem>>) target_semaphore(%arg20 : memref<!tpu.dma_semaphore, #tpu.memory_space<semaphore_mem>>)
    } else {
    }
    %eq3A_383 = arith.constant 8 : i32
    %eq3A_384 = arith.cmpi eq, %rem3A_342, %eq3A_383 : i32
    %convert_element_type3A_385 = arith.extui %eq3A_384 : i1 to i32
    %cond3A_386 = arith.constant 0 : i32
    %cond3A_387 = arith.cmpi ne, %convert_element_type3A_385, %cond3A_386 : i32
    scf.if %cond3A_387 {
      %dma_start3A = arith.constant 8 : i32
      %dma_start3A_707 = arith.constant 0 : i32
      %dma_start3A_708 = arith.constant 0 : i32
      %dma_start3A_709 = tpu.memref_slice %arg8[%dma_start3A, %dma_start3A_707, %dma_start3A_708] : memref<10x64x128xf32, #tpu.memory_space<vmem>> -> memref<1x64x128xf32, #tpu.memory_space<vmem>>
      %dma_start3A_710 = tpu.memref_squeeze %dma_start3A_709 : memref<1x64x128xf32, #tpu.memory_space<vmem>> -> memref<64x128xf32, #tpu.memory_space<vmem>>
      %dma_start3A_711 = arith.constant 0 : i32
      %dma_start3A_712 = tpu.memref_slice %arg3[%dma_start3A_711, %multiple_of3A_339] : memref<64x1000000xf32, #tpu.memory_space<hbm>> -> memref<64x128xf32, #tpu.memory_space<hbm>>
      %dma_start3A_713 = arith.constant 0 : i32
      %dma_start3A_714 = arith.constant 0 : i32
      %dma_start3A_715 = tpu.memref_slice %arg8[%dma_start3A, %dma_start3A_713, %dma_start3A_714] : memref<10x64x128xf32, #tpu.memory_space<vmem>> -> memref<1x64x128xf32, #tpu.memory_space<vmem>>
      %dma_start3A_716 = tpu.memref_squeeze %dma_start3A_715 : memref<1x64x128xf32, #tpu.memory_space<vmem>> -> memref<64x128xf32, #tpu.memory_space<vmem>>
      %dma_start3A_717 = arith.constant 0 : i32
      %dma_start3A_718 = tpu.memref_slice %arg3[%dma_start3A_717, %multiple_of3A_339] : memref<64x1000000xf32, #tpu.memory_space<hbm>> -> memref<64x128xf32, #tpu.memory_space<hbm>>
      tpu.enqueue_dma source(%dma_start3A_718 : memref<64x128xf32, #tpu.memory_space<hbm>>) target(%dma_start3A_716 : memref<64x128xf32, #tpu.memory_space<vmem>>) target_semaphore(%arg21 : memref<!tpu.dma_semaphore, #tpu.memory_space<semaphore_mem>>)
    } else {
    }
    %eq3A_388 = arith.constant 9 : i32
    %eq3A_389 = arith.cmpi eq, %rem3A_342, %eq3A_388 : i32
    %convert_element_type3A_390 = arith.extui %eq3A_389 : i1 to i32
    %cond3A_391 = arith.constant 0 : i32
    %cond3A_392 = arith.cmpi ne, %convert_element_type3A_390, %cond3A_391 : i32
    scf.if %cond3A_392 {
      %dma_start3A = arith.constant 9 : i32
      %dma_start3A_707 = arith.constant 0 : i32
      %dma_start3A_708 = arith.constant 0 : i32
      %dma_start3A_709 = tpu.memref_slice %arg8[%dma_start3A, %dma_start3A_707, %dma_start3A_708] : memref<10x64x128xf32, #tpu.memory_space<vmem>> -> memref<1x64x128xf32, #tpu.memory_space<vmem>>
      %dma_start3A_710 = tpu.memref_squeeze %dma_start3A_709 : memref<1x64x128xf32, #tpu.memory_space<vmem>> -> memref<64x128xf32, #tpu.memory_space<vmem>>
      %dma_start3A_711 = arith.constant 0 : i32
      %dma_start3A_712 = tpu.memref_slice %arg3[%dma_start3A_711, %multiple_of3A_339] : memref<64x1000000xf32, #tpu.memory_space<hbm>> -> memref<64x128xf32, #tpu.memory_space<hbm>>
      %dma_start3A_713 = arith.constant 0 : i32
      %dma_start3A_714 = arith.constant 0 : i32
      %dma_start3A_715 = tpu.memref_slice %arg8[%dma_start3A, %dma_start3A_713, %dma_start3A_714] : memref<10x64x128xf32, #tpu.memory_space<vmem>> -> memref<1x64x128xf32, #tpu.memory_space<vmem>>
      %dma_start3A_716 = tpu.memref_squeeze %dma_start3A_715 : memref<1x64x128xf32, #tpu.memory_space<vmem>> -> memref<64x128xf32, #tpu.memory_space<vmem>>
      %dma_start3A_717 = arith.constant 0 : i32
      %dma_start3A_718 = tpu.memref_slice %arg3[%dma_start3A_717, %multiple_of3A_339] : memref<64x1000000xf32, #tpu.memory_space<hbm>> -> memref<64x128xf32, #tpu.memory_space<hbm>>
      tpu.enqueue_dma source(%dma_start3A_718 : memref<64x128xf32, #tpu.memory_space<hbm>>) target(%dma_start3A_716 : memref<64x128xf32, #tpu.memory_space<vmem>>) target_semaphore(%arg22 : memref<!tpu.dma_semaphore, #tpu.memory_space<semaphore_mem>>)
    } else {
    }
    %sub3A_393 = arith.constant 1 : i32
    %sub3A_394 = arith.subi %add3A_8, %sub3A_393 : i32
    %min3A_395 = arith.constant 6 : i32
    %min3A_396 = arith.minsi %min3A_395, %sub3A_394 : i32
    %add3A_397 = arith.addi %add3A_4, %min3A_396 : i32
    %mul3A_398 = arith.constant 128 : i32
    %mul3A_399 = arith.muli %add3A_397, %mul3A_398 : i32
    %multiple_of3A_400 = tpu.assume_multiple %mul3A_399, 128 : i32
    %rem3A_401 = arith.constant 6 : i32
    %rem3A_402 = arith.constant 10 : i32
    %rem3A_403 = arith.remsi %rem3A_401, %rem3A_402 : i32
    %eq3A_404 = arith.constant 0 : i32
    %eq3A_405 = arith.cmpi eq, %rem3A_403, %eq3A_404 : i32
    %convert_element_type3A_406 = arith.extui %eq3A_405 : i1 to i32
    %cond3A_407 = arith.constant 0 : i32
    %cond3A_408 = arith.cmpi ne, %convert_element_type3A_406, %cond3A_407 : i32
    scf.if %cond3A_408 {
      %dma_start3A = arith.constant 0 : i32
      %dma_start3A_707 = arith.constant 0 : i32
      %dma_start3A_708 = arith.constant 0 : i32
      %dma_start3A_709 = tpu.memref_slice %arg8[%dma_start3A, %dma_start3A_707, %dma_start3A_708] : memref<10x64x128xf32, #tpu.memory_space<vmem>> -> memref<1x64x128xf32, #tpu.memory_space<vmem>>
      %dma_start3A_710 = tpu.memref_squeeze %dma_start3A_709 : memref<1x64x128xf32, #tpu.memory_space<vmem>> -> memref<64x128xf32, #tpu.memory_space<vmem>>
      %dma_start3A_711 = arith.constant 0 : i32
      %dma_start3A_712 = tpu.memref_slice %arg3[%dma_start3A_711, %multiple_of3A_400] : memref<64x1000000xf32, #tpu.memory_space<hbm>> -> memref<64x128xf32, #tpu.memory_space<hbm>>
      %dma_start3A_713 = arith.constant 0 : i32
      %dma_start3A_714 = arith.constant 0 : i32
      %dma_start3A_715 = tpu.memref_slice %arg8[%dma_start3A, %dma_start3A_713, %dma_start3A_714] : memref<10x64x128xf32, #tpu.memory_space<vmem>> -> memref<1x64x128xf32, #tpu.memory_space<vmem>>
      %dma_start3A_716 = tpu.memref_squeeze %dma_start3A_715 : memref<1x64x128xf32, #tpu.memory_space<vmem>> -> memref<64x128xf32, #tpu.memory_space<vmem>>
      %dma_start3A_717 = arith.constant 0 : i32
      %dma_start3A_718 = tpu.memref_slice %arg3[%dma_start3A_717, %multiple_of3A_400] : memref<64x1000000xf32, #tpu.memory_space<hbm>> -> memref<64x128xf32, #tpu.memory_space<hbm>>
      tpu.enqueue_dma source(%dma_start3A_718 : memref<64x128xf32, #tpu.memory_space<hbm>>) target(%dma_start3A_716 : memref<64x128xf32, #tpu.memory_space<vmem>>) target_semaphore(%arg13 : memref<!tpu.dma_semaphore, #tpu.memory_space<semaphore_mem>>)
    } else {
    }
    %eq3A_409 = arith.constant 1 : i32
    %eq3A_410 = arith.cmpi eq, %rem3A_403, %eq3A_409 : i32
    %convert_element_type3A_411 = arith.extui %eq3A_410 : i1 to i32
    %cond3A_412 = arith.constant 0 : i32
    %cond3A_413 = arith.cmpi ne, %convert_element_type3A_411, %cond3A_412 : i32
    scf.if %cond3A_413 {
      %dma_start3A = arith.constant 1 : i32
      %dma_start3A_707 = arith.constant 0 : i32
      %dma_start3A_708 = arith.constant 0 : i32
      %dma_start3A_709 = tpu.memref_slice %arg8[%dma_start3A, %dma_start3A_707, %dma_start3A_708] : memref<10x64x128xf32, #tpu.memory_space<vmem>> -> memref<1x64x128xf32, #tpu.memory_space<vmem>>
      %dma_start3A_710 = tpu.memref_squeeze %dma_start3A_709 : memref<1x64x128xf32, #tpu.memory_space<vmem>> -> memref<64x128xf32, #tpu.memory_space<vmem>>
      %dma_start3A_711 = arith.constant 0 : i32
      %dma_start3A_712 = tpu.memref_slice %arg3[%dma_start3A_711, %multiple_of3A_400] : memref<64x1000000xf32, #tpu.memory_space<hbm>> -> memref<64x128xf32, #tpu.memory_space<hbm>>
      %dma_start3A_713 = arith.constant 0 : i32
      %dma_start3A_714 = arith.constant 0 : i32
      %dma_start3A_715 = tpu.memref_slice %arg8[%dma_start3A, %dma_start3A_713, %dma_start3A_714] : memref<10x64x128xf32, #tpu.memory_space<vmem>> -> memref<1x64x128xf32, #tpu.memory_space<vmem>>
      %dma_start3A_716 = tpu.memref_squeeze %dma_start3A_715 : memref<1x64x128xf32, #tpu.memory_space<vmem>> -> memref<64x128xf32, #tpu.memory_space<vmem>>
      %dma_start3A_717 = arith.constant 0 : i32
      %dma_start3A_718 = tpu.memref_slice %arg3[%dma_start3A_717, %multiple_of3A_400] : memref<64x1000000xf32, #tpu.memory_space<hbm>> -> memref<64x128xf32, #tpu.memory_space<hbm>>
      tpu.enqueue_dma source(%dma_start3A_718 : memref<64x128xf32, #tpu.memory_space<hbm>>) target(%dma_start3A_716 : memref<64x128xf32, #tpu.memory_space<vmem>>) target_semaphore(%arg14 : memref<!tpu.dma_semaphore, #tpu.memory_space<semaphore_mem>>)
    } else {
    }
    %eq3A_414 = arith.constant 2 : i32
    %eq3A_415 = arith.cmpi eq, %rem3A_403, %eq3A_414 : i32
    %convert_element_type3A_416 = arith.extui %eq3A_415 : i1 to i32
    %cond3A_417 = arith.constant 0 : i32
    %cond3A_418 = arith.cmpi ne, %convert_element_type3A_416, %cond3A_417 : i32
    scf.if %cond3A_418 {
      %dma_start3A = arith.constant 2 : i32
      %dma_start3A_707 = arith.constant 0 : i32
      %dma_start3A_708 = arith.constant 0 : i32
      %dma_start3A_709 = tpu.memref_slice %arg8[%dma_start3A, %dma_start3A_707, %dma_start3A_708] : memref<10x64x128xf32, #tpu.memory_space<vmem>> -> memref<1x64x128xf32, #tpu.memory_space<vmem>>
      %dma_start3A_710 = tpu.memref_squeeze %dma_start3A_709 : memref<1x64x128xf32, #tpu.memory_space<vmem>> -> memref<64x128xf32, #tpu.memory_space<vmem>>
      %dma_start3A_711 = arith.constant 0 : i32
      %dma_start3A_712 = tpu.memref_slice %arg3[%dma_start3A_711, %multiple_of3A_400] : memref<64x1000000xf32, #tpu.memory_space<hbm>> -> memref<64x128xf32, #tpu.memory_space<hbm>>
      %dma_start3A_713 = arith.constant 0 : i32
      %dma_start3A_714 = arith.constant 0 : i32
      %dma_start3A_715 = tpu.memref_slice %arg8[%dma_start3A, %dma_start3A_713, %dma_start3A_714] : memref<10x64x128xf32, #tpu.memory_space<vmem>> -> memref<1x64x128xf32, #tpu.memory_space<vmem>>
      %dma_start3A_716 = tpu.memref_squeeze %dma_start3A_715 : memref<1x64x128xf32, #tpu.memory_space<vmem>> -> memref<64x128xf32, #tpu.memory_space<vmem>>
      %dma_start3A_717 = arith.constant 0 : i32
      %dma_start3A_718 = tpu.memref_slice %arg3[%dma_start3A_717, %multiple_of3A_400] : memref<64x1000000xf32, #tpu.memory_space<hbm>> -> memref<64x128xf32, #tpu.memory_space<hbm>>
      tpu.enqueue_dma source(%dma_start3A_718 : memref<64x128xf32, #tpu.memory_space<hbm>>) target(%dma_start3A_716 : memref<64x128xf32, #tpu.memory_space<vmem>>) target_semaphore(%arg15 : memref<!tpu.dma_semaphore, #tpu.memory_space<semaphore_mem>>)
    } else {
    }
    %eq3A_419 = arith.constant 3 : i32
    %eq3A_420 = arith.cmpi eq, %rem3A_403, %eq3A_419 : i32
    %convert_element_type3A_421 = arith.extui %eq3A_420 : i1 to i32
    %cond3A_422 = arith.constant 0 : i32
    %cond3A_423 = arith.cmpi ne, %convert_element_type3A_421, %cond3A_422 : i32
    scf.if %cond3A_423 {
      %dma_start3A = arith.constant 3 : i32
      %dma_start3A_707 = arith.constant 0 : i32
      %dma_start3A_708 = arith.constant 0 : i32
      %dma_start3A_709 = tpu.memref_slice %arg8[%dma_start3A, %dma_start3A_707, %dma_start3A_708] : memref<10x64x128xf32, #tpu.memory_space<vmem>> -> memref<1x64x128xf32, #tpu.memory_space<vmem>>
      %dma_start3A_710 = tpu.memref_squeeze %dma_start3A_709 : memref<1x64x128xf32, #tpu.memory_space<vmem>> -> memref<64x128xf32, #tpu.memory_space<vmem>>
      %dma_start3A_711 = arith.constant 0 : i32
      %dma_start3A_712 = tpu.memref_slice %arg3[%dma_start3A_711, %multiple_of3A_400] : memref<64x1000000xf32, #tpu.memory_space<hbm>> -> memref<64x128xf32, #tpu.memory_space<hbm>>
      %dma_start3A_713 = arith.constant 0 : i32
      %dma_start3A_714 = arith.constant 0 : i32
      %dma_start3A_715 = tpu.memref_slice %arg8[%dma_start3A, %dma_start3A_713, %dma_start3A_714] : memref<10x64x128xf32, #tpu.memory_space<vmem>> -> memref<1x64x128xf32, #tpu.memory_space<vmem>>
      %dma_start3A_716 = tpu.memref_squeeze %dma_start3A_715 : memref<1x64x128xf32, #tpu.memory_space<vmem>> -> memref<64x128xf32, #tpu.memory_space<vmem>>
      %dma_start3A_717 = arith.constant 0 : i32
      %dma_start3A_718 = tpu.memref_slice %arg3[%dma_start3A_717, %multiple_of3A_400] : memref<64x1000000xf32, #tpu.memory_space<hbm>> -> memref<64x128xf32, #tpu.memory_space<hbm>>
      tpu.enqueue_dma source(%dma_start3A_718 : memref<64x128xf32, #tpu.memory_space<hbm>>) target(%dma_start3A_716 : memref<64x128xf32, #tpu.memory_space<vmem>>) target_semaphore(%arg16 : memref<!tpu.dma_semaphore, #tpu.memory_space<semaphore_mem>>)
    } else {
    }
    %eq3A_424 = arith.constant 4 : i32
    %eq3A_425 = arith.cmpi eq, %rem3A_403, %eq3A_424 : i32
    %convert_element_type3A_426 = arith.extui %eq3A_425 : i1 to i32
    %cond3A_427 = arith.constant 0 : i32
    %cond3A_428 = arith.cmpi ne, %convert_element_type3A_426, %cond3A_427 : i32
    scf.if %cond3A_428 {
      %dma_start3A = arith.constant 4 : i32
      %dma_start3A_707 = arith.constant 0 : i32
      %dma_start3A_708 = arith.constant 0 : i32
      %dma_start3A_709 = tpu.memref_slice %arg8[%dma_start3A, %dma_start3A_707, %dma_start3A_708] : memref<10x64x128xf32, #tpu.memory_space<vmem>> -> memref<1x64x128xf32, #tpu.memory_space<vmem>>
      %dma_start3A_710 = tpu.memref_squeeze %dma_start3A_709 : memref<1x64x128xf32, #tpu.memory_space<vmem>> -> memref<64x128xf32, #tpu.memory_space<vmem>>
      %dma_start3A_711 = arith.constant 0 : i32
      %dma_start3A_712 = tpu.memref_slice %arg3[%dma_start3A_711, %multiple_of3A_400] : memref<64x1000000xf32, #tpu.memory_space<hbm>> -> memref<64x128xf32, #tpu.memory_space<hbm>>
      %dma_start3A_713 = arith.constant 0 : i32
      %dma_start3A_714 = arith.constant 0 : i32
      %dma_start3A_715 = tpu.memref_slice %arg8[%dma_start3A, %dma_start3A_713, %dma_start3A_714] : memref<10x64x128xf32, #tpu.memory_space<vmem>> -> memref<1x64x128xf32, #tpu.memory_space<vmem>>
      %dma_start3A_716 = tpu.memref_squeeze %dma_start3A_715 : memref<1x64x128xf32, #tpu.memory_space<vmem>> -> memref<64x128xf32, #tpu.memory_space<vmem>>
      %dma_start3A_717 = arith.constant 0 : i32
      %dma_start3A_718 = tpu.memref_slice %arg3[%dma_start3A_717, %multiple_of3A_400] : memref<64x1000000xf32, #tpu.memory_space<hbm>> -> memref<64x128xf32, #tpu.memory_space<hbm>>
      tpu.enqueue_dma source(%dma_start3A_718 : memref<64x128xf32, #tpu.memory_space<hbm>>) target(%dma_start3A_716 : memref<64x128xf32, #tpu.memory_space<vmem>>) target_semaphore(%arg17 : memref<!tpu.dma_semaphore, #tpu.memory_space<semaphore_mem>>)
    } else {
    }
    %eq3A_429 = arith.constant 5 : i32
    %eq3A_430 = arith.cmpi eq, %rem3A_403, %eq3A_429 : i32
    %convert_element_type3A_431 = arith.extui %eq3A_430 : i1 to i32
    %cond3A_432 = arith.constant 0 : i32
    %cond3A_433 = arith.cmpi ne, %convert_element_type3A_431, %cond3A_432 : i32
    scf.if %cond3A_433 {
      %dma_start3A = arith.constant 5 : i32
      %dma_start3A_707 = arith.constant 0 : i32
      %dma_start3A_708 = arith.constant 0 : i32
      %dma_start3A_709 = tpu.memref_slice %arg8[%dma_start3A, %dma_start3A_707, %dma_start3A_708] : memref<10x64x128xf32, #tpu.memory_space<vmem>> -> memref<1x64x128xf32, #tpu.memory_space<vmem>>
      %dma_start3A_710 = tpu.memref_squeeze %dma_start3A_709 : memref<1x64x128xf32, #tpu.memory_space<vmem>> -> memref<64x128xf32, #tpu.memory_space<vmem>>
      %dma_start3A_711 = arith.constant 0 : i32
      %dma_start3A_712 = tpu.memref_slice %arg3[%dma_start3A_711, %multiple_of3A_400] : memref<64x1000000xf32, #tpu.memory_space<hbm>> -> memref<64x128xf32, #tpu.memory_space<hbm>>
      %dma_start3A_713 = arith.constant 0 : i32
      %dma_start3A_714 = arith.constant 0 : i32
      %dma_start3A_715 = tpu.memref_slice %arg8[%dma_start3A, %dma_start3A_713, %dma_start3A_714] : memref<10x64x128xf32, #tpu.memory_space<vmem>> -> memref<1x64x128xf32, #tpu.memory_space<vmem>>
      %dma_start3A_716 = tpu.memref_squeeze %dma_start3A_715 : memref<1x64x128xf32, #tpu.memory_space<vmem>> -> memref<64x128xf32, #tpu.memory_space<vmem>>
      %dma_start3A_717 = arith.constant 0 : i32
      %dma_start3A_718 = tpu.memref_slice %arg3[%dma_start3A_717, %multiple_of3A_400] : memref<64x1000000xf32, #tpu.memory_space<hbm>> -> memref<64x128xf32, #tpu.memory_space<hbm>>
      tpu.enqueue_dma source(%dma_start3A_718 : memref<64x128xf32, #tpu.memory_space<hbm>>) target(%dma_start3A_716 : memref<64x128xf32, #tpu.memory_space<vmem>>) target_semaphore(%arg18 : memref<!tpu.dma_semaphore, #tpu.memory_space<semaphore_mem>>)
    } else {
    }
    %eq3A_434 = arith.constant 6 : i32
    %eq3A_435 = arith.cmpi eq, %rem3A_403, %eq3A_434 : i32
    %convert_element_type3A_436 = arith.extui %eq3A_435 : i1 to i32
    %cond3A_437 = arith.constant 0 : i32
    %cond3A_438 = arith.cmpi ne, %convert_element_type3A_436, %cond3A_437 : i32
    scf.if %cond3A_438 {
      %dma_start3A = arith.constant 6 : i32
      %dma_start3A_707 = arith.constant 0 : i32
      %dma_start3A_708 = arith.constant 0 : i32
      %dma_start3A_709 = tpu.memref_slice %arg8[%dma_start3A, %dma_start3A_707, %dma_start3A_708] : memref<10x64x128xf32, #tpu.memory_space<vmem>> -> memref<1x64x128xf32, #tpu.memory_space<vmem>>
      %dma_start3A_710 = tpu.memref_squeeze %dma_start3A_709 : memref<1x64x128xf32, #tpu.memory_space<vmem>> -> memref<64x128xf32, #tpu.memory_space<vmem>>
      %dma_start3A_711 = arith.constant 0 : i32
      %dma_start3A_712 = tpu.memref_slice %arg3[%dma_start3A_711, %multiple_of3A_400] : memref<64x1000000xf32, #tpu.memory_space<hbm>> -> memref<64x128xf32, #tpu.memory_space<hbm>>
      %dma_start3A_713 = arith.constant 0 : i32
      %dma_start3A_714 = arith.constant 0 : i32
      %dma_start3A_715 = tpu.memref_slice %arg8[%dma_start3A, %dma_start3A_713, %dma_start3A_714] : memref<10x64x128xf32, #tpu.memory_space<vmem>> -> memref<1x64x128xf32, #tpu.memory_space<vmem>>
      %dma_start3A_716 = tpu.memref_squeeze %dma_start3A_715 : memref<1x64x128xf32, #tpu.memory_space<vmem>> -> memref<64x128xf32, #tpu.memory_space<vmem>>
      %dma_start3A_717 = arith.constant 0 : i32
      %dma_start3A_718 = tpu.memref_slice %arg3[%dma_start3A_717, %multiple_of3A_400] : memref<64x1000000xf32, #tpu.memory_space<hbm>> -> memref<64x128xf32, #tpu.memory_space<hbm>>
      tpu.enqueue_dma source(%dma_start3A_718 : memref<64x128xf32, #tpu.memory_space<hbm>>) target(%dma_start3A_716 : memref<64x128xf32, #tpu.memory_space<vmem>>) target_semaphore(%arg19 : memref<!tpu.dma_semaphore, #tpu.memory_space<semaphore_mem>>)
    } else {
    }
    %eq3A_439 = arith.constant 7 : i32
    %eq3A_440 = arith.cmpi eq, %rem3A_403, %eq3A_439 : i32
    %convert_element_type3A_441 = arith.extui %eq3A_440 : i1 to i32
    %cond3A_442 = arith.constant 0 : i32
    %cond3A_443 = arith.cmpi ne, %convert_element_type3A_441, %cond3A_442 : i32
    scf.if %cond3A_443 {
      %dma_start3A = arith.constant 7 : i32
      %dma_start3A_707 = arith.constant 0 : i32
      %dma_start3A_708 = arith.constant 0 : i32
      %dma_start3A_709 = tpu.memref_slice %arg8[%dma_start3A, %dma_start3A_707, %dma_start3A_708] : memref<10x64x128xf32, #tpu.memory_space<vmem>> -> memref<1x64x128xf32, #tpu.memory_space<vmem>>
      %dma_start3A_710 = tpu.memref_squeeze %dma_start3A_709 : memref<1x64x128xf32, #tpu.memory_space<vmem>> -> memref<64x128xf32, #tpu.memory_space<vmem>>
      %dma_start3A_711 = arith.constant 0 : i32
      %dma_start3A_712 = tpu.memref_slice %arg3[%dma_start3A_711, %multiple_of3A_400] : memref<64x1000000xf32, #tpu.memory_space<hbm>> -> memref<64x128xf32, #tpu.memory_space<hbm>>
      %dma_start3A_713 = arith.constant 0 : i32
      %dma_start3A_714 = arith.constant 0 : i32
      %dma_start3A_715 = tpu.memref_slice %arg8[%dma_start3A, %dma_start3A_713, %dma_start3A_714] : memref<10x64x128xf32, #tpu.memory_space<vmem>> -> memref<1x64x128xf32, #tpu.memory_space<vmem>>
      %dma_start3A_716 = tpu.memref_squeeze %dma_start3A_715 : memref<1x64x128xf32, #tpu.memory_space<vmem>> -> memref<64x128xf32, #tpu.memory_space<vmem>>
      %dma_start3A_717 = arith.constant 0 : i32
      %dma_start3A_718 = tpu.memref_slice %arg3[%dma_start3A_717, %multiple_of3A_400] : memref<64x1000000xf32, #tpu.memory_space<hbm>> -> memref<64x128xf32, #tpu.memory_space<hbm>>
      tpu.enqueue_dma source(%dma_start3A_718 : memref<64x128xf32, #tpu.memory_space<hbm>>) target(%dma_start3A_716 : memref<64x128xf32, #tpu.memory_space<vmem>>) target_semaphore(%arg20 : memref<!tpu.dma_semaphore, #tpu.memory_space<semaphore_mem>>)
    } else {
    }
    %eq3A_444 = arith.constant 8 : i32
    %eq3A_445 = arith.cmpi eq, %rem3A_403, %eq3A_444 : i32
    %convert_element_type3A_446 = arith.extui %eq3A_445 : i1 to i32
    %cond3A_447 = arith.constant 0 : i32
    %cond3A_448 = arith.cmpi ne, %convert_element_type3A_446, %cond3A_447 : i32
    scf.if %cond3A_448 {
      %dma_start3A = arith.constant 8 : i32
      %dma_start3A_707 = arith.constant 0 : i32
      %dma_start3A_708 = arith.constant 0 : i32
      %dma_start3A_709 = tpu.memref_slice %arg8[%dma_start3A, %dma_start3A_707, %dma_start3A_708] : memref<10x64x128xf32, #tpu.memory_space<vmem>> -> memref<1x64x128xf32, #tpu.memory_space<vmem>>
      %dma_start3A_710 = tpu.memref_squeeze %dma_start3A_709 : memref<1x64x128xf32, #tpu.memory_space<vmem>> -> memref<64x128xf32, #tpu.memory_space<vmem>>
      %dma_start3A_711 = arith.constant 0 : i32
      %dma_start3A_712 = tpu.memref_slice %arg3[%dma_start3A_711, %multiple_of3A_400] : memref<64x1000000xf32, #tpu.memory_space<hbm>> -> memref<64x128xf32, #tpu.memory_space<hbm>>
      %dma_start3A_713 = arith.constant 0 : i32
      %dma_start3A_714 = arith.constant 0 : i32
      %dma_start3A_715 = tpu.memref_slice %arg8[%dma_start3A, %dma_start3A_713, %dma_start3A_714] : memref<10x64x128xf32, #tpu.memory_space<vmem>> -> memref<1x64x128xf32, #tpu.memory_space<vmem>>
      %dma_start3A_716 = tpu.memref_squeeze %dma_start3A_715 : memref<1x64x128xf32, #tpu.memory_space<vmem>> -> memref<64x128xf32, #tpu.memory_space<vmem>>
      %dma_start3A_717 = arith.constant 0 : i32
      %dma_start3A_718 = tpu.memref_slice %arg3[%dma_start3A_717, %multiple_of3A_400] : memref<64x1000000xf32, #tpu.memory_space<hbm>> -> memref<64x128xf32, #tpu.memory_space<hbm>>
      tpu.enqueue_dma source(%dma_start3A_718 : memref<64x128xf32, #tpu.memory_space<hbm>>) target(%dma_start3A_716 : memref<64x128xf32, #tpu.memory_space<vmem>>) target_semaphore(%arg21 : memref<!tpu.dma_semaphore, #tpu.memory_space<semaphore_mem>>)
    } else {
    }
    %eq3A_449 = arith.constant 9 : i32
    %eq3A_450 = arith.cmpi eq, %rem3A_403, %eq3A_449 : i32
    %convert_element_type3A_451 = arith.extui %eq3A_450 : i1 to i32
    %cond3A_452 = arith.constant 0 : i32
    %cond3A_453 = arith.cmpi ne, %convert_element_type3A_451, %cond3A_452 : i32
    scf.if %cond3A_453 {
      %dma_start3A = arith.constant 9 : i32
      %dma_start3A_707 = arith.constant 0 : i32
      %dma_start3A_708 = arith.constant 0 : i32
      %dma_start3A_709 = tpu.memref_slice %arg8[%dma_start3A, %dma_start3A_707, %dma_start3A_708] : memref<10x64x128xf32, #tpu.memory_space<vmem>> -> memref<1x64x128xf32, #tpu.memory_space<vmem>>
      %dma_start3A_710 = tpu.memref_squeeze %dma_start3A_709 : memref<1x64x128xf32, #tpu.memory_space<vmem>> -> memref<64x128xf32, #tpu.memory_space<vmem>>
      %dma_start3A_711 = arith.constant 0 : i32
      %dma_start3A_712 = tpu.memref_slice %arg3[%dma_start3A_711, %multiple_of3A_400] : memref<64x1000000xf32, #tpu.memory_space<hbm>> -> memref<64x128xf32, #tpu.memory_space<hbm>>
      %dma_start3A_713 = arith.constant 0 : i32
      %dma_start3A_714 = arith.constant 0 : i32
      %dma_start3A_715 = tpu.memref_slice %arg8[%dma_start3A, %dma_start3A_713, %dma_start3A_714] : memref<10x64x128xf32, #tpu.memory_space<vmem>> -> memref<1x64x128xf32, #tpu.memory_space<vmem>>
      %dma_start3A_716 = tpu.memref_squeeze %dma_start3A_715 : memref<1x64x128xf32, #tpu.memory_space<vmem>> -> memref<64x128xf32, #tpu.memory_space<vmem>>
      %dma_start3A_717 = arith.constant 0 : i32
      %dma_start3A_718 = tpu.memref_slice %arg3[%dma_start3A_717, %multiple_of3A_400] : memref<64x1000000xf32, #tpu.memory_space<hbm>> -> memref<64x128xf32, #tpu.memory_space<hbm>>
      tpu.enqueue_dma source(%dma_start3A_718 : memref<64x128xf32, #tpu.memory_space<hbm>>) target(%dma_start3A_716 : memref<64x128xf32, #tpu.memory_space<vmem>>) target_semaphore(%arg22 : memref<!tpu.dma_semaphore, #tpu.memory_space<semaphore_mem>>)
    } else {
    }
    %sub3A_454 = arith.constant 1 : i32
    %sub3A_455 = arith.subi %add3A_8, %sub3A_454 : i32
    %min3A_456 = arith.constant 7 : i32
    %min3A_457 = arith.minsi %min3A_456, %sub3A_455 : i32
    %add3A_458 = arith.addi %add3A_4, %min3A_457 : i32
    %mul3A_459 = arith.constant 128 : i32
    %mul3A_460 = arith.muli %add3A_458, %mul3A_459 : i32
    %multiple_of3A_461 = tpu.assume_multiple %mul3A_460, 128 : i32
    %rem3A_462 = arith.constant 7 : i32
    %rem3A_463 = arith.constant 10 : i32
    %rem3A_464 = arith.remsi %rem3A_462, %rem3A_463 : i32
    %eq3A_465 = arith.constant 0 : i32
    %eq3A_466 = arith.cmpi eq, %rem3A_464, %eq3A_465 : i32
    %convert_element_type3A_467 = arith.extui %eq3A_466 : i1 to i32
    %cond3A_468 = arith.constant 0 : i32
    %cond3A_469 = arith.cmpi ne, %convert_element_type3A_467, %cond3A_468 : i32
    scf.if %cond3A_469 {
      %dma_start3A = arith.constant 0 : i32
      %dma_start3A_707 = arith.constant 0 : i32
      %dma_start3A_708 = arith.constant 0 : i32
      %dma_start3A_709 = tpu.memref_slice %arg8[%dma_start3A, %dma_start3A_707, %dma_start3A_708] : memref<10x64x128xf32, #tpu.memory_space<vmem>> -> memref<1x64x128xf32, #tpu.memory_space<vmem>>
      %dma_start3A_710 = tpu.memref_squeeze %dma_start3A_709 : memref<1x64x128xf32, #tpu.memory_space<vmem>> -> memref<64x128xf32, #tpu.memory_space<vmem>>
      %dma_start3A_711 = arith.constant 0 : i32
      %dma_start3A_712 = tpu.memref_slice %arg3[%dma_start3A_711, %multiple_of3A_461] : memref<64x1000000xf32, #tpu.memory_space<hbm>> -> memref<64x128xf32, #tpu.memory_space<hbm>>
      %dma_start3A_713 = arith.constant 0 : i32
      %dma_start3A_714 = arith.constant 0 : i32
      %dma_start3A_715 = tpu.memref_slice %arg8[%dma_start3A, %dma_start3A_713, %dma_start3A_714] : memref<10x64x128xf32, #tpu.memory_space<vmem>> -> memref<1x64x128xf32, #tpu.memory_space<vmem>>
      %dma_start3A_716 = tpu.memref_squeeze %dma_start3A_715 : memref<1x64x128xf32, #tpu.memory_space<vmem>> -> memref<64x128xf32, #tpu.memory_space<vmem>>
      %dma_start3A_717 = arith.constant 0 : i32
      %dma_start3A_718 = tpu.memref_slice %arg3[%dma_start3A_717, %multiple_of3A_461] : memref<64x1000000xf32, #tpu.memory_space<hbm>> -> memref<64x128xf32, #tpu.memory_space<hbm>>
      tpu.enqueue_dma source(%dma_start3A_718 : memref<64x128xf32, #tpu.memory_space<hbm>>) target(%dma_start3A_716 : memref<64x128xf32, #tpu.memory_space<vmem>>) target_semaphore(%arg13 : memref<!tpu.dma_semaphore, #tpu.memory_space<semaphore_mem>>)
    } else {
    }
    %eq3A_470 = arith.constant 1 : i32
    %eq3A_471 = arith.cmpi eq, %rem3A_464, %eq3A_470 : i32
    %convert_element_type3A_472 = arith.extui %eq3A_471 : i1 to i32
    %cond3A_473 = arith.constant 0 : i32
    %cond3A_474 = arith.cmpi ne, %convert_element_type3A_472, %cond3A_473 : i32
    scf.if %cond3A_474 {
      %dma_start3A = arith.constant 1 : i32
      %dma_start3A_707 = arith.constant 0 : i32
      %dma_start3A_708 = arith.constant 0 : i32
      %dma_start3A_709 = tpu.memref_slice %arg8[%dma_start3A, %dma_start3A_707, %dma_start3A_708] : memref<10x64x128xf32, #tpu.memory_space<vmem>> -> memref<1x64x128xf32, #tpu.memory_space<vmem>>
      %dma_start3A_710 = tpu.memref_squeeze %dma_start3A_709 : memref<1x64x128xf32, #tpu.memory_space<vmem>> -> memref<64x128xf32, #tpu.memory_space<vmem>>
      %dma_start3A_711 = arith.constant 0 : i32
      %dma_start3A_712 = tpu.memref_slice %arg3[%dma_start3A_711, %multiple_of3A_461] : memref<64x1000000xf32, #tpu.memory_space<hbm>> -> memref<64x128xf32, #tpu.memory_space<hbm>>
      %dma_start3A_713 = arith.constant 0 : i32
      %dma_start3A_714 = arith.constant 0 : i32
      %dma_start3A_715 = tpu.memref_slice %arg8[%dma_start3A, %dma_start3A_713, %dma_start3A_714] : memref<10x64x128xf32, #tpu.memory_space<vmem>> -> memref<1x64x128xf32, #tpu.memory_space<vmem>>
      %dma_start3A_716 = tpu.memref_squeeze %dma_start3A_715 : memref<1x64x128xf32, #tpu.memory_space<vmem>> -> memref<64x128xf32, #tpu.memory_space<vmem>>
      %dma_start3A_717 = arith.constant 0 : i32
      %dma_start3A_718 = tpu.memref_slice %arg3[%dma_start3A_717, %multiple_of3A_461] : memref<64x1000000xf32, #tpu.memory_space<hbm>> -> memref<64x128xf32, #tpu.memory_space<hbm>>
      tpu.enqueue_dma source(%dma_start3A_718 : memref<64x128xf32, #tpu.memory_space<hbm>>) target(%dma_start3A_716 : memref<64x128xf32, #tpu.memory_space<vmem>>) target_semaphore(%arg14 : memref<!tpu.dma_semaphore, #tpu.memory_space<semaphore_mem>>)
    } else {
    }
    %eq3A_475 = arith.constant 2 : i32
    %eq3A_476 = arith.cmpi eq, %rem3A_464, %eq3A_475 : i32
    %convert_element_type3A_477 = arith.extui %eq3A_476 : i1 to i32
    %cond3A_478 = arith.constant 0 : i32
    %cond3A_479 = arith.cmpi ne, %convert_element_type3A_477, %cond3A_478 : i32
    scf.if %cond3A_479 {
      %dma_start3A = arith.constant 2 : i32
      %dma_start3A_707 = arith.constant 0 : i32
      %dma_start3A_708 = arith.constant 0 : i32
      %dma_start3A_709 = tpu.memref_slice %arg8[%dma_start3A, %dma_start3A_707, %dma_start3A_708] : memref<10x64x128xf32, #tpu.memory_space<vmem>> -> memref<1x64x128xf32, #tpu.memory_space<vmem>>
      %dma_start3A_710 = tpu.memref_squeeze %dma_start3A_709 : memref<1x64x128xf32, #tpu.memory_space<vmem>> -> memref<64x128xf32, #tpu.memory_space<vmem>>
      %dma_start3A_711 = arith.constant 0 : i32
      %dma_start3A_712 = tpu.memref_slice %arg3[%dma_start3A_711, %multiple_of3A_461] : memref<64x1000000xf32, #tpu.memory_space<hbm>> -> memref<64x128xf32, #tpu.memory_space<hbm>>
      %dma_start3A_713 = arith.constant 0 : i32
      %dma_start3A_714 = arith.constant 0 : i32
      %dma_start3A_715 = tpu.memref_slice %arg8[%dma_start3A, %dma_start3A_713, %dma_start3A_714] : memref<10x64x128xf32, #tpu.memory_space<vmem>> -> memref<1x64x128xf32, #tpu.memory_space<vmem>>
      %dma_start3A_716 = tpu.memref_squeeze %dma_start3A_715 : memref<1x64x128xf32, #tpu.memory_space<vmem>> -> memref<64x128xf32, #tpu.memory_space<vmem>>
      %dma_start3A_717 = arith.constant 0 : i32
      %dma_start3A_718 = tpu.memref_slice %arg3[%dma_start3A_717, %multiple_of3A_461] : memref<64x1000000xf32, #tpu.memory_space<hbm>> -> memref<64x128xf32, #tpu.memory_space<hbm>>
      tpu.enqueue_dma source(%dma_start3A_718 : memref<64x128xf32, #tpu.memory_space<hbm>>) target(%dma_start3A_716 : memref<64x128xf32, #tpu.memory_space<vmem>>) target_semaphore(%arg15 : memref<!tpu.dma_semaphore, #tpu.memory_space<semaphore_mem>>)
    } else {
    }
    %eq3A_480 = arith.constant 3 : i32
    %eq3A_481 = arith.cmpi eq, %rem3A_464, %eq3A_480 : i32
    %convert_element_type3A_482 = arith.extui %eq3A_481 : i1 to i32
    %cond3A_483 = arith.constant 0 : i32
    %cond3A_484 = arith.cmpi ne, %convert_element_type3A_482, %cond3A_483 : i32
    scf.if %cond3A_484 {
      %dma_start3A = arith.constant 3 : i32
      %dma_start3A_707 = arith.constant 0 : i32
      %dma_start3A_708 = arith.constant 0 : i32
      %dma_start3A_709 = tpu.memref_slice %arg8[%dma_start3A, %dma_start3A_707, %dma_start3A_708] : memref<10x64x128xf32, #tpu.memory_space<vmem>> -> memref<1x64x128xf32, #tpu.memory_space<vmem>>
      %dma_start3A_710 = tpu.memref_squeeze %dma_start3A_709 : memref<1x64x128xf32, #tpu.memory_space<vmem>> -> memref<64x128xf32, #tpu.memory_space<vmem>>
      %dma_start3A_711 = arith.constant 0 : i32
      %dma_start3A_712 = tpu.memref_slice %arg3[%dma_start3A_711, %multiple_of3A_461] : memref<64x1000000xf32, #tpu.memory_space<hbm>> -> memref<64x128xf32, #tpu.memory_space<hbm>>
      %dma_start3A_713 = arith.constant 0 : i32
      %dma_start3A_714 = arith.constant 0 : i32
      %dma_start3A_715 = tpu.memref_slice %arg8[%dma_start3A, %dma_start3A_713, %dma_start3A_714] : memref<10x64x128xf32, #tpu.memory_space<vmem>> -> memref<1x64x128xf32, #tpu.memory_space<vmem>>
      %dma_start3A_716 = tpu.memref_squeeze %dma_start3A_715 : memref<1x64x128xf32, #tpu.memory_space<vmem>> -> memref<64x128xf32, #tpu.memory_space<vmem>>
      %dma_start3A_717 = arith.constant 0 : i32
      %dma_start3A_718 = tpu.memref_slice %arg3[%dma_start3A_717, %multiple_of3A_461] : memref<64x1000000xf32, #tpu.memory_space<hbm>> -> memref<64x128xf32, #tpu.memory_space<hbm>>
      tpu.enqueue_dma source(%dma_start3A_718 : memref<64x128xf32, #tpu.memory_space<hbm>>) target(%dma_start3A_716 : memref<64x128xf32, #tpu.memory_space<vmem>>) target_semaphore(%arg16 : memref<!tpu.dma_semaphore, #tpu.memory_space<semaphore_mem>>)
    } else {
    }
    %eq3A_485 = arith.constant 4 : i32
    %eq3A_486 = arith.cmpi eq, %rem3A_464, %eq3A_485 : i32
    %convert_element_type3A_487 = arith.extui %eq3A_486 : i1 to i32
    %cond3A_488 = arith.constant 0 : i32
    %cond3A_489 = arith.cmpi ne, %convert_element_type3A_487, %cond3A_488 : i32
    scf.if %cond3A_489 {
      %dma_start3A = arith.constant 4 : i32
      %dma_start3A_707 = arith.constant 0 : i32
      %dma_start3A_708 = arith.constant 0 : i32
      %dma_start3A_709 = tpu.memref_slice %arg8[%dma_start3A, %dma_start3A_707, %dma_start3A_708] : memref<10x64x128xf32, #tpu.memory_space<vmem>> -> memref<1x64x128xf32, #tpu.memory_space<vmem>>
      %dma_start3A_710 = tpu.memref_squeeze %dma_start3A_709 : memref<1x64x128xf32, #tpu.memory_space<vmem>> -> memref<64x128xf32, #tpu.memory_space<vmem>>
      %dma_start3A_711 = arith.constant 0 : i32
      %dma_start3A_712 = tpu.memref_slice %arg3[%dma_start3A_711, %multiple_of3A_461] : memref<64x1000000xf32, #tpu.memory_space<hbm>> -> memref<64x128xf32, #tpu.memory_space<hbm>>
      %dma_start3A_713 = arith.constant 0 : i32
      %dma_start3A_714 = arith.constant 0 : i32
      %dma_start3A_715 = tpu.memref_slice %arg8[%dma_start3A, %dma_start3A_713, %dma_start3A_714] : memref<10x64x128xf32, #tpu.memory_space<vmem>> -> memref<1x64x128xf32, #tpu.memory_space<vmem>>
      %dma_start3A_716 = tpu.memref_squeeze %dma_start3A_715 : memref<1x64x128xf32, #tpu.memory_space<vmem>> -> memref<64x128xf32, #tpu.memory_space<vmem>>
      %dma_start3A_717 = arith.constant 0 : i32
      %dma_start3A_718 = tpu.memref_slice %arg3[%dma_start3A_717, %multiple_of3A_461] : memref<64x1000000xf32, #tpu.memory_space<hbm>> -> memref<64x128xf32, #tpu.memory_space<hbm>>
      tpu.enqueue_dma source(%dma_start3A_718 : memref<64x128xf32, #tpu.memory_space<hbm>>) target(%dma_start3A_716 : memref<64x128xf32, #tpu.memory_space<vmem>>) target_semaphore(%arg17 : memref<!tpu.dma_semaphore, #tpu.memory_space<semaphore_mem>>)
    } else {
    }
    %eq3A_490 = arith.constant 5 : i32
    %eq3A_491 = arith.cmpi eq, %rem3A_464, %eq3A_490 : i32
    %convert_element_type3A_492 = arith.extui %eq3A_491 : i1 to i32
    %cond3A_493 = arith.constant 0 : i32
    %cond3A_494 = arith.cmpi ne, %convert_element_type3A_492, %cond3A_493 : i32
    scf.if %cond3A_494 {
      %dma_start3A = arith.constant 5 : i32
      %dma_start3A_707 = arith.constant 0 : i32
      %dma_start3A_708 = arith.constant 0 : i32
      %dma_start3A_709 = tpu.memref_slice %arg8[%dma_start3A, %dma_start3A_707, %dma_start3A_708] : memref<10x64x128xf32, #tpu.memory_space<vmem>> -> memref<1x64x128xf32, #tpu.memory_space<vmem>>
      %dma_start3A_710 = tpu.memref_squeeze %dma_start3A_709 : memref<1x64x128xf32, #tpu.memory_space<vmem>> -> memref<64x128xf32, #tpu.memory_space<vmem>>
      %dma_start3A_711 = arith.constant 0 : i32
      %dma_start3A_712 = tpu.memref_slice %arg3[%dma_start3A_711, %multiple_of3A_461] : memref<64x1000000xf32, #tpu.memory_space<hbm>> -> memref<64x128xf32, #tpu.memory_space<hbm>>
      %dma_start3A_713 = arith.constant 0 : i32
      %dma_start3A_714 = arith.constant 0 : i32
      %dma_start3A_715 = tpu.memref_slice %arg8[%dma_start3A, %dma_start3A_713, %dma_start3A_714] : memref<10x64x128xf32, #tpu.memory_space<vmem>> -> memref<1x64x128xf32, #tpu.memory_space<vmem>>
      %dma_start3A_716 = tpu.memref_squeeze %dma_start3A_715 : memref<1x64x128xf32, #tpu.memory_space<vmem>> -> memref<64x128xf32, #tpu.memory_space<vmem>>
      %dma_start3A_717 = arith.constant 0 : i32
      %dma_start3A_718 = tpu.memref_slice %arg3[%dma_start3A_717, %multiple_of3A_461] : memref<64x1000000xf32, #tpu.memory_space<hbm>> -> memref<64x128xf32, #tpu.memory_space<hbm>>
      tpu.enqueue_dma source(%dma_start3A_718 : memref<64x128xf32, #tpu.memory_space<hbm>>) target(%dma_start3A_716 : memref<64x128xf32, #tpu.memory_space<vmem>>) target_semaphore(%arg18 : memref<!tpu.dma_semaphore, #tpu.memory_space<semaphore_mem>>)
    } else {
    }
    %eq3A_495 = arith.constant 6 : i32
    %eq3A_496 = arith.cmpi eq, %rem3A_464, %eq3A_495 : i32
    %convert_element_type3A_497 = arith.extui %eq3A_496 : i1 to i32
    %cond3A_498 = arith.constant 0 : i32
    %cond3A_499 = arith.cmpi ne, %convert_element_type3A_497, %cond3A_498 : i32
    scf.if %cond3A_499 {
      %dma_start3A = arith.constant 6 : i32
      %dma_start3A_707 = arith.constant 0 : i32
      %dma_start3A_708 = arith.constant 0 : i32
      %dma_start3A_709 = tpu.memref_slice %arg8[%dma_start3A, %dma_start3A_707, %dma_start3A_708] : memref<10x64x128xf32, #tpu.memory_space<vmem>> -> memref<1x64x128xf32, #tpu.memory_space<vmem>>
      %dma_start3A_710 = tpu.memref_squeeze %dma_start3A_709 : memref<1x64x128xf32, #tpu.memory_space<vmem>> -> memref<64x128xf32, #tpu.memory_space<vmem>>
      %dma_start3A_711 = arith.constant 0 : i32
      %dma_start3A_712 = tpu.memref_slice %arg3[%dma_start3A_711, %multiple_of3A_461] : memref<64x1000000xf32, #tpu.memory_space<hbm>> -> memref<64x128xf32, #tpu.memory_space<hbm>>
      %dma_start3A_713 = arith.constant 0 : i32
      %dma_start3A_714 = arith.constant 0 : i32
      %dma_start3A_715 = tpu.memref_slice %arg8[%dma_start3A, %dma_start3A_713, %dma_start3A_714] : memref<10x64x128xf32, #tpu.memory_space<vmem>> -> memref<1x64x128xf32, #tpu.memory_space<vmem>>
      %dma_start3A_716 = tpu.memref_squeeze %dma_start3A_715 : memref<1x64x128xf32, #tpu.memory_space<vmem>> -> memref<64x128xf32, #tpu.memory_space<vmem>>
      %dma_start3A_717 = arith.constant 0 : i32
      %dma_start3A_718 = tpu.memref_slice %arg3[%dma_start3A_717, %multiple_of3A_461] : memref<64x1000000xf32, #tpu.memory_space<hbm>> -> memref<64x128xf32, #tpu.memory_space<hbm>>
      tpu.enqueue_dma source(%dma_start3A_718 : memref<64x128xf32, #tpu.memory_space<hbm>>) target(%dma_start3A_716 : memref<64x128xf32, #tpu.memory_space<vmem>>) target_semaphore(%arg19 : memref<!tpu.dma_semaphore, #tpu.memory_space<semaphore_mem>>)
    } else {
    }
    %eq3A_500 = arith.constant 7 : i32
    %eq3A_501 = arith.cmpi eq, %rem3A_464, %eq3A_500 : i32
    %convert_element_type3A_502 = arith.extui %eq3A_501 : i1 to i32
    %cond3A_503 = arith.constant 0 : i32
    %cond3A_504 = arith.cmpi ne, %convert_element_type3A_502, %cond3A_503 : i32
    scf.if %cond3A_504 {
      %dma_start3A = arith.constant 7 : i32
      %dma_start3A_707 = arith.constant 0 : i32
      %dma_start3A_708 = arith.constant 0 : i32
      %dma_start3A_709 = tpu.memref_slice %arg8[%dma_start3A, %dma_start3A_707, %dma_start3A_708] : memref<10x64x128xf32, #tpu.memory_space<vmem>> -> memref<1x64x128xf32, #tpu.memory_space<vmem>>
      %dma_start3A_710 = tpu.memref_squeeze %dma_start3A_709 : memref<1x64x128xf32, #tpu.memory_space<vmem>> -> memref<64x128xf32, #tpu.memory_space<vmem>>
      %dma_start3A_711 = arith.constant 0 : i32
      %dma_start3A_712 = tpu.memref_slice %arg3[%dma_start3A_711, %multiple_of3A_461] : memref<64x1000000xf32, #tpu.memory_space<hbm>> -> memref<64x128xf32, #tpu.memory_space<hbm>>
      %dma_start3A_713 = arith.constant 0 : i32
      %dma_start3A_714 = arith.constant 0 : i32
      %dma_start3A_715 = tpu.memref_slice %arg8[%dma_start3A, %dma_start3A_713, %dma_start3A_714] : memref<10x64x128xf32, #tpu.memory_space<vmem>> -> memref<1x64x128xf32, #tpu.memory_space<vmem>>
      %dma_start3A_716 = tpu.memref_squeeze %dma_start3A_715 : memref<1x64x128xf32, #tpu.memory_space<vmem>> -> memref<64x128xf32, #tpu.memory_space<vmem>>
      %dma_start3A_717 = arith.constant 0 : i32
      %dma_start3A_718 = tpu.memref_slice %arg3[%dma_start3A_717, %multiple_of3A_461] : memref<64x1000000xf32, #tpu.memory_space<hbm>> -> memref<64x128xf32, #tpu.memory_space<hbm>>
      tpu.enqueue_dma source(%dma_start3A_718 : memref<64x128xf32, #tpu.memory_space<hbm>>) target(%dma_start3A_716 : memref<64x128xf32, #tpu.memory_space<vmem>>) target_semaphore(%arg20 : memref<!tpu.dma_semaphore, #tpu.memory_space<semaphore_mem>>)
    } else {
    }
    %eq3A_505 = arith.constant 8 : i32
    %eq3A_506 = arith.cmpi eq, %rem3A_464, %eq3A_505 : i32
    %convert_element_type3A_507 = arith.extui %eq3A_506 : i1 to i32
    %cond3A_508 = arith.constant 0 : i32
    %cond3A_509 = arith.cmpi ne, %convert_element_type3A_507, %cond3A_508 : i32
    scf.if %cond3A_509 {
      %dma_start3A = arith.constant 8 : i32
      %dma_start3A_707 = arith.constant 0 : i32
      %dma_start3A_708 = arith.constant 0 : i32
      %dma_start3A_709 = tpu.memref_slice %arg8[%dma_start3A, %dma_start3A_707, %dma_start3A_708] : memref<10x64x128xf32, #tpu.memory_space<vmem>> -> memref<1x64x128xf32, #tpu.memory_space<vmem>>
      %dma_start3A_710 = tpu.memref_squeeze %dma_start3A_709 : memref<1x64x128xf32, #tpu.memory_space<vmem>> -> memref<64x128xf32, #tpu.memory_space<vmem>>
      %dma_start3A_711 = arith.constant 0 : i32
      %dma_start3A_712 = tpu.memref_slice %arg3[%dma_start3A_711, %multiple_of3A_461] : memref<64x1000000xf32, #tpu.memory_space<hbm>> -> memref<64x128xf32, #tpu.memory_space<hbm>>
      %dma_start3A_713 = arith.constant 0 : i32
      %dma_start3A_714 = arith.constant 0 : i32
      %dma_start3A_715 = tpu.memref_slice %arg8[%dma_start3A, %dma_start3A_713, %dma_start3A_714] : memref<10x64x128xf32, #tpu.memory_space<vmem>> -> memref<1x64x128xf32, #tpu.memory_space<vmem>>
      %dma_start3A_716 = tpu.memref_squeeze %dma_start3A_715 : memref<1x64x128xf32, #tpu.memory_space<vmem>> -> memref<64x128xf32, #tpu.memory_space<vmem>>
      %dma_start3A_717 = arith.constant 0 : i32
      %dma_start3A_718 = tpu.memref_slice %arg3[%dma_start3A_717, %multiple_of3A_461] : memref<64x1000000xf32, #tpu.memory_space<hbm>> -> memref<64x128xf32, #tpu.memory_space<hbm>>
      tpu.enqueue_dma source(%dma_start3A_718 : memref<64x128xf32, #tpu.memory_space<hbm>>) target(%dma_start3A_716 : memref<64x128xf32, #tpu.memory_space<vmem>>) target_semaphore(%arg21 : memref<!tpu.dma_semaphore, #tpu.memory_space<semaphore_mem>>)
    } else {
    }
    %eq3A_510 = arith.constant 9 : i32
    %eq3A_511 = arith.cmpi eq, %rem3A_464, %eq3A_510 : i32
    %convert_element_type3A_512 = arith.extui %eq3A_511 : i1 to i32
    %cond3A_513 = arith.constant 0 : i32
    %cond3A_514 = arith.cmpi ne, %convert_element_type3A_512, %cond3A_513 : i32
    scf.if %cond3A_514 {
      %dma_start3A = arith.constant 9 : i32
      %dma_start3A_707 = arith.constant 0 : i32
      %dma_start3A_708 = arith.constant 0 : i32
      %dma_start3A_709 = tpu.memref_slice %arg8[%dma_start3A, %dma_start3A_707, %dma_start3A_708] : memref<10x64x128xf32, #tpu.memory_space<vmem>> -> memref<1x64x128xf32, #tpu.memory_space<vmem>>
      %dma_start3A_710 = tpu.memref_squeeze %dma_start3A_709 : memref<1x64x128xf32, #tpu.memory_space<vmem>> -> memref<64x128xf32, #tpu.memory_space<vmem>>
      %dma_start3A_711 = arith.constant 0 : i32
      %dma_start3A_712 = tpu.memref_slice %arg3[%dma_start3A_711, %multiple_of3A_461] : memref<64x1000000xf32, #tpu.memory_space<hbm>> -> memref<64x128xf32, #tpu.memory_space<hbm>>
      %dma_start3A_713 = arith.constant 0 : i32
      %dma_start3A_714 = arith.constant 0 : i32
      %dma_start3A_715 = tpu.memref_slice %arg8[%dma_start3A, %dma_start3A_713, %dma_start3A_714] : memref<10x64x128xf32, #tpu.memory_space<vmem>> -> memref<1x64x128xf32, #tpu.memory_space<vmem>>
      %dma_start3A_716 = tpu.memref_squeeze %dma_start3A_715 : memref<1x64x128xf32, #tpu.memory_space<vmem>> -> memref<64x128xf32, #tpu.memory_space<vmem>>
      %dma_start3A_717 = arith.constant 0 : i32
      %dma_start3A_718 = tpu.memref_slice %arg3[%dma_start3A_717, %multiple_of3A_461] : memref<64x1000000xf32, #tpu.memory_space<hbm>> -> memref<64x128xf32, #tpu.memory_space<hbm>>
      tpu.enqueue_dma source(%dma_start3A_718 : memref<64x128xf32, #tpu.memory_space<hbm>>) target(%dma_start3A_716 : memref<64x128xf32, #tpu.memory_space<vmem>>) target_semaphore(%arg22 : memref<!tpu.dma_semaphore, #tpu.memory_space<semaphore_mem>>)
    } else {
    }
    %sub3A_515 = arith.constant 1 : i32
    %sub3A_516 = arith.subi %add3A_8, %sub3A_515 : i32
    %min3A_517 = arith.constant 8 : i32
    %min3A_518 = arith.minsi %min3A_517, %sub3A_516 : i32
    %add3A_519 = arith.addi %add3A_4, %min3A_518 : i32
    %mul3A_520 = arith.constant 128 : i32
    %mul3A_521 = arith.muli %add3A_519, %mul3A_520 : i32
    %multiple_of3A_522 = tpu.assume_multiple %mul3A_521, 128 : i32
    %rem3A_523 = arith.constant 8 : i32
    %rem3A_524 = arith.constant 10 : i32
    %rem3A_525 = arith.remsi %rem3A_523, %rem3A_524 : i32
    %eq3A_526 = arith.constant 0 : i32
    %eq3A_527 = arith.cmpi eq, %rem3A_525, %eq3A_526 : i32
    %convert_element_type3A_528 = arith.extui %eq3A_527 : i1 to i32
    %cond3A_529 = arith.constant 0 : i32
    %cond3A_530 = arith.cmpi ne, %convert_element_type3A_528, %cond3A_529 : i32
    scf.if %cond3A_530 {
      %dma_start3A = arith.constant 0 : i32
      %dma_start3A_707 = arith.constant 0 : i32
      %dma_start3A_708 = arith.constant 0 : i32
      %dma_start3A_709 = tpu.memref_slice %arg8[%dma_start3A, %dma_start3A_707, %dma_start3A_708] : memref<10x64x128xf32, #tpu.memory_space<vmem>> -> memref<1x64x128xf32, #tpu.memory_space<vmem>>
      %dma_start3A_710 = tpu.memref_squeeze %dma_start3A_709 : memref<1x64x128xf32, #tpu.memory_space<vmem>> -> memref<64x128xf32, #tpu.memory_space<vmem>>
      %dma_start3A_711 = arith.constant 0 : i32
      %dma_start3A_712 = tpu.memref_slice %arg3[%dma_start3A_711, %multiple_of3A_522] : memref<64x1000000xf32, #tpu.memory_space<hbm>> -> memref<64x128xf32, #tpu.memory_space<hbm>>
      %dma_start3A_713 = arith.constant 0 : i32
      %dma_start3A_714 = arith.constant 0 : i32
      %dma_start3A_715 = tpu.memref_slice %arg8[%dma_start3A, %dma_start3A_713, %dma_start3A_714] : memref<10x64x128xf32, #tpu.memory_space<vmem>> -> memref<1x64x128xf32, #tpu.memory_space<vmem>>
      %dma_start3A_716 = tpu.memref_squeeze %dma_start3A_715 : memref<1x64x128xf32, #tpu.memory_space<vmem>> -> memref<64x128xf32, #tpu.memory_space<vmem>>
      %dma_start3A_717 = arith.constant 0 : i32
      %dma_start3A_718 = tpu.memref_slice %arg3[%dma_start3A_717, %multiple_of3A_522] : memref<64x1000000xf32, #tpu.memory_space<hbm>> -> memref<64x128xf32, #tpu.memory_space<hbm>>
      tpu.enqueue_dma source(%dma_start3A_718 : memref<64x128xf32, #tpu.memory_space<hbm>>) target(%dma_start3A_716 : memref<64x128xf32, #tpu.memory_space<vmem>>) target_semaphore(%arg13 : memref<!tpu.dma_semaphore, #tpu.memory_space<semaphore_mem>>)
    } else {
    }
    %eq3A_531 = arith.constant 1 : i32
    %eq3A_532 = arith.cmpi eq, %rem3A_525, %eq3A_531 : i32
    %convert_element_type3A_533 = arith.extui %eq3A_532 : i1 to i32
    %cond3A_534 = arith.constant 0 : i32
    %cond3A_535 = arith.cmpi ne, %convert_element_type3A_533, %cond3A_534 : i32
    scf.if %cond3A_535 {
      %dma_start3A = arith.constant 1 : i32
      %dma_start3A_707 = arith.constant 0 : i32
      %dma_start3A_708 = arith.constant 0 : i32
      %dma_start3A_709 = tpu.memref_slice %arg8[%dma_start3A, %dma_start3A_707, %dma_start3A_708] : memref<10x64x128xf32, #tpu.memory_space<vmem>> -> memref<1x64x128xf32, #tpu.memory_space<vmem>>
      %dma_start3A_710 = tpu.memref_squeeze %dma_start3A_709 : memref<1x64x128xf32, #tpu.memory_space<vmem>> -> memref<64x128xf32, #tpu.memory_space<vmem>>
      %dma_start3A_711 = arith.constant 0 : i32
      %dma_start3A_712 = tpu.memref_slice %arg3[%dma_start3A_711, %multiple_of3A_522] : memref<64x1000000xf32, #tpu.memory_space<hbm>> -> memref<64x128xf32, #tpu.memory_space<hbm>>
      %dma_start3A_713 = arith.constant 0 : i32
      %dma_start3A_714 = arith.constant 0 : i32
      %dma_start3A_715 = tpu.memref_slice %arg8[%dma_start3A, %dma_start3A_713, %dma_start3A_714] : memref<10x64x128xf32, #tpu.memory_space<vmem>> -> memref<1x64x128xf32, #tpu.memory_space<vmem>>
      %dma_start3A_716 = tpu.memref_squeeze %dma_start3A_715 : memref<1x64x128xf32, #tpu.memory_space<vmem>> -> memref<64x128xf32, #tpu.memory_space<vmem>>
      %dma_start3A_717 = arith.constant 0 : i32
      %dma_start3A_718 = tpu.memref_slice %arg3[%dma_start3A_717, %multiple_of3A_522] : memref<64x1000000xf32, #tpu.memory_space<hbm>> -> memref<64x128xf32, #tpu.memory_space<hbm>>
      tpu.enqueue_dma source(%dma_start3A_718 : memref<64x128xf32, #tpu.memory_space<hbm>>) target(%dma_start3A_716 : memref<64x128xf32, #tpu.memory_space<vmem>>) target_semaphore(%arg14 : memref<!tpu.dma_semaphore, #tpu.memory_space<semaphore_mem>>)
    } else {
    }
    %eq3A_536 = arith.constant 2 : i32
    %eq3A_537 = arith.cmpi eq, %rem3A_525, %eq3A_536 : i32
    %convert_element_type3A_538 = arith.extui %eq3A_537 : i1 to i32
    %cond3A_539 = arith.constant 0 : i32
    %cond3A_540 = arith.cmpi ne, %convert_element_type3A_538, %cond3A_539 : i32
    scf.if %cond3A_540 {
      %dma_start3A = arith.constant 2 : i32
      %dma_start3A_707 = arith.constant 0 : i32
      %dma_start3A_708 = arith.constant 0 : i32
      %dma_start3A_709 = tpu.memref_slice %arg8[%dma_start3A, %dma_start3A_707, %dma_start3A_708] : memref<10x64x128xf32, #tpu.memory_space<vmem>> -> memref<1x64x128xf32, #tpu.memory_space<vmem>>
      %dma_start3A_710 = tpu.memref_squeeze %dma_start3A_709 : memref<1x64x128xf32, #tpu.memory_space<vmem>> -> memref<64x128xf32, #tpu.memory_space<vmem>>
      %dma_start3A_711 = arith.constant 0 : i32
      %dma_start3A_712 = tpu.memref_slice %arg3[%dma_start3A_711, %multiple_of3A_522] : memref<64x1000000xf32, #tpu.memory_space<hbm>> -> memref<64x128xf32, #tpu.memory_space<hbm>>
      %dma_start3A_713 = arith.constant 0 : i32
      %dma_start3A_714 = arith.constant 0 : i32
      %dma_start3A_715 = tpu.memref_slice %arg8[%dma_start3A, %dma_start3A_713, %dma_start3A_714] : memref<10x64x128xf32, #tpu.memory_space<vmem>> -> memref<1x64x128xf32, #tpu.memory_space<vmem>>
      %dma_start3A_716 = tpu.memref_squeeze %dma_start3A_715 : memref<1x64x128xf32, #tpu.memory_space<vmem>> -> memref<64x128xf32, #tpu.memory_space<vmem>>
      %dma_start3A_717 = arith.constant 0 : i32
      %dma_start3A_718 = tpu.memref_slice %arg3[%dma_start3A_717, %multiple_of3A_522] : memref<64x1000000xf32, #tpu.memory_space<hbm>> -> memref<64x128xf32, #tpu.memory_space<hbm>>
      tpu.enqueue_dma source(%dma_start3A_718 : memref<64x128xf32, #tpu.memory_space<hbm>>) target(%dma_start3A_716 : memref<64x128xf32, #tpu.memory_space<vmem>>) target_semaphore(%arg15 : memref<!tpu.dma_semaphore, #tpu.memory_space<semaphore_mem>>)
    } else {
    }
    %eq3A_541 = arith.constant 3 : i32
    %eq3A_542 = arith.cmpi eq, %rem3A_525, %eq3A_541 : i32
    %convert_element_type3A_543 = arith.extui %eq3A_542 : i1 to i32
    %cond3A_544 = arith.constant 0 : i32
    %cond3A_545 = arith.cmpi ne, %convert_element_type3A_543, %cond3A_544 : i32
    scf.if %cond3A_545 {
      %dma_start3A = arith.constant 3 : i32
      %dma_start3A_707 = arith.constant 0 : i32
      %dma_start3A_708 = arith.constant 0 : i32
      %dma_start3A_709 = tpu.memref_slice %arg8[%dma_start3A, %dma_start3A_707, %dma_start3A_708] : memref<10x64x128xf32, #tpu.memory_space<vmem>> -> memref<1x64x128xf32, #tpu.memory_space<vmem>>
      %dma_start3A_710 = tpu.memref_squeeze %dma_start3A_709 : memref<1x64x128xf32, #tpu.memory_space<vmem>> -> memref<64x128xf32, #tpu.memory_space<vmem>>
      %dma_start3A_711 = arith.constant 0 : i32
      %dma_start3A_712 = tpu.memref_slice %arg3[%dma_start3A_711, %multiple_of3A_522] : memref<64x1000000xf32, #tpu.memory_space<hbm>> -> memref<64x128xf32, #tpu.memory_space<hbm>>
      %dma_start3A_713 = arith.constant 0 : i32
      %dma_start3A_714 = arith.constant 0 : i32
      %dma_start3A_715 = tpu.memref_slice %arg8[%dma_start3A, %dma_start3A_713, %dma_start3A_714] : memref<10x64x128xf32, #tpu.memory_space<vmem>> -> memref<1x64x128xf32, #tpu.memory_space<vmem>>
      %dma_start3A_716 = tpu.memref_squeeze %dma_start3A_715 : memref<1x64x128xf32, #tpu.memory_space<vmem>> -> memref<64x128xf32, #tpu.memory_space<vmem>>
      %dma_start3A_717 = arith.constant 0 : i32
      %dma_start3A_718 = tpu.memref_slice %arg3[%dma_start3A_717, %multiple_of3A_522] : memref<64x1000000xf32, #tpu.memory_space<hbm>> -> memref<64x128xf32, #tpu.memory_space<hbm>>
      tpu.enqueue_dma source(%dma_start3A_718 : memref<64x128xf32, #tpu.memory_space<hbm>>) target(%dma_start3A_716 : memref<64x128xf32, #tpu.memory_space<vmem>>) target_semaphore(%arg16 : memref<!tpu.dma_semaphore, #tpu.memory_space<semaphore_mem>>)
    } else {
    }
    %eq3A_546 = arith.constant 4 : i32
    %eq3A_547 = arith.cmpi eq, %rem3A_525, %eq3A_546 : i32
    %convert_element_type3A_548 = arith.extui %eq3A_547 : i1 to i32
    %cond3A_549 = arith.constant 0 : i32
    %cond3A_550 = arith.cmpi ne, %convert_element_type3A_548, %cond3A_549 : i32
    scf.if %cond3A_550 {
      %dma_start3A = arith.constant 4 : i32
      %dma_start3A_707 = arith.constant 0 : i32
      %dma_start3A_708 = arith.constant 0 : i32
      %dma_start3A_709 = tpu.memref_slice %arg8[%dma_start3A, %dma_start3A_707, %dma_start3A_708] : memref<10x64x128xf32, #tpu.memory_space<vmem>> -> memref<1x64x128xf32, #tpu.memory_space<vmem>>
      %dma_start3A_710 = tpu.memref_squeeze %dma_start3A_709 : memref<1x64x128xf32, #tpu.memory_space<vmem>> -> memref<64x128xf32, #tpu.memory_space<vmem>>
      %dma_start3A_711 = arith.constant 0 : i32
      %dma_start3A_712 = tpu.memref_slice %arg3[%dma_start3A_711, %multiple_of3A_522] : memref<64x1000000xf32, #tpu.memory_space<hbm>> -> memref<64x128xf32, #tpu.memory_space<hbm>>
      %dma_start3A_713 = arith.constant 0 : i32
      %dma_start3A_714 = arith.constant 0 : i32
      %dma_start3A_715 = tpu.memref_slice %arg8[%dma_start3A, %dma_start3A_713, %dma_start3A_714] : memref<10x64x128xf32, #tpu.memory_space<vmem>> -> memref<1x64x128xf32, #tpu.memory_space<vmem>>
      %dma_start3A_716 = tpu.memref_squeeze %dma_start3A_715 : memref<1x64x128xf32, #tpu.memory_space<vmem>> -> memref<64x128xf32, #tpu.memory_space<vmem>>
      %dma_start3A_717 = arith.constant 0 : i32
      %dma_start3A_718 = tpu.memref_slice %arg3[%dma_start3A_717, %multiple_of3A_522] : memref<64x1000000xf32, #tpu.memory_space<hbm>> -> memref<64x128xf32, #tpu.memory_space<hbm>>
      tpu.enqueue_dma source(%dma_start3A_718 : memref<64x128xf32, #tpu.memory_space<hbm>>) target(%dma_start3A_716 : memref<64x128xf32, #tpu.memory_space<vmem>>) target_semaphore(%arg17 : memref<!tpu.dma_semaphore, #tpu.memory_space<semaphore_mem>>)
    } else {
    }
    %eq3A_551 = arith.constant 5 : i32
    %eq3A_552 = arith.cmpi eq, %rem3A_525, %eq3A_551 : i32
    %convert_element_type3A_553 = arith.extui %eq3A_552 : i1 to i32
    %cond3A_554 = arith.constant 0 : i32
    %cond3A_555 = arith.cmpi ne, %convert_element_type3A_553, %cond3A_554 : i32
    scf.if %cond3A_555 {
      %dma_start3A = arith.constant 5 : i32
      %dma_start3A_707 = arith.constant 0 : i32
      %dma_start3A_708 = arith.constant 0 : i32
      %dma_start3A_709 = tpu.memref_slice %arg8[%dma_start3A, %dma_start3A_707, %dma_start3A_708] : memref<10x64x128xf32, #tpu.memory_space<vmem>> -> memref<1x64x128xf32, #tpu.memory_space<vmem>>
      %dma_start3A_710 = tpu.memref_squeeze %dma_start3A_709 : memref<1x64x128xf32, #tpu.memory_space<vmem>> -> memref<64x128xf32, #tpu.memory_space<vmem>>
      %dma_start3A_711 = arith.constant 0 : i32
      %dma_start3A_712 = tpu.memref_slice %arg3[%dma_start3A_711, %multiple_of3A_522] : memref<64x1000000xf32, #tpu.memory_space<hbm>> -> memref<64x128xf32, #tpu.memory_space<hbm>>
      %dma_start3A_713 = arith.constant 0 : i32
      %dma_start3A_714 = arith.constant 0 : i32
      %dma_start3A_715 = tpu.memref_slice %arg8[%dma_start3A, %dma_start3A_713, %dma_start3A_714] : memref<10x64x128xf32, #tpu.memory_space<vmem>> -> memref<1x64x128xf32, #tpu.memory_space<vmem>>
      %dma_start3A_716 = tpu.memref_squeeze %dma_start3A_715 : memref<1x64x128xf32, #tpu.memory_space<vmem>> -> memref<64x128xf32, #tpu.memory_space<vmem>>
      %dma_start3A_717 = arith.constant 0 : i32
      %dma_start3A_718 = tpu.memref_slice %arg3[%dma_start3A_717, %multiple_of3A_522] : memref<64x1000000xf32, #tpu.memory_space<hbm>> -> memref<64x128xf32, #tpu.memory_space<hbm>>
      tpu.enqueue_dma source(%dma_start3A_718 : memref<64x128xf32, #tpu.memory_space<hbm>>) target(%dma_start3A_716 : memref<64x128xf32, #tpu.memory_space<vmem>>) target_semaphore(%arg18 : memref<!tpu.dma_semaphore, #tpu.memory_space<semaphore_mem>>)
    } else {
    }
    %eq3A_556 = arith.constant 6 : i32
    %eq3A_557 = arith.cmpi eq, %rem3A_525, %eq3A_556 : i32
    %convert_element_type3A_558 = arith.extui %eq3A_557 : i1 to i32
    %cond3A_559 = arith.constant 0 : i32
    %cond3A_560 = arith.cmpi ne, %convert_element_type3A_558, %cond3A_559 : i32
    scf.if %cond3A_560 {
      %dma_start3A = arith.constant 6 : i32
      %dma_start3A_707 = arith.constant 0 : i32
      %dma_start3A_708 = arith.constant 0 : i32
      %dma_start3A_709 = tpu.memref_slice %arg8[%dma_start3A, %dma_start3A_707, %dma_start3A_708] : memref<10x64x128xf32, #tpu.memory_space<vmem>> -> memref<1x64x128xf32, #tpu.memory_space<vmem>>
      %dma_start3A_710 = tpu.memref_squeeze %dma_start3A_709 : memref<1x64x128xf32, #tpu.memory_space<vmem>> -> memref<64x128xf32, #tpu.memory_space<vmem>>
      %dma_start3A_711 = arith.constant 0 : i32
      %dma_start3A_712 = tpu.memref_slice %arg3[%dma_start3A_711, %multiple_of3A_522] : memref<64x1000000xf32, #tpu.memory_space<hbm>> -> memref<64x128xf32, #tpu.memory_space<hbm>>
      %dma_start3A_713 = arith.constant 0 : i32
      %dma_start3A_714 = arith.constant 0 : i32
      %dma_start3A_715 = tpu.memref_slice %arg8[%dma_start3A, %dma_start3A_713, %dma_start3A_714] : memref<10x64x128xf32, #tpu.memory_space<vmem>> -> memref<1x64x128xf32, #tpu.memory_space<vmem>>
      %dma_start3A_716 = tpu.memref_squeeze %dma_start3A_715 : memref<1x64x128xf32, #tpu.memory_space<vmem>> -> memref<64x128xf32, #tpu.memory_space<vmem>>
      %dma_start3A_717 = arith.constant 0 : i32
      %dma_start3A_718 = tpu.memref_slice %arg3[%dma_start3A_717, %multiple_of3A_522] : memref<64x1000000xf32, #tpu.memory_space<hbm>> -> memref<64x128xf32, #tpu.memory_space<hbm>>
      tpu.enqueue_dma source(%dma_start3A_718 : memref<64x128xf32, #tpu.memory_space<hbm>>) target(%dma_start3A_716 : memref<64x128xf32, #tpu.memory_space<vmem>>) target_semaphore(%arg19 : memref<!tpu.dma_semaphore, #tpu.memory_space<semaphore_mem>>)
    } else {
    }
    %eq3A_561 = arith.constant 7 : i32
    %eq3A_562 = arith.cmpi eq, %rem3A_525, %eq3A_561 : i32
    %convert_element_type3A_563 = arith.extui %eq3A_562 : i1 to i32
    %cond3A_564 = arith.constant 0 : i32
    %cond3A_565 = arith.cmpi ne, %convert_element_type3A_563, %cond3A_564 : i32
    scf.if %cond3A_565 {
      %dma_start3A = arith.constant 7 : i32
      %dma_start3A_707 = arith.constant 0 : i32
      %dma_start3A_708 = arith.constant 0 : i32
      %dma_start3A_709 = tpu.memref_slice %arg8[%dma_start3A, %dma_start3A_707, %dma_start3A_708] : memref<10x64x128xf32, #tpu.memory_space<vmem>> -> memref<1x64x128xf32, #tpu.memory_space<vmem>>
      %dma_start3A_710 = tpu.memref_squeeze %dma_start3A_709 : memref<1x64x128xf32, #tpu.memory_space<vmem>> -> memref<64x128xf32, #tpu.memory_space<vmem>>
      %dma_start3A_711 = arith.constant 0 : i32
      %dma_start3A_712 = tpu.memref_slice %arg3[%dma_start3A_711, %multiple_of3A_522] : memref<64x1000000xf32, #tpu.memory_space<hbm>> -> memref<64x128xf32, #tpu.memory_space<hbm>>
      %dma_start3A_713 = arith.constant 0 : i32
      %dma_start3A_714 = arith.constant 0 : i32
      %dma_start3A_715 = tpu.memref_slice %arg8[%dma_start3A, %dma_start3A_713, %dma_start3A_714] : memref<10x64x128xf32, #tpu.memory_space<vmem>> -> memref<1x64x128xf32, #tpu.memory_space<vmem>>
      %dma_start3A_716 = tpu.memref_squeeze %dma_start3A_715 : memref<1x64x128xf32, #tpu.memory_space<vmem>> -> memref<64x128xf32, #tpu.memory_space<vmem>>
      %dma_start3A_717 = arith.constant 0 : i32
      %dma_start3A_718 = tpu.memref_slice %arg3[%dma_start3A_717, %multiple_of3A_522] : memref<64x1000000xf32, #tpu.memory_space<hbm>> -> memref<64x128xf32, #tpu.memory_space<hbm>>
      tpu.enqueue_dma source(%dma_start3A_718 : memref<64x128xf32, #tpu.memory_space<hbm>>) target(%dma_start3A_716 : memref<64x128xf32, #tpu.memory_space<vmem>>) target_semaphore(%arg20 : memref<!tpu.dma_semaphore, #tpu.memory_space<semaphore_mem>>)
    } else {
    }
    %eq3A_566 = arith.constant 8 : i32
    %eq3A_567 = arith.cmpi eq, %rem3A_525, %eq3A_566 : i32
    %convert_element_type3A_568 = arith.extui %eq3A_567 : i1 to i32
    %cond3A_569 = arith.constant 0 : i32
    %cond3A_570 = arith.cmpi ne, %convert_element_type3A_568, %cond3A_569 : i32
    scf.if %cond3A_570 {
      %dma_start3A = arith.constant 8 : i32
      %dma_start3A_707 = arith.constant 0 : i32
      %dma_start3A_708 = arith.constant 0 : i32
      %dma_start3A_709 = tpu.memref_slice %arg8[%dma_start3A, %dma_start3A_707, %dma_start3A_708] : memref<10x64x128xf32, #tpu.memory_space<vmem>> -> memref<1x64x128xf32, #tpu.memory_space<vmem>>
      %dma_start3A_710 = tpu.memref_squeeze %dma_start3A_709 : memref<1x64x128xf32, #tpu.memory_space<vmem>> -> memref<64x128xf32, #tpu.memory_space<vmem>>
      %dma_start3A_711 = arith.constant 0 : i32
      %dma_start3A_712 = tpu.memref_slice %arg3[%dma_start3A_711, %multiple_of3A_522] : memref<64x1000000xf32, #tpu.memory_space<hbm>> -> memref<64x128xf32, #tpu.memory_space<hbm>>
      %dma_start3A_713 = arith.constant 0 : i32
      %dma_start3A_714 = arith.constant 0 : i32
      %dma_start3A_715 = tpu.memref_slice %arg8[%dma_start3A, %dma_start3A_713, %dma_start3A_714] : memref<10x64x128xf32, #tpu.memory_space<vmem>> -> memref<1x64x128xf32, #tpu.memory_space<vmem>>
      %dma_start3A_716 = tpu.memref_squeeze %dma_start3A_715 : memref<1x64x128xf32, #tpu.memory_space<vmem>> -> memref<64x128xf32, #tpu.memory_space<vmem>>
      %dma_start3A_717 = arith.constant 0 : i32
      %dma_start3A_718 = tpu.memref_slice %arg3[%dma_start3A_717, %multiple_of3A_522] : memref<64x1000000xf32, #tpu.memory_space<hbm>> -> memref<64x128xf32, #tpu.memory_space<hbm>>
      tpu.enqueue_dma source(%dma_start3A_718 : memref<64x128xf32, #tpu.memory_space<hbm>>) target(%dma_start3A_716 : memref<64x128xf32, #tpu.memory_space<vmem>>) target_semaphore(%arg21 : memref<!tpu.dma_semaphore, #tpu.memory_space<semaphore_mem>>)
    } else {
    }
    %eq3A_571 = arith.constant 9 : i32
    %eq3A_572 = arith.cmpi eq, %rem3A_525, %eq3A_571 : i32
    %convert_element_type3A_573 = arith.extui %eq3A_572 : i1 to i32
    %cond3A_574 = arith.constant 0 : i32
    %cond3A_575 = arith.cmpi ne, %convert_element_type3A_573, %cond3A_574 : i32
    scf.if %cond3A_575 {
      %dma_start3A = arith.constant 9 : i32
      %dma_start3A_707 = arith.constant 0 : i32
      %dma_start3A_708 = arith.constant 0 : i32
      %dma_start3A_709 = tpu.memref_slice %arg8[%dma_start3A, %dma_start3A_707, %dma_start3A_708] : memref<10x64x128xf32, #tpu.memory_space<vmem>> -> memref<1x64x128xf32, #tpu.memory_space<vmem>>
      %dma_start3A_710 = tpu.memref_squeeze %dma_start3A_709 : memref<1x64x128xf32, #tpu.memory_space<vmem>> -> memref<64x128xf32, #tpu.memory_space<vmem>>
      %dma_start3A_711 = arith.constant 0 : i32
      %dma_start3A_712 = tpu.memref_slice %arg3[%dma_start3A_711, %multiple_of3A_522] : memref<64x1000000xf32, #tpu.memory_space<hbm>> -> memref<64x128xf32, #tpu.memory_space<hbm>>
      %dma_start3A_713 = arith.constant 0 : i32
      %dma_start3A_714 = arith.constant 0 : i32
      %dma_start3A_715 = tpu.memref_slice %arg8[%dma_start3A, %dma_start3A_713, %dma_start3A_714] : memref<10x64x128xf32, #tpu.memory_space<vmem>> -> memref<1x64x128xf32, #tpu.memory_space<vmem>>
      %dma_start3A_716 = tpu.memref_squeeze %dma_start3A_715 : memref<1x64x128xf32, #tpu.memory_space<vmem>> -> memref<64x128xf32, #tpu.memory_space<vmem>>
      %dma_start3A_717 = arith.constant 0 : i32
      %dma_start3A_718 = tpu.memref_slice %arg3[%dma_start3A_717, %multiple_of3A_522] : memref<64x1000000xf32, #tpu.memory_space<hbm>> -> memref<64x128xf32, #tpu.memory_space<hbm>>
      tpu.enqueue_dma source(%dma_start3A_718 : memref<64x128xf32, #tpu.memory_space<hbm>>) target(%dma_start3A_716 : memref<64x128xf32, #tpu.memory_space<vmem>>) target_semaphore(%arg22 : memref<!tpu.dma_semaphore, #tpu.memory_space<semaphore_mem>>)
    } else {
    }
    %sub3A_576 = arith.constant 1 : i32
    %sub3A_577 = arith.subi %add3A_8, %sub3A_576 : i32
    %min3A_578 = arith.constant 9 : i32
    %min3A_579 = arith.minsi %min3A_578, %sub3A_577 : i32
    %add3A_580 = arith.addi %add3A_4, %min3A_579 : i32
    %mul3A_581 = arith.constant 128 : i32
    %mul3A_582 = arith.muli %add3A_580, %mul3A_581 : i32
    %multiple_of3A_583 = tpu.assume_multiple %mul3A_582, 128 : i32
    %rem3A_584 = arith.constant 9 : i32
    %rem3A_585 = arith.constant 10 : i32
    %rem3A_586 = arith.remsi %rem3A_584, %rem3A_585 : i32
    %eq3A_587 = arith.constant 0 : i32
    %eq3A_588 = arith.cmpi eq, %rem3A_586, %eq3A_587 : i32
    %convert_element_type3A_589 = arith.extui %eq3A_588 : i1 to i32
    %cond3A_590 = arith.constant 0 : i32
    %cond3A_591 = arith.cmpi ne, %convert_element_type3A_589, %cond3A_590 : i32
    scf.if %cond3A_591 {
      %dma_start3A = arith.constant 0 : i32
      %dma_start3A_707 = arith.constant 0 : i32
      %dma_start3A_708 = arith.constant 0 : i32
      %dma_start3A_709 = tpu.memref_slice %arg8[%dma_start3A, %dma_start3A_707, %dma_start3A_708] : memref<10x64x128xf32, #tpu.memory_space<vmem>> -> memref<1x64x128xf32, #tpu.memory_space<vmem>>
      %dma_start3A_710 = tpu.memref_squeeze %dma_start3A_709 : memref<1x64x128xf32, #tpu.memory_space<vmem>> -> memref<64x128xf32, #tpu.memory_space<vmem>>
      %dma_start3A_711 = arith.constant 0 : i32
      %dma_start3A_712 = tpu.memref_slice %arg3[%dma_start3A_711, %multiple_of3A_583] : memref<64x1000000xf32, #tpu.memory_space<hbm>> -> memref<64x128xf32, #tpu.memory_space<hbm>>
      %dma_start3A_713 = arith.constant 0 : i32
      %dma_start3A_714 = arith.constant 0 : i32
      %dma_start3A_715 = tpu.memref_slice %arg8[%dma_start3A, %dma_start3A_713, %dma_start3A_714] : memref<10x64x128xf32, #tpu.memory_space<vmem>> -> memref<1x64x128xf32, #tpu.memory_space<vmem>>
      %dma_start3A_716 = tpu.memref_squeeze %dma_start3A_715 : memref<1x64x128xf32, #tpu.memory_space<vmem>> -> memref<64x128xf32, #tpu.memory_space<vmem>>
      %dma_start3A_717 = arith.constant 0 : i32
      %dma_start3A_718 = tpu.memref_slice %arg3[%dma_start3A_717, %multiple_of3A_583] : memref<64x1000000xf32, #tpu.memory_space<hbm>> -> memref<64x128xf32, #tpu.memory_space<hbm>>
      tpu.enqueue_dma source(%dma_start3A_718 : memref<64x128xf32, #tpu.memory_space<hbm>>) target(%dma_start3A_716 : memref<64x128xf32, #tpu.memory_space<vmem>>) target_semaphore(%arg13 : memref<!tpu.dma_semaphore, #tpu.memory_space<semaphore_mem>>)
    } else {
    }
    %eq3A_592 = arith.constant 1 : i32
    %eq3A_593 = arith.cmpi eq, %rem3A_586, %eq3A_592 : i32
    %convert_element_type3A_594 = arith.extui %eq3A_593 : i1 to i32
    %cond3A_595 = arith.constant 0 : i32
    %cond3A_596 = arith.cmpi ne, %convert_element_type3A_594, %cond3A_595 : i32
    scf.if %cond3A_596 {
      %dma_start3A = arith.constant 1 : i32
      %dma_start3A_707 = arith.constant 0 : i32
      %dma_start3A_708 = arith.constant 0 : i32
      %dma_start3A_709 = tpu.memref_slice %arg8[%dma_start3A, %dma_start3A_707, %dma_start3A_708] : memref<10x64x128xf32, #tpu.memory_space<vmem>> -> memref<1x64x128xf32, #tpu.memory_space<vmem>>
      %dma_start3A_710 = tpu.memref_squeeze %dma_start3A_709 : memref<1x64x128xf32, #tpu.memory_space<vmem>> -> memref<64x128xf32, #tpu.memory_space<vmem>>
      %dma_start3A_711 = arith.constant 0 : i32
      %dma_start3A_712 = tpu.memref_slice %arg3[%dma_start3A_711, %multiple_of3A_583] : memref<64x1000000xf32, #tpu.memory_space<hbm>> -> memref<64x128xf32, #tpu.memory_space<hbm>>
      %dma_start3A_713 = arith.constant 0 : i32
      %dma_start3A_714 = arith.constant 0 : i32
      %dma_start3A_715 = tpu.memref_slice %arg8[%dma_start3A, %dma_start3A_713, %dma_start3A_714] : memref<10x64x128xf32, #tpu.memory_space<vmem>> -> memref<1x64x128xf32, #tpu.memory_space<vmem>>
      %dma_start3A_716 = tpu.memref_squeeze %dma_start3A_715 : memref<1x64x128xf32, #tpu.memory_space<vmem>> -> memref<64x128xf32, #tpu.memory_space<vmem>>
      %dma_start3A_717 = arith.constant 0 : i32
      %dma_start3A_718 = tpu.memref_slice %arg3[%dma_start3A_717, %multiple_of3A_583] : memref<64x1000000xf32, #tpu.memory_space<hbm>> -> memref<64x128xf32, #tpu.memory_space<hbm>>
      tpu.enqueue_dma source(%dma_start3A_718 : memref<64x128xf32, #tpu.memory_space<hbm>>) target(%dma_start3A_716 : memref<64x128xf32, #tpu.memory_space<vmem>>) target_semaphore(%arg14 : memref<!tpu.dma_semaphore, #tpu.memory_space<semaphore_mem>>)
    } else {
    }
    %eq3A_597 = arith.constant 2 : i32
    %eq3A_598 = arith.cmpi eq, %rem3A_586, %eq3A_597 : i32
    %convert_element_type3A_599 = arith.extui %eq3A_598 : i1 to i32
    %cond3A_600 = arith.constant 0 : i32
    %cond3A_601 = arith.cmpi ne, %convert_element_type3A_599, %cond3A_600 : i32
    scf.if %cond3A_601 {
      %dma_start3A = arith.constant 2 : i32
      %dma_start3A_707 = arith.constant 0 : i32
      %dma_start3A_708 = arith.constant 0 : i32
      %dma_start3A_709 = tpu.memref_slice %arg8[%dma_start3A, %dma_start3A_707, %dma_start3A_708] : memref<10x64x128xf32, #tpu.memory_space<vmem>> -> memref<1x64x128xf32, #tpu.memory_space<vmem>>
      %dma_start3A_710 = tpu.memref_squeeze %dma_start3A_709 : memref<1x64x128xf32, #tpu.memory_space<vmem>> -> memref<64x128xf32, #tpu.memory_space<vmem>>
      %dma_start3A_711 = arith.constant 0 : i32
      %dma_start3A_712 = tpu.memref_slice %arg3[%dma_start3A_711, %multiple_of3A_583] : memref<64x1000000xf32, #tpu.memory_space<hbm>> -> memref<64x128xf32, #tpu.memory_space<hbm>>
      %dma_start3A_713 = arith.constant 0 : i32
      %dma_start3A_714 = arith.constant 0 : i32
      %dma_start3A_715 = tpu.memref_slice %arg8[%dma_start3A, %dma_start3A_713, %dma_start3A_714] : memref<10x64x128xf32, #tpu.memory_space<vmem>> -> memref<1x64x128xf32, #tpu.memory_space<vmem>>
      %dma_start3A_716 = tpu.memref_squeeze %dma_start3A_715 : memref<1x64x128xf32, #tpu.memory_space<vmem>> -> memref<64x128xf32, #tpu.memory_space<vmem>>
      %dma_start3A_717 = arith.constant 0 : i32
      %dma_start3A_718 = tpu.memref_slice %arg3[%dma_start3A_717, %multiple_of3A_583] : memref<64x1000000xf32, #tpu.memory_space<hbm>> -> memref<64x128xf32, #tpu.memory_space<hbm>>
      tpu.enqueue_dma source(%dma_start3A_718 : memref<64x128xf32, #tpu.memory_space<hbm>>) target(%dma_start3A_716 : memref<64x128xf32, #tpu.memory_space<vmem>>) target_semaphore(%arg15 : memref<!tpu.dma_semaphore, #tpu.memory_space<semaphore_mem>>)
    } else {
    }
    %eq3A_602 = arith.constant 3 : i32
    %eq3A_603 = arith.cmpi eq, %rem3A_586, %eq3A_602 : i32
    %convert_element_type3A_604 = arith.extui %eq3A_603 : i1 to i32
    %cond3A_605 = arith.constant 0 : i32
    %cond3A_606 = arith.cmpi ne, %convert_element_type3A_604, %cond3A_605 : i32
    scf.if %cond3A_606 {
      %dma_start3A = arith.constant 3 : i32
      %dma_start3A_707 = arith.constant 0 : i32
      %dma_start3A_708 = arith.constant 0 : i32
      %dma_start3A_709 = tpu.memref_slice %arg8[%dma_start3A, %dma_start3A_707, %dma_start3A_708] : memref<10x64x128xf32, #tpu.memory_space<vmem>> -> memref<1x64x128xf32, #tpu.memory_space<vmem>>
      %dma_start3A_710 = tpu.memref_squeeze %dma_start3A_709 : memref<1x64x128xf32, #tpu.memory_space<vmem>> -> memref<64x128xf32, #tpu.memory_space<vmem>>
      %dma_start3A_711 = arith.constant 0 : i32
      %dma_start3A_712 = tpu.memref_slice %arg3[%dma_start3A_711, %multiple_of3A_583] : memref<64x1000000xf32, #tpu.memory_space<hbm>> -> memref<64x128xf32, #tpu.memory_space<hbm>>
      %dma_start3A_713 = arith.constant 0 : i32
      %dma_start3A_714 = arith.constant 0 : i32
      %dma_start3A_715 = tpu.memref_slice %arg8[%dma_start3A, %dma_start3A_713, %dma_start3A_714] : memref<10x64x128xf32, #tpu.memory_space<vmem>> -> memref<1x64x128xf32, #tpu.memory_space<vmem>>
      %dma_start3A_716 = tpu.memref_squeeze %dma_start3A_715 : memref<1x64x128xf32, #tpu.memory_space<vmem>> -> memref<64x128xf32, #tpu.memory_space<vmem>>
      %dma_start3A_717 = arith.constant 0 : i32
      %dma_start3A_718 = tpu.memref_slice %arg3[%dma_start3A_717, %multiple_of3A_583] : memref<64x1000000xf32, #tpu.memory_space<hbm>> -> memref<64x128xf32, #tpu.memory_space<hbm>>
      tpu.enqueue_dma source(%dma_start3A_718 : memref<64x128xf32, #tpu.memory_space<hbm>>) target(%dma_start3A_716 : memref<64x128xf32, #tpu.memory_space<vmem>>) target_semaphore(%arg16 : memref<!tpu.dma_semaphore, #tpu.memory_space<semaphore_mem>>)
    } else {
    }
    %eq3A_607 = arith.constant 4 : i32
    %eq3A_608 = arith.cmpi eq, %rem3A_586, %eq3A_607 : i32
    %convert_element_type3A_609 = arith.extui %eq3A_608 : i1 to i32
    %cond3A_610 = arith.constant 0 : i32
    %cond3A_611 = arith.cmpi ne, %convert_element_type3A_609, %cond3A_610 : i32
    scf.if %cond3A_611 {
      %dma_start3A = arith.constant 4 : i32
      %dma_start3A_707 = arith.constant 0 : i32
      %dma_start3A_708 = arith.constant 0 : i32
      %dma_start3A_709 = tpu.memref_slice %arg8[%dma_start3A, %dma_start3A_707, %dma_start3A_708] : memref<10x64x128xf32, #tpu.memory_space<vmem>> -> memref<1x64x128xf32, #tpu.memory_space<vmem>>
      %dma_start3A_710 = tpu.memref_squeeze %dma_start3A_709 : memref<1x64x128xf32, #tpu.memory_space<vmem>> -> memref<64x128xf32, #tpu.memory_space<vmem>>
      %dma_start3A_711 = arith.constant 0 : i32
      %dma_start3A_712 = tpu.memref_slice %arg3[%dma_start3A_711, %multiple_of3A_583] : memref<64x1000000xf32, #tpu.memory_space<hbm>> -> memref<64x128xf32, #tpu.memory_space<hbm>>
      %dma_start3A_713 = arith.constant 0 : i32
      %dma_start3A_714 = arith.constant 0 : i32
      %dma_start3A_715 = tpu.memref_slice %arg8[%dma_start3A, %dma_start3A_713, %dma_start3A_714] : memref<10x64x128xf32, #tpu.memory_space<vmem>> -> memref<1x64x128xf32, #tpu.memory_space<vmem>>
      %dma_start3A_716 = tpu.memref_squeeze %dma_start3A_715 : memref<1x64x128xf32, #tpu.memory_space<vmem>> -> memref<64x128xf32, #tpu.memory_space<vmem>>
      %dma_start3A_717 = arith.constant 0 : i32
      %dma_start3A_718 = tpu.memref_slice %arg3[%dma_start3A_717, %multiple_of3A_583] : memref<64x1000000xf32, #tpu.memory_space<hbm>> -> memref<64x128xf32, #tpu.memory_space<hbm>>
      tpu.enqueue_dma source(%dma_start3A_718 : memref<64x128xf32, #tpu.memory_space<hbm>>) target(%dma_start3A_716 : memref<64x128xf32, #tpu.memory_space<vmem>>) target_semaphore(%arg17 : memref<!tpu.dma_semaphore, #tpu.memory_space<semaphore_mem>>)
    } else {
    }
    %eq3A_612 = arith.constant 5 : i32
    %eq3A_613 = arith.cmpi eq, %rem3A_586, %eq3A_612 : i32
    %convert_element_type3A_614 = arith.extui %eq3A_613 : i1 to i32
    %cond3A_615 = arith.constant 0 : i32
    %cond3A_616 = arith.cmpi ne, %convert_element_type3A_614, %cond3A_615 : i32
    scf.if %cond3A_616 {
      %dma_start3A = arith.constant 5 : i32
      %dma_start3A_707 = arith.constant 0 : i32
      %dma_start3A_708 = arith.constant 0 : i32
      %dma_start3A_709 = tpu.memref_slice %arg8[%dma_start3A, %dma_start3A_707, %dma_start3A_708] : memref<10x64x128xf32, #tpu.memory_space<vmem>> -> memref<1x64x128xf32, #tpu.memory_space<vmem>>
      %dma_start3A_710 = tpu.memref_squeeze %dma_start3A_709 : memref<1x64x128xf32, #tpu.memory_space<vmem>> -> memref<64x128xf32, #tpu.memory_space<vmem>>
      %dma_start3A_711 = arith.constant 0 : i32
      %dma_start3A_712 = tpu.memref_slice %arg3[%dma_start3A_711, %multiple_of3A_583] : memref<64x1000000xf32, #tpu.memory_space<hbm>> -> memref<64x128xf32, #tpu.memory_space<hbm>>
      %dma_start3A_713 = arith.constant 0 : i32
      %dma_start3A_714 = arith.constant 0 : i32
      %dma_start3A_715 = tpu.memref_slice %arg8[%dma_start3A, %dma_start3A_713, %dma_start3A_714] : memref<10x64x128xf32, #tpu.memory_space<vmem>> -> memref<1x64x128xf32, #tpu.memory_space<vmem>>
      %dma_start3A_716 = tpu.memref_squeeze %dma_start3A_715 : memref<1x64x128xf32, #tpu.memory_space<vmem>> -> memref<64x128xf32, #tpu.memory_space<vmem>>
      %dma_start3A_717 = arith.constant 0 : i32
      %dma_start3A_718 = tpu.memref_slice %arg3[%dma_start3A_717, %multiple_of3A_583] : memref<64x1000000xf32, #tpu.memory_space<hbm>> -> memref<64x128xf32, #tpu.memory_space<hbm>>
      tpu.enqueue_dma source(%dma_start3A_718 : memref<64x128xf32, #tpu.memory_space<hbm>>) target(%dma_start3A_716 : memref<64x128xf32, #tpu.memory_space<vmem>>) target_semaphore(%arg18 : memref<!tpu.dma_semaphore, #tpu.memory_space<semaphore_mem>>)
    } else {
    }
    %eq3A_617 = arith.constant 6 : i32
    %eq3A_618 = arith.cmpi eq, %rem3A_586, %eq3A_617 : i32
    %convert_element_type3A_619 = arith.extui %eq3A_618 : i1 to i32
    %cond3A_620 = arith.constant 0 : i32
    %cond3A_621 = arith.cmpi ne, %convert_element_type3A_619, %cond3A_620 : i32
    scf.if %cond3A_621 {
      %dma_start3A = arith.constant 6 : i32
      %dma_start3A_707 = arith.constant 0 : i32
      %dma_start3A_708 = arith.constant 0 : i32
      %dma_start3A_709 = tpu.memref_slice %arg8[%dma_start3A, %dma_start3A_707, %dma_start3A_708] : memref<10x64x128xf32, #tpu.memory_space<vmem>> -> memref<1x64x128xf32, #tpu.memory_space<vmem>>
      %dma_start3A_710 = tpu.memref_squeeze %dma_start3A_709 : memref<1x64x128xf32, #tpu.memory_space<vmem>> -> memref<64x128xf32, #tpu.memory_space<vmem>>
      %dma_start3A_711 = arith.constant 0 : i32
      %dma_start3A_712 = tpu.memref_slice %arg3[%dma_start3A_711, %multiple_of3A_583] : memref<64x1000000xf32, #tpu.memory_space<hbm>> -> memref<64x128xf32, #tpu.memory_space<hbm>>
      %dma_start3A_713 = arith.constant 0 : i32
      %dma_start3A_714 = arith.constant 0 : i32
      %dma_start3A_715 = tpu.memref_slice %arg8[%dma_start3A, %dma_start3A_713, %dma_start3A_714] : memref<10x64x128xf32, #tpu.memory_space<vmem>> -> memref<1x64x128xf32, #tpu.memory_space<vmem>>
      %dma_start3A_716 = tpu.memref_squeeze %dma_start3A_715 : memref<1x64x128xf32, #tpu.memory_space<vmem>> -> memref<64x128xf32, #tpu.memory_space<vmem>>
      %dma_start3A_717 = arith.constant 0 : i32
      %dma_start3A_718 = tpu.memref_slice %arg3[%dma_start3A_717, %multiple_of3A_583] : memref<64x1000000xf32, #tpu.memory_space<hbm>> -> memref<64x128xf32, #tpu.memory_space<hbm>>
      tpu.enqueue_dma source(%dma_start3A_718 : memref<64x128xf32, #tpu.memory_space<hbm>>) target(%dma_start3A_716 : memref<64x128xf32, #tpu.memory_space<vmem>>) target_semaphore(%arg19 : memref<!tpu.dma_semaphore, #tpu.memory_space<semaphore_mem>>)
    } else {
    }
    %eq3A_622 = arith.constant 7 : i32
    %eq3A_623 = arith.cmpi eq, %rem3A_586, %eq3A_622 : i32
    %convert_element_type3A_624 = arith.extui %eq3A_623 : i1 to i32
    %cond3A_625 = arith.constant 0 : i32
    %cond3A_626 = arith.cmpi ne, %convert_element_type3A_624, %cond3A_625 : i32
    scf.if %cond3A_626 {
      %dma_start3A = arith.constant 7 : i32
      %dma_start3A_707 = arith.constant 0 : i32
      %dma_start3A_708 = arith.constant 0 : i32
      %dma_start3A_709 = tpu.memref_slice %arg8[%dma_start3A, %dma_start3A_707, %dma_start3A_708] : memref<10x64x128xf32, #tpu.memory_space<vmem>> -> memref<1x64x128xf32, #tpu.memory_space<vmem>>
      %dma_start3A_710 = tpu.memref_squeeze %dma_start3A_709 : memref<1x64x128xf32, #tpu.memory_space<vmem>> -> memref<64x128xf32, #tpu.memory_space<vmem>>
      %dma_start3A_711 = arith.constant 0 : i32
      %dma_start3A_712 = tpu.memref_slice %arg3[%dma_start3A_711, %multiple_of3A_583] : memref<64x1000000xf32, #tpu.memory_space<hbm>> -> memref<64x128xf32, #tpu.memory_space<hbm>>
      %dma_start3A_713 = arith.constant 0 : i32
      %dma_start3A_714 = arith.constant 0 : i32
      %dma_start3A_715 = tpu.memref_slice %arg8[%dma_start3A, %dma_start3A_713, %dma_start3A_714] : memref<10x64x128xf32, #tpu.memory_space<vmem>> -> memref<1x64x128xf32, #tpu.memory_space<vmem>>
      %dma_start3A_716 = tpu.memref_squeeze %dma_start3A_715 : memref<1x64x128xf32, #tpu.memory_space<vmem>> -> memref<64x128xf32, #tpu.memory_space<vmem>>
      %dma_start3A_717 = arith.constant 0 : i32
      %dma_start3A_718 = tpu.memref_slice %arg3[%dma_start3A_717, %multiple_of3A_583] : memref<64x1000000xf32, #tpu.memory_space<hbm>> -> memref<64x128xf32, #tpu.memory_space<hbm>>
      tpu.enqueue_dma source(%dma_start3A_718 : memref<64x128xf32, #tpu.memory_space<hbm>>) target(%dma_start3A_716 : memref<64x128xf32, #tpu.memory_space<vmem>>) target_semaphore(%arg20 : memref<!tpu.dma_semaphore, #tpu.memory_space<semaphore_mem>>)
    } else {
    }
    %eq3A_627 = arith.constant 8 : i32
    %eq3A_628 = arith.cmpi eq, %rem3A_586, %eq3A_627 : i32
    %convert_element_type3A_629 = arith.extui %eq3A_628 : i1 to i32
    %cond3A_630 = arith.constant 0 : i32
    %cond3A_631 = arith.cmpi ne, %convert_element_type3A_629, %cond3A_630 : i32
    scf.if %cond3A_631 {
      %dma_start3A = arith.constant 8 : i32
      %dma_start3A_707 = arith.constant 0 : i32
      %dma_start3A_708 = arith.constant 0 : i32
      %dma_start3A_709 = tpu.memref_slice %arg8[%dma_start3A, %dma_start3A_707, %dma_start3A_708] : memref<10x64x128xf32, #tpu.memory_space<vmem>> -> memref<1x64x128xf32, #tpu.memory_space<vmem>>
      %dma_start3A_710 = tpu.memref_squeeze %dma_start3A_709 : memref<1x64x128xf32, #tpu.memory_space<vmem>> -> memref<64x128xf32, #tpu.memory_space<vmem>>
      %dma_start3A_711 = arith.constant 0 : i32
      %dma_start3A_712 = tpu.memref_slice %arg3[%dma_start3A_711, %multiple_of3A_583] : memref<64x1000000xf32, #tpu.memory_space<hbm>> -> memref<64x128xf32, #tpu.memory_space<hbm>>
      %dma_start3A_713 = arith.constant 0 : i32
      %dma_start3A_714 = arith.constant 0 : i32
      %dma_start3A_715 = tpu.memref_slice %arg8[%dma_start3A, %dma_start3A_713, %dma_start3A_714] : memref<10x64x128xf32, #tpu.memory_space<vmem>> -> memref<1x64x128xf32, #tpu.memory_space<vmem>>
      %dma_start3A_716 = tpu.memref_squeeze %dma_start3A_715 : memref<1x64x128xf32, #tpu.memory_space<vmem>> -> memref<64x128xf32, #tpu.memory_space<vmem>>
      %dma_start3A_717 = arith.constant 0 : i32
      %dma_start3A_718 = tpu.memref_slice %arg3[%dma_start3A_717, %multiple_of3A_583] : memref<64x1000000xf32, #tpu.memory_space<hbm>> -> memref<64x128xf32, #tpu.memory_space<hbm>>
      tpu.enqueue_dma source(%dma_start3A_718 : memref<64x128xf32, #tpu.memory_space<hbm>>) target(%dma_start3A_716 : memref<64x128xf32, #tpu.memory_space<vmem>>) target_semaphore(%arg21 : memref<!tpu.dma_semaphore, #tpu.memory_space<semaphore_mem>>)
    } else {
    }
    %eq3A_632 = arith.constant 9 : i32
    %eq3A_633 = arith.cmpi eq, %rem3A_586, %eq3A_632 : i32
    %convert_element_type3A_634 = arith.extui %eq3A_633 : i1 to i32
    %cond3A_635 = arith.constant 0 : i32
    %cond3A_636 = arith.cmpi ne, %convert_element_type3A_634, %cond3A_635 : i32
    scf.if %cond3A_636 {
      %dma_start3A = arith.constant 9 : i32
      %dma_start3A_707 = arith.constant 0 : i32
      %dma_start3A_708 = arith.constant 0 : i32
      %dma_start3A_709 = tpu.memref_slice %arg8[%dma_start3A, %dma_start3A_707, %dma_start3A_708] : memref<10x64x128xf32, #tpu.memory_space<vmem>> -> memref<1x64x128xf32, #tpu.memory_space<vmem>>
      %dma_start3A_710 = tpu.memref_squeeze %dma_start3A_709 : memref<1x64x128xf32, #tpu.memory_space<vmem>> -> memref<64x128xf32, #tpu.memory_space<vmem>>
      %dma_start3A_711 = arith.constant 0 : i32
      %dma_start3A_712 = tpu.memref_slice %arg3[%dma_start3A_711, %multiple_of3A_583] : memref<64x1000000xf32, #tpu.memory_space<hbm>> -> memref<64x128xf32, #tpu.memory_space<hbm>>
      %dma_start3A_713 = arith.constant 0 : i32
      %dma_start3A_714 = arith.constant 0 : i32
      %dma_start3A_715 = tpu.memref_slice %arg8[%dma_start3A, %dma_start3A_713, %dma_start3A_714] : memref<10x64x128xf32, #tpu.memory_space<vmem>> -> memref<1x64x128xf32, #tpu.memory_space<vmem>>
      %dma_start3A_716 = tpu.memref_squeeze %dma_start3A_715 : memref<1x64x128xf32, #tpu.memory_space<vmem>> -> memref<64x128xf32, #tpu.memory_space<vmem>>
      %dma_start3A_717 = arith.constant 0 : i32
      %dma_start3A_718 = tpu.memref_slice %arg3[%dma_start3A_717, %multiple_of3A_583] : memref<64x1000000xf32, #tpu.memory_space<hbm>> -> memref<64x128xf32, #tpu.memory_space<hbm>>
      tpu.enqueue_dma source(%dma_start3A_718 : memref<64x128xf32, #tpu.memory_space<hbm>>) target(%dma_start3A_716 : memref<64x128xf32, #tpu.memory_space<vmem>>) target_semaphore(%arg22 : memref<!tpu.dma_semaphore, #tpu.memory_space<semaphore_mem>>)
    } else {
    }
    %scan3A = arith.constant 0 : i32
    %scan3A_637 = arith.constant 0 : i32
    %scan3A_638 = arith.constant 8 : i32
    %scan3A_639 = arith.addi %scan3A_637, %scan3A_638 : i32
    %scan3A_640 = arith.constant 1 : i32
    %scan3A_641 = scf.for %scan3A_707 = %scan3A_637 to %scan3A_639 step %scan3A_640 iter_args(%scan3A_708 = %scan3A) -> (i32)  : i32 {
      %mul3A_709 = arith.constant 2048 : i32
      %mul3A_710 = arith.muli %scan3A_707, %mul3A_709 : i32
      "tpu.region"() ({
        %run_scoped3A = tpu.sem_alloc : memref<!tpu.dma_semaphore, #tpu.memory_space<semaphore_mem>>
        %dma_start3A = tpu.memref_slice %arg2[%mul3A_710] : memref<16384xi32, #tpu.memory_space<hbm>> -> memref<2048xi32, #tpu.memory_space<hbm>>
        %dma_start3A_717 = tpu.memref_slice %arg2[%mul3A_710] : memref<16384xi32, #tpu.memory_space<hbm>> -> memref<2048xi32, #tpu.memory_space<hbm>>
        tpu.enqueue_dma source(%dma_start3A_717 : memref<2048xi32, #tpu.memory_space<hbm>>) target(%arg5 : memref<2048xi32, #tpu.memory_space<vmem>>) target_semaphore(%run_scoped3A : memref<!tpu.dma_semaphore, #tpu.memory_space<semaphore_mem>>)
        %dma_wait3A = tpu.memref_slice %arg2[%mul3A_710] : memref<16384xi32, #tpu.memory_space<hbm>> -> memref<2048xi32, #tpu.memory_space<hbm>>
        %dma_wait3A_718 = tpu.memref_slice %arg2[%mul3A_710] : memref<16384xi32, #tpu.memory_space<hbm>> -> memref<2048xi32, #tpu.memory_space<hbm>>
        tpu.wait_dma2 semaphore(%run_scoped3A : memref<!tpu.dma_semaphore, #tpu.memory_space<semaphore_mem>>) src(%dma_wait3A_718 : memref<2048xi32, #tpu.memory_space<hbm>>) dst(%arg5 : memref<2048xi32, #tpu.memory_space<vmem>>)
        tpu.yield
      }) : () -> ()
      %scan3A_711 = arith.constant 0 : i32
      %scan3A_712 = arith.constant 128 : i32
      %scan3A_713 = arith.addi %scan3A_711, %scan3A_712 : i32
      %scan3A_714 = arith.constant 1 : i32
      %scan3A_715 = scf.for %scan3A_717 = %scan3A_711 to %scan3A_713 step %scan3A_714 iter_args(%scan3A_718 = %scan3A_708) -> (i32)  : i32 {
        %mul3A_719 = arith.constant 16 : i32
        %mul3A_720 = arith.muli %scan3A_717, %mul3A_719 : i32
        %get3A = arith.index_cast %mul3A_720 : i32 to index
        %get3A_721 = tpu.vector_load %arg5[%get3A] {strides = array<i32>} : memref<2048xi32, #tpu.memory_space<vmem>>, vector<16xi32>,
        %shift_right_arithmetic3A = arith.constant 7 : i32
        %shift_right_arithmetic3A_722 = vector.broadcast %shift_right_arithmetic3A : i32 to vector<16xi32>
        %shift_right_arithmetic3A_723 = arith.shrsi %get3A_721, %shift_right_arithmetic3A_722 : vector<16xi32>
        %ge3A = vector.broadcast %add3A_4 : i32 to vector<16xi32>
        %ge3A_724 = arith.cmpi sge, %shift_right_arithmetic3A_723, %ge3A : vector<16xi32>
        %add3A_725 = arith.addi %add3A_4, %add3A_8 : i32
        %lt3A_726 = vector.broadcast %add3A_725 : i32 to vector<16xi32>
        %lt3A_727 = arith.cmpi slt, %shift_right_arithmetic3A_723, %lt3A_726 : vector<16xi32>
        %and3A_728 = arith.andi %ge3A_724, %lt3A_727 : vector<16xi1>
        %mul3A_729 = arith.constant 2048 : i32
        %mul3A_730 = arith.muli %scan3A_707, %mul3A_729 : i32
        %mul3A_731 = arith.constant 16 : i32
        %mul3A_732 = arith.muli %scan3A_717, %mul3A_731 : i32
        %add3A_733 = arith.addi %mul3A_730, %mul3A_732 : i32
        %add3A_734 = vector.broadcast %add3A_733 : i32 to vector<16xi32>
        %add3A_735 = arith.addi %add3A_734, %iota3A : vector<16xi32>
        %shift_left3A = arith.constant 15 : i32
        %shift_left3A_736 = vector.broadcast %shift_left3A : i32 to vector<16xi32>
        %shift_left3A_737 = arith.shli %add3A_735, %shift_left3A_736 : vector<16xi32>
        %and3A_738 = arith.constant 127 : i32
        %and3A_739 = vector.broadcast %and3A_738 : i32 to vector<16xi32>
        %and3A_740 = arith.andi %get3A_721, %and3A_739 : vector<16xi32>
        %shift_left3A_741 = arith.constant 8 : i32
        %shift_left3A_742 = vector.broadcast %shift_left3A_741 : i32 to vector<16xi32>
        %shift_left3A_743 = arith.shli %and3A_740, %shift_left3A_742 : vector<16xi32>
        %or3A = arith.ori %shift_left3A_737, %shift_left3A_743 : vector<16xi32>
        %sub3A_744 = vector.broadcast %add3A_4 : i32 to vector<16xi32>
        %sub3A_745 = arith.subi %shift_right_arithmetic3A_723, %sub3A_744 : vector<16xi32>
        %or3A_746 = arith.ori %or3A, %sub3A_745 : vector<16xi32>
        %all_reduce_population_count3A = tpu.all_reduce %and3A_728 {dim = 0 : i64, kind = #tpu.reduction_kind<sum>} : vector<16xi1> -> vector<16xi32>
        %swap3A = arith.index_cast %scan3A_718 : i32 to index
        %swap3A_747 = tpu.vector_load %arg6[%swap3A] masked %and3A_728 {strides = array<i32>} : memref<4112xi32, #tpu.memory_space<vmem>>, vector<16xi32>, vector<16xi1>
        tpu.vector_store %arg6[%swap3A], %or3A_746 masked %and3A_728 {strides = array<i32>} : memref<4112xi32, #tpu.memory_space<vmem>>, vector<16xi32>, vector<16xi1>
        %slice3A = vector.extract_strided_slice %all_reduce_population_count3A {offsets = [0], sizes = [1], strides = [1]} : vector<16xi32> to vector<1xi32>
        %squeeze3A = vector.extract %slice3A[0] : i32 from vector<1xi32>
        %add3A_748 = arith.addi %scan3A_718, %squeeze3A : i32
        %min3A_749 = arith.constant 4096 : i32
        %min3A_750 = arith.minsi %add3A_748, %min3A_749 : i32
        scf.yield %min3A_750 : i32
      }
      %scan3A_716 = arith.constant 128 : i32
      scf.yield %scan3A_715 : i32
    }
    %scan3A_642 = arith.constant 8 : i32
    %scan3A_643 = arith.constant 0 : i32
    %scan3A_644 = arith.constant 0 : i32
    %scan3A_645 = arith.constant 246 : i32
    %scan3A_646 = arith.addi %scan3A_644, %scan3A_645 : i32
    %scan3A_647 = arith.constant 1 : i32
    scf.for %scan3A_707 = %scan3A_644 to %scan3A_646 step %scan3A_647  : i32 {
      %swap3A = arith.constant 0 : i32
      %swap3A_708 = arith.index_cast %scan3A_707 : i32 to index
      %swap3A_709 = memref.load %arg10[%swap3A_708] : memref<246xi32, #tpu.memory_space<smem>>
      memref.store %swap3A, %arg10[%swap3A_708] : memref<246xi32, #tpu.memory_space<smem>>
    }
    %scan3A_648 = arith.constant 246 : i32
    %while3A = arith.constant 0 : i32
    %while3A_649 = arith.constant 0 : i32
    %while3A_650 = arith.subi %scan3A_641, %while3A_649 : i32
    %while3A_651 = arith.addi %while3A_649, %while3A_650 : i32
    %while3A_652 = arith.constant 1 : i32
    %while3A_653 = arith.divsi %while3A_650, %while3A_652 : i32
    %while3A_654 = arith.muli %while3A_653, %while3A_652 : i32
    %while3A_655 = arith.addi %while3A_649, %while3A_654 : i32
    %while3A_656 = arith.constant 1 : i32
    scf.for %while3A_707 = %while3A_649 to %while3A_655 step %while3A_656  : i32 {
      %get3A = arith.index_cast %while3A_707 : i32 to index
      %get3A_708 = tpu.vector_load %arg6[%get3A] {strides = array<i32>} : memref<4112xi32, #tpu.memory_space<vmem>>, vector<16xi32>,
      %slice3A = vector.extract_strided_slice %get3A_708 {offsets = [0], sizes = [1], strides = [1]} : vector<16xi32> to vector<1xi32>
      %squeeze3A = vector.extract %slice3A[0] : i32 from vector<1xi32>
      %and3A_709 = arith.constant 255 : i32
      %and3A_710 = arith.andi %squeeze3A, %and3A_709 : i32
      %get3A_711 = arith.index_cast %and3A_710 : i32 to index
      %get3A_712 = memref.load %arg10[%get3A_711] : memref<246xi32, #tpu.memory_space<smem>>
      %add3A_713 = arith.constant 1 : i32
      %add3A_714 = arith.addi %get3A_712, %add3A_713 : i32
      %swap3A = arith.index_cast %and3A_710 : i32 to index
      %swap3A_715 = memref.load %arg10[%swap3A] : memref<246xi32, #tpu.memory_space<smem>>
      memref.store %add3A_714, %arg10[%swap3A] : memref<246xi32, #tpu.memory_space<smem>>
    }
    %while3A_657 = arith.constant 1 : i32
    scf.for %while3A_707 = %while3A_655 to %while3A_651 step %while3A_657  : i32 {
      %get3A = arith.index_cast %while3A_707 : i32 to index
      %get3A_708 = tpu.vector_load %arg6[%get3A] {strides = array<i32>} : memref<4112xi32, #tpu.memory_space<vmem>>, vector<16xi32>,
      %slice3A = vector.extract_strided_slice %get3A_708 {offsets = [0], sizes = [1], strides = [1]} : vector<16xi32> to vector<1xi32>
      %squeeze3A = vector.extract %slice3A[0] : i32 from vector<1xi32>
      %and3A_709 = arith.constant 255 : i32
      %and3A_710 = arith.andi %squeeze3A, %and3A_709 : i32
      %get3A_711 = arith.index_cast %and3A_710 : i32 to index
      %get3A_712 = memref.load %arg10[%get3A_711] : memref<246xi32, #tpu.memory_space<smem>>
      %add3A_713 = arith.constant 1 : i32
      %add3A_714 = arith.addi %get3A_712, %add3A_713 : i32
      %swap3A = arith.index_cast %and3A_710 : i32 to index
      %swap3A_715 = memref.load %arg10[%swap3A] : memref<246xi32, #tpu.memory_space<smem>>
      memref.store %add3A_714, %arg10[%swap3A] : memref<246xi32, #tpu.memory_space<smem>>
    }
    %scan3A_658 = arith.constant 0 : i32
    %scan3A_659 = arith.constant 0 : i32
    %scan3A_660 = arith.constant 246 : i32
    %scan3A_661 = arith.addi %scan3A_659, %scan3A_660 : i32
    %scan3A_662 = arith.constant 1 : i32
    %scan3A_663 = scf.for %scan3A_707 = %scan3A_659 to %scan3A_661 step %scan3A_662 iter_args(%scan3A_708 = %scan3A_658) -> (i32)  : i32 {
      %swap3A = arith.index_cast %scan3A_707 : i32 to index
      %swap3A_709 = memref.load %arg11[%swap3A] : memref<246xi32, #tpu.memory_space<smem>>
      memref.store %scan3A_708, %arg11[%swap3A] : memref<246xi32, #tpu.memory_space<smem>>
      %swap3A_710 = arith.index_cast %scan3A_707 : i32 to index
      %swap3A_711 = memref.load %arg12[%swap3A_710] : memref<246xi32, #tpu.memory_space<smem>>
      memref.store %scan3A_708, %arg12[%swap3A_710] : memref<246xi32, #tpu.memory_space<smem>>
      %get3A = arith.index_cast %scan3A_707 : i32 to index
      %get3A_712 = memref.load %arg10[%get3A] : memref<246xi32, #tpu.memory_space<smem>>
      %add3A_713 = arith.addi %scan3A_708, %get3A_712 : i32
      scf.yield %add3A_713 : i32
    }
    %scan3A_664 = arith.constant 246 : i32
    %eq3A_665 = arith.constant 0 : i32
    %eq3A_666 = vector.broadcast %eq3A_665 : i32 to vector<16xi32>
    %eq3A_667 = arith.cmpi eq, %iota3A, %eq3A_666 : vector<16xi32>
    %while3A_668 = arith.constant 0 : i32
    %while3A_669 = arith.constant 0 : i32
    %while3A_670 = arith.subi %scan3A_641, %while3A_669 : i32
    %while3A_671 = arith.addi %while3A_669, %while3A_670 : i32
    %while3A_672 = arith.constant 1 : i32
    %while3A_673 = arith.divsi %while3A_670, %while3A_672 : i32
    %while3A_674 = arith.muli %while3A_673, %while3A_672 : i32
    %while3A_675 = arith.addi %while3A_669, %while3A_674 : i32
    %while3A_676 = arith.constant 1 : i32
    scf.for %while3A_707 = %while3A_669 to %while3A_675 step %while3A_676  : i32 {
      %get3A = arith.index_cast %while3A_707 : i32 to index
      %get3A_708 = tpu.vector_load %arg6[%get3A] {strides = array<i32>} : memref<4112xi32, #tpu.memory_space<vmem>>, vector<16xi32>,
      %slice3A = vector.extract_strided_slice %get3A_708 {offsets = [0], sizes = [1], strides = [1]} : vector<16xi32> to vector<1xi32>
      %squeeze3A = vector.extract %slice3A[0] : i32 from vector<1xi32>
      %and3A_709 = arith.constant 255 : i32
      %and3A_710 = arith.andi %squeeze3A, %and3A_709 : i32
      %get3A_711 = arith.index_cast %and3A_710 : i32 to index
      %get3A_712 = memref.load %arg12[%get3A_711] : memref<246xi32, #tpu.memory_space<smem>>
      %add3A_713 = arith.constant 1 : i32
      %add3A_714 = arith.addi %get3A_712, %add3A_713 : i32
      %swap3A = arith.index_cast %and3A_710 : i32 to index
      %swap3A_715 = memref.load %arg12[%swap3A] : memref<246xi32, #tpu.memory_space<smem>>
      memref.store %add3A_714, %arg12[%swap3A] : memref<246xi32, #tpu.memory_space<smem>>
      %broadcast_in_dim3A = vector.broadcast %get3A_712 : i32 to vector<16xi32>
      %broadcast_in_dim3A_716 = vector.broadcast %squeeze3A : i32 to vector<16xi32>
      tpu.vector_store_idx %arg7[%broadcast_in_dim3A], %broadcast_in_dim3A_716 masked %eq3A_667 : memref<4112xi32, #tpu.memory_space<vmem>>[vector<16xi32>], vector<16xi32>, vector<16xi1>
    }
    %while3A_677 = arith.constant 1 : i32
    scf.for %while3A_707 = %while3A_675 to %while3A_671 step %while3A_677  : i32 {
      %get3A = arith.index_cast %while3A_707 : i32 to index
      %get3A_708 = tpu.vector_load %arg6[%get3A] {strides = array<i32>} : memref<4112xi32, #tpu.memory_space<vmem>>, vector<16xi32>,
      %slice3A = vector.extract_strided_slice %get3A_708 {offsets = [0], sizes = [1], strides = [1]} : vector<16xi32> to vector<1xi32>
      %squeeze3A = vector.extract %slice3A[0] : i32 from vector<1xi32>
      %and3A_709 = arith.constant 255 : i32
      %and3A_710 = arith.andi %squeeze3A, %and3A_709 : i32
      %get3A_711 = arith.index_cast %and3A_710 : i32 to index
      %get3A_712 = memref.load %arg12[%get3A_711] : memref<246xi32, #tpu.memory_space<smem>>
      %add3A_713 = arith.constant 1 : i32
      %add3A_714 = arith.addi %get3A_712, %add3A_713 : i32
      %swap3A = arith.index_cast %and3A_710 : i32 to index
      %swap3A_715 = memref.load %arg12[%swap3A] : memref<246xi32, #tpu.memory_space<smem>>
      memref.store %add3A_714, %arg12[%swap3A] : memref<246xi32, #tpu.memory_space<smem>>
      %broadcast_in_dim3A = vector.broadcast %get3A_712 : i32 to vector<16xi32>
      %broadcast_in_dim3A_716 = vector.broadcast %squeeze3A : i32 to vector<16xi32>
      tpu.vector_store_idx %arg7[%broadcast_in_dim3A], %broadcast_in_dim3A_716 masked %eq3A_667 : memref<4112xi32, #tpu.memory_space<vmem>>[vector<16xi32>], vector<16xi32>, vector<16xi1>
    }
    %while3A_678 = arith.constant 0 : i32
    %while3A_679 = arith.constant 0 : i32
    %while3A_680 = arith.subi %select_n3A_30, %while3A_679 : i32
    %while3A_681 = arith.addi %while3A_679, %while3A_680 : i32
    %while3A_682 = arith.constant 1 : i32
    %while3A_683 = arith.divsi %while3A_680, %while3A_682 : i32
    %while3A_684 = arith.muli %while3A_683, %while3A_682 : i32
    %while3A_685 = arith.addi %while3A_679, %while3A_684 : i32
    %while3A_686 = arith.constant 1 : i32
    scf.for %while3A_707 = %while3A_679 to %while3A_685 step %while3A_686  : i32 {
      %rem3A_708 = arith.constant 10 : i32
      %rem3A_709 = arith.remsi %while3A_707, %rem3A_708 : i32
      %eq3A_710 = arith.constant 0 : i32
      %eq3A_711 = arith.cmpi eq, %rem3A_709, %eq3A_710 : i32
      %convert_element_type3A_712 = arith.extui %eq3A_711 : i1 to i32
      %cond3A_713 = arith.constant 0 : i32
      %cond3A_714 = arith.cmpi ne, %convert_element_type3A_712, %cond3A_713 : i32
      scf.if %cond3A_714 {
        %dma_wait3A = arith.constant 0 : i32
        %dma_wait3A_793 = arith.constant 0 : i32
        %dma_wait3A_794 = arith.constant 0 : i32
        %dma_wait3A_795 = tpu.memref_slice %arg8[%dma_wait3A, %dma_wait3A_793, %dma_wait3A_794] : memref<10x64x128xf32, #tpu.memory_space<vmem>> -> memref<1x64x128xf32, #tpu.memory_space<vmem>>
        %dma_wait3A_796 = tpu.memref_squeeze %dma_wait3A_795 : memref<1x64x128xf32, #tpu.memory_space<vmem>> -> memref<64x128xf32, #tpu.memory_space<vmem>>
        %dma_wait3A_797 = arith.constant 0 : i32
        %dma_wait3A_798 = arith.constant 0 : i32
        %dma_wait3A_799 = tpu.memref_slice %arg3[%dma_wait3A_797, %dma_wait3A_798] : memref<64x1000000xf32, #tpu.memory_space<hbm>> -> memref<64x128xf32, #tpu.memory_space<hbm>>
        %dma_wait3A_800 = arith.constant 0 : i32
        %dma_wait3A_801 = arith.constant 0 : i32
        %dma_wait3A_802 = tpu.memref_slice %arg8[%dma_wait3A, %dma_wait3A_800, %dma_wait3A_801] : memref<10x64x128xf32, #tpu.memory_space<vmem>> -> memref<1x64x128xf32, #tpu.memory_space<vmem>>
        %dma_wait3A_803 = tpu.memref_squeeze %dma_wait3A_802 : memref<1x64x128xf32, #tpu.memory_space<vmem>> -> memref<64x128xf32, #tpu.memory_space<vmem>>
        %dma_wait3A_804 = arith.constant 0 : i32
        %dma_wait3A_805 = arith.constant 0 : i32
        %dma_wait3A_806 = tpu.memref_slice %arg3[%dma_wait3A_804, %dma_wait3A_805] : memref<64x1000000xf32, #tpu.memory_space<hbm>> -> memref<64x128xf32, #tpu.memory_space<hbm>>
        tpu.wait_dma2 semaphore(%arg13 : memref<!tpu.dma_semaphore, #tpu.memory_space<semaphore_mem>>) src(%dma_wait3A_806 : memref<64x128xf32, #tpu.memory_space<hbm>>) dst(%dma_wait3A_803 : memref<64x128xf32, #tpu.memory_space<vmem>>)
      } else {
      }
      %eq3A_715 = arith.constant 1 : i32
      %eq3A_716 = arith.cmpi eq, %rem3A_709, %eq3A_715 : i32
      %convert_element_type3A_717 = arith.extui %eq3A_716 : i1 to i32
      %cond3A_718 = arith.constant 0 : i32
      %cond3A_719 = arith.cmpi ne, %convert_element_type3A_717, %cond3A_718 : i32
      scf.if %cond3A_719 {
        %dma_wait3A = arith.constant 1 : i32
        %dma_wait3A_793 = arith.constant 0 : i32
        %dma_wait3A_794 = arith.constant 0 : i32
        %dma_wait3A_795 = tpu.memref_slice %arg8[%dma_wait3A, %dma_wait3A_793, %dma_wait3A_794] : memref<10x64x128xf32, #tpu.memory_space<vmem>> -> memref<1x64x128xf32, #tpu.memory_space<vmem>>
        %dma_wait3A_796 = tpu.memref_squeeze %dma_wait3A_795 : memref<1x64x128xf32, #tpu.memory_space<vmem>> -> memref<64x128xf32, #tpu.memory_space<vmem>>
        %dma_wait3A_797 = arith.constant 0 : i32
        %dma_wait3A_798 = arith.constant 0 : i32
        %dma_wait3A_799 = tpu.memref_slice %arg3[%dma_wait3A_797, %dma_wait3A_798] : memref<64x1000000xf32, #tpu.memory_space<hbm>> -> memref<64x128xf32, #tpu.memory_space<hbm>>
        %dma_wait3A_800 = arith.constant 0 : i32
        %dma_wait3A_801 = arith.constant 0 : i32
        %dma_wait3A_802 = tpu.memref_slice %arg8[%dma_wait3A, %dma_wait3A_800, %dma_wait3A_801] : memref<10x64x128xf32, #tpu.memory_space<vmem>> -> memref<1x64x128xf32, #tpu.memory_space<vmem>>
        %dma_wait3A_803 = tpu.memref_squeeze %dma_wait3A_802 : memref<1x64x128xf32, #tpu.memory_space<vmem>> -> memref<64x128xf32, #tpu.memory_space<vmem>>
        %dma_wait3A_804 = arith.constant 0 : i32
        %dma_wait3A_805 = arith.constant 0 : i32
        %dma_wait3A_806 = tpu.memref_slice %arg3[%dma_wait3A_804, %dma_wait3A_805] : memref<64x1000000xf32, #tpu.memory_space<hbm>> -> memref<64x128xf32, #tpu.memory_space<hbm>>
        tpu.wait_dma2 semaphore(%arg14 : memref<!tpu.dma_semaphore, #tpu.memory_space<semaphore_mem>>) src(%dma_wait3A_806 : memref<64x128xf32, #tpu.memory_space<hbm>>) dst(%dma_wait3A_803 : memref<64x128xf32, #tpu.memory_space<vmem>>)
      } else {
      }
      %eq3A_720 = arith.constant 2 : i32
      %eq3A_721 = arith.cmpi eq, %rem3A_709, %eq3A_720 : i32
      %convert_element_type3A_722 = arith.extui %eq3A_721 : i1 to i32
      %cond3A_723 = arith.constant 0 : i32
      %cond3A_724 = arith.cmpi ne, %convert_element_type3A_722, %cond3A_723 : i32
      scf.if %cond3A_724 {
        %dma_wait3A = arith.constant 2 : i32
        %dma_wait3A_793 = arith.constant 0 : i32
        %dma_wait3A_794 = arith.constant 0 : i32
        %dma_wait3A_795 = tpu.memref_slice %arg8[%dma_wait3A, %dma_wait3A_793, %dma_wait3A_794] : memref<10x64x128xf32, #tpu.memory_space<vmem>> -> memref<1x64x128xf32, #tpu.memory_space<vmem>>
        %dma_wait3A_796 = tpu.memref_squeeze %dma_wait3A_795 : memref<1x64x128xf32, #tpu.memory_space<vmem>> -> memref<64x128xf32, #tpu.memory_space<vmem>>
        %dma_wait3A_797 = arith.constant 0 : i32
        %dma_wait3A_798 = arith.constant 0 : i32
        %dma_wait3A_799 = tpu.memref_slice %arg3[%dma_wait3A_797, %dma_wait3A_798] : memref<64x1000000xf32, #tpu.memory_space<hbm>> -> memref<64x128xf32, #tpu.memory_space<hbm>>
        %dma_wait3A_800 = arith.constant 0 : i32
        %dma_wait3A_801 = arith.constant 0 : i32
        %dma_wait3A_802 = tpu.memref_slice %arg8[%dma_wait3A, %dma_wait3A_800, %dma_wait3A_801] : memref<10x64x128xf32, #tpu.memory_space<vmem>> -> memref<1x64x128xf32, #tpu.memory_space<vmem>>
        %dma_wait3A_803 = tpu.memref_squeeze %dma_wait3A_802 : memref<1x64x128xf32, #tpu.memory_space<vmem>> -> memref<64x128xf32, #tpu.memory_space<vmem>>
        %dma_wait3A_804 = arith.constant 0 : i32
        %dma_wait3A_805 = arith.constant 0 : i32
        %dma_wait3A_806 = tpu.memref_slice %arg3[%dma_wait3A_804, %dma_wait3A_805] : memref<64x1000000xf32, #tpu.memory_space<hbm>> -> memref<64x128xf32, #tpu.memory_space<hbm>>
        tpu.wait_dma2 semaphore(%arg15 : memref<!tpu.dma_semaphore, #tpu.memory_space<semaphore_mem>>) src(%dma_wait3A_806 : memref<64x128xf32, #tpu.memory_space<hbm>>) dst(%dma_wait3A_803 : memref<64x128xf32, #tpu.memory_space<vmem>>)
      } else {
      }
      %eq3A_725 = arith.constant 3 : i32
      %eq3A_726 = arith.cmpi eq, %rem3A_709, %eq3A_725 : i32
      %convert_element_type3A_727 = arith.extui %eq3A_726 : i1 to i32
      %cond3A_728 = arith.constant 0 : i32
      %cond3A_729 = arith.cmpi ne, %convert_element_type3A_727, %cond3A_728 : i32
      scf.if %cond3A_729 {
        %dma_wait3A = arith.constant 3 : i32
        %dma_wait3A_793 = arith.constant 0 : i32
        %dma_wait3A_794 = arith.constant 0 : i32
        %dma_wait3A_795 = tpu.memref_slice %arg8[%dma_wait3A, %dma_wait3A_793, %dma_wait3A_794] : memref<10x64x128xf32, #tpu.memory_space<vmem>> -> memref<1x64x128xf32, #tpu.memory_space<vmem>>
        %dma_wait3A_796 = tpu.memref_squeeze %dma_wait3A_795 : memref<1x64x128xf32, #tpu.memory_space<vmem>> -> memref<64x128xf32, #tpu.memory_space<vmem>>
        %dma_wait3A_797 = arith.constant 0 : i32
        %dma_wait3A_798 = arith.constant 0 : i32
        %dma_wait3A_799 = tpu.memref_slice %arg3[%dma_wait3A_797, %dma_wait3A_798] : memref<64x1000000xf32, #tpu.memory_space<hbm>> -> memref<64x128xf32, #tpu.memory_space<hbm>>
        %dma_wait3A_800 = arith.constant 0 : i32
        %dma_wait3A_801 = arith.constant 0 : i32
        %dma_wait3A_802 = tpu.memref_slice %arg8[%dma_wait3A, %dma_wait3A_800, %dma_wait3A_801] : memref<10x64x128xf32, #tpu.memory_space<vmem>> -> memref<1x64x128xf32, #tpu.memory_space<vmem>>
        %dma_wait3A_803 = tpu.memref_squeeze %dma_wait3A_802 : memref<1x64x128xf32, #tpu.memory_space<vmem>> -> memref<64x128xf32, #tpu.memory_space<vmem>>
        %dma_wait3A_804 = arith.constant 0 : i32
        %dma_wait3A_805 = arith.constant 0 : i32
        %dma_wait3A_806 = tpu.memref_slice %arg3[%dma_wait3A_804, %dma_wait3A_805] : memref<64x1000000xf32, #tpu.memory_space<hbm>> -> memref<64x128xf32, #tpu.memory_space<hbm>>
        tpu.wait_dma2 semaphore(%arg16 : memref<!tpu.dma_semaphore, #tpu.memory_space<semaphore_mem>>) src(%dma_wait3A_806 : memref<64x128xf32, #tpu.memory_space<hbm>>) dst(%dma_wait3A_803 : memref<64x128xf32, #tpu.memory_space<vmem>>)
      } else {
      }
      %eq3A_730 = arith.constant 4 : i32
      %eq3A_731 = arith.cmpi eq, %rem3A_709, %eq3A_730 : i32
      %convert_element_type3A_732 = arith.extui %eq3A_731 : i1 to i32
      %cond3A_733 = arith.constant 0 : i32
      %cond3A_734 = arith.cmpi ne, %convert_element_type3A_732, %cond3A_733 : i32
      scf.if %cond3A_734 {
        %dma_wait3A = arith.constant 4 : i32
        %dma_wait3A_793 = arith.constant 0 : i32
        %dma_wait3A_794 = arith.constant 0 : i32
        %dma_wait3A_795 = tpu.memref_slice %arg8[%dma_wait3A, %dma_wait3A_793, %dma_wait3A_794] : memref<10x64x128xf32, #tpu.memory_space<vmem>> -> memref<1x64x128xf32, #tpu.memory_space<vmem>>
        %dma_wait3A_796 = tpu.memref_squeeze %dma_wait3A_795 : memref<1x64x128xf32, #tpu.memory_space<vmem>> -> memref<64x128xf32, #tpu.memory_space<vmem>>
        %dma_wait3A_797 = arith.constant 0 : i32
        %dma_wait3A_798 = arith.constant 0 : i32
        %dma_wait3A_799 = tpu.memref_slice %arg3[%dma_wait3A_797, %dma_wait3A_798] : memref<64x1000000xf32, #tpu.memory_space<hbm>> -> memref<64x128xf32, #tpu.memory_space<hbm>>
        %dma_wait3A_800 = arith.constant 0 : i32
        %dma_wait3A_801 = arith.constant 0 : i32
        %dma_wait3A_802 = tpu.memref_slice %arg8[%dma_wait3A, %dma_wait3A_800, %dma_wait3A_801] : memref<10x64x128xf32, #tpu.memory_space<vmem>> -> memref<1x64x128xf32, #tpu.memory_space<vmem>>
        %dma_wait3A_803 = tpu.memref_squeeze %dma_wait3A_802 : memref<1x64x128xf32, #tpu.memory_space<vmem>> -> memref<64x128xf32, #tpu.memory_space<vmem>>
        %dma_wait3A_804 = arith.constant 0 : i32
        %dma_wait3A_805 = arith.constant 0 : i32
        %dma_wait3A_806 = tpu.memref_slice %arg3[%dma_wait3A_804, %dma_wait3A_805] : memref<64x1000000xf32, #tpu.memory_space<hbm>> -> memref<64x128xf32, #tpu.memory_space<hbm>>
        tpu.wait_dma2 semaphore(%arg17 : memref<!tpu.dma_semaphore, #tpu.memory_space<semaphore_mem>>) src(%dma_wait3A_806 : memref<64x128xf32, #tpu.memory_space<hbm>>) dst(%dma_wait3A_803 : memref<64x128xf32, #tpu.memory_space<vmem>>)
      } else {
      }
      %eq3A_735 = arith.constant 5 : i32
      %eq3A_736 = arith.cmpi eq, %rem3A_709, %eq3A_735 : i32
      %convert_element_type3A_737 = arith.extui %eq3A_736 : i1 to i32
      %cond3A_738 = arith.constant 0 : i32
      %cond3A_739 = arith.cmpi ne, %convert_element_type3A_737, %cond3A_738 : i32
      scf.if %cond3A_739 {
        %dma_wait3A = arith.constant 5 : i32
        %dma_wait3A_793 = arith.constant 0 : i32
        %dma_wait3A_794 = arith.constant 0 : i32
        %dma_wait3A_795 = tpu.memref_slice %arg8[%dma_wait3A, %dma_wait3A_793, %dma_wait3A_794] : memref<10x64x128xf32, #tpu.memory_space<vmem>> -> memref<1x64x128xf32, #tpu.memory_space<vmem>>
        %dma_wait3A_796 = tpu.memref_squeeze %dma_wait3A_795 : memref<1x64x128xf32, #tpu.memory_space<vmem>> -> memref<64x128xf32, #tpu.memory_space<vmem>>
        %dma_wait3A_797 = arith.constant 0 : i32
        %dma_wait3A_798 = arith.constant 0 : i32
        %dma_wait3A_799 = tpu.memref_slice %arg3[%dma_wait3A_797, %dma_wait3A_798] : memref<64x1000000xf32, #tpu.memory_space<hbm>> -> memref<64x128xf32, #tpu.memory_space<hbm>>
        %dma_wait3A_800 = arith.constant 0 : i32
        %dma_wait3A_801 = arith.constant 0 : i32
        %dma_wait3A_802 = tpu.memref_slice %arg8[%dma_wait3A, %dma_wait3A_800, %dma_wait3A_801] : memref<10x64x128xf32, #tpu.memory_space<vmem>> -> memref<1x64x128xf32, #tpu.memory_space<vmem>>
        %dma_wait3A_803 = tpu.memref_squeeze %dma_wait3A_802 : memref<1x64x128xf32, #tpu.memory_space<vmem>> -> memref<64x128xf32, #tpu.memory_space<vmem>>
        %dma_wait3A_804 = arith.constant 0 : i32
        %dma_wait3A_805 = arith.constant 0 : i32
        %dma_wait3A_806 = tpu.memref_slice %arg3[%dma_wait3A_804, %dma_wait3A_805] : memref<64x1000000xf32, #tpu.memory_space<hbm>> -> memref<64x128xf32, #tpu.memory_space<hbm>>
        tpu.wait_dma2 semaphore(%arg18 : memref<!tpu.dma_semaphore, #tpu.memory_space<semaphore_mem>>) src(%dma_wait3A_806 : memref<64x128xf32, #tpu.memory_space<hbm>>) dst(%dma_wait3A_803 : memref<64x128xf32, #tpu.memory_space<vmem>>)
      } else {
      }
      %eq3A_740 = arith.constant 6 : i32
      %eq3A_741 = arith.cmpi eq, %rem3A_709, %eq3A_740 : i32
      %convert_element_type3A_742 = arith.extui %eq3A_741 : i1 to i32
      %cond3A_743 = arith.constant 0 : i32
      %cond3A_744 = arith.cmpi ne, %convert_element_type3A_742, %cond3A_743 : i32
      scf.if %cond3A_744 {
        %dma_wait3A = arith.constant 6 : i32
        %dma_wait3A_793 = arith.constant 0 : i32
        %dma_wait3A_794 = arith.constant 0 : i32
        %dma_wait3A_795 = tpu.memref_slice %arg8[%dma_wait3A, %dma_wait3A_793, %dma_wait3A_794] : memref<10x64x128xf32, #tpu.memory_space<vmem>> -> memref<1x64x128xf32, #tpu.memory_space<vmem>>
        %dma_wait3A_796 = tpu.memref_squeeze %dma_wait3A_795 : memref<1x64x128xf32, #tpu.memory_space<vmem>> -> memref<64x128xf32, #tpu.memory_space<vmem>>
        %dma_wait3A_797 = arith.constant 0 : i32
        %dma_wait3A_798 = arith.constant 0 : i32
        %dma_wait3A_799 = tpu.memref_slice %arg3[%dma_wait3A_797, %dma_wait3A_798] : memref<64x1000000xf32, #tpu.memory_space<hbm>> -> memref<64x128xf32, #tpu.memory_space<hbm>>
        %dma_wait3A_800 = arith.constant 0 : i32
        %dma_wait3A_801 = arith.constant 0 : i32
        %dma_wait3A_802 = tpu.memref_slice %arg8[%dma_wait3A, %dma_wait3A_800, %dma_wait3A_801] : memref<10x64x128xf32, #tpu.memory_space<vmem>> -> memref<1x64x128xf32, #tpu.memory_space<vmem>>
        %dma_wait3A_803 = tpu.memref_squeeze %dma_wait3A_802 : memref<1x64x128xf32, #tpu.memory_space<vmem>> -> memref<64x128xf32, #tpu.memory_space<vmem>>
        %dma_wait3A_804 = arith.constant 0 : i32
        %dma_wait3A_805 = arith.constant 0 : i32
        %dma_wait3A_806 = tpu.memref_slice %arg3[%dma_wait3A_804, %dma_wait3A_805] : memref<64x1000000xf32, #tpu.memory_space<hbm>> -> memref<64x128xf32, #tpu.memory_space<hbm>>
        tpu.wait_dma2 semaphore(%arg19 : memref<!tpu.dma_semaphore, #tpu.memory_space<semaphore_mem>>) src(%dma_wait3A_806 : memref<64x128xf32, #tpu.memory_space<hbm>>) dst(%dma_wait3A_803 : memref<64x128xf32, #tpu.memory_space<vmem>>)
      } else {
      }
      %eq3A_745 = arith.constant 7 : i32
      %eq3A_746 = arith.cmpi eq, %rem3A_709, %eq3A_745 : i32
      %convert_element_type3A_747 = arith.extui %eq3A_746 : i1 to i32
      %cond3A_748 = arith.constant 0 : i32
      %cond3A_749 = arith.cmpi ne, %convert_element_type3A_747, %cond3A_748 : i32
      scf.if %cond3A_749 {
        %dma_wait3A = arith.constant 7 : i32
        %dma_wait3A_793 = arith.constant 0 : i32
        %dma_wait3A_794 = arith.constant 0 : i32
        %dma_wait3A_795 = tpu.memref_slice %arg8[%dma_wait3A, %dma_wait3A_793, %dma_wait3A_794] : memref<10x64x128xf32, #tpu.memory_space<vmem>> -> memref<1x64x128xf32, #tpu.memory_space<vmem>>
        %dma_wait3A_796 = tpu.memref_squeeze %dma_wait3A_795 : memref<1x64x128xf32, #tpu.memory_space<vmem>> -> memref<64x128xf32, #tpu.memory_space<vmem>>
        %dma_wait3A_797 = arith.constant 0 : i32
        %dma_wait3A_798 = arith.constant 0 : i32
        %dma_wait3A_799 = tpu.memref_slice %arg3[%dma_wait3A_797, %dma_wait3A_798] : memref<64x1000000xf32, #tpu.memory_space<hbm>> -> memref<64x128xf32, #tpu.memory_space<hbm>>
        %dma_wait3A_800 = arith.constant 0 : i32
        %dma_wait3A_801 = arith.constant 0 : i32
        %dma_wait3A_802 = tpu.memref_slice %arg8[%dma_wait3A, %dma_wait3A_800, %dma_wait3A_801] : memref<10x64x128xf32, #tpu.memory_space<vmem>> -> memref<1x64x128xf32, #tpu.memory_space<vmem>>
        %dma_wait3A_803 = tpu.memref_squeeze %dma_wait3A_802 : memref<1x64x128xf32, #tpu.memory_space<vmem>> -> memref<64x128xf32, #tpu.memory_space<vmem>>
        %dma_wait3A_804 = arith.constant 0 : i32
        %dma_wait3A_805 = arith.constant 0 : i32
        %dma_wait3A_806 = tpu.memref_slice %arg3[%dma_wait3A_804, %dma_wait3A_805] : memref<64x1000000xf32, #tpu.memory_space<hbm>> -> memref<64x128xf32, #tpu.memory_space<hbm>>
        tpu.wait_dma2 semaphore(%arg20 : memref<!tpu.dma_semaphore, #tpu.memory_space<semaphore_mem>>) src(%dma_wait3A_806 : memref<64x128xf32, #tpu.memory_space<hbm>>) dst(%dma_wait3A_803 : memref<64x128xf32, #tpu.memory_space<vmem>>)
      } else {
      }
      %eq3A_750 = arith.constant 8 : i32
      %eq3A_751 = arith.cmpi eq, %rem3A_709, %eq3A_750 : i32
      %convert_element_type3A_752 = arith.extui %eq3A_751 : i1 to i32
      %cond3A_753 = arith.constant 0 : i32
      %cond3A_754 = arith.cmpi ne, %convert_element_type3A_752, %cond3A_753 : i32
      scf.if %cond3A_754 {
        %dma_wait3A = arith.constant 8 : i32
        %dma_wait3A_793 = arith.constant 0 : i32
        %dma_wait3A_794 = arith.constant 0 : i32
        %dma_wait3A_795 = tpu.memref_slice %arg8[%dma_wait3A, %dma_wait3A_793, %dma_wait3A_794] : memref<10x64x128xf32, #tpu.memory_space<vmem>> -> memref<1x64x128xf32, #tpu.memory_space<vmem>>
        %dma_wait3A_796 = tpu.memref_squeeze %dma_wait3A_795 : memref<1x64x128xf32, #tpu.memory_space<vmem>> -> memref<64x128xf32, #tpu.memory_space<vmem>>
        %dma_wait3A_797 = arith.constant 0 : i32
        %dma_wait3A_798 = arith.constant 0 : i32
        %dma_wait3A_799 = tpu.memref_slice %arg3[%dma_wait3A_797, %dma_wait3A_798] : memref<64x1000000xf32, #tpu.memory_space<hbm>> -> memref<64x128xf32, #tpu.memory_space<hbm>>
        %dma_wait3A_800 = arith.constant 0 : i32
        %dma_wait3A_801 = arith.constant 0 : i32
        %dma_wait3A_802 = tpu.memref_slice %arg8[%dma_wait3A, %dma_wait3A_800, %dma_wait3A_801] : memref<10x64x128xf32, #tpu.memory_space<vmem>> -> memref<1x64x128xf32, #tpu.memory_space<vmem>>
        %dma_wait3A_803 = tpu.memref_squeeze %dma_wait3A_802 : memref<1x64x128xf32, #tpu.memory_space<vmem>> -> memref<64x128xf32, #tpu.memory_space<vmem>>
        %dma_wait3A_804 = arith.constant 0 : i32
        %dma_wait3A_805 = arith.constant 0 : i32
        %dma_wait3A_806 = tpu.memref_slice %arg3[%dma_wait3A_804, %dma_wait3A_805] : memref<64x1000000xf32, #tpu.memory_space<hbm>> -> memref<64x128xf32, #tpu.memory_space<hbm>>
        tpu.wait_dma2 semaphore(%arg21 : memref<!tpu.dma_semaphore, #tpu.memory_space<semaphore_mem>>) src(%dma_wait3A_806 : memref<64x128xf32, #tpu.memory_space<hbm>>) dst(%dma_wait3A_803 : memref<64x128xf32, #tpu.memory_space<vmem>>)
      } else {
      }
      %eq3A_755 = arith.constant 9 : i32
      %eq3A_756 = arith.cmpi eq, %rem3A_709, %eq3A_755 : i32
      %convert_element_type3A_757 = arith.extui %eq3A_756 : i1 to i32
      %cond3A_758 = arith.constant 0 : i32
      %cond3A_759 = arith.cmpi ne, %convert_element_type3A_757, %cond3A_758 : i32
      scf.if %cond3A_759 {
        %dma_wait3A = arith.constant 9 : i32
        %dma_wait3A_793 = arith.constant 0 : i32
        %dma_wait3A_794 = arith.constant 0 : i32
        %dma_wait3A_795 = tpu.memref_slice %arg8[%dma_wait3A, %dma_wait3A_793, %dma_wait3A_794] : memref<10x64x128xf32, #tpu.memory_space<vmem>> -> memref<1x64x128xf32, #tpu.memory_space<vmem>>
        %dma_wait3A_796 = tpu.memref_squeeze %dma_wait3A_795 : memref<1x64x128xf32, #tpu.memory_space<vmem>> -> memref<64x128xf32, #tpu.memory_space<vmem>>
        %dma_wait3A_797 = arith.constant 0 : i32
        %dma_wait3A_798 = arith.constant 0 : i32
        %dma_wait3A_799 = tpu.memref_slice %arg3[%dma_wait3A_797, %dma_wait3A_798] : memref<64x1000000xf32, #tpu.memory_space<hbm>> -> memref<64x128xf32, #tpu.memory_space<hbm>>
        %dma_wait3A_800 = arith.constant 0 : i32
        %dma_wait3A_801 = arith.constant 0 : i32
        %dma_wait3A_802 = tpu.memref_slice %arg8[%dma_wait3A, %dma_wait3A_800, %dma_wait3A_801] : memref<10x64x128xf32, #tpu.memory_space<vmem>> -> memref<1x64x128xf32, #tpu.memory_space<vmem>>
        %dma_wait3A_803 = tpu.memref_squeeze %dma_wait3A_802 : memref<1x64x128xf32, #tpu.memory_space<vmem>> -> memref<64x128xf32, #tpu.memory_space<vmem>>
        %dma_wait3A_804 = arith.constant 0 : i32
        %dma_wait3A_805 = arith.constant 0 : i32
        %dma_wait3A_806 = tpu.memref_slice %arg3[%dma_wait3A_804, %dma_wait3A_805] : memref<64x1000000xf32, #tpu.memory_space<hbm>> -> memref<64x128xf32, #tpu.memory_space<hbm>>
        tpu.wait_dma2 semaphore(%arg22 : memref<!tpu.dma_semaphore, #tpu.memory_space<semaphore_mem>>) src(%dma_wait3A_806 : memref<64x128xf32, #tpu.memory_space<hbm>>) dst(%dma_wait3A_803 : memref<64x128xf32, #tpu.memory_space<vmem>>)
      } else {
      }
      %rem3A_760 = arith.constant 10 : i32
      %rem3A_761 = arith.remsi %while3A_707, %rem3A_760 : i32
      %mul3A_762 = arith.constant 1 : i32
      %mul3A_763 = arith.muli %while3A_707, %mul3A_762 : i32
      %sub3A_764 = arith.constant 1 : i32
      %sub3A_765 = arith.subi %add3A_8, %sub3A_764 : i32
      %min3A_766 = arith.minsi %mul3A_763, %sub3A_765 : i32
      %mul3A_767 = arith.constant 1 : i32
      %mul3A_768 = arith.muli %while3A_707, %mul3A_767 : i32
      %min3A_769 = arith.minsi %mul3A_768, %add3A_8 : i32
      %get3A = arith.index_cast %min3A_769 : i32 to index
      %get3A_770 = memref.load %arg11[%get3A] : memref<246xi32, #tpu.memory_space<smem>>
      %mul3A_771 = arith.constant 1 : i32
      %mul3A_772 = arith.muli %while3A_707, %mul3A_771 : i32
      %add3A_773 = arith.constant 1 : i32
      %add3A_774 = arith.addi %mul3A_772, %add3A_773 : i32
      %min3A_775 = arith.minsi %add3A_774, %add3A_8 : i32
      %get3A_776 = arith.index_cast %min3A_775 : i32 to index
      %get3A_777 = memref.load %arg11[%get3A_776] : memref<246xi32, #tpu.memory_space<smem>>
      %while3A_778 = arith.constant 0 : i32
      %while3A_779 = arith.subi %get3A_777, %get3A_770 : i32
      %while3A_780 = arith.addi %get3A_770, %while3A_779 : i32
      %while3A_781 = arith.constant 1 : i32
      %while3A_782 = arith.divsi %while3A_779, %while3A_781 : i32
      %while3A_783 = arith.muli %while3A_782, %while3A_781 : i32
      %while3A_784 = arith.addi %get3A_770, %while3A_783 : i32
      %while3A_785 = arith.constant 1 : i32
      scf.for %while3A_793 = %get3A_770 to %while3A_784 step %while3A_785  : i32 {
        %get3A_794 = arith.index_cast %while3A_793 : i32 to index
        %get3A_795 = tpu.vector_load %arg7[%get3A_794] {strides = array<i32>} : memref<4112xi32, #tpu.memory_space<vmem>>, vector<16xi32>,
        %slice3A = vector.extract_strided_slice %get3A_795 {offsets = [0], sizes = [1], strides = [1]} : vector<16xi32> to vector<1xi32>
        %squeeze3A = vector.extract %slice3A[0] : i32 from vector<1xi32>
        %and3A_796 = arith.constant 255 : i32
        %and3A_797 = arith.andi %squeeze3A, %and3A_796 : i32
        %shift_right_arithmetic3A = arith.constant 8 : i32
        %shift_right_arithmetic3A_798 = arith.shrsi %squeeze3A, %shift_right_arithmetic3A : i32
        %and3A_799 = arith.constant 127 : i32
        %and3A_800 = arith.andi %shift_right_arithmetic3A_798, %and3A_799 : i32
        %shift_right_arithmetic3A_801 = arith.constant 15 : i32
        %shift_right_arithmetic3A_802 = arith.shrsi %squeeze3A, %shift_right_arithmetic3A_801 : i32
        %sub3A_803 = arith.subi %and3A_797, %min3A_766 : i32
        %mul3A_804 = arith.constant 128 : i32
        %mul3A_805 = arith.muli %sub3A_803, %mul3A_804 : i32
        %add3A_806 = arith.addi %mul3A_805, %and3A_800 : i32
        %broadcast_in_dim3A = vector.broadcast %add3A_806 : i32 to vector<16xi32>
        %broadcast_in_dim3A_807 = vector.broadcast %rem3A_761 : i32 to vector<16xi32>
        %rem3A_808 = arith.constant 64 : i32
        %rem3A_809 = arith.remsi %while3A_793, %rem3A_808 : i32
        %eq3A_810 = arith.constant 0 : i32
        %eq3A_811 = arith.cmpi eq, %rem3A_809, %eq3A_810 : i32
        %gt3A_812 = arith.constant 0 : i32
        %gt3A_813 = arith.cmpi sgt, %while3A_793, %gt3A_812 : i32
        %and3A_814 = arith.andi %eq3A_811, %gt3A_813 : i1
        %convert_element_type3A_815 = arith.extui %and3A_814 : i1 to i32
        %cond3A_816 = arith.constant 0 : i32
        %cond3A_817 = arith.cmpi ne, %convert_element_type3A_815, %cond3A_816 : i32
        scf.if %cond3A_817 {
          %dma_wait3A = arith.constant 0 : i32
          %dma_wait3A_851 = arith.constant 0 : i32
          %dma_wait3A_852 = tpu.memref_slice %arg4[%dma_wait3A, %dma_wait3A_851] : memref<16384x64xf32, #tpu.memory_space<hbm>> -> memref<64x64xf32, #tpu.memory_space<hbm>>
          %dma_wait3A_853 = arith.constant 0 : i32
          %dma_wait3A_854 = arith.constant 0 : i32
          %dma_wait3A_855 = tpu.memref_slice %arg4[%dma_wait3A_853, %dma_wait3A_854] : memref<16384x64xf32, #tpu.memory_space<hbm>> -> memref<64x64xf32, #tpu.memory_space<hbm>>
          tpu.wait_dma2 semaphore(%arg23 : memref<!tpu.dma_semaphore, #tpu.memory_space<semaphore_mem>>) src(%dma_wait3A_855 : memref<64x64xf32, #tpu.memory_space<hbm>>) dst(%arg9 : memref<64x64xf32, #tpu.memory_space<vmem>>)
        } else {
        }
        %add3A_818 = arith.constant 0 : i32
        %add3A_819 = vector.broadcast %add3A_818 : i32 to vector<16xi32>
        %add3A_820 = arith.addi %iota3A, %add3A_819 : vector<16xi32>
        %gather3A = tpu.vector_load_idx %arg8[%broadcast_in_dim3A_807, %add3A_820, %broadcast_in_dim3A] : memref<10x64x128xf32, #tpu.memory_space<vmem>>[vector<16xi32>, vector<16xi32>, vector<16xi32>], vector<16xf32>,
        %swap3A = arith.index_cast %rem3A_809 : i32 to index
        %swap3A_821 = arith.constant 0 : index
        %swap3A_822 = tpu.vector_load %arg9[%swap3A, %swap3A_821] {strides = array<i32>} : memref<64x64xf32, #tpu.memory_space<vmem>>, vector<16xf32>,
        tpu.vector_store %arg9[%swap3A, %swap3A_821], %gather3A {strides = array<i32>} : memref<64x64xf32, #tpu.memory_space<vmem>>, vector<16xf32>,
        %add3A_823 = arith.constant 16 : i32
        %add3A_824 = vector.broadcast %add3A_823 : i32 to vector<16xi32>
        %add3A_825 = arith.addi %iota3A, %add3A_824 : vector<16xi32>
        %gather3A_826 = tpu.vector_load_idx %arg8[%broadcast_in_dim3A_807, %add3A_825, %broadcast_in_dim3A] : memref<10x64x128xf32, #tpu.memory_space<vmem>>[vector<16xi32>, vector<16xi32>, vector<16xi32>], vector<16xf32>,
        %swap3A_827 = arith.index_cast %rem3A_809 : i32 to index
        %swap3A_828 = arith.constant 16 : index
        %swap3A_829 = tpu.vector_load %arg9[%swap3A_827, %swap3A_828] {strides = array<i32>} : memref<64x64xf32, #tpu.memory_space<vmem>>, vector<16xf32>,
        tpu.vector_store %arg9[%swap3A_827, %swap3A_828], %gather3A_826 {strides = array<i32>} : memref<64x64xf32, #tpu.memory_space<vmem>>, vector<16xf32>,
        %add3A_830 = arith.constant 32 : i32
        %add3A_831 = vector.broadcast %add3A_830 : i32 to vector<16xi32>
        %add3A_832 = arith.addi %iota3A, %add3A_831 : vector<16xi32>
        %gather3A_833 = tpu.vector_load_idx %arg8[%broadcast_in_dim3A_807, %add3A_832, %broadcast_in_dim3A] : memref<10x64x128xf32, #tpu.memory_space<vmem>>[vector<16xi32>, vector<16xi32>, vector<16xi32>], vector<16xf32>,
        %swap3A_834 = arith.index_cast %rem3A_809 : i32 to index
        %swap3A_835 = arith.constant 32 : index
        %swap3A_836 = tpu.vector_load %arg9[%swap3A_834, %swap3A_835] {strides = array<i32>} : memref<64x64xf32, #tpu.memory_space<vmem>>, vector<16xf32>,
        tpu.vector_store %arg9[%swap3A_834, %swap3A_835], %gather3A_833 {strides = array<i32>} : memref<64x64xf32, #tpu.memory_space<vmem>>, vector<16xf32>,
        %add3A_837 = arith.constant 48 : i32
        %add3A_838 = vector.broadcast %add3A_837 : i32 to vector<16xi32>
        %add3A_839 = arith.addi %iota3A, %add3A_838 : vector<16xi32>
        %gather3A_840 = tpu.vector_load_idx %arg8[%broadcast_in_dim3A_807, %add3A_839, %broadcast_in_dim3A] : memref<10x64x128xf32, #tpu.memory_space<vmem>>[vector<16xi32>, vector<16xi32>, vector<16xi32>], vector<16xf32>,
        %swap3A_841 = arith.index_cast %rem3A_809 : i32 to index
        %swap3A_842 = arith.constant 48 : index
        %swap3A_843 = tpu.vector_load %arg9[%swap3A_841, %swap3A_842] {strides = array<i32>} : memref<64x64xf32, #tpu.memory_space<vmem>>, vector<16xf32>,
        tpu.vector_store %arg9[%swap3A_841, %swap3A_842], %gather3A_840 {strides = array<i32>} : memref<64x64xf32, #tpu.memory_space<vmem>>, vector<16xf32>,
        %dma_start3A = arith.constant 0 : i32
        %dma_start3A_844 = tpu.memref_slice %arg9[%rem3A_809, %dma_start3A] : memref<64x64xf32, #tpu.memory_space<vmem>> -> memref<1x64xf32, #tpu.memory_space<vmem>>
        %dma_start3A_845 = arith.constant 0 : i32
        %dma_start3A_846 = tpu.memref_slice %arg4[%shift_right_arithmetic3A_802, %dma_start3A_845] : memref<16384x64xf32, #tpu.memory_space<hbm>> -> memref<1x64xf32, #tpu.memory_space<hbm>>
        %dma_start3A_847 = arith.constant 0 : i32
        %dma_start3A_848 = tpu.memref_slice %arg4[%shift_right_arithmetic3A_802, %dma_start3A_847] : memref<16384x64xf32, #tpu.memory_space<hbm>> -> memref<1x64xf32, #tpu.memory_space<hbm>>
        %dma_start3A_849 = arith.constant 0 : i32
        %dma_start3A_850 = tpu.memref_slice %arg9[%rem3A_809, %dma_start3A_849] : memref<64x64xf32, #tpu.memory_space<vmem>> -> memref<1x64xf32, #tpu.memory_space<vmem>>
        tpu.enqueue_dma source(%dma_start3A_850 : memref<1x64xf32, #tpu.memory_space<vmem>>) target(%dma_start3A_848 : memref<1x64xf32, #tpu.memory_space<hbm>>) target_semaphore(%arg23 : memref<!tpu.dma_semaphore, #tpu.memory_space<semaphore_mem>>)
      }
      %while3A_786 = arith.constant 1 : i32
      scf.for %while3A_793 = %while3A_784 to %while3A_780 step %while3A_786  : i32 {
        %get3A_794 = arith.index_cast %while3A_793 : i32 to index
        %get3A_795 = tpu.vector_load %arg7[%get3A_794] {strides = array<i32>} : memref<4112xi32, #tpu.memory_space<vmem>>, vector<16xi32>,
        %slice3A = vector.extract_strided_slice %get3A_795 {offsets = [0], sizes = [1], strides = [1]} : vector<16xi32> to vector<1xi32>
        %squeeze3A = vector.extract %slice3A[0] : i32 from vector<1xi32>
        %and3A_796 = arith.constant 255 : i32
        %and3A_797 = arith.andi %squeeze3A, %and3A_796 : i32
        %shift_right_arithmetic3A = arith.constant 8 : i32
        %shift_right_arithmetic3A_798 = arith.shrsi %squeeze3A, %shift_right_arithmetic3A : i32
        %and3A_799 = arith.constant 127 : i32
        %and3A_800 = arith.andi %shift_right_arithmetic3A_798, %and3A_799 : i32
        %shift_right_arithmetic3A_801 = arith.constant 15 : i32
        %shift_right_arithmetic3A_802 = arith.shrsi %squeeze3A, %shift_right_arithmetic3A_801 : i32
        %sub3A_803 = arith.subi %and3A_797, %min3A_766 : i32
        %mul3A_804 = arith.constant 128 : i32
        %mul3A_805 = arith.muli %sub3A_803, %mul3A_804 : i32
        %add3A_806 = arith.addi %mul3A_805, %and3A_800 : i32
        %broadcast_in_dim3A = vector.broadcast %add3A_806 : i32 to vector<16xi32>
        %broadcast_in_dim3A_807 = vector.broadcast %rem3A_761 : i32 to vector<16xi32>
        %rem3A_808 = arith.constant 64 : i32
        %rem3A_809 = arith.remsi %while3A_793, %rem3A_808 : i32
        %eq3A_810 = arith.constant 0 : i32
        %eq3A_811 = arith.cmpi eq, %rem3A_809, %eq3A_810 : i32
        %gt3A_812 = arith.constant 0 : i32
        %gt3A_813 = arith.cmpi sgt, %while3A_793, %gt3A_812 : i32
        %and3A_814 = arith.andi %eq3A_811, %gt3A_813 : i1
        %convert_element_type3A_815 = arith.extui %and3A_814 : i1 to i32
        %cond3A_816 = arith.constant 0 : i32
        %cond3A_817 = arith.cmpi ne, %convert_element_type3A_815, %cond3A_816 : i32
        scf.if %cond3A_817 {
          %dma_wait3A = arith.constant 0 : i32
          %dma_wait3A_851 = arith.constant 0 : i32
          %dma_wait3A_852 = tpu.memref_slice %arg4[%dma_wait3A, %dma_wait3A_851] : memref<16384x64xf32, #tpu.memory_space<hbm>> -> memref<64x64xf32, #tpu.memory_space<hbm>>
          %dma_wait3A_853 = arith.constant 0 : i32
          %dma_wait3A_854 = arith.constant 0 : i32
          %dma_wait3A_855 = tpu.memref_slice %arg4[%dma_wait3A_853, %dma_wait3A_854] : memref<16384x64xf32, #tpu.memory_space<hbm>> -> memref<64x64xf32, #tpu.memory_space<hbm>>
          tpu.wait_dma2 semaphore(%arg23 : memref<!tpu.dma_semaphore, #tpu.memory_space<semaphore_mem>>) src(%dma_wait3A_855 : memref<64x64xf32, #tpu.memory_space<hbm>>) dst(%arg9 : memref<64x64xf32, #tpu.memory_space<vmem>>)
        } else {
        }
        %add3A_818 = arith.constant 0 : i32
        %add3A_819 = vector.broadcast %add3A_818 : i32 to vector<16xi32>
        %add3A_820 = arith.addi %iota3A, %add3A_819 : vector<16xi32>
        %gather3A = tpu.vector_load_idx %arg8[%broadcast_in_dim3A_807, %add3A_820, %broadcast_in_dim3A] : memref<10x64x128xf32, #tpu.memory_space<vmem>>[vector<16xi32>, vector<16xi32>, vector<16xi32>], vector<16xf32>,
        %swap3A = arith.index_cast %rem3A_809 : i32 to index
        %swap3A_821 = arith.constant 0 : index
        %swap3A_822 = tpu.vector_load %arg9[%swap3A, %swap3A_821] {strides = array<i32>} : memref<64x64xf32, #tpu.memory_space<vmem>>, vector<16xf32>,
        tpu.vector_store %arg9[%swap3A, %swap3A_821], %gather3A {strides = array<i32>} : memref<64x64xf32, #tpu.memory_space<vmem>>, vector<16xf32>,
        %add3A_823 = arith.constant 16 : i32
        %add3A_824 = vector.broadcast %add3A_823 : i32 to vector<16xi32>
        %add3A_825 = arith.addi %iota3A, %add3A_824 : vector<16xi32>
        %gather3A_826 = tpu.vector_load_idx %arg8[%broadcast_in_dim3A_807, %add3A_825, %broadcast_in_dim3A] : memref<10x64x128xf32, #tpu.memory_space<vmem>>[vector<16xi32>, vector<16xi32>, vector<16xi32>], vector<16xf32>,
        %swap3A_827 = arith.index_cast %rem3A_809 : i32 to index
        %swap3A_828 = arith.constant 16 : index
        %swap3A_829 = tpu.vector_load %arg9[%swap3A_827, %swap3A_828] {strides = array<i32>} : memref<64x64xf32, #tpu.memory_space<vmem>>, vector<16xf32>,
        tpu.vector_store %arg9[%swap3A_827, %swap3A_828], %gather3A_826 {strides = array<i32>} : memref<64x64xf32, #tpu.memory_space<vmem>>, vector<16xf32>,
        %add3A_830 = arith.constant 32 : i32
        %add3A_831 = vector.broadcast %add3A_830 : i32 to vector<16xi32>
        %add3A_832 = arith.addi %iota3A, %add3A_831 : vector<16xi32>
        %gather3A_833 = tpu.vector_load_idx %arg8[%broadcast_in_dim3A_807, %add3A_832, %broadcast_in_dim3A] : memref<10x64x128xf32, #tpu.memory_space<vmem>>[vector<16xi32>, vector<16xi32>, vector<16xi32>], vector<16xf32>,
        %swap3A_834 = arith.index_cast %rem3A_809 : i32 to index
        %swap3A_835 = arith.constant 32 : index
        %swap3A_836 = tpu.vector_load %arg9[%swap3A_834, %swap3A_835] {strides = array<i32>} : memref<64x64xf32, #tpu.memory_space<vmem>>, vector<16xf32>,
        tpu.vector_store %arg9[%swap3A_834, %swap3A_835], %gather3A_833 {strides = array<i32>} : memref<64x64xf32, #tpu.memory_space<vmem>>, vector<16xf32>,
        %add3A_837 = arith.constant 48 : i32
        %add3A_838 = vector.broadcast %add3A_837 : i32 to vector<16xi32>
        %add3A_839 = arith.addi %iota3A, %add3A_838 : vector<16xi32>
        %gather3A_840 = tpu.vector_load_idx %arg8[%broadcast_in_dim3A_807, %add3A_839, %broadcast_in_dim3A] : memref<10x64x128xf32, #tpu.memory_space<vmem>>[vector<16xi32>, vector<16xi32>, vector<16xi32>], vector<16xf32>,
        %swap3A_841 = arith.index_cast %rem3A_809 : i32 to index
        %swap3A_842 = arith.constant 48 : index
        %swap3A_843 = tpu.vector_load %arg9[%swap3A_841, %swap3A_842] {strides = array<i32>} : memref<64x64xf32, #tpu.memory_space<vmem>>, vector<16xf32>,
        tpu.vector_store %arg9[%swap3A_841, %swap3A_842], %gather3A_840 {strides = array<i32>} : memref<64x64xf32, #tpu.memory_space<vmem>>, vector<16xf32>,
        %dma_start3A = arith.constant 0 : i32
        %dma_start3A_844 = tpu.memref_slice %arg9[%rem3A_809, %dma_start3A] : memref<64x64xf32, #tpu.memory_space<vmem>> -> memref<1x64xf32, #tpu.memory_space<vmem>>
        %dma_start3A_845 = arith.constant 0 : i32
        %dma_start3A_846 = tpu.memref_slice %arg4[%shift_right_arithmetic3A_802, %dma_start3A_845] : memref<16384x64xf32, #tpu.memory_space<hbm>> -> memref<1x64xf32, #tpu.memory_space<hbm>>
        %dma_start3A_847 = arith.constant 0 : i32
        %dma_start3A_848 = tpu.memref_slice %arg4[%shift_right_arithmetic3A_802, %dma_start3A_847] : memref<16384x64xf32, #tpu.memory_space<hbm>> -> memref<1x64xf32, #tpu.memory_space<hbm>>
        %dma_start3A_849 = arith.constant 0 : i32
        %dma_start3A_850 = tpu.memref_slice %arg9[%rem3A_809, %dma_start3A_849] : memref<64x64xf32, #tpu.memory_space<vmem>> -> memref<1x64xf32, #tpu.memory_space<vmem>>
        tpu.enqueue_dma source(%dma_start3A_850 : memref<1x64xf32, #tpu.memory_space<vmem>>) target(%dma_start3A_848 : memref<1x64xf32, #tpu.memory_space<hbm>>) target_semaphore(%arg23 : memref<!tpu.dma_semaphore, #tpu.memory_space<semaphore_mem>>)
      }
      %add3A_787 = arith.constant 10 : i32
      %add3A_788 = arith.addi %while3A_707, %add3A_787 : i32
      %lt3A_789 = arith.cmpi slt, %add3A_788, %select_n3A_30 : i32
      %convert_element_type3A_790 = arith.extui %lt3A_789 : i1 to i32
      %cond3A_791 = arith.constant 0 : i32
      %cond3A_792 = arith.cmpi ne, %convert_element_type3A_790, %cond3A_791 : i32
      scf.if %cond3A_792 {
        %add3A_793 = arith.constant 10 : i32
        %add3A_794 = arith.addi %while3A_707, %add3A_793 : i32
        %mul3A_795 = arith.constant 1 : i32
        %mul3A_796 = arith.muli %add3A_794, %mul3A_795 : i32
        %sub3A_797 = arith.constant 1 : i32
        %sub3A_798 = arith.subi %add3A_8, %sub3A_797 : i32
        %min3A_799 = arith.minsi %mul3A_796, %sub3A_798 : i32
        %add3A_800 = arith.addi %add3A_4, %min3A_799 : i32
        %mul3A_801 = arith.constant 128 : i32
        %mul3A_802 = arith.muli %add3A_800, %mul3A_801 : i32
        %multiple_of3A_803 = tpu.assume_multiple %mul3A_802, 128 : i32
        %rem3A_804 = arith.constant 10 : i32
        %rem3A_805 = arith.remsi %add3A_794, %rem3A_804 : i32
        %eq3A_806 = arith.constant 0 : i32
        %eq3A_807 = arith.cmpi eq, %rem3A_805, %eq3A_806 : i32
        %convert_element_type3A_808 = arith.extui %eq3A_807 : i1 to i32
        %cond3A_809 = arith.constant 0 : i32
        %cond3A_810 = arith.cmpi ne, %convert_element_type3A_808, %cond3A_809 : i32
        scf.if %cond3A_810 {
          %dma_start3A = arith.constant 0 : i32
          %dma_start3A_856 = arith.constant 0 : i32
          %dma_start3A_857 = arith.constant 0 : i32
          %dma_start3A_858 = tpu.memref_slice %arg8[%dma_start3A, %dma_start3A_856, %dma_start3A_857] : memref<10x64x128xf32, #tpu.memory_space<vmem>> -> memref<1x64x128xf32, #tpu.memory_space<vmem>>
          %dma_start3A_859 = tpu.memref_squeeze %dma_start3A_858 : memref<1x64x128xf32, #tpu.memory_space<vmem>> -> memref<64x128xf32, #tpu.memory_space<vmem>>
          %dma_start3A_860 = arith.constant 0 : i32
          %dma_start3A_861 = tpu.memref_slice %arg3[%dma_start3A_860, %multiple_of3A_803] : memref<64x1000000xf32, #tpu.memory_space<hbm>> -> memref<64x128xf32, #tpu.memory_space<hbm>>
          %dma_start3A_862 = arith.constant 0 : i32
          %dma_start3A_863 = arith.constant 0 : i32
          %dma_start3A_864 = tpu.memref_slice %arg8[%dma_start3A, %dma_start3A_862, %dma_start3A_863] : memref<10x64x128xf32, #tpu.memory_space<vmem>> -> memref<1x64x128xf32, #tpu.memory_space<vmem>>
          %dma_start3A_865 = tpu.memref_squeeze %dma_start3A_864 : memref<1x64x128xf32, #tpu.memory_space<vmem>> -> memref<64x128xf32, #tpu.memory_space<vmem>>
          %dma_start3A_866 = arith.constant 0 : i32
          %dma_start3A_867 = tpu.memref_slice %arg3[%dma_start3A_866, %multiple_of3A_803] : memref<64x1000000xf32, #tpu.memory_space<hbm>> -> memref<64x128xf32, #tpu.memory_space<hbm>>
          tpu.enqueue_dma source(%dma_start3A_867 : memref<64x128xf32, #tpu.memory_space<hbm>>) target(%dma_start3A_865 : memref<64x128xf32, #tpu.memory_space<vmem>>) target_semaphore(%arg13 : memref<!tpu.dma_semaphore, #tpu.memory_space<semaphore_mem>>)
        } else {
        }
        %eq3A_811 = arith.constant 1 : i32
        %eq3A_812 = arith.cmpi eq, %rem3A_805, %eq3A_811 : i32
        %convert_element_type3A_813 = arith.extui %eq3A_812 : i1 to i32
        %cond3A_814 = arith.constant 0 : i32
        %cond3A_815 = arith.cmpi ne, %convert_element_type3A_813, %cond3A_814 : i32
        scf.if %cond3A_815 {
          %dma_start3A = arith.constant 1 : i32
          %dma_start3A_856 = arith.constant 0 : i32
          %dma_start3A_857 = arith.constant 0 : i32
          %dma_start3A_858 = tpu.memref_slice %arg8[%dma_start3A, %dma_start3A_856, %dma_start3A_857] : memref<10x64x128xf32, #tpu.memory_space<vmem>> -> memref<1x64x128xf32, #tpu.memory_space<vmem>>
          %dma_start3A_859 = tpu.memref_squeeze %dma_start3A_858 : memref<1x64x128xf32, #tpu.memory_space<vmem>> -> memref<64x128xf32, #tpu.memory_space<vmem>>
          %dma_start3A_860 = arith.constant 0 : i32
          %dma_start3A_861 = tpu.memref_slice %arg3[%dma_start3A_860, %multiple_of3A_803] : memref<64x1000000xf32, #tpu.memory_space<hbm>> -> memref<64x128xf32, #tpu.memory_space<hbm>>
          %dma_start3A_862 = arith.constant 0 : i32
          %dma_start3A_863 = arith.constant 0 : i32
          %dma_start3A_864 = tpu.memref_slice %arg8[%dma_start3A, %dma_start3A_862, %dma_start3A_863] : memref<10x64x128xf32, #tpu.memory_space<vmem>> -> memref<1x64x128xf32, #tpu.memory_space<vmem>>
          %dma_start3A_865 = tpu.memref_squeeze %dma_start3A_864 : memref<1x64x128xf32, #tpu.memory_space<vmem>> -> memref<64x128xf32, #tpu.memory_space<vmem>>
          %dma_start3A_866 = arith.constant 0 : i32
          %dma_start3A_867 = tpu.memref_slice %arg3[%dma_start3A_866, %multiple_of3A_803] : memref<64x1000000xf32, #tpu.memory_space<hbm>> -> memref<64x128xf32, #tpu.memory_space<hbm>>
          tpu.enqueue_dma source(%dma_start3A_867 : memref<64x128xf32, #tpu.memory_space<hbm>>) target(%dma_start3A_865 : memref<64x128xf32, #tpu.memory_space<vmem>>) target_semaphore(%arg14 : memref<!tpu.dma_semaphore, #tpu.memory_space<semaphore_mem>>)
        } else {
        }
        %eq3A_816 = arith.constant 2 : i32
        %eq3A_817 = arith.cmpi eq, %rem3A_805, %eq3A_816 : i32
        %convert_element_type3A_818 = arith.extui %eq3A_817 : i1 to i32
        %cond3A_819 = arith.constant 0 : i32
        %cond3A_820 = arith.cmpi ne, %convert_element_type3A_818, %cond3A_819 : i32
        scf.if %cond3A_820 {
          %dma_start3A = arith.constant 2 : i32
          %dma_start3A_856 = arith.constant 0 : i32
          %dma_start3A_857 = arith.constant 0 : i32
          %dma_start3A_858 = tpu.memref_slice %arg8[%dma_start3A, %dma_start3A_856, %dma_start3A_857] : memref<10x64x128xf32, #tpu.memory_space<vmem>> -> memref<1x64x128xf32, #tpu.memory_space<vmem>>
          %dma_start3A_859 = tpu.memref_squeeze %dma_start3A_858 : memref<1x64x128xf32, #tpu.memory_space<vmem>> -> memref<64x128xf32, #tpu.memory_space<vmem>>
          %dma_start3A_860 = arith.constant 0 : i32
          %dma_start3A_861 = tpu.memref_slice %arg3[%dma_start3A_860, %multiple_of3A_803] : memref<64x1000000xf32, #tpu.memory_space<hbm>> -> memref<64x128xf32, #tpu.memory_space<hbm>>
          %dma_start3A_862 = arith.constant 0 : i32
          %dma_start3A_863 = arith.constant 0 : i32
          %dma_start3A_864 = tpu.memref_slice %arg8[%dma_start3A, %dma_start3A_862, %dma_start3A_863] : memref<10x64x128xf32, #tpu.memory_space<vmem>> -> memref<1x64x128xf32, #tpu.memory_space<vmem>>
          %dma_start3A_865 = tpu.memref_squeeze %dma_start3A_864 : memref<1x64x128xf32, #tpu.memory_space<vmem>> -> memref<64x128xf32, #tpu.memory_space<vmem>>
          %dma_start3A_866 = arith.constant 0 : i32
          %dma_start3A_867 = tpu.memref_slice %arg3[%dma_start3A_866, %multiple_of3A_803] : memref<64x1000000xf32, #tpu.memory_space<hbm>> -> memref<64x128xf32, #tpu.memory_space<hbm>>
          tpu.enqueue_dma source(%dma_start3A_867 : memref<64x128xf32, #tpu.memory_space<hbm>>) target(%dma_start3A_865 : memref<64x128xf32, #tpu.memory_space<vmem>>) target_semaphore(%arg15 : memref<!tpu.dma_semaphore, #tpu.memory_space<semaphore_mem>>)
        } else {
        }
        %eq3A_821 = arith.constant 3 : i32
        %eq3A_822 = arith.cmpi eq, %rem3A_805, %eq3A_821 : i32
        %convert_element_type3A_823 = arith.extui %eq3A_822 : i1 to i32
        %cond3A_824 = arith.constant 0 : i32
        %cond3A_825 = arith.cmpi ne, %convert_element_type3A_823, %cond3A_824 : i32
        scf.if %cond3A_825 {
          %dma_start3A = arith.constant 3 : i32
          %dma_start3A_856 = arith.constant 0 : i32
          %dma_start3A_857 = arith.constant 0 : i32
          %dma_start3A_858 = tpu.memref_slice %arg8[%dma_start3A, %dma_start3A_856, %dma_start3A_857] : memref<10x64x128xf32, #tpu.memory_space<vmem>> -> memref<1x64x128xf32, #tpu.memory_space<vmem>>
          %dma_start3A_859 = tpu.memref_squeeze %dma_start3A_858 : memref<1x64x128xf32, #tpu.memory_space<vmem>> -> memref<64x128xf32, #tpu.memory_space<vmem>>
          %dma_start3A_860 = arith.constant 0 : i32
          %dma_start3A_861 = tpu.memref_slice %arg3[%dma_start3A_860, %multiple_of3A_803] : memref<64x1000000xf32, #tpu.memory_space<hbm>> -> memref<64x128xf32, #tpu.memory_space<hbm>>
          %dma_start3A_862 = arith.constant 0 : i32
          %dma_start3A_863 = arith.constant 0 : i32
          %dma_start3A_864 = tpu.memref_slice %arg8[%dma_start3A, %dma_start3A_862, %dma_start3A_863] : memref<10x64x128xf32, #tpu.memory_space<vmem>> -> memref<1x64x128xf32, #tpu.memory_space<vmem>>
          %dma_start3A_865 = tpu.memref_squeeze %dma_start3A_864 : memref<1x64x128xf32, #tpu.memory_space<vmem>> -> memref<64x128xf32, #tpu.memory_space<vmem>>
          %dma_start3A_866 = arith.constant 0 : i32
          %dma_start3A_867 = tpu.memref_slice %arg3[%dma_start3A_866, %multiple_of3A_803] : memref<64x1000000xf32, #tpu.memory_space<hbm>> -> memref<64x128xf32, #tpu.memory_space<hbm>>
          tpu.enqueue_dma source(%dma_start3A_867 : memref<64x128xf32, #tpu.memory_space<hbm>>) target(%dma_start3A_865 : memref<64x128xf32, #tpu.memory_space<vmem>>) target_semaphore(%arg16 : memref<!tpu.dma_semaphore, #tpu.memory_space<semaphore_mem>>)
        } else {
        }
        %eq3A_826 = arith.constant 4 : i32
        %eq3A_827 = arith.cmpi eq, %rem3A_805, %eq3A_826 : i32
        %convert_element_type3A_828 = arith.extui %eq3A_827 : i1 to i32
        %cond3A_829 = arith.constant 0 : i32
        %cond3A_830 = arith.cmpi ne, %convert_element_type3A_828, %cond3A_829 : i32
        scf.if %cond3A_830 {
          %dma_start3A = arith.constant 4 : i32
          %dma_start3A_856 = arith.constant 0 : i32
          %dma_start3A_857 = arith.constant 0 : i32
          %dma_start3A_858 = tpu.memref_slice %arg8[%dma_start3A, %dma_start3A_856, %dma_start3A_857] : memref<10x64x128xf32, #tpu.memory_space<vmem>> -> memref<1x64x128xf32, #tpu.memory_space<vmem>>
          %dma_start3A_859 = tpu.memref_squeeze %dma_start3A_858 : memref<1x64x128xf32, #tpu.memory_space<vmem>> -> memref<64x128xf32, #tpu.memory_space<vmem>>
          %dma_start3A_860 = arith.constant 0 : i32
          %dma_start3A_861 = tpu.memref_slice %arg3[%dma_start3A_860, %multiple_of3A_803] : memref<64x1000000xf32, #tpu.memory_space<hbm>> -> memref<64x128xf32, #tpu.memory_space<hbm>>
          %dma_start3A_862 = arith.constant 0 : i32
          %dma_start3A_863 = arith.constant 0 : i32
          %dma_start3A_864 = tpu.memref_slice %arg8[%dma_start3A, %dma_start3A_862, %dma_start3A_863] : memref<10x64x128xf32, #tpu.memory_space<vmem>> -> memref<1x64x128xf32, #tpu.memory_space<vmem>>
          %dma_start3A_865 = tpu.memref_squeeze %dma_start3A_864 : memref<1x64x128xf32, #tpu.memory_space<vmem>> -> memref<64x128xf32, #tpu.memory_space<vmem>>
          %dma_start3A_866 = arith.constant 0 : i32
          %dma_start3A_867 = tpu.memref_slice %arg3[%dma_start3A_866, %multiple_of3A_803] : memref<64x1000000xf32, #tpu.memory_space<hbm>> -> memref<64x128xf32, #tpu.memory_space<hbm>>
          tpu.enqueue_dma source(%dma_start3A_867 : memref<64x128xf32, #tpu.memory_space<hbm>>) target(%dma_start3A_865 : memref<64x128xf32, #tpu.memory_space<vmem>>) target_semaphore(%arg17 : memref<!tpu.dma_semaphore, #tpu.memory_space<semaphore_mem>>)
        } else {
        }
        %eq3A_831 = arith.constant 5 : i32
        %eq3A_832 = arith.cmpi eq, %rem3A_805, %eq3A_831 : i32
        %convert_element_type3A_833 = arith.extui %eq3A_832 : i1 to i32
        %cond3A_834 = arith.constant 0 : i32
        %cond3A_835 = arith.cmpi ne, %convert_element_type3A_833, %cond3A_834 : i32
        scf.if %cond3A_835 {
          %dma_start3A = arith.constant 5 : i32
          %dma_start3A_856 = arith.constant 0 : i32
          %dma_start3A_857 = arith.constant 0 : i32
          %dma_start3A_858 = tpu.memref_slice %arg8[%dma_start3A, %dma_start3A_856, %dma_start3A_857] : memref<10x64x128xf32, #tpu.memory_space<vmem>> -> memref<1x64x128xf32, #tpu.memory_space<vmem>>
          %dma_start3A_859 = tpu.memref_squeeze %dma_start3A_858 : memref<1x64x128xf32, #tpu.memory_space<vmem>> -> memref<64x128xf32, #tpu.memory_space<vmem>>
          %dma_start3A_860 = arith.constant 0 : i32
          %dma_start3A_861 = tpu.memref_slice %arg3[%dma_start3A_860, %multiple_of3A_803] : memref<64x1000000xf32, #tpu.memory_space<hbm>> -> memref<64x128xf32, #tpu.memory_space<hbm>>
          %dma_start3A_862 = arith.constant 0 : i32
          %dma_start3A_863 = arith.constant 0 : i32
          %dma_start3A_864 = tpu.memref_slice %arg8[%dma_start3A, %dma_start3A_862, %dma_start3A_863] : memref<10x64x128xf32, #tpu.memory_space<vmem>> -> memref<1x64x128xf32, #tpu.memory_space<vmem>>
          %dma_start3A_865 = tpu.memref_squeeze %dma_start3A_864 : memref<1x64x128xf32, #tpu.memory_space<vmem>> -> memref<64x128xf32, #tpu.memory_space<vmem>>
          %dma_start3A_866 = arith.constant 0 : i32
          %dma_start3A_867 = tpu.memref_slice %arg3[%dma_start3A_866, %multiple_of3A_803] : memref<64x1000000xf32, #tpu.memory_space<hbm>> -> memref<64x128xf32, #tpu.memory_space<hbm>>
          tpu.enqueue_dma source(%dma_start3A_867 : memref<64x128xf32, #tpu.memory_space<hbm>>) target(%dma_start3A_865 : memref<64x128xf32, #tpu.memory_space<vmem>>) target_semaphore(%arg18 : memref<!tpu.dma_semaphore, #tpu.memory_space<semaphore_mem>>)
        } else {
        }
        %eq3A_836 = arith.constant 6 : i32
        %eq3A_837 = arith.cmpi eq, %rem3A_805, %eq3A_836 : i32
        %convert_element_type3A_838 = arith.extui %eq3A_837 : i1 to i32
        %cond3A_839 = arith.constant 0 : i32
        %cond3A_840 = arith.cmpi ne, %convert_element_type3A_838, %cond3A_839 : i32
        scf.if %cond3A_840 {
          %dma_start3A = arith.constant 6 : i32
          %dma_start3A_856 = arith.constant 0 : i32
          %dma_start3A_857 = arith.constant 0 : i32
          %dma_start3A_858 = tpu.memref_slice %arg8[%dma_start3A, %dma_start3A_856, %dma_start3A_857] : memref<10x64x128xf32, #tpu.memory_space<vmem>> -> memref<1x64x128xf32, #tpu.memory_space<vmem>>
          %dma_start3A_859 = tpu.memref_squeeze %dma_start3A_858 : memref<1x64x128xf32, #tpu.memory_space<vmem>> -> memref<64x128xf32, #tpu.memory_space<vmem>>
          %dma_start3A_860 = arith.constant 0 : i32
          %dma_start3A_861 = tpu.memref_slice %arg3[%dma_start3A_860, %multiple_of3A_803] : memref<64x1000000xf32, #tpu.memory_space<hbm>> -> memref<64x128xf32, #tpu.memory_space<hbm>>
          %dma_start3A_862 = arith.constant 0 : i32
          %dma_start3A_863 = arith.constant 0 : i32
          %dma_start3A_864 = tpu.memref_slice %arg8[%dma_start3A, %dma_start3A_862, %dma_start3A_863] : memref<10x64x128xf32, #tpu.memory_space<vmem>> -> memref<1x64x128xf32, #tpu.memory_space<vmem>>
          %dma_start3A_865 = tpu.memref_squeeze %dma_start3A_864 : memref<1x64x128xf32, #tpu.memory_space<vmem>> -> memref<64x128xf32, #tpu.memory_space<vmem>>
          %dma_start3A_866 = arith.constant 0 : i32
          %dma_start3A_867 = tpu.memref_slice %arg3[%dma_start3A_866, %multiple_of3A_803] : memref<64x1000000xf32, #tpu.memory_space<hbm>> -> memref<64x128xf32, #tpu.memory_space<hbm>>
          tpu.enqueue_dma source(%dma_start3A_867 : memref<64x128xf32, #tpu.memory_space<hbm>>) target(%dma_start3A_865 : memref<64x128xf32, #tpu.memory_space<vmem>>) target_semaphore(%arg19 : memref<!tpu.dma_semaphore, #tpu.memory_space<semaphore_mem>>)
        } else {
        }
        %eq3A_841 = arith.constant 7 : i32
        %eq3A_842 = arith.cmpi eq, %rem3A_805, %eq3A_841 : i32
        %convert_element_type3A_843 = arith.extui %eq3A_842 : i1 to i32
        %cond3A_844 = arith.constant 0 : i32
        %cond3A_845 = arith.cmpi ne, %convert_element_type3A_843, %cond3A_844 : i32
        scf.if %cond3A_845 {
          %dma_start3A = arith.constant 7 : i32
          %dma_start3A_856 = arith.constant 0 : i32
          %dma_start3A_857 = arith.constant 0 : i32
          %dma_start3A_858 = tpu.memref_slice %arg8[%dma_start3A, %dma_start3A_856, %dma_start3A_857] : memref<10x64x128xf32, #tpu.memory_space<vmem>> -> memref<1x64x128xf32, #tpu.memory_space<vmem>>
          %dma_start3A_859 = tpu.memref_squeeze %dma_start3A_858 : memref<1x64x128xf32, #tpu.memory_space<vmem>> -> memref<64x128xf32, #tpu.memory_space<vmem>>
          %dma_start3A_860 = arith.constant 0 : i32
          %dma_start3A_861 = tpu.memref_slice %arg3[%dma_start3A_860, %multiple_of3A_803] : memref<64x1000000xf32, #tpu.memory_space<hbm>> -> memref<64x128xf32, #tpu.memory_space<hbm>>
          %dma_start3A_862 = arith.constant 0 : i32
          %dma_start3A_863 = arith.constant 0 : i32
          %dma_start3A_864 = tpu.memref_slice %arg8[%dma_start3A, %dma_start3A_862, %dma_start3A_863] : memref<10x64x128xf32, #tpu.memory_space<vmem>> -> memref<1x64x128xf32, #tpu.memory_space<vmem>>
          %dma_start3A_865 = tpu.memref_squeeze %dma_start3A_864 : memref<1x64x128xf32, #tpu.memory_space<vmem>> -> memref<64x128xf32, #tpu.memory_space<vmem>>
          %dma_start3A_866 = arith.constant 0 : i32
          %dma_start3A_867 = tpu.memref_slice %arg3[%dma_start3A_866, %multiple_of3A_803] : memref<64x1000000xf32, #tpu.memory_space<hbm>> -> memref<64x128xf32, #tpu.memory_space<hbm>>
          tpu.enqueue_dma source(%dma_start3A_867 : memref<64x128xf32, #tpu.memory_space<hbm>>) target(%dma_start3A_865 : memref<64x128xf32, #tpu.memory_space<vmem>>) target_semaphore(%arg20 : memref<!tpu.dma_semaphore, #tpu.memory_space<semaphore_mem>>)
        } else {
        }
        %eq3A_846 = arith.constant 8 : i32
        %eq3A_847 = arith.cmpi eq, %rem3A_805, %eq3A_846 : i32
        %convert_element_type3A_848 = arith.extui %eq3A_847 : i1 to i32
        %cond3A_849 = arith.constant 0 : i32
        %cond3A_850 = arith.cmpi ne, %convert_element_type3A_848, %cond3A_849 : i32
        scf.if %cond3A_850 {
          %dma_start3A = arith.constant 8 : i32
          %dma_start3A_856 = arith.constant 0 : i32
          %dma_start3A_857 = arith.constant 0 : i32
          %dma_start3A_858 = tpu.memref_slice %arg8[%dma_start3A, %dma_start3A_856, %dma_start3A_857] : memref<10x64x128xf32, #tpu.memory_space<vmem>> -> memref<1x64x128xf32, #tpu.memory_space<vmem>>
          %dma_start3A_859 = tpu.memref_squeeze %dma_start3A_858 : memref<1x64x128xf32, #tpu.memory_space<vmem>> -> memref<64x128xf32, #tpu.memory_space<vmem>>
          %dma_start3A_860 = arith.constant 0 : i32
          %dma_start3A_861 = tpu.memref_slice %arg3[%dma_start3A_860, %multiple_of3A_803] : memref<64x1000000xf32, #tpu.memory_space<hbm>> -> memref<64x128xf32, #tpu.memory_space<hbm>>
          %dma_start3A_862 = arith.constant 0 : i32
          %dma_start3A_863 = arith.constant 0 : i32
          %dma_start3A_864 = tpu.memref_slice %arg8[%dma_start3A, %dma_start3A_862, %dma_start3A_863] : memref<10x64x128xf32, #tpu.memory_space<vmem>> -> memref<1x64x128xf32, #tpu.memory_space<vmem>>
          %dma_start3A_865 = tpu.memref_squeeze %dma_start3A_864 : memref<1x64x128xf32, #tpu.memory_space<vmem>> -> memref<64x128xf32, #tpu.memory_space<vmem>>
          %dma_start3A_866 = arith.constant 0 : i32
          %dma_start3A_867 = tpu.memref_slice %arg3[%dma_start3A_866, %multiple_of3A_803] : memref<64x1000000xf32, #tpu.memory_space<hbm>> -> memref<64x128xf32, #tpu.memory_space<hbm>>
          tpu.enqueue_dma source(%dma_start3A_867 : memref<64x128xf32, #tpu.memory_space<hbm>>) target(%dma_start3A_865 : memref<64x128xf32, #tpu.memory_space<vmem>>) target_semaphore(%arg21 : memref<!tpu.dma_semaphore, #tpu.memory_space<semaphore_mem>>)
        } else {
        }
        %eq3A_851 = arith.constant 9 : i32
        %eq3A_852 = arith.cmpi eq, %rem3A_805, %eq3A_851 : i32
        %convert_element_type3A_853 = arith.extui %eq3A_852 : i1 to i32
        %cond3A_854 = arith.constant 0 : i32
        %cond3A_855 = arith.cmpi ne, %convert_element_type3A_853, %cond3A_854 : i32
        scf.if %cond3A_855 {
          %dma_start3A = arith.constant 9 : i32
          %dma_start3A_856 = arith.constant 0 : i32
          %dma_start3A_857 = arith.constant 0 : i32
          %dma_start3A_858 = tpu.memref_slice %arg8[%dma_start3A, %dma_start3A_856, %dma_start3A_857] : memref<10x64x128xf32, #tpu.memory_space<vmem>> -> memref<1x64x128xf32, #tpu.memory_space<vmem>>
          %dma_start3A_859 = tpu.memref_squeeze %dma_start3A_858 : memref<1x64x128xf32, #tpu.memory_space<vmem>> -> memref<64x128xf32, #tpu.memory_space<vmem>>
          %dma_start3A_860 = arith.constant 0 : i32
          %dma_start3A_861 = tpu.memref_slice %arg3[%dma_start3A_860, %multiple_of3A_803] : memref<64x1000000xf32, #tpu.memory_space<hbm>> -> memref<64x128xf32, #tpu.memory_space<hbm>>
          %dma_start3A_862 = arith.constant 0 : i32
          %dma_start3A_863 = arith.constant 0 : i32
          %dma_start3A_864 = tpu.memref_slice %arg8[%dma_start3A, %dma_start3A_862, %dma_start3A_863] : memref<10x64x128xf32, #tpu.memory_space<vmem>> -> memref<1x64x128xf32, #tpu.memory_space<vmem>>
          %dma_start3A_865 = tpu.memref_squeeze %dma_start3A_864 : memref<1x64x128xf32, #tpu.memory_space<vmem>> -> memref<64x128xf32, #tpu.memory_space<vmem>>
          %dma_start3A_866 = arith.constant 0 : i32
          %dma_start3A_867 = tpu.memref_slice %arg3[%dma_start3A_866, %multiple_of3A_803] : memref<64x1000000xf32, #tpu.memory_space<hbm>> -> memref<64x128xf32, #tpu.memory_space<hbm>>
          tpu.enqueue_dma source(%dma_start3A_867 : memref<64x128xf32, #tpu.memory_space<hbm>>) target(%dma_start3A_865 : memref<64x128xf32, #tpu.memory_space<vmem>>) target_semaphore(%arg22 : memref<!tpu.dma_semaphore, #tpu.memory_space<semaphore_mem>>)
        } else {
        }
      } else {
      }
    }
    %while3A_687 = arith.constant 1 : i32
    scf.for %while3A_707 = %while3A_685 to %while3A_681 step %while3A_687  : i32 {
      %rem3A_708 = arith.constant 10 : i32
      %rem3A_709 = arith.remsi %while3A_707, %rem3A_708 : i32
      %eq3A_710 = arith.constant 0 : i32
      %eq3A_711 = arith.cmpi eq, %rem3A_709, %eq3A_710 : i32
      %convert_element_type3A_712 = arith.extui %eq3A_711 : i1 to i32
      %cond3A_713 = arith.constant 0 : i32
      %cond3A_714 = arith.cmpi ne, %convert_element_type3A_712, %cond3A_713 : i32
      scf.if %cond3A_714 {
        %dma_wait3A = arith.constant 0 : i32
        %dma_wait3A_793 = arith.constant 0 : i32
        %dma_wait3A_794 = arith.constant 0 : i32
        %dma_wait3A_795 = tpu.memref_slice %arg8[%dma_wait3A, %dma_wait3A_793, %dma_wait3A_794] : memref<10x64x128xf32, #tpu.memory_space<vmem>> -> memref<1x64x128xf32, #tpu.memory_space<vmem>>
        %dma_wait3A_796 = tpu.memref_squeeze %dma_wait3A_795 : memref<1x64x128xf32, #tpu.memory_space<vmem>> -> memref<64x128xf32, #tpu.memory_space<vmem>>
        %dma_wait3A_797 = arith.constant 0 : i32
        %dma_wait3A_798 = arith.constant 0 : i32
        %dma_wait3A_799 = tpu.memref_slice %arg3[%dma_wait3A_797, %dma_wait3A_798] : memref<64x1000000xf32, #tpu.memory_space<hbm>> -> memref<64x128xf32, #tpu.memory_space<hbm>>
        %dma_wait3A_800 = arith.constant 0 : i32
        %dma_wait3A_801 = arith.constant 0 : i32
        %dma_wait3A_802 = tpu.memref_slice %arg8[%dma_wait3A, %dma_wait3A_800, %dma_wait3A_801] : memref<10x64x128xf32, #tpu.memory_space<vmem>> -> memref<1x64x128xf32, #tpu.memory_space<vmem>>
        %dma_wait3A_803 = tpu.memref_squeeze %dma_wait3A_802 : memref<1x64x128xf32, #tpu.memory_space<vmem>> -> memref<64x128xf32, #tpu.memory_space<vmem>>
        %dma_wait3A_804 = arith.constant 0 : i32
        %dma_wait3A_805 = arith.constant 0 : i32
        %dma_wait3A_806 = tpu.memref_slice %arg3[%dma_wait3A_804, %dma_wait3A_805] : memref<64x1000000xf32, #tpu.memory_space<hbm>> -> memref<64x128xf32, #tpu.memory_space<hbm>>
        tpu.wait_dma2 semaphore(%arg13 : memref<!tpu.dma_semaphore, #tpu.memory_space<semaphore_mem>>) src(%dma_wait3A_806 : memref<64x128xf32, #tpu.memory_space<hbm>>) dst(%dma_wait3A_803 : memref<64x128xf32, #tpu.memory_space<vmem>>)
      } else {
      }
      %eq3A_715 = arith.constant 1 : i32
      %eq3A_716 = arith.cmpi eq, %rem3A_709, %eq3A_715 : i32
      %convert_element_type3A_717 = arith.extui %eq3A_716 : i1 to i32
      %cond3A_718 = arith.constant 0 : i32
      %cond3A_719 = arith.cmpi ne, %convert_element_type3A_717, %cond3A_718 : i32
      scf.if %cond3A_719 {
        %dma_wait3A = arith.constant 1 : i32
        %dma_wait3A_793 = arith.constant 0 : i32
        %dma_wait3A_794 = arith.constant 0 : i32
        %dma_wait3A_795 = tpu.memref_slice %arg8[%dma_wait3A, %dma_wait3A_793, %dma_wait3A_794] : memref<10x64x128xf32, #tpu.memory_space<vmem>> -> memref<1x64x128xf32, #tpu.memory_space<vmem>>
        %dma_wait3A_796 = tpu.memref_squeeze %dma_wait3A_795 : memref<1x64x128xf32, #tpu.memory_space<vmem>> -> memref<64x128xf32, #tpu.memory_space<vmem>>
        %dma_wait3A_797 = arith.constant 0 : i32
        %dma_wait3A_798 = arith.constant 0 : i32
        %dma_wait3A_799 = tpu.memref_slice %arg3[%dma_wait3A_797, %dma_wait3A_798] : memref<64x1000000xf32, #tpu.memory_space<hbm>> -> memref<64x128xf32, #tpu.memory_space<hbm>>
        %dma_wait3A_800 = arith.constant 0 : i32
        %dma_wait3A_801 = arith.constant 0 : i32
        %dma_wait3A_802 = tpu.memref_slice %arg8[%dma_wait3A, %dma_wait3A_800, %dma_wait3A_801] : memref<10x64x128xf32, #tpu.memory_space<vmem>> -> memref<1x64x128xf32, #tpu.memory_space<vmem>>
        %dma_wait3A_803 = tpu.memref_squeeze %dma_wait3A_802 : memref<1x64x128xf32, #tpu.memory_space<vmem>> -> memref<64x128xf32, #tpu.memory_space<vmem>>
        %dma_wait3A_804 = arith.constant 0 : i32
        %dma_wait3A_805 = arith.constant 0 : i32
        %dma_wait3A_806 = tpu.memref_slice %arg3[%dma_wait3A_804, %dma_wait3A_805] : memref<64x1000000xf32, #tpu.memory_space<hbm>> -> memref<64x128xf32, #tpu.memory_space<hbm>>
        tpu.wait_dma2 semaphore(%arg14 : memref<!tpu.dma_semaphore, #tpu.memory_space<semaphore_mem>>) src(%dma_wait3A_806 : memref<64x128xf32, #tpu.memory_space<hbm>>) dst(%dma_wait3A_803 : memref<64x128xf32, #tpu.memory_space<vmem>>)
      } else {
      }
      %eq3A_720 = arith.constant 2 : i32
      %eq3A_721 = arith.cmpi eq, %rem3A_709, %eq3A_720 : i32
      %convert_element_type3A_722 = arith.extui %eq3A_721 : i1 to i32
      %cond3A_723 = arith.constant 0 : i32
      %cond3A_724 = arith.cmpi ne, %convert_element_type3A_722, %cond3A_723 : i32
      scf.if %cond3A_724 {
        %dma_wait3A = arith.constant 2 : i32
        %dma_wait3A_793 = arith.constant 0 : i32
        %dma_wait3A_794 = arith.constant 0 : i32
        %dma_wait3A_795 = tpu.memref_slice %arg8[%dma_wait3A, %dma_wait3A_793, %dma_wait3A_794] : memref<10x64x128xf32, #tpu.memory_space<vmem>> -> memref<1x64x128xf32, #tpu.memory_space<vmem>>
        %dma_wait3A_796 = tpu.memref_squeeze %dma_wait3A_795 : memref<1x64x128xf32, #tpu.memory_space<vmem>> -> memref<64x128xf32, #tpu.memory_space<vmem>>
        %dma_wait3A_797 = arith.constant 0 : i32
        %dma_wait3A_798 = arith.constant 0 : i32
        %dma_wait3A_799 = tpu.memref_slice %arg3[%dma_wait3A_797, %dma_wait3A_798] : memref<64x1000000xf32, #tpu.memory_space<hbm>> -> memref<64x128xf32, #tpu.memory_space<hbm>>
        %dma_wait3A_800 = arith.constant 0 : i32
        %dma_wait3A_801 = arith.constant 0 : i32
        %dma_wait3A_802 = tpu.memref_slice %arg8[%dma_wait3A, %dma_wait3A_800, %dma_wait3A_801] : memref<10x64x128xf32, #tpu.memory_space<vmem>> -> memref<1x64x128xf32, #tpu.memory_space<vmem>>
        %dma_wait3A_803 = tpu.memref_squeeze %dma_wait3A_802 : memref<1x64x128xf32, #tpu.memory_space<vmem>> -> memref<64x128xf32, #tpu.memory_space<vmem>>
        %dma_wait3A_804 = arith.constant 0 : i32
        %dma_wait3A_805 = arith.constant 0 : i32
        %dma_wait3A_806 = tpu.memref_slice %arg3[%dma_wait3A_804, %dma_wait3A_805] : memref<64x1000000xf32, #tpu.memory_space<hbm>> -> memref<64x128xf32, #tpu.memory_space<hbm>>
        tpu.wait_dma2 semaphore(%arg15 : memref<!tpu.dma_semaphore, #tpu.memory_space<semaphore_mem>>) src(%dma_wait3A_806 : memref<64x128xf32, #tpu.memory_space<hbm>>) dst(%dma_wait3A_803 : memref<64x128xf32, #tpu.memory_space<vmem>>)
      } else {
      }
      %eq3A_725 = arith.constant 3 : i32
      %eq3A_726 = arith.cmpi eq, %rem3A_709, %eq3A_725 : i32
      %convert_element_type3A_727 = arith.extui %eq3A_726 : i1 to i32
      %cond3A_728 = arith.constant 0 : i32
      %cond3A_729 = arith.cmpi ne, %convert_element_type3A_727, %cond3A_728 : i32
      scf.if %cond3A_729 {
        %dma_wait3A = arith.constant 3 : i32
        %dma_wait3A_793 = arith.constant 0 : i32
        %dma_wait3A_794 = arith.constant 0 : i32
        %dma_wait3A_795 = tpu.memref_slice %arg8[%dma_wait3A, %dma_wait3A_793, %dma_wait3A_794] : memref<10x64x128xf32, #tpu.memory_space<vmem>> -> memref<1x64x128xf32, #tpu.memory_space<vmem>>
        %dma_wait3A_796 = tpu.memref_squeeze %dma_wait3A_795 : memref<1x64x128xf32, #tpu.memory_space<vmem>> -> memref<64x128xf32, #tpu.memory_space<vmem>>
        %dma_wait3A_797 = arith.constant 0 : i32
        %dma_wait3A_798 = arith.constant 0 : i32
        %dma_wait3A_799 = tpu.memref_slice %arg3[%dma_wait3A_797, %dma_wait3A_798] : memref<64x1000000xf32, #tpu.memory_space<hbm>> -> memref<64x128xf32, #tpu.memory_space<hbm>>
        %dma_wait3A_800 = arith.constant 0 : i32
        %dma_wait3A_801 = arith.constant 0 : i32
        %dma_wait3A_802 = tpu.memref_slice %arg8[%dma_wait3A, %dma_wait3A_800, %dma_wait3A_801] : memref<10x64x128xf32, #tpu.memory_space<vmem>> -> memref<1x64x128xf32, #tpu.memory_space<vmem>>
        %dma_wait3A_803 = tpu.memref_squeeze %dma_wait3A_802 : memref<1x64x128xf32, #tpu.memory_space<vmem>> -> memref<64x128xf32, #tpu.memory_space<vmem>>
        %dma_wait3A_804 = arith.constant 0 : i32
        %dma_wait3A_805 = arith.constant 0 : i32
        %dma_wait3A_806 = tpu.memref_slice %arg3[%dma_wait3A_804, %dma_wait3A_805] : memref<64x1000000xf32, #tpu.memory_space<hbm>> -> memref<64x128xf32, #tpu.memory_space<hbm>>
        tpu.wait_dma2 semaphore(%arg16 : memref<!tpu.dma_semaphore, #tpu.memory_space<semaphore_mem>>) src(%dma_wait3A_806 : memref<64x128xf32, #tpu.memory_space<hbm>>) dst(%dma_wait3A_803 : memref<64x128xf32, #tpu.memory_space<vmem>>)
      } else {
      }
      %eq3A_730 = arith.constant 4 : i32
      %eq3A_731 = arith.cmpi eq, %rem3A_709, %eq3A_730 : i32
      %convert_element_type3A_732 = arith.extui %eq3A_731 : i1 to i32
      %cond3A_733 = arith.constant 0 : i32
      %cond3A_734 = arith.cmpi ne, %convert_element_type3A_732, %cond3A_733 : i32
      scf.if %cond3A_734 {
        %dma_wait3A = arith.constant 4 : i32
        %dma_wait3A_793 = arith.constant 0 : i32
        %dma_wait3A_794 = arith.constant 0 : i32
        %dma_wait3A_795 = tpu.memref_slice %arg8[%dma_wait3A, %dma_wait3A_793, %dma_wait3A_794] : memref<10x64x128xf32, #tpu.memory_space<vmem>> -> memref<1x64x128xf32, #tpu.memory_space<vmem>>
        %dma_wait3A_796 = tpu.memref_squeeze %dma_wait3A_795 : memref<1x64x128xf32, #tpu.memory_space<vmem>> -> memref<64x128xf32, #tpu.memory_space<vmem>>
        %dma_wait3A_797 = arith.constant 0 : i32
        %dma_wait3A_798 = arith.constant 0 : i32
        %dma_wait3A_799 = tpu.memref_slice %arg3[%dma_wait3A_797, %dma_wait3A_798] : memref<64x1000000xf32, #tpu.memory_space<hbm>> -> memref<64x128xf32, #tpu.memory_space<hbm>>
        %dma_wait3A_800 = arith.constant 0 : i32
        %dma_wait3A_801 = arith.constant 0 : i32
        %dma_wait3A_802 = tpu.memref_slice %arg8[%dma_wait3A, %dma_wait3A_800, %dma_wait3A_801] : memref<10x64x128xf32, #tpu.memory_space<vmem>> -> memref<1x64x128xf32, #tpu.memory_space<vmem>>
        %dma_wait3A_803 = tpu.memref_squeeze %dma_wait3A_802 : memref<1x64x128xf32, #tpu.memory_space<vmem>> -> memref<64x128xf32, #tpu.memory_space<vmem>>
        %dma_wait3A_804 = arith.constant 0 : i32
        %dma_wait3A_805 = arith.constant 0 : i32
        %dma_wait3A_806 = tpu.memref_slice %arg3[%dma_wait3A_804, %dma_wait3A_805] : memref<64x1000000xf32, #tpu.memory_space<hbm>> -> memref<64x128xf32, #tpu.memory_space<hbm>>
        tpu.wait_dma2 semaphore(%arg17 : memref<!tpu.dma_semaphore, #tpu.memory_space<semaphore_mem>>) src(%dma_wait3A_806 : memref<64x128xf32, #tpu.memory_space<hbm>>) dst(%dma_wait3A_803 : memref<64x128xf32, #tpu.memory_space<vmem>>)
      } else {
      }
      %eq3A_735 = arith.constant 5 : i32
      %eq3A_736 = arith.cmpi eq, %rem3A_709, %eq3A_735 : i32
      %convert_element_type3A_737 = arith.extui %eq3A_736 : i1 to i32
      %cond3A_738 = arith.constant 0 : i32
      %cond3A_739 = arith.cmpi ne, %convert_element_type3A_737, %cond3A_738 : i32
      scf.if %cond3A_739 {
        %dma_wait3A = arith.constant 5 : i32
        %dma_wait3A_793 = arith.constant 0 : i32
        %dma_wait3A_794 = arith.constant 0 : i32
        %dma_wait3A_795 = tpu.memref_slice %arg8[%dma_wait3A, %dma_wait3A_793, %dma_wait3A_794] : memref<10x64x128xf32, #tpu.memory_space<vmem>> -> memref<1x64x128xf32, #tpu.memory_space<vmem>>
        %dma_wait3A_796 = tpu.memref_squeeze %dma_wait3A_795 : memref<1x64x128xf32, #tpu.memory_space<vmem>> -> memref<64x128xf32, #tpu.memory_space<vmem>>
        %dma_wait3A_797 = arith.constant 0 : i32
        %dma_wait3A_798 = arith.constant 0 : i32
        %dma_wait3A_799 = tpu.memref_slice %arg3[%dma_wait3A_797, %dma_wait3A_798] : memref<64x1000000xf32, #tpu.memory_space<hbm>> -> memref<64x128xf32, #tpu.memory_space<hbm>>
        %dma_wait3A_800 = arith.constant 0 : i32
        %dma_wait3A_801 = arith.constant 0 : i32
        %dma_wait3A_802 = tpu.memref_slice %arg8[%dma_wait3A, %dma_wait3A_800, %dma_wait3A_801] : memref<10x64x128xf32, #tpu.memory_space<vmem>> -> memref<1x64x128xf32, #tpu.memory_space<vmem>>
        %dma_wait3A_803 = tpu.memref_squeeze %dma_wait3A_802 : memref<1x64x128xf32, #tpu.memory_space<vmem>> -> memref<64x128xf32, #tpu.memory_space<vmem>>
        %dma_wait3A_804 = arith.constant 0 : i32
        %dma_wait3A_805 = arith.constant 0 : i32
        %dma_wait3A_806 = tpu.memref_slice %arg3[%dma_wait3A_804, %dma_wait3A_805] : memref<64x1000000xf32, #tpu.memory_space<hbm>> -> memref<64x128xf32, #tpu.memory_space<hbm>>
        tpu.wait_dma2 semaphore(%arg18 : memref<!tpu.dma_semaphore, #tpu.memory_space<semaphore_mem>>) src(%dma_wait3A_806 : memref<64x128xf32, #tpu.memory_space<hbm>>) dst(%dma_wait3A_803 : memref<64x128xf32, #tpu.memory_space<vmem>>)
      } else {
      }
      %eq3A_740 = arith.constant 6 : i32
      %eq3A_741 = arith.cmpi eq, %rem3A_709, %eq3A_740 : i32
      %convert_element_type3A_742 = arith.extui %eq3A_741 : i1 to i32
      %cond3A_743 = arith.constant 0 : i32
      %cond3A_744 = arith.cmpi ne, %convert_element_type3A_742, %cond3A_743 : i32
      scf.if %cond3A_744 {
        %dma_wait3A = arith.constant 6 : i32
        %dma_wait3A_793 = arith.constant 0 : i32
        %dma_wait3A_794 = arith.constant 0 : i32
        %dma_wait3A_795 = tpu.memref_slice %arg8[%dma_wait3A, %dma_wait3A_793, %dma_wait3A_794] : memref<10x64x128xf32, #tpu.memory_space<vmem>> -> memref<1x64x128xf32, #tpu.memory_space<vmem>>
        %dma_wait3A_796 = tpu.memref_squeeze %dma_wait3A_795 : memref<1x64x128xf32, #tpu.memory_space<vmem>> -> memref<64x128xf32, #tpu.memory_space<vmem>>
        %dma_wait3A_797 = arith.constant 0 : i32
        %dma_wait3A_798 = arith.constant 0 : i32
        %dma_wait3A_799 = tpu.memref_slice %arg3[%dma_wait3A_797, %dma_wait3A_798] : memref<64x1000000xf32, #tpu.memory_space<hbm>> -> memref<64x128xf32, #tpu.memory_space<hbm>>
        %dma_wait3A_800 = arith.constant 0 : i32
        %dma_wait3A_801 = arith.constant 0 : i32
        %dma_wait3A_802 = tpu.memref_slice %arg8[%dma_wait3A, %dma_wait3A_800, %dma_wait3A_801] : memref<10x64x128xf32, #tpu.memory_space<vmem>> -> memref<1x64x128xf32, #tpu.memory_space<vmem>>
        %dma_wait3A_803 = tpu.memref_squeeze %dma_wait3A_802 : memref<1x64x128xf32, #tpu.memory_space<vmem>> -> memref<64x128xf32, #tpu.memory_space<vmem>>
        %dma_wait3A_804 = arith.constant 0 : i32
        %dma_wait3A_805 = arith.constant 0 : i32
        %dma_wait3A_806 = tpu.memref_slice %arg3[%dma_wait3A_804, %dma_wait3A_805] : memref<64x1000000xf32, #tpu.memory_space<hbm>> -> memref<64x128xf32, #tpu.memory_space<hbm>>
        tpu.wait_dma2 semaphore(%arg19 : memref<!tpu.dma_semaphore, #tpu.memory_space<semaphore_mem>>) src(%dma_wait3A_806 : memref<64x128xf32, #tpu.memory_space<hbm>>) dst(%dma_wait3A_803 : memref<64x128xf32, #tpu.memory_space<vmem>>)
      } else {
      }
      %eq3A_745 = arith.constant 7 : i32
      %eq3A_746 = arith.cmpi eq, %rem3A_709, %eq3A_745 : i32
      %convert_element_type3A_747 = arith.extui %eq3A_746 : i1 to i32
      %cond3A_748 = arith.constant 0 : i32
      %cond3A_749 = arith.cmpi ne, %convert_element_type3A_747, %cond3A_748 : i32
      scf.if %cond3A_749 {
        %dma_wait3A = arith.constant 7 : i32
        %dma_wait3A_793 = arith.constant 0 : i32
        %dma_wait3A_794 = arith.constant 0 : i32
        %dma_wait3A_795 = tpu.memref_slice %arg8[%dma_wait3A, %dma_wait3A_793, %dma_wait3A_794] : memref<10x64x128xf32, #tpu.memory_space<vmem>> -> memref<1x64x128xf32, #tpu.memory_space<vmem>>
        %dma_wait3A_796 = tpu.memref_squeeze %dma_wait3A_795 : memref<1x64x128xf32, #tpu.memory_space<vmem>> -> memref<64x128xf32, #tpu.memory_space<vmem>>
        %dma_wait3A_797 = arith.constant 0 : i32
        %dma_wait3A_798 = arith.constant 0 : i32
        %dma_wait3A_799 = tpu.memref_slice %arg3[%dma_wait3A_797, %dma_wait3A_798] : memref<64x1000000xf32, #tpu.memory_space<hbm>> -> memref<64x128xf32, #tpu.memory_space<hbm>>
        %dma_wait3A_800 = arith.constant 0 : i32
        %dma_wait3A_801 = arith.constant 0 : i32
        %dma_wait3A_802 = tpu.memref_slice %arg8[%dma_wait3A, %dma_wait3A_800, %dma_wait3A_801] : memref<10x64x128xf32, #tpu.memory_space<vmem>> -> memref<1x64x128xf32, #tpu.memory_space<vmem>>
        %dma_wait3A_803 = tpu.memref_squeeze %dma_wait3A_802 : memref<1x64x128xf32, #tpu.memory_space<vmem>> -> memref<64x128xf32, #tpu.memory_space<vmem>>
        %dma_wait3A_804 = arith.constant 0 : i32
        %dma_wait3A_805 = arith.constant 0 : i32
        %dma_wait3A_806 = tpu.memref_slice %arg3[%dma_wait3A_804, %dma_wait3A_805] : memref<64x1000000xf32, #tpu.memory_space<hbm>> -> memref<64x128xf32, #tpu.memory_space<hbm>>
        tpu.wait_dma2 semaphore(%arg20 : memref<!tpu.dma_semaphore, #tpu.memory_space<semaphore_mem>>) src(%dma_wait3A_806 : memref<64x128xf32, #tpu.memory_space<hbm>>) dst(%dma_wait3A_803 : memref<64x128xf32, #tpu.memory_space<vmem>>)
      } else {
      }
      %eq3A_750 = arith.constant 8 : i32
      %eq3A_751 = arith.cmpi eq, %rem3A_709, %eq3A_750 : i32
      %convert_element_type3A_752 = arith.extui %eq3A_751 : i1 to i32
      %cond3A_753 = arith.constant 0 : i32
      %cond3A_754 = arith.cmpi ne, %convert_element_type3A_752, %cond3A_753 : i32
      scf.if %cond3A_754 {
        %dma_wait3A = arith.constant 8 : i32
        %dma_wait3A_793 = arith.constant 0 : i32
        %dma_wait3A_794 = arith.constant 0 : i32
        %dma_wait3A_795 = tpu.memref_slice %arg8[%dma_wait3A, %dma_wait3A_793, %dma_wait3A_794] : memref<10x64x128xf32, #tpu.memory_space<vmem>> -> memref<1x64x128xf32, #tpu.memory_space<vmem>>
        %dma_wait3A_796 = tpu.memref_squeeze %dma_wait3A_795 : memref<1x64x128xf32, #tpu.memory_space<vmem>> -> memref<64x128xf32, #tpu.memory_space<vmem>>
        %dma_wait3A_797 = arith.constant 0 : i32
        %dma_wait3A_798 = arith.constant 0 : i32
        %dma_wait3A_799 = tpu.memref_slice %arg3[%dma_wait3A_797, %dma_wait3A_798] : memref<64x1000000xf32, #tpu.memory_space<hbm>> -> memref<64x128xf32, #tpu.memory_space<hbm>>
        %dma_wait3A_800 = arith.constant 0 : i32
        %dma_wait3A_801 = arith.constant 0 : i32
        %dma_wait3A_802 = tpu.memref_slice %arg8[%dma_wait3A, %dma_wait3A_800, %dma_wait3A_801] : memref<10x64x128xf32, #tpu.memory_space<vmem>> -> memref<1x64x128xf32, #tpu.memory_space<vmem>>
        %dma_wait3A_803 = tpu.memref_squeeze %dma_wait3A_802 : memref<1x64x128xf32, #tpu.memory_space<vmem>> -> memref<64x128xf32, #tpu.memory_space<vmem>>
        %dma_wait3A_804 = arith.constant 0 : i32
        %dma_wait3A_805 = arith.constant 0 : i32
        %dma_wait3A_806 = tpu.memref_slice %arg3[%dma_wait3A_804, %dma_wait3A_805] : memref<64x1000000xf32, #tpu.memory_space<hbm>> -> memref<64x128xf32, #tpu.memory_space<hbm>>
        tpu.wait_dma2 semaphore(%arg21 : memref<!tpu.dma_semaphore, #tpu.memory_space<semaphore_mem>>) src(%dma_wait3A_806 : memref<64x128xf32, #tpu.memory_space<hbm>>) dst(%dma_wait3A_803 : memref<64x128xf32, #tpu.memory_space<vmem>>)
      } else {
      }
      %eq3A_755 = arith.constant 9 : i32
      %eq3A_756 = arith.cmpi eq, %rem3A_709, %eq3A_755 : i32
      %convert_element_type3A_757 = arith.extui %eq3A_756 : i1 to i32
      %cond3A_758 = arith.constant 0 : i32
      %cond3A_759 = arith.cmpi ne, %convert_element_type3A_757, %cond3A_758 : i32
      scf.if %cond3A_759 {
        %dma_wait3A = arith.constant 9 : i32
        %dma_wait3A_793 = arith.constant 0 : i32
        %dma_wait3A_794 = arith.constant 0 : i32
        %dma_wait3A_795 = tpu.memref_slice %arg8[%dma_wait3A, %dma_wait3A_793, %dma_wait3A_794] : memref<10x64x128xf32, #tpu.memory_space<vmem>> -> memref<1x64x128xf32, #tpu.memory_space<vmem>>
        %dma_wait3A_796 = tpu.memref_squeeze %dma_wait3A_795 : memref<1x64x128xf32, #tpu.memory_space<vmem>> -> memref<64x128xf32, #tpu.memory_space<vmem>>
        %dma_wait3A_797 = arith.constant 0 : i32
        %dma_wait3A_798 = arith.constant 0 : i32
        %dma_wait3A_799 = tpu.memref_slice %arg3[%dma_wait3A_797, %dma_wait3A_798] : memref<64x1000000xf32, #tpu.memory_space<hbm>> -> memref<64x128xf32, #tpu.memory_space<hbm>>
        %dma_wait3A_800 = arith.constant 0 : i32
        %dma_wait3A_801 = arith.constant 0 : i32
        %dma_wait3A_802 = tpu.memref_slice %arg8[%dma_wait3A, %dma_wait3A_800, %dma_wait3A_801] : memref<10x64x128xf32, #tpu.memory_space<vmem>> -> memref<1x64x128xf32, #tpu.memory_space<vmem>>
        %dma_wait3A_803 = tpu.memref_squeeze %dma_wait3A_802 : memref<1x64x128xf32, #tpu.memory_space<vmem>> -> memref<64x128xf32, #tpu.memory_space<vmem>>
        %dma_wait3A_804 = arith.constant 0 : i32
        %dma_wait3A_805 = arith.constant 0 : i32
        %dma_wait3A_806 = tpu.memref_slice %arg3[%dma_wait3A_804, %dma_wait3A_805] : memref<64x1000000xf32, #tpu.memory_space<hbm>> -> memref<64x128xf32, #tpu.memory_space<hbm>>
        tpu.wait_dma2 semaphore(%arg22 : memref<!tpu.dma_semaphore, #tpu.memory_space<semaphore_mem>>) src(%dma_wait3A_806 : memref<64x128xf32, #tpu.memory_space<hbm>>) dst(%dma_wait3A_803 : memref<64x128xf32, #tpu.memory_space<vmem>>)
      } else {
      }
      %rem3A_760 = arith.constant 10 : i32
      %rem3A_761 = arith.remsi %while3A_707, %rem3A_760 : i32
      %mul3A_762 = arith.constant 1 : i32
      %mul3A_763 = arith.muli %while3A_707, %mul3A_762 : i32
      %sub3A_764 = arith.constant 1 : i32
      %sub3A_765 = arith.subi %add3A_8, %sub3A_764 : i32
      %min3A_766 = arith.minsi %mul3A_763, %sub3A_765 : i32
      %mul3A_767 = arith.constant 1 : i32
      %mul3A_768 = arith.muli %while3A_707, %mul3A_767 : i32
      %min3A_769 = arith.minsi %mul3A_768, %add3A_8 : i32
      %get3A = arith.index_cast %min3A_769 : i32 to index
      %get3A_770 = memref.load %arg11[%get3A] : memref<246xi32, #tpu.memory_space<smem>>
      %mul3A_771 = arith.constant 1 : i32
      %mul3A_772 = arith.muli %while3A_707, %mul3A_771 : i32
      %add3A_773 = arith.constant 1 : i32
      %add3A_774 = arith.addi %mul3A_772, %add3A_773 : i32
      %min3A_775 = arith.minsi %add3A_774, %add3A_8 : i32
      %get3A_776 = arith.index_cast %min3A_775 : i32 to index
      %get3A_777 = memref.load %arg11[%get3A_776] : memref<246xi32, #tpu.memory_space<smem>>
      %while3A_778 = arith.constant 0 : i32
      %while3A_779 = arith.subi %get3A_777, %get3A_770 : i32
      %while3A_780 = arith.addi %get3A_770, %while3A_779 : i32
      %while3A_781 = arith.constant 1 : i32
      %while3A_782 = arith.divsi %while3A_779, %while3A_781 : i32
      %while3A_783 = arith.muli %while3A_782, %while3A_781 : i32
      %while3A_784 = arith.addi %get3A_770, %while3A_783 : i32
      %while3A_785 = arith.constant 1 : i32
      scf.for %while3A_793 = %get3A_770 to %while3A_784 step %while3A_785  : i32 {
        %get3A_794 = arith.index_cast %while3A_793 : i32 to index
        %get3A_795 = tpu.vector_load %arg7[%get3A_794] {strides = array<i32>} : memref<4112xi32, #tpu.memory_space<vmem>>, vector<16xi32>,
        %slice3A = vector.extract_strided_slice %get3A_795 {offsets = [0], sizes = [1], strides = [1]} : vector<16xi32> to vector<1xi32>
        %squeeze3A = vector.extract %slice3A[0] : i32 from vector<1xi32>
        %and3A_796 = arith.constant 255 : i32
        %and3A_797 = arith.andi %squeeze3A, %and3A_796 : i32
        %shift_right_arithmetic3A = arith.constant 8 : i32
        %shift_right_arithmetic3A_798 = arith.shrsi %squeeze3A, %shift_right_arithmetic3A : i32
        %and3A_799 = arith.constant 127 : i32
        %and3A_800 = arith.andi %shift_right_arithmetic3A_798, %and3A_799 : i32
        %shift_right_arithmetic3A_801 = arith.constant 15 : i32
        %shift_right_arithmetic3A_802 = arith.shrsi %squeeze3A, %shift_right_arithmetic3A_801 : i32
        %sub3A_803 = arith.subi %and3A_797, %min3A_766 : i32
        %mul3A_804 = arith.constant 128 : i32
        %mul3A_805 = arith.muli %sub3A_803, %mul3A_804 : i32
        %add3A_806 = arith.addi %mul3A_805, %and3A_800 : i32
        %broadcast_in_dim3A = vector.broadcast %add3A_806 : i32 to vector<16xi32>
        %broadcast_in_dim3A_807 = vector.broadcast %rem3A_761 : i32 to vector<16xi32>
        %rem3A_808 = arith.constant 64 : i32
        %rem3A_809 = arith.remsi %while3A_793, %rem3A_808 : i32
        %eq3A_810 = arith.constant 0 : i32
        %eq3A_811 = arith.cmpi eq, %rem3A_809, %eq3A_810 : i32
        %gt3A_812 = arith.constant 0 : i32
        %gt3A_813 = arith.cmpi sgt, %while3A_793, %gt3A_812 : i32
        %and3A_814 = arith.andi %eq3A_811, %gt3A_813 : i1
        %convert_element_type3A_815 = arith.extui %and3A_814 : i1 to i32
        %cond3A_816 = arith.constant 0 : i32
        %cond3A_817 = arith.cmpi ne, %convert_element_type3A_815, %cond3A_816 : i32
        scf.if %cond3A_817 {
          %dma_wait3A = arith.constant 0 : i32
          %dma_wait3A_851 = arith.constant 0 : i32
          %dma_wait3A_852 = tpu.memref_slice %arg4[%dma_wait3A, %dma_wait3A_851] : memref<16384x64xf32, #tpu.memory_space<hbm>> -> memref<64x64xf32, #tpu.memory_space<hbm>>
          %dma_wait3A_853 = arith.constant 0 : i32
          %dma_wait3A_854 = arith.constant 0 : i32
          %dma_wait3A_855 = tpu.memref_slice %arg4[%dma_wait3A_853, %dma_wait3A_854] : memref<16384x64xf32, #tpu.memory_space<hbm>> -> memref<64x64xf32, #tpu.memory_space<hbm>>
          tpu.wait_dma2 semaphore(%arg23 : memref<!tpu.dma_semaphore, #tpu.memory_space<semaphore_mem>>) src(%dma_wait3A_855 : memref<64x64xf32, #tpu.memory_space<hbm>>) dst(%arg9 : memref<64x64xf32, #tpu.memory_space<vmem>>)
        } else {
        }
        %add3A_818 = arith.constant 0 : i32
        %add3A_819 = vector.broadcast %add3A_818 : i32 to vector<16xi32>
        %add3A_820 = arith.addi %iota3A, %add3A_819 : vector<16xi32>
        %gather3A = tpu.vector_load_idx %arg8[%broadcast_in_dim3A_807, %add3A_820, %broadcast_in_dim3A] : memref<10x64x128xf32, #tpu.memory_space<vmem>>[vector<16xi32>, vector<16xi32>, vector<16xi32>], vector<16xf32>,
        %swap3A = arith.index_cast %rem3A_809 : i32 to index
        %swap3A_821 = arith.constant 0 : index
        %swap3A_822 = tpu.vector_load %arg9[%swap3A, %swap3A_821] {strides = array<i32>} : memref<64x64xf32, #tpu.memory_space<vmem>>, vector<16xf32>,
        tpu.vector_store %arg9[%swap3A, %swap3A_821], %gather3A {strides = array<i32>} : memref<64x64xf32, #tpu.memory_space<vmem>>, vector<16xf32>,
        %add3A_823 = arith.constant 16 : i32
        %add3A_824 = vector.broadcast %add3A_823 : i32 to vector<16xi32>
        %add3A_825 = arith.addi %iota3A, %add3A_824 : vector<16xi32>
        %gather3A_826 = tpu.vector_load_idx %arg8[%broadcast_in_dim3A_807, %add3A_825, %broadcast_in_dim3A] : memref<10x64x128xf32, #tpu.memory_space<vmem>>[vector<16xi32>, vector<16xi32>, vector<16xi32>], vector<16xf32>,
        %swap3A_827 = arith.index_cast %rem3A_809 : i32 to index
        %swap3A_828 = arith.constant 16 : index
        %swap3A_829 = tpu.vector_load %arg9[%swap3A_827, %swap3A_828] {strides = array<i32>} : memref<64x64xf32, #tpu.memory_space<vmem>>, vector<16xf32>,
        tpu.vector_store %arg9[%swap3A_827, %swap3A_828], %gather3A_826 {strides = array<i32>} : memref<64x64xf32, #tpu.memory_space<vmem>>, vector<16xf32>,
        %add3A_830 = arith.constant 32 : i32
        %add3A_831 = vector.broadcast %add3A_830 : i32 to vector<16xi32>
        %add3A_832 = arith.addi %iota3A, %add3A_831 : vector<16xi32>
        %gather3A_833 = tpu.vector_load_idx %arg8[%broadcast_in_dim3A_807, %add3A_832, %broadcast_in_dim3A] : memref<10x64x128xf32, #tpu.memory_space<vmem>>[vector<16xi32>, vector<16xi32>, vector<16xi32>], vector<16xf32>,
        %swap3A_834 = arith.index_cast %rem3A_809 : i32 to index
        %swap3A_835 = arith.constant 32 : index
        %swap3A_836 = tpu.vector_load %arg9[%swap3A_834, %swap3A_835] {strides = array<i32>} : memref<64x64xf32, #tpu.memory_space<vmem>>, vector<16xf32>,
        tpu.vector_store %arg9[%swap3A_834, %swap3A_835], %gather3A_833 {strides = array<i32>} : memref<64x64xf32, #tpu.memory_space<vmem>>, vector<16xf32>,
        %add3A_837 = arith.constant 48 : i32
        %add3A_838 = vector.broadcast %add3A_837 : i32 to vector<16xi32>
        %add3A_839 = arith.addi %iota3A, %add3A_838 : vector<16xi32>
        %gather3A_840 = tpu.vector_load_idx %arg8[%broadcast_in_dim3A_807, %add3A_839, %broadcast_in_dim3A] : memref<10x64x128xf32, #tpu.memory_space<vmem>>[vector<16xi32>, vector<16xi32>, vector<16xi32>], vector<16xf32>,
        %swap3A_841 = arith.index_cast %rem3A_809 : i32 to index
        %swap3A_842 = arith.constant 48 : index
        %swap3A_843 = tpu.vector_load %arg9[%swap3A_841, %swap3A_842] {strides = array<i32>} : memref<64x64xf32, #tpu.memory_space<vmem>>, vector<16xf32>,
        tpu.vector_store %arg9[%swap3A_841, %swap3A_842], %gather3A_840 {strides = array<i32>} : memref<64x64xf32, #tpu.memory_space<vmem>>, vector<16xf32>,
        %dma_start3A = arith.constant 0 : i32
        %dma_start3A_844 = tpu.memref_slice %arg9[%rem3A_809, %dma_start3A] : memref<64x64xf32, #tpu.memory_space<vmem>> -> memref<1x64xf32, #tpu.memory_space<vmem>>
        %dma_start3A_845 = arith.constant 0 : i32
        %dma_start3A_846 = tpu.memref_slice %arg4[%shift_right_arithmetic3A_802, %dma_start3A_845] : memref<16384x64xf32, #tpu.memory_space<hbm>> -> memref<1x64xf32, #tpu.memory_space<hbm>>
        %dma_start3A_847 = arith.constant 0 : i32
        %dma_start3A_848 = tpu.memref_slice %arg4[%shift_right_arithmetic3A_802, %dma_start3A_847] : memref<16384x64xf32, #tpu.memory_space<hbm>> -> memref<1x64xf32, #tpu.memory_space<hbm>>
        %dma_start3A_849 = arith.constant 0 : i32
        %dma_start3A_850 = tpu.memref_slice %arg9[%rem3A_809, %dma_start3A_849] : memref<64x64xf32, #tpu.memory_space<vmem>> -> memref<1x64xf32, #tpu.memory_space<vmem>>
        tpu.enqueue_dma source(%dma_start3A_850 : memref<1x64xf32, #tpu.memory_space<vmem>>) target(%dma_start3A_848 : memref<1x64xf32, #tpu.memory_space<hbm>>) target_semaphore(%arg23 : memref<!tpu.dma_semaphore, #tpu.memory_space<semaphore_mem>>)
      }
      %while3A_786 = arith.constant 1 : i32
      scf.for %while3A_793 = %while3A_784 to %while3A_780 step %while3A_786  : i32 {
        %get3A_794 = arith.index_cast %while3A_793 : i32 to index
        %get3A_795 = tpu.vector_load %arg7[%get3A_794] {strides = array<i32>} : memref<4112xi32, #tpu.memory_space<vmem>>, vector<16xi32>,
        %slice3A = vector.extract_strided_slice %get3A_795 {offsets = [0], sizes = [1], strides = [1]} : vector<16xi32> to vector<1xi32>
        %squeeze3A = vector.extract %slice3A[0] : i32 from vector<1xi32>
        %and3A_796 = arith.constant 255 : i32
        %and3A_797 = arith.andi %squeeze3A, %and3A_796 : i32
        %shift_right_arithmetic3A = arith.constant 8 : i32
        %shift_right_arithmetic3A_798 = arith.shrsi %squeeze3A, %shift_right_arithmetic3A : i32
        %and3A_799 = arith.constant 127 : i32
        %and3A_800 = arith.andi %shift_right_arithmetic3A_798, %and3A_799 : i32
        %shift_right_arithmetic3A_801 = arith.constant 15 : i32
        %shift_right_arithmetic3A_802 = arith.shrsi %squeeze3A, %shift_right_arithmetic3A_801 : i32
        %sub3A_803 = arith.subi %and3A_797, %min3A_766 : i32
        %mul3A_804 = arith.constant 128 : i32
        %mul3A_805 = arith.muli %sub3A_803, %mul3A_804 : i32
        %add3A_806 = arith.addi %mul3A_805, %and3A_800 : i32
        %broadcast_in_dim3A = vector.broadcast %add3A_806 : i32 to vector<16xi32>
        %broadcast_in_dim3A_807 = vector.broadcast %rem3A_761 : i32 to vector<16xi32>
        %rem3A_808 = arith.constant 64 : i32
        %rem3A_809 = arith.remsi %while3A_793, %rem3A_808 : i32
        %eq3A_810 = arith.constant 0 : i32
        %eq3A_811 = arith.cmpi eq, %rem3A_809, %eq3A_810 : i32
        %gt3A_812 = arith.constant 0 : i32
        %gt3A_813 = arith.cmpi sgt, %while3A_793, %gt3A_812 : i32
        %and3A_814 = arith.andi %eq3A_811, %gt3A_813 : i1
        %convert_element_type3A_815 = arith.extui %and3A_814 : i1 to i32
        %cond3A_816 = arith.constant 0 : i32
        %cond3A_817 = arith.cmpi ne, %convert_element_type3A_815, %cond3A_816 : i32
        scf.if %cond3A_817 {
          %dma_wait3A = arith.constant 0 : i32
          %dma_wait3A_851 = arith.constant 0 : i32
          %dma_wait3A_852 = tpu.memref_slice %arg4[%dma_wait3A, %dma_wait3A_851] : memref<16384x64xf32, #tpu.memory_space<hbm>> -> memref<64x64xf32, #tpu.memory_space<hbm>>
          %dma_wait3A_853 = arith.constant 0 : i32
          %dma_wait3A_854 = arith.constant 0 : i32
          %dma_wait3A_855 = tpu.memref_slice %arg4[%dma_wait3A_853, %dma_wait3A_854] : memref<16384x64xf32, #tpu.memory_space<hbm>> -> memref<64x64xf32, #tpu.memory_space<hbm>>
          tpu.wait_dma2 semaphore(%arg23 : memref<!tpu.dma_semaphore, #tpu.memory_space<semaphore_mem>>) src(%dma_wait3A_855 : memref<64x64xf32, #tpu.memory_space<hbm>>) dst(%arg9 : memref<64x64xf32, #tpu.memory_space<vmem>>)
        } else {
        }
        %add3A_818 = arith.constant 0 : i32
        %add3A_819 = vector.broadcast %add3A_818 : i32 to vector<16xi32>
        %add3A_820 = arith.addi %iota3A, %add3A_819 : vector<16xi32>
        %gather3A = tpu.vector_load_idx %arg8[%broadcast_in_dim3A_807, %add3A_820, %broadcast_in_dim3A] : memref<10x64x128xf32, #tpu.memory_space<vmem>>[vector<16xi32>, vector<16xi32>, vector<16xi32>], vector<16xf32>,
        %swap3A = arith.index_cast %rem3A_809 : i32 to index
        %swap3A_821 = arith.constant 0 : index
        %swap3A_822 = tpu.vector_load %arg9[%swap3A, %swap3A_821] {strides = array<i32>} : memref<64x64xf32, #tpu.memory_space<vmem>>, vector<16xf32>,
        tpu.vector_store %arg9[%swap3A, %swap3A_821], %gather3A {strides = array<i32>} : memref<64x64xf32, #tpu.memory_space<vmem>>, vector<16xf32>,
        %add3A_823 = arith.constant 16 : i32
        %add3A_824 = vector.broadcast %add3A_823 : i32 to vector<16xi32>
        %add3A_825 = arith.addi %iota3A, %add3A_824 : vector<16xi32>
        %gather3A_826 = tpu.vector_load_idx %arg8[%broadcast_in_dim3A_807, %add3A_825, %broadcast_in_dim3A] : memref<10x64x128xf32, #tpu.memory_space<vmem>>[vector<16xi32>, vector<16xi32>, vector<16xi32>], vector<16xf32>,
        %swap3A_827 = arith.index_cast %rem3A_809 : i32 to index
        %swap3A_828 = arith.constant 16 : index
        %swap3A_829 = tpu.vector_load %arg9[%swap3A_827, %swap3A_828] {strides = array<i32>} : memref<64x64xf32, #tpu.memory_space<vmem>>, vector<16xf32>,
        tpu.vector_store %arg9[%swap3A_827, %swap3A_828], %gather3A_826 {strides = array<i32>} : memref<64x64xf32, #tpu.memory_space<vmem>>, vector<16xf32>,
        %add3A_830 = arith.constant 32 : i32
        %add3A_831 = vector.broadcast %add3A_830 : i32 to vector<16xi32>
        %add3A_832 = arith.addi %iota3A, %add3A_831 : vector<16xi32>
        %gather3A_833 = tpu.vector_load_idx %arg8[%broadcast_in_dim3A_807, %add3A_832, %broadcast_in_dim3A] : memref<10x64x128xf32, #tpu.memory_space<vmem>>[vector<16xi32>, vector<16xi32>, vector<16xi32>], vector<16xf32>,
        %swap3A_834 = arith.index_cast %rem3A_809 : i32 to index
        %swap3A_835 = arith.constant 32 : index
        %swap3A_836 = tpu.vector_load %arg9[%swap3A_834, %swap3A_835] {strides = array<i32>} : memref<64x64xf32, #tpu.memory_space<vmem>>, vector<16xf32>,
        tpu.vector_store %arg9[%swap3A_834, %swap3A_835], %gather3A_833 {strides = array<i32>} : memref<64x64xf32, #tpu.memory_space<vmem>>, vector<16xf32>,
        %add3A_837 = arith.constant 48 : i32
        %add3A_838 = vector.broadcast %add3A_837 : i32 to vector<16xi32>
        %add3A_839 = arith.addi %iota3A, %add3A_838 : vector<16xi32>
        %gather3A_840 = tpu.vector_load_idx %arg8[%broadcast_in_dim3A_807, %add3A_839, %broadcast_in_dim3A] : memref<10x64x128xf32, #tpu.memory_space<vmem>>[vector<16xi32>, vector<16xi32>, vector<16xi32>], vector<16xf32>,
        %swap3A_841 = arith.index_cast %rem3A_809 : i32 to index
        %swap3A_842 = arith.constant 48 : index
        %swap3A_843 = tpu.vector_load %arg9[%swap3A_841, %swap3A_842] {strides = array<i32>} : memref<64x64xf32, #tpu.memory_space<vmem>>, vector<16xf32>,
        tpu.vector_store %arg9[%swap3A_841, %swap3A_842], %gather3A_840 {strides = array<i32>} : memref<64x64xf32, #tpu.memory_space<vmem>>, vector<16xf32>,
        %dma_start3A = arith.constant 0 : i32
        %dma_start3A_844 = tpu.memref_slice %arg9[%rem3A_809, %dma_start3A] : memref<64x64xf32, #tpu.memory_space<vmem>> -> memref<1x64xf32, #tpu.memory_space<vmem>>
        %dma_start3A_845 = arith.constant 0 : i32
        %dma_start3A_846 = tpu.memref_slice %arg4[%shift_right_arithmetic3A_802, %dma_start3A_845] : memref<16384x64xf32, #tpu.memory_space<hbm>> -> memref<1x64xf32, #tpu.memory_space<hbm>>
        %dma_start3A_847 = arith.constant 0 : i32
        %dma_start3A_848 = tpu.memref_slice %arg4[%shift_right_arithmetic3A_802, %dma_start3A_847] : memref<16384x64xf32, #tpu.memory_space<hbm>> -> memref<1x64xf32, #tpu.memory_space<hbm>>
        %dma_start3A_849 = arith.constant 0 : i32
        %dma_start3A_850 = tpu.memref_slice %arg9[%rem3A_809, %dma_start3A_849] : memref<64x64xf32, #tpu.memory_space<vmem>> -> memref<1x64xf32, #tpu.memory_space<vmem>>
        tpu.enqueue_dma source(%dma_start3A_850 : memref<1x64xf32, #tpu.memory_space<vmem>>) target(%dma_start3A_848 : memref<1x64xf32, #tpu.memory_space<hbm>>) target_semaphore(%arg23 : memref<!tpu.dma_semaphore, #tpu.memory_space<semaphore_mem>>)
      }
      %add3A_787 = arith.constant 10 : i32
      %add3A_788 = arith.addi %while3A_707, %add3A_787 : i32
      %lt3A_789 = arith.cmpi slt, %add3A_788, %select_n3A_30 : i32
      %convert_element_type3A_790 = arith.extui %lt3A_789 : i1 to i32
      %cond3A_791 = arith.constant 0 : i32
      %cond3A_792 = arith.cmpi ne, %convert_element_type3A_790, %cond3A_791 : i32
      scf.if %cond3A_792 {
        %add3A_793 = arith.constant 10 : i32
        %add3A_794 = arith.addi %while3A_707, %add3A_793 : i32
        %mul3A_795 = arith.constant 1 : i32
        %mul3A_796 = arith.muli %add3A_794, %mul3A_795 : i32
        %sub3A_797 = arith.constant 1 : i32
        %sub3A_798 = arith.subi %add3A_8, %sub3A_797 : i32
        %min3A_799 = arith.minsi %mul3A_796, %sub3A_798 : i32
        %add3A_800 = arith.addi %add3A_4, %min3A_799 : i32
        %mul3A_801 = arith.constant 128 : i32
        %mul3A_802 = arith.muli %add3A_800, %mul3A_801 : i32
        %multiple_of3A_803 = tpu.assume_multiple %mul3A_802, 128 : i32
        %rem3A_804 = arith.constant 10 : i32
        %rem3A_805 = arith.remsi %add3A_794, %rem3A_804 : i32
        %eq3A_806 = arith.constant 0 : i32
        %eq3A_807 = arith.cmpi eq, %rem3A_805, %eq3A_806 : i32
        %convert_element_type3A_808 = arith.extui %eq3A_807 : i1 to i32
        %cond3A_809 = arith.constant 0 : i32
        %cond3A_810 = arith.cmpi ne, %convert_element_type3A_808, %cond3A_809 : i32
        scf.if %cond3A_810 {
          %dma_start3A = arith.constant 0 : i32
          %dma_start3A_856 = arith.constant 0 : i32
          %dma_start3A_857 = arith.constant 0 : i32
          %dma_start3A_858 = tpu.memref_slice %arg8[%dma_start3A, %dma_start3A_856, %dma_start3A_857] : memref<10x64x128xf32, #tpu.memory_space<vmem>> -> memref<1x64x128xf32, #tpu.memory_space<vmem>>
          %dma_start3A_859 = tpu.memref_squeeze %dma_start3A_858 : memref<1x64x128xf32, #tpu.memory_space<vmem>> -> memref<64x128xf32, #tpu.memory_space<vmem>>
          %dma_start3A_860 = arith.constant 0 : i32
          %dma_start3A_861 = tpu.memref_slice %arg3[%dma_start3A_860, %multiple_of3A_803] : memref<64x1000000xf32, #tpu.memory_space<hbm>> -> memref<64x128xf32, #tpu.memory_space<hbm>>
          %dma_start3A_862 = arith.constant 0 : i32
          %dma_start3A_863 = arith.constant 0 : i32
          %dma_start3A_864 = tpu.memref_slice %arg8[%dma_start3A, %dma_start3A_862, %dma_start3A_863] : memref<10x64x128xf32, #tpu.memory_space<vmem>> -> memref<1x64x128xf32, #tpu.memory_space<vmem>>
          %dma_start3A_865 = tpu.memref_squeeze %dma_start3A_864 : memref<1x64x128xf32, #tpu.memory_space<vmem>> -> memref<64x128xf32, #tpu.memory_space<vmem>>
          %dma_start3A_866 = arith.constant 0 : i32
          %dma_start3A_867 = tpu.memref_slice %arg3[%dma_start3A_866, %multiple_of3A_803] : memref<64x1000000xf32, #tpu.memory_space<hbm>> -> memref<64x128xf32, #tpu.memory_space<hbm>>
          tpu.enqueue_dma source(%dma_start3A_867 : memref<64x128xf32, #tpu.memory_space<hbm>>) target(%dma_start3A_865 : memref<64x128xf32, #tpu.memory_space<vmem>>) target_semaphore(%arg13 : memref<!tpu.dma_semaphore, #tpu.memory_space<semaphore_mem>>)
        } else {
        }
        %eq3A_811 = arith.constant 1 : i32
        %eq3A_812 = arith.cmpi eq, %rem3A_805, %eq3A_811 : i32
        %convert_element_type3A_813 = arith.extui %eq3A_812 : i1 to i32
        %cond3A_814 = arith.constant 0 : i32
        %cond3A_815 = arith.cmpi ne, %convert_element_type3A_813, %cond3A_814 : i32
        scf.if %cond3A_815 {
          %dma_start3A = arith.constant 1 : i32
          %dma_start3A_856 = arith.constant 0 : i32
          %dma_start3A_857 = arith.constant 0 : i32
          %dma_start3A_858 = tpu.memref_slice %arg8[%dma_start3A, %dma_start3A_856, %dma_start3A_857] : memref<10x64x128xf32, #tpu.memory_space<vmem>> -> memref<1x64x128xf32, #tpu.memory_space<vmem>>
          %dma_start3A_859 = tpu.memref_squeeze %dma_start3A_858 : memref<1x64x128xf32, #tpu.memory_space<vmem>> -> memref<64x128xf32, #tpu.memory_space<vmem>>
          %dma_start3A_860 = arith.constant 0 : i32
          %dma_start3A_861 = tpu.memref_slice %arg3[%dma_start3A_860, %multiple_of3A_803] : memref<64x1000000xf32, #tpu.memory_space<hbm>> -> memref<64x128xf32, #tpu.memory_space<hbm>>
          %dma_start3A_862 = arith.constant 0 : i32
          %dma_start3A_863 = arith.constant 0 : i32
          %dma_start3A_864 = tpu.memref_slice %arg8[%dma_start3A, %dma_start3A_862, %dma_start3A_863] : memref<10x64x128xf32, #tpu.memory_space<vmem>> -> memref<1x64x128xf32, #tpu.memory_space<vmem>>
          %dma_start3A_865 = tpu.memref_squeeze %dma_start3A_864 : memref<1x64x128xf32, #tpu.memory_space<vmem>> -> memref<64x128xf32, #tpu.memory_space<vmem>>
          %dma_start3A_866 = arith.constant 0 : i32
          %dma_start3A_867 = tpu.memref_slice %arg3[%dma_start3A_866, %multiple_of3A_803] : memref<64x1000000xf32, #tpu.memory_space<hbm>> -> memref<64x128xf32, #tpu.memory_space<hbm>>
          tpu.enqueue_dma source(%dma_start3A_867 : memref<64x128xf32, #tpu.memory_space<hbm>>) target(%dma_start3A_865 : memref<64x128xf32, #tpu.memory_space<vmem>>) target_semaphore(%arg14 : memref<!tpu.dma_semaphore, #tpu.memory_space<semaphore_mem>>)
        } else {
        }
        %eq3A_816 = arith.constant 2 : i32
        %eq3A_817 = arith.cmpi eq, %rem3A_805, %eq3A_816 : i32
        %convert_element_type3A_818 = arith.extui %eq3A_817 : i1 to i32
        %cond3A_819 = arith.constant 0 : i32
        %cond3A_820 = arith.cmpi ne, %convert_element_type3A_818, %cond3A_819 : i32
        scf.if %cond3A_820 {
          %dma_start3A = arith.constant 2 : i32
          %dma_start3A_856 = arith.constant 0 : i32
          %dma_start3A_857 = arith.constant 0 : i32
          %dma_start3A_858 = tpu.memref_slice %arg8[%dma_start3A, %dma_start3A_856, %dma_start3A_857] : memref<10x64x128xf32, #tpu.memory_space<vmem>> -> memref<1x64x128xf32, #tpu.memory_space<vmem>>
          %dma_start3A_859 = tpu.memref_squeeze %dma_start3A_858 : memref<1x64x128xf32, #tpu.memory_space<vmem>> -> memref<64x128xf32, #tpu.memory_space<vmem>>
          %dma_start3A_860 = arith.constant 0 : i32
          %dma_start3A_861 = tpu.memref_slice %arg3[%dma_start3A_860, %multiple_of3A_803] : memref<64x1000000xf32, #tpu.memory_space<hbm>> -> memref<64x128xf32, #tpu.memory_space<hbm>>
          %dma_start3A_862 = arith.constant 0 : i32
          %dma_start3A_863 = arith.constant 0 : i32
          %dma_start3A_864 = tpu.memref_slice %arg8[%dma_start3A, %dma_start3A_862, %dma_start3A_863] : memref<10x64x128xf32, #tpu.memory_space<vmem>> -> memref<1x64x128xf32, #tpu.memory_space<vmem>>
          %dma_start3A_865 = tpu.memref_squeeze %dma_start3A_864 : memref<1x64x128xf32, #tpu.memory_space<vmem>> -> memref<64x128xf32, #tpu.memory_space<vmem>>
          %dma_start3A_866 = arith.constant 0 : i32
          %dma_start3A_867 = tpu.memref_slice %arg3[%dma_start3A_866, %multiple_of3A_803] : memref<64x1000000xf32, #tpu.memory_space<hbm>> -> memref<64x128xf32, #tpu.memory_space<hbm>>
          tpu.enqueue_dma source(%dma_start3A_867 : memref<64x128xf32, #tpu.memory_space<hbm>>) target(%dma_start3A_865 : memref<64x128xf32, #tpu.memory_space<vmem>>) target_semaphore(%arg15 : memref<!tpu.dma_semaphore, #tpu.memory_space<semaphore_mem>>)
        } else {
        }
        %eq3A_821 = arith.constant 3 : i32
        %eq3A_822 = arith.cmpi eq, %rem3A_805, %eq3A_821 : i32
        %convert_element_type3A_823 = arith.extui %eq3A_822 : i1 to i32
        %cond3A_824 = arith.constant 0 : i32
        %cond3A_825 = arith.cmpi ne, %convert_element_type3A_823, %cond3A_824 : i32
        scf.if %cond3A_825 {
          %dma_start3A = arith.constant 3 : i32
          %dma_start3A_856 = arith.constant 0 : i32
          %dma_start3A_857 = arith.constant 0 : i32
          %dma_start3A_858 = tpu.memref_slice %arg8[%dma_start3A, %dma_start3A_856, %dma_start3A_857] : memref<10x64x128xf32, #tpu.memory_space<vmem>> -> memref<1x64x128xf32, #tpu.memory_space<vmem>>
          %dma_start3A_859 = tpu.memref_squeeze %dma_start3A_858 : memref<1x64x128xf32, #tpu.memory_space<vmem>> -> memref<64x128xf32, #tpu.memory_space<vmem>>
          %dma_start3A_860 = arith.constant 0 : i32
          %dma_start3A_861 = tpu.memref_slice %arg3[%dma_start3A_860, %multiple_of3A_803] : memref<64x1000000xf32, #tpu.memory_space<hbm>> -> memref<64x128xf32, #tpu.memory_space<hbm>>
          %dma_start3A_862 = arith.constant 0 : i32
          %dma_start3A_863 = arith.constant 0 : i32
          %dma_start3A_864 = tpu.memref_slice %arg8[%dma_start3A, %dma_start3A_862, %dma_start3A_863] : memref<10x64x128xf32, #tpu.memory_space<vmem>> -> memref<1x64x128xf32, #tpu.memory_space<vmem>>
          %dma_start3A_865 = tpu.memref_squeeze %dma_start3A_864 : memref<1x64x128xf32, #tpu.memory_space<vmem>> -> memref<64x128xf32, #tpu.memory_space<vmem>>
          %dma_start3A_866 = arith.constant 0 : i32
          %dma_start3A_867 = tpu.memref_slice %arg3[%dma_start3A_866, %multiple_of3A_803] : memref<64x1000000xf32, #tpu.memory_space<hbm>> -> memref<64x128xf32, #tpu.memory_space<hbm>>
          tpu.enqueue_dma source(%dma_start3A_867 : memref<64x128xf32, #tpu.memory_space<hbm>>) target(%dma_start3A_865 : memref<64x128xf32, #tpu.memory_space<vmem>>) target_semaphore(%arg16 : memref<!tpu.dma_semaphore, #tpu.memory_space<semaphore_mem>>)
        } else {
        }
        %eq3A_826 = arith.constant 4 : i32
        %eq3A_827 = arith.cmpi eq, %rem3A_805, %eq3A_826 : i32
        %convert_element_type3A_828 = arith.extui %eq3A_827 : i1 to i32
        %cond3A_829 = arith.constant 0 : i32
        %cond3A_830 = arith.cmpi ne, %convert_element_type3A_828, %cond3A_829 : i32
        scf.if %cond3A_830 {
          %dma_start3A = arith.constant 4 : i32
          %dma_start3A_856 = arith.constant 0 : i32
          %dma_start3A_857 = arith.constant 0 : i32
          %dma_start3A_858 = tpu.memref_slice %arg8[%dma_start3A, %dma_start3A_856, %dma_start3A_857] : memref<10x64x128xf32, #tpu.memory_space<vmem>> -> memref<1x64x128xf32, #tpu.memory_space<vmem>>
          %dma_start3A_859 = tpu.memref_squeeze %dma_start3A_858 : memref<1x64x128xf32, #tpu.memory_space<vmem>> -> memref<64x128xf32, #tpu.memory_space<vmem>>
          %dma_start3A_860 = arith.constant 0 : i32
          %dma_start3A_861 = tpu.memref_slice %arg3[%dma_start3A_860, %multiple_of3A_803] : memref<64x1000000xf32, #tpu.memory_space<hbm>> -> memref<64x128xf32, #tpu.memory_space<hbm>>
          %dma_start3A_862 = arith.constant 0 : i32
          %dma_start3A_863 = arith.constant 0 : i32
          %dma_start3A_864 = tpu.memref_slice %arg8[%dma_start3A, %dma_start3A_862, %dma_start3A_863] : memref<10x64x128xf32, #tpu.memory_space<vmem>> -> memref<1x64x128xf32, #tpu.memory_space<vmem>>
          %dma_start3A_865 = tpu.memref_squeeze %dma_start3A_864 : memref<1x64x128xf32, #tpu.memory_space<vmem>> -> memref<64x128xf32, #tpu.memory_space<vmem>>
          %dma_start3A_866 = arith.constant 0 : i32
          %dma_start3A_867 = tpu.memref_slice %arg3[%dma_start3A_866, %multiple_of3A_803] : memref<64x1000000xf32, #tpu.memory_space<hbm>> -> memref<64x128xf32, #tpu.memory_space<hbm>>
          tpu.enqueue_dma source(%dma_start3A_867 : memref<64x128xf32, #tpu.memory_space<hbm>>) target(%dma_start3A_865 : memref<64x128xf32, #tpu.memory_space<vmem>>) target_semaphore(%arg17 : memref<!tpu.dma_semaphore, #tpu.memory_space<semaphore_mem>>)
        } else {
        }
        %eq3A_831 = arith.constant 5 : i32
        %eq3A_832 = arith.cmpi eq, %rem3A_805, %eq3A_831 : i32
        %convert_element_type3A_833 = arith.extui %eq3A_832 : i1 to i32
        %cond3A_834 = arith.constant 0 : i32
        %cond3A_835 = arith.cmpi ne, %convert_element_type3A_833, %cond3A_834 : i32
        scf.if %cond3A_835 {
          %dma_start3A = arith.constant 5 : i32
          %dma_start3A_856 = arith.constant 0 : i32
          %dma_start3A_857 = arith.constant 0 : i32
          %dma_start3A_858 = tpu.memref_slice %arg8[%dma_start3A, %dma_start3A_856, %dma_start3A_857] : memref<10x64x128xf32, #tpu.memory_space<vmem>> -> memref<1x64x128xf32, #tpu.memory_space<vmem>>
          %dma_start3A_859 = tpu.memref_squeeze %dma_start3A_858 : memref<1x64x128xf32, #tpu.memory_space<vmem>> -> memref<64x128xf32, #tpu.memory_space<vmem>>
          %dma_start3A_860 = arith.constant 0 : i32
          %dma_start3A_861 = tpu.memref_slice %arg3[%dma_start3A_860, %multiple_of3A_803] : memref<64x1000000xf32, #tpu.memory_space<hbm>> -> memref<64x128xf32, #tpu.memory_space<hbm>>
          %dma_start3A_862 = arith.constant 0 : i32
          %dma_start3A_863 = arith.constant 0 : i32
          %dma_start3A_864 = tpu.memref_slice %arg8[%dma_start3A, %dma_start3A_862, %dma_start3A_863] : memref<10x64x128xf32, #tpu.memory_space<vmem>> -> memref<1x64x128xf32, #tpu.memory_space<vmem>>
          %dma_start3A_865 = tpu.memref_squeeze %dma_start3A_864 : memref<1x64x128xf32, #tpu.memory_space<vmem>> -> memref<64x128xf32, #tpu.memory_space<vmem>>
          %dma_start3A_866 = arith.constant 0 : i32
          %dma_start3A_867 = tpu.memref_slice %arg3[%dma_start3A_866, %multiple_of3A_803] : memref<64x1000000xf32, #tpu.memory_space<hbm>> -> memref<64x128xf32, #tpu.memory_space<hbm>>
          tpu.enqueue_dma source(%dma_start3A_867 : memref<64x128xf32, #tpu.memory_space<hbm>>) target(%dma_start3A_865 : memref<64x128xf32, #tpu.memory_space<vmem>>) target_semaphore(%arg18 : memref<!tpu.dma_semaphore, #tpu.memory_space<semaphore_mem>>)
        } else {
        }
        %eq3A_836 = arith.constant 6 : i32
        %eq3A_837 = arith.cmpi eq, %rem3A_805, %eq3A_836 : i32
        %convert_element_type3A_838 = arith.extui %eq3A_837 : i1 to i32
        %cond3A_839 = arith.constant 0 : i32
        %cond3A_840 = arith.cmpi ne, %convert_element_type3A_838, %cond3A_839 : i32
        scf.if %cond3A_840 {
          %dma_start3A = arith.constant 6 : i32
          %dma_start3A_856 = arith.constant 0 : i32
          %dma_start3A_857 = arith.constant 0 : i32
          %dma_start3A_858 = tpu.memref_slice %arg8[%dma_start3A, %dma_start3A_856, %dma_start3A_857] : memref<10x64x128xf32, #tpu.memory_space<vmem>> -> memref<1x64x128xf32, #tpu.memory_space<vmem>>
          %dma_start3A_859 = tpu.memref_squeeze %dma_start3A_858 : memref<1x64x128xf32, #tpu.memory_space<vmem>> -> memref<64x128xf32, #tpu.memory_space<vmem>>
          %dma_start3A_860 = arith.constant 0 : i32
          %dma_start3A_861 = tpu.memref_slice %arg3[%dma_start3A_860, %multiple_of3A_803] : memref<64x1000000xf32, #tpu.memory_space<hbm>> -> memref<64x128xf32, #tpu.memory_space<hbm>>
          %dma_start3A_862 = arith.constant 0 : i32
          %dma_start3A_863 = arith.constant 0 : i32
          %dma_start3A_864 = tpu.memref_slice %arg8[%dma_start3A, %dma_start3A_862, %dma_start3A_863] : memref<10x64x128xf32, #tpu.memory_space<vmem>> -> memref<1x64x128xf32, #tpu.memory_space<vmem>>
          %dma_start3A_865 = tpu.memref_squeeze %dma_start3A_864 : memref<1x64x128xf32, #tpu.memory_space<vmem>> -> memref<64x128xf32, #tpu.memory_space<vmem>>
          %dma_start3A_866 = arith.constant 0 : i32
          %dma_start3A_867 = tpu.memref_slice %arg3[%dma_start3A_866, %multiple_of3A_803] : memref<64x1000000xf32, #tpu.memory_space<hbm>> -> memref<64x128xf32, #tpu.memory_space<hbm>>
          tpu.enqueue_dma source(%dma_start3A_867 : memref<64x128xf32, #tpu.memory_space<hbm>>) target(%dma_start3A_865 : memref<64x128xf32, #tpu.memory_space<vmem>>) target_semaphore(%arg19 : memref<!tpu.dma_semaphore, #tpu.memory_space<semaphore_mem>>)
        } else {
        }
        %eq3A_841 = arith.constant 7 : i32
        %eq3A_842 = arith.cmpi eq, %rem3A_805, %eq3A_841 : i32
        %convert_element_type3A_843 = arith.extui %eq3A_842 : i1 to i32
        %cond3A_844 = arith.constant 0 : i32
        %cond3A_845 = arith.cmpi ne, %convert_element_type3A_843, %cond3A_844 : i32
        scf.if %cond3A_845 {
          %dma_start3A = arith.constant 7 : i32
          %dma_start3A_856 = arith.constant 0 : i32
          %dma_start3A_857 = arith.constant 0 : i32
          %dma_start3A_858 = tpu.memref_slice %arg8[%dma_start3A, %dma_start3A_856, %dma_start3A_857] : memref<10x64x128xf32, #tpu.memory_space<vmem>> -> memref<1x64x128xf32, #tpu.memory_space<vmem>>
          %dma_start3A_859 = tpu.memref_squeeze %dma_start3A_858 : memref<1x64x128xf32, #tpu.memory_space<vmem>> -> memref<64x128xf32, #tpu.memory_space<vmem>>
          %dma_start3A_860 = arith.constant 0 : i32
          %dma_start3A_861 = tpu.memref_slice %arg3[%dma_start3A_860, %multiple_of3A_803] : memref<64x1000000xf32, #tpu.memory_space<hbm>> -> memref<64x128xf32, #tpu.memory_space<hbm>>
          %dma_start3A_862 = arith.constant 0 : i32
          %dma_start3A_863 = arith.constant 0 : i32
          %dma_start3A_864 = tpu.memref_slice %arg8[%dma_start3A, %dma_start3A_862, %dma_start3A_863] : memref<10x64x128xf32, #tpu.memory_space<vmem>> -> memref<1x64x128xf32, #tpu.memory_space<vmem>>
          %dma_start3A_865 = tpu.memref_squeeze %dma_start3A_864 : memref<1x64x128xf32, #tpu.memory_space<vmem>> -> memref<64x128xf32, #tpu.memory_space<vmem>>
          %dma_start3A_866 = arith.constant 0 : i32
          %dma_start3A_867 = tpu.memref_slice %arg3[%dma_start3A_866, %multiple_of3A_803] : memref<64x1000000xf32, #tpu.memory_space<hbm>> -> memref<64x128xf32, #tpu.memory_space<hbm>>
          tpu.enqueue_dma source(%dma_start3A_867 : memref<64x128xf32, #tpu.memory_space<hbm>>) target(%dma_start3A_865 : memref<64x128xf32, #tpu.memory_space<vmem>>) target_semaphore(%arg20 : memref<!tpu.dma_semaphore, #tpu.memory_space<semaphore_mem>>)
        } else {
        }
        %eq3A_846 = arith.constant 8 : i32
        %eq3A_847 = arith.cmpi eq, %rem3A_805, %eq3A_846 : i32
        %convert_element_type3A_848 = arith.extui %eq3A_847 : i1 to i32
        %cond3A_849 = arith.constant 0 : i32
        %cond3A_850 = arith.cmpi ne, %convert_element_type3A_848, %cond3A_849 : i32
        scf.if %cond3A_850 {
          %dma_start3A = arith.constant 8 : i32
          %dma_start3A_856 = arith.constant 0 : i32
          %dma_start3A_857 = arith.constant 0 : i32
          %dma_start3A_858 = tpu.memref_slice %arg8[%dma_start3A, %dma_start3A_856, %dma_start3A_857] : memref<10x64x128xf32, #tpu.memory_space<vmem>> -> memref<1x64x128xf32, #tpu.memory_space<vmem>>
          %dma_start3A_859 = tpu.memref_squeeze %dma_start3A_858 : memref<1x64x128xf32, #tpu.memory_space<vmem>> -> memref<64x128xf32, #tpu.memory_space<vmem>>
          %dma_start3A_860 = arith.constant 0 : i32
          %dma_start3A_861 = tpu.memref_slice %arg3[%dma_start3A_860, %multiple_of3A_803] : memref<64x1000000xf32, #tpu.memory_space<hbm>> -> memref<64x128xf32, #tpu.memory_space<hbm>>
          %dma_start3A_862 = arith.constant 0 : i32
          %dma_start3A_863 = arith.constant 0 : i32
          %dma_start3A_864 = tpu.memref_slice %arg8[%dma_start3A, %dma_start3A_862, %dma_start3A_863] : memref<10x64x128xf32, #tpu.memory_space<vmem>> -> memref<1x64x128xf32, #tpu.memory_space<vmem>>
          %dma_start3A_865 = tpu.memref_squeeze %dma_start3A_864 : memref<1x64x128xf32, #tpu.memory_space<vmem>> -> memref<64x128xf32, #tpu.memory_space<vmem>>
          %dma_start3A_866 = arith.constant 0 : i32
          %dma_start3A_867 = tpu.memref_slice %arg3[%dma_start3A_866, %multiple_of3A_803] : memref<64x1000000xf32, #tpu.memory_space<hbm>> -> memref<64x128xf32, #tpu.memory_space<hbm>>
          tpu.enqueue_dma source(%dma_start3A_867 : memref<64x128xf32, #tpu.memory_space<hbm>>) target(%dma_start3A_865 : memref<64x128xf32, #tpu.memory_space<vmem>>) target_semaphore(%arg21 : memref<!tpu.dma_semaphore, #tpu.memory_space<semaphore_mem>>)
        } else {
        }
        %eq3A_851 = arith.constant 9 : i32
        %eq3A_852 = arith.cmpi eq, %rem3A_805, %eq3A_851 : i32
        %convert_element_type3A_853 = arith.extui %eq3A_852 : i1 to i32
        %cond3A_854 = arith.constant 0 : i32
        %cond3A_855 = arith.cmpi ne, %convert_element_type3A_853, %cond3A_854 : i32
        scf.if %cond3A_855 {
          %dma_start3A = arith.constant 9 : i32
          %dma_start3A_856 = arith.constant 0 : i32
          %dma_start3A_857 = arith.constant 0 : i32
          %dma_start3A_858 = tpu.memref_slice %arg8[%dma_start3A, %dma_start3A_856, %dma_start3A_857] : memref<10x64x128xf32, #tpu.memory_space<vmem>> -> memref<1x64x128xf32, #tpu.memory_space<vmem>>
          %dma_start3A_859 = tpu.memref_squeeze %dma_start3A_858 : memref<1x64x128xf32, #tpu.memory_space<vmem>> -> memref<64x128xf32, #tpu.memory_space<vmem>>
          %dma_start3A_860 = arith.constant 0 : i32
          %dma_start3A_861 = tpu.memref_slice %arg3[%dma_start3A_860, %multiple_of3A_803] : memref<64x1000000xf32, #tpu.memory_space<hbm>> -> memref<64x128xf32, #tpu.memory_space<hbm>>
          %dma_start3A_862 = arith.constant 0 : i32
          %dma_start3A_863 = arith.constant 0 : i32
          %dma_start3A_864 = tpu.memref_slice %arg8[%dma_start3A, %dma_start3A_862, %dma_start3A_863] : memref<10x64x128xf32, #tpu.memory_space<vmem>> -> memref<1x64x128xf32, #tpu.memory_space<vmem>>
          %dma_start3A_865 = tpu.memref_squeeze %dma_start3A_864 : memref<1x64x128xf32, #tpu.memory_space<vmem>> -> memref<64x128xf32, #tpu.memory_space<vmem>>
          %dma_start3A_866 = arith.constant 0 : i32
          %dma_start3A_867 = tpu.memref_slice %arg3[%dma_start3A_866, %multiple_of3A_803] : memref<64x1000000xf32, #tpu.memory_space<hbm>> -> memref<64x128xf32, #tpu.memory_space<hbm>>
          tpu.enqueue_dma source(%dma_start3A_867 : memref<64x128xf32, #tpu.memory_space<hbm>>) target(%dma_start3A_865 : memref<64x128xf32, #tpu.memory_space<vmem>>) target_semaphore(%arg22 : memref<!tpu.dma_semaphore, #tpu.memory_space<semaphore_mem>>)
        } else {
        }
      } else {
      }
    }
    %gt3A = arith.constant 0 : i32
    %gt3A_688 = arith.cmpi sgt, %scan3A_641, %gt3A : i32
    %sub3A_689 = arith.constant 1 : i32
    %sub3A_690 = arith.subi %scan3A_641, %sub3A_689 : i32
    %rem3A_691 = arith.constant 64 : i32
    %rem3A_692 = arith.remsi %sub3A_690, %rem3A_691 : i32
    %add3A_693 = arith.constant 1 : i32
    %add3A_694 = arith.addi %rem3A_692, %add3A_693 : i32
    %jit3A_695 = arith.constant 0 : i32
    %select_n3A_696 = arith.select %gt3A_688, %add3A_694, %jit3A_695 : i32
    %while3A_697 = arith.constant 0 : i32
    %while3A_698 = arith.constant 0 : i32
    %while3A_699 = arith.subi %select_n3A_696, %while3A_698 : i32
    %while3A_700 = arith.addi %while3A_698, %while3A_699 : i32
    %while3A_701 = arith.constant 1 : i32
    %while3A_702 = arith.divsi %while3A_699, %while3A_701 : i32
    %while3A_703 = arith.muli %while3A_702, %while3A_701 : i32
    %while3A_704 = arith.addi %while3A_698, %while3A_703 : i32
    %while3A_705 = arith.constant 1 : i32
    scf.for %while3A_707 = %while3A_698 to %while3A_704 step %while3A_705  : i32 {
      %dma_wait3A = arith.constant 0 : i32
      %dma_wait3A_708 = arith.constant 0 : i32
      %dma_wait3A_709 = tpu.memref_slice %arg9[%dma_wait3A, %dma_wait3A_708] : memref<64x64xf32, #tpu.memory_space<vmem>> -> memref<1x64xf32, #tpu.memory_space<vmem>>
      %dma_wait3A_710 = arith.constant 0 : i32
      %dma_wait3A_711 = arith.constant 0 : i32
      %dma_wait3A_712 = tpu.memref_slice %arg4[%dma_wait3A_710, %dma_wait3A_711] : memref<16384x64xf32, #tpu.memory_space<hbm>> -> memref<1x64xf32, #tpu.memory_space<hbm>>
      %dma_wait3A_713 = arith.constant 0 : i32
      %dma_wait3A_714 = arith.constant 0 : i32
      %dma_wait3A_715 = tpu.memref_slice %arg9[%dma_wait3A_713, %dma_wait3A_714] : memref<64x64xf32, #tpu.memory_space<vmem>> -> memref<1x64xf32, #tpu.memory_space<vmem>>
      %dma_wait3A_716 = arith.constant 0 : i32
      %dma_wait3A_717 = arith.constant 0 : i32
      %dma_wait3A_718 = tpu.memref_slice %arg4[%dma_wait3A_716, %dma_wait3A_717] : memref<16384x64xf32, #tpu.memory_space<hbm>> -> memref<1x64xf32, #tpu.memory_space<hbm>>
      tpu.wait_dma2 semaphore(%arg23 : memref<!tpu.dma_semaphore, #tpu.memory_space<semaphore_mem>>) src(%dma_wait3A_718 : memref<1x64xf32, #tpu.memory_space<hbm>>) dst(%dma_wait3A_715 : memref<1x64xf32, #tpu.memory_space<vmem>>)
    }
    %while3A_706 = arith.constant 1 : i32
    scf.for %while3A_707 = %while3A_704 to %while3A_700 step %while3A_706  : i32 {
      %dma_wait3A = arith.constant 0 : i32
      %dma_wait3A_708 = arith.constant 0 : i32
      %dma_wait3A_709 = tpu.memref_slice %arg9[%dma_wait3A, %dma_wait3A_708] : memref<64x64xf32, #tpu.memory_space<vmem>> -> memref<1x64xf32, #tpu.memory_space<vmem>>
      %dma_wait3A_710 = arith.constant 0 : i32
      %dma_wait3A_711 = arith.constant 0 : i32
      %dma_wait3A_712 = tpu.memref_slice %arg4[%dma_wait3A_710, %dma_wait3A_711] : memref<16384x64xf32, #tpu.memory_space<hbm>> -> memref<1x64xf32, #tpu.memory_space<hbm>>
      %dma_wait3A_713 = arith.constant 0 : i32
      %dma_wait3A_714 = arith.constant 0 : i32
      %dma_wait3A_715 = tpu.memref_slice %arg9[%dma_wait3A_713, %dma_wait3A_714] : memref<64x64xf32, #tpu.memory_space<vmem>> -> memref<1x64xf32, #tpu.memory_space<vmem>>
      %dma_wait3A_716 = arith.constant 0 : i32
      %dma_wait3A_717 = arith.constant 0 : i32
      %dma_wait3A_718 = tpu.memref_slice %arg4[%dma_wait3A_716, %dma_wait3A_717] : memref<16384x64xf32, #tpu.memory_space<hbm>> -> memref<1x64xf32, #tpu.memory_space<hbm>>
      tpu.wait_dma2 semaphore(%arg23 : memref<!tpu.dma_semaphore, #tpu.memory_space<semaphore_mem>>) src(%dma_wait3A_718 : memref<1x64xf32, #tpu.memory_space<hbm>>) dst(%dma_wait3A_715 : memref<1x64xf32, #tpu.memory_space<vmem>>)
    }
    return
  }
}

</mosaic_0001>

<sc_bundles>
// kernel: kernel.3.cloned.1.call-start
scs
__scs_entry_jumppad:
0x0: {  	(pc) =	sbr.rel $0x88, $3  }
0x1: {  	(tag) =	ssettag $0x0;
	lr =	simm.s32 $0x1  }
0x2: {  	[smem:$0x3F9F] =	sst lr;
	_ =	strace $0xD0000000  }
0x3: {  	_ = 	snop  }
0x4: {  	_ = 	snop  }
0x5: {  	_ = 	snop  }
0x6: {  	_ = 	snop  }
0x7: {  	_ = 	snop  }
__scs_overlays_trampoline_lowered:
0x8: {  	[smem:$0x3FAE] =	sst s0  }
0x9: {  	[smem:$0x3FAF] =	sst s1  }
0xa: {  	[smem:$0x3FB0] =	sst s2  }
0xb: {  	[smem:$0x3FB1] =	sst s3  }
0xc: {  	[smem:$0x3FB2] =	sst s4  }
0xd: {  	[smem:$0x3FB3] =	sst s5  }
0xe: {  	[smem:$0x3FB4] =	sst s6  }
0xf: {  	[smem:$0x3FB5] =	sst s7  }
0x10: {  	[smem:$0x3FB6] =	sst s8  }
0x11: {  	[smem:$0x3FB7] =	sst s9;
	s0 =	simm.s32 @!p0 $0x0  }
0x12: {  	s1 =	sld [smem:$0x3F9D];
	s0 =	simm.s32 @p0 $0x1  }
0x13: {  	[smem:$0x3FB8] =	sst s0;
	s0 =	simm.s32 @!p1 $0x0  }
0x14: {  	s2 =	sld [smem:$0x3F9C];
	s0 =	simm.s32 @p1 $0x1  }
0x15: {  	[smem:$0x3FB9] =	sst s0;
	s0 =	simm.s32 @!p2 $0x0  }
0x16: {  	s3 =	sld [smem:$0x3FDB];
	s0 =	simm.s32 @p2 $0x1  }
0x17: {  	s4 =	simm.s32 $0x1BF5;
	[smem:$0x3FBB] =	sst s0  }
0x18: {  	s0 =	sld [smem:$0x3F9E];
	_ =	swait.ge [sflag:s4], $0x0  }
0x19: {  	s7 =	sld [smem:$0x3F9F]  }
0x1a: {  	s8 =	sadd.s32 $0xFFFFE003, lr  }
0x1b: {  	s9 =	sadd.s32 $0xFFFFFEF7, lr;
	s5 =	simm.s32 $0xFFFFFFFF;
	p2 =	slt.u32 s8, $0xFFFFF086  }
0x1c: {  	p1 =	slt.u32 s9, $0xF7A;
	s5 =	simm.s32 @!p2 $0x0  }
0x1d: {  	s5 =	simm.s32 @p1 $0x1;
	p0 =	seq.s32 s7, s2  }
0x1e: {  	s7 =	smul.u32 @!p0 $0xF7A, s2;
	p2 =	seq.s32 @!p0 s5, $0x0  }
0x1f: {  	s9 =	smul.u32 $0xF7A, s1;
	s8 =	simm.s32 @!p0 $0x1BF5;
	p2 =	por !p2, p0  }
0x20: {  	[sflag:s8] =	ssyncset.s32 @!p0 $0xFFFFF086;
	s6 =	sadd.s32 @!p0 s3, s7;
	s7 =	simm.s32 @!p0 $0x108  }
0x21: {  	s3 =	sadd.s32 s3, s9;
	s6 =	sadd.s32 @!p0 $0x88, s6;
	s7 =	simm.s32 @p2 $0x1082  }
0x22: {  	[simem:s7], [sflag:s8] =	dma.local @!p0 [hbm:s6], $0xF7A  }
0x23: {  	s9 =	sor.u32 $0xD0000000, s2;
	s6 =	simm.s32 $0x108;
	_ =	swait.ge @!p0 [sflag:s8], $0x0  }
0x24: {  	s3 =	sadd.s32 $0x88, s3;
	s6 =	simm.s32 @!p1 $0x1082;
	[sflag:s4] =	ssyncset.s32 $0xFFFFF086  }
0x25: {  	[simem:s6], [sflag:s4] =	dma.local [hbm:s3], $0xF7A  }
0x26: {  	[smem:$0x3F9F] =	sst s1;
	(tag) =	ssettag s2;
	_ =	strace s9  }
0x27: {  	s1 =	sld [smem:$0x3FAF]  }
0x28: {  	s2 =	sld [smem:$0x3FB0]  }
0x29: {  	s4 =	sld [smem:$0x3FB2]  }
0x2a: {  	p0 =	seq.s32 s5, $0x0;
	s5 =	sld [smem:$0x3FB3]  }
0x2b: {  	s6 =	sld [smem:$0x3FB4]  }
0x2c: {  	s7 =	sld [smem:$0x3FB5]  }
0x2d: {  	s3 =	simm.s32 $0x108;
	s8 =	sld [smem:$0x3FB6]  }
0x2e: {  	s3 =	simm.s32 @!p0 $0x1082;
	s9 =	sld [smem:$0x3FB7]  }
0x2f: {  	lr =	sadd.s32 s0, s3;
	s0 =	sld [smem:$0x3FAE]  }
0x30: {  	s3 =	sld [smem:$0x3FB1]  }
0x31: {  	[smem:$0x3FBA] =	sst s10  }
0x32: {  	s10 =	sld [smem:$0x3FB8];
	_ =	sdelay $0x3  }
0x33: {  	p0 =	seq.s32 s10, $0x1;
	s10 =	sld [smem:$0x3FBA];
	_ =	sdelay $0x3  }
0x34: {  	[smem:$0x3FBA] =	sst s10  }
0x35: {  	s10 =	sld [smem:$0x3FB9];
	_ =	sdelay $0x3  }
0x36: {  	p1 =	seq.s32 s10, $0x1;
	s10 =	sld [smem:$0x3FBA];
	_ =	sdelay $0x3  }
0x37: {  	[smem:$0x3FBA] =	sst s10  }
0x38: {  	s10 =	sld [smem:$0x3FBB]  }
0x39: {  	_ = 	snop;
	(pc) =	sbr.ind lr, $3  }
0x3a: {  	_ = 	snop  }
0x3b: {  	_ = 	snop  }
0x3c: {  	p2 =	seq.s32 s10, $0x1;
	s10 =	sld [smem:$0x3FBA]  }
0x3d: {  	_ =	shalt  }
0x3e: {  	_ =	shalt  }
0x3f: {  	_ =	shalt  }
0x40: {  	_ =	shalt  }
0x41: {  	_ =	shalt  }
0x42: {  	_ =	shalt  }
0x43: {  	_ =	shalt  }
0x44: {  	_ =	shalt  }
0x45: {  	_ =	shalt  }
0x46: {  	_ =	shalt  }
0x47: {  	_ =	shalt  }
0x48: {  	_ =	shalt  }
0x49: {  	_ =	shalt  }
0x4a: {  	_ =	shalt  }
0x4b: {  	_ =	shalt  }
0x4c: {  	_ =	shalt  }
0x4d: {  	_ =	shalt  }
0x4e: {  	_ =	shalt  }
0x4f: {  	_ =	shalt  }
0x50: {  	_ =	shalt  }
0x51: {  	_ =	shalt  }
0x52: {  	_ =	shalt  }
0x53: {  	_ =	shalt  }
0x54: {  	_ =	shalt  }
0x55: {  	_ =	shalt  }
0x56: {  	_ =	shalt  }
0x57: {  	_ =	shalt  }
0x58: {  	_ =	shalt  }
0x59: {  	_ =	shalt  }
0x5a: {  	_ =	shalt  }
0x5b: {  	_ =	shalt  }
0x5c: {  	_ =	shalt  }
0x5d: {  	_ =	shalt  }
0x5e: {  	_ =	shalt  }
0x5f: {  	_ =	shalt  }
0x60: {  	_ =	shalt  }
0x61: {  	_ =	shalt  }
0x62: {  	_ =	shalt  }
0x63: {  	_ =	shalt  }
0x64: {  	_ =	shalt  }
0x65: {  	_ =	shalt  }
0x66: {  	_ =	shalt  }
0x67: {  	_ =	shalt  }
0x68: {  	_ =	shalt  }
0x69: {  	_ =	shalt  }
0x6a: {  	_ =	shalt  }
0x6b: {  	_ =	shalt  }
0x6c: {  	_ =	shalt  }
0x6d: {  	_ =	shalt  }
0x6e: {  	_ =	shalt  }
0x6f: {  	_ =	shalt  }
0x70: {  	_ =	shalt  }
0x71: {  	_ =	shalt  }
0x72: {  	_ =	shalt  }
0x73: {  	_ =	shalt  }
0x74: {  	_ =	shalt  }
0x75: {  	_ =	shalt  }
0x76: {  	_ =	shalt  }
0x77: {  	_ =	shalt  }
0x78: {  	_ =	shalt  }
0x79: {  	_ =	shalt  }
0x7a: {  	_ =	shalt  }
0x7b: {  	_ =	shalt  }
0x7c: {  	_ =	shalt  }
0x7d: {  	_ =	shalt  }
0x7e: {  	_ =	shalt  }
0x7f: {  	_ =	shalt  }
0x80: {  	_ =	shalt  }
0x81: {  	_ =	shalt  }
0x82: {  	_ =	shalt  }
0x83: {  	_ =	shalt  }
0x84: {  	_ =	shalt  }
0x85: {  	_ =	shalt  }
0x86: {  	_ =	shalt  }
0x87: {  	_ =	shalt  }
.Lfunc_end0:
.L_simem_size_0:
called_computation_lowered:
.L_overlay_start_0:
0x88: {  	s2 =	sld [smem:$0x3FD9]  }
0x89: {  	s3 =	sld [smem:$0x3FFE];
	_ =	sdelay $0x1  }
0x8a: {  	s1 =	srdreg.scid  }
0x8b: {  	s0 =	sand.u32 $0x1, s1  }
0x8c: {  	s17 =	sshll.u32 s0, $0xA;
	s2 =	sadd.s32 s3, s2  }
0x8d: {  	s2 =	sadd.s32 s2, s17  }
0x8e: {  	[smem:$0x3FC6] =	sst s2  }
0x8f: {  	_ = 	snop  }
0x90: {  	s2 =	sld [smem:$0x3FC9]  }
0x91: {  	s18 =	sld [smem:$0x3FC8];
	(tm) =	ssettm $0x1  }
0x92: {  	s4 =	sld [smem:$0x3FFB];
	_ =	sdelay $0x3  }
0x93: {  	_ =	strace s4  }
0x94: {  	s4 =	sld [smem:$0x3FFC];
	_ =	sdelay $0x3  }
0x95: {  	_ =	strace s4  }
0x96: {  	s4 =	sld [smem:$0x3FFD];
	_ =	sdelay $0x3  }
0x97: {  	_ =	strace s4  }
0x98: {  	_ =	strace $0x8FFFFFFF  }
0x99: {  	s19 =	sld [smem:$0x3FDB];
	_ =	sdelay $0x1  }
0x9a: {  	s5 =	simm.s32 $_scs_section_size  }
0x9b: {  	s6 =	simm.s32 $_size__tile_overlayer_lowered;
	s7 =	simm.s32 $_tile_overlayer_lowered  }
0x9c: {  	s22 =	simm.s32 $0x1BFF;
	s21 =	sshll.u32 s7, $0x1;
	s4 =	sadd.s32 s5, s19  }
0x9d: {  	s8 =	simm.s32 $0x0;
	s20 =	sshll.u32 s6, $0x1;
	s6 =	sadd.s32 s21, s4  }
0x9e: {  	[timem:s8], [sflag:s22] =	dma.local [hbm:s6], s20  }
0x9f: {  	_ =	swait.ge [sflag:s22], s20  }
0xa0: {  	s5 =	ssub.s32 $0x0, s20;
	[sflag:s22] =	ssyncset.done $0x0  }
0xa1: {  	[sflag:s22] =	ssyncadd.s32 s5;
	_ =	sdelay $0x1  }
0xa2: {  	s23 =	simm.s32 $0x1B8B  }
0xa3: {  	_ =	swait.ge [sflag:s23], $0x1  }
0xa4: {  	[sflag:s23] =	ssyncset.done $0x0  }
0xa5: {  	s25 =	simm.s32 $0x1B8E;
	s24 =	sld [smem:$0x3FFE];
	[sflag:s23] =	ssyncadd.s32 $0xFFFFFFFF  }
0xa6: {  	s26 =	simm.s32 $execute0_lowered;
	[smem:$0x3FD2] =	sst s25  }
0xa7: {  	s6 =	sshll.u32 s26, $0x1;
	_ =	strace $0x80000046;
	[dreg:$0x1] =	wrdreg $0xFFFFFFFF  }
0xa8: {  	s28 =	simm.s32 $_size_execute0_lowered;
	s4 =	sadd.s32 s4, s6;
	[dreg:$0x0] =	wrdreg $0x0  }
0xa9: {  	s6 =	sshll.u32 s28, $0x1;
	[dreg:$0x2] =	wrdreg s4  }
0xaa: {  	[dreg:$0x3] =	wrdreg s6  }
0xab: {  	[dreg:$0x4] =	wrdreg $0xC0  }
0xac: {  	_ =	task [dreg:s8], $0x5FFFF  }
0xad: {  	[dreg:$0x1] =	wrdreg $0xFFFFFFFF  }
0xae: {  	[dreg:$0x0] =	wrdreg $0x60  }
0xaf: {  	[dreg:$0x2] =	wrdreg s2  }
0xb0: {  	[dreg:$0x3] =	wrdreg s18  }
0xb1: {  	[dreg:$0x4] =	wrdreg s24  }
0xb2: {  	[dreg:$0x5] =	wrdreg $0x9  }
0xb3: {  	_ =	task.clear_ibuf [dreg:s8], $0x6FFFF;
	_ =	strace $0x90000046  }
0xb4: {  	s29 =	simm.s32 $0x9;
	_ =	strace $0x80000048  }
0xb5: {  	_ =	swait.ge [sflag:s29], $0x1  }
0xb6: {  	[sflag:s29] =	ssyncadd.s32 $0xFFFFFFFF  }
0xb7: {  	_ =	strace $0x90000048  }
0xb8: {  	_ =	sfence  }
0xb9: {  	s30 =	sld [smem:$0x0];
	_ =	sdelay $0x2  }
0xba: {  	s31 =	sshll.u32 s1, $0xD;
	s1 =	sshrl.u32 s1, $0x2  }
0xbb: {  	s3 =	sand.u32 $0x4000, s31;
	s1 =	sadd.s32 s1, s30  }
0xbc: {  	s0 =	sor.u32 s3, s0;
	s1 =	sshll.u32 s1, $0x11  }
0xbd: {  	s0 =	sor.u32 s1, s0  }
0xbe: {  	s0 =	sadd.s32 $0x8F2B, s0  }
0xbf: {  	[sflag:s0] =	ssyncadd.remote.s32 $0x1  }
0xc0: {  	_ =	sfence.sel $0xFFFF  }
0xc1: {  	[dreg:$0x0] =	wrdreg $0xFFFFFFFF;
	(pc) =	sbr.abs _section_cstart, $3  }
0xc2: {  	[dreg:$0x1] =	wrdreg $0xFFFFFFFF  }
0xc3: {  	_ =	task.clear_ibuf [dreg:s8], $0x2FFFF;
	_ =	strace $0x9FFFFFFF  }
0xc4: {  	(tm) =	ssettm $0x7FFFFFFF  }
0xc5: {  	_ =	shalt  }
tec
execute0_lowered:
.L_overlay_start_1:
0x0: {  	(tag) =	ssettag $0x1  }
0x1: {  	s1 =	rddreg [dreg:$0x0]  }
0x2: {  	s3 =	rddreg [dreg:$0x1]  }
0x3: {  	s0 =	rddreg [dreg:$0x2];
	s2 =	srdreg.scid  }
0x4: {  	s5 =	stileid.u32;
	s4 =	simm.s32 $0x0;
	s30 =	simm.s32 $0xF4  }
0x5: {  	s20 =	simm.s32 $0x400;
	s21 =	simm.s32 $0x7A1400;
	s22 =	simm.s32 $0x2900  }
0x6: {  	s2 =	sand.u32 $0x1, s2;
	s5 =	sshll.u32 s5, $0x1;
	[smem:$0x7FF] =	sst s4  }
0x7: {  	s7 =	sor.u32 s2, s5;
	_ =	strace $0x80000047;
	s2 =	ssub.s32 $0x2, s2  }
0x8: {  	s5 =	sadd.s32 $0x400, s0;
	s6 =	smul.u32 $0xF4, s7;
	s23 =	sshrl.u32 s2, $0x1  }
0x9: {  	s8 =	smin.u32 s7, $0x5;
	p0 =	slt.u32 s7, $0x5;
	s7 =	simm.s32 $0xF5  }
0xa: {  	s0 =	ssub.s32 s2, s23;
	s7 =	simm.s32 @!p0 $0xF4;
	s6 =	sadd.s32 s8, s6  }
0xb: {  	s30 =	simm.s32 @!p0 $0xF3;
	s23 =	simm.s32 $0x1880;
	s24 =	sshll.u32 s6, $0x7  }
0xc: {  	s19 =	smax.u32 s0, $0x1;
	s31 =	sadd.s32 s7, s6;
	s9 =	sadd.s32 s3, s24  }
0xd: {  	s24 =	simm.s32 $0xB;
	s2 =	sadd.s32 $0x80, s9;
	s25 =	sadd.s32 $0x100, s9  }
.Ltmp0:
0xe: {  	v3 =	vlaneseq.u32;
	s26 =	sadd.s32 $0x180, s9;
	[dreg:$0x4] =	wrdreg s2;
	(pc) =	sbr.rel .LBB2_1-.Ltmp0, $4  }
0xf: {  	v0 =	vmul.u32 $0x80, v3;
	s28 =	sadd.s32 $0x200, s9;
	s29 =	sadd.s32 $0x280, s9;
	[dreg:$0x5] =	wrdreg s25  }
0x10: {  	s15 =	sadd.s32 $0x300, s9;
	s16 =	sadd.s32 $0x380, s9;
	[dreg:$0x6] =	wrdreg s26  }
0x11: {  	v3 =	vmul.u32 $0x8000, v3;
	v4 =	vor.u32 $0x800, v0;
	v5 =	vor.u32 $0x1000, v0;
	s17 =	sadd.s32 $0x400, s9;
	s18 =	sadd.s32 $0x480, s9;
	[dreg:$0x7] =	wrdreg s28  }
0x12: {  	v6 =	vor.u32 $0x1800, v0;
	v2 =	vmov s6;
	v1 =	vmov s31;
	[dreg:$0x8] =	wrdreg s29;
	s2 =	simm.s32 $0xC;
	s25 =	simm.s32 $0x0  }
.LBB2_36:
0x13: {  	[sflag:s24] =	ssyncadd.s32 $0xFFFFFF80  }
.LBB2_37:
0x14: {  	s25 =	sadd.s32 $0x1, s25  }
0x15: {  	p0 =	sne.s32 s25, s19  }
.Ltmp1:
0x16: {  	_ = 	snop;
	(pc) =	sbr.rel @!p0 .LBB2_38-.Ltmp1, $1  }
0x17: {  	_ =	sdelay $0x3  }
.LBB2_1:
0x18: {  	[tilespmem:s22], [sflag:$0x1] =	stream.strided.gather [hbm4b:s9+s20], $0x2000, s21, s20, $0x38;
	[tilespmem:$0x18900] =	vst v63  }
0x19: {  	s0 =	rddreg [dreg:$0x4];
	s8 =	simm.s32 $0x4900  }
0x1a: {  	[tilespmem:s8], [sflag:$0x2] =	stream.strided.gather [hbm4b:s0+s20], $0x2000, s21, s20, $0x38;
	[tilespmem:$0x18900] =	vst v63  }
0x1b: {  	s29 =	rddreg [dreg:$0x5];
	s31 =	simm.s32 $0x6900  }
0x1c: {  	[tilespmem:s31], [sflag:$0x3] =	stream.strided.gather [hbm4b:s29+s20], $0x2000, s21, s20, $0x38;
	[tilespmem:$0x18900] =	vst v63  }
0x1d: {  	s10 =	simm.s32 $0x8900;
	s8 =	rddreg [dreg:$0x6]  }
0x1e: {  	[tilespmem:s10], [sflag:$0x4] =	stream.strided.gather [hbm4b:s8+s20], $0x2000, s21, s20, $0x38;
	[tilespmem:$0x18900] =	vst v63  }
0x1f: {  	s11 =	rddreg [dreg:$0x7];
	s12 =	simm.s32 $0xA900  }
0x20: {  	[tilespmem:s12], [sflag:$0x5] =	stream.strided.gather [hbm4b:s11+s20], $0x2000, s21, s20, $0x38;
	[tilespmem:$0x18900] =	vst v63  }
0x21: {  	s13 =	rddreg [dreg:$0x8];
	s14 =	simm.s32 $0xC900  }
0x22: {  	[tilespmem:s14], [sflag:$0x6] =	stream.strided.gather [hbm4b:s13+s20], $0x2000, s21, s20, $0x38;
	[tilespmem:$0x18900] =	vst v63  }
0x23: {  	s26 =	simm.s32 $0xE900  }
0x24: {  	[tilespmem:s26], [sflag:$0x7] =	stream.strided.gather [hbm4b:s15+s20], $0x2000, s21, s20, $0x38;
	[tilespmem:$0x18900] =	vst v63  }
0x25: {  	s28 =	simm.s32 $0x10900  }
0x26: {  	[tilespmem:s28], [sflag:$0x8] =	stream.strided.gather [hbm4b:s16+s20], $0x2000, s21, s20, $0x38;
	[tilespmem:$0x18900] =	vst v63  }
0x27: {  	s0 =	simm.s32 $0x0;
	s29 =	simm.s32 $0x12900  }
0x28: {  	[tilespmem:s29], [sflag:$0x9] =	stream.strided.gather [hbm4b:s17+s20], $0x2000, s21, s20, $0x38;
	[tilespmem:$0x18900] =	vst v63  }
0x29: {  	s31 =	simm.s32 $0x14900;
	s8 =	simm.s32 $0x0;
	s26 =	simm.s32 $0x0  }
0x2a: {  	[tilespmem:s31], [sflag:$0xA] =	stream.strided.gather [hbm4b:s18+s20], $0x2000, s21, s20, $0x38;
	[tilespmem:$0x18900] =	vst v63  }
.LBB2_2:
0x2b: {  	s10 =	sshll.u32 s8, $0x8  }
0x2c: {  	s11 =	simm.s32 $0x0;
	s10 =	sadd.s32 s1, s10  }
0x2d: {  	[tilespmem:s11], [sflag:$0xC] =	stream.linear.gather [hbm4b:s10+s11], $0x800, $0x38;
	[tilespmem:$0x18900] =	vst v63  }
0x2e: {  	_ =	swait.ge [sflag:s2], $0x800  }
0x2f: {  	[sflag:s2] =	ssyncset.done $0x0  }
0x30: {  	s14 =	simm.s32 $0x0;
	[sflag:s2] =	ssyncadd.s32 $0xFFFFF800  }
0x31: {  	v7 =	vld [tilespmem:s14+$0x0];
	_ =	sdelay $0x4  }
0x32: {  	v8 =	vshra.s32 v7, $0x7  }
0x33: {  	vm0 =	vge.s32 v8, v2;
	vm1 =	vlt.s32 v8, v1  }
0x34: {  	vm0 =	vmand vm0, vm1  }
0x35: {  	v9 =	vmpcnt.ones.xlane vm0;
	_ =	sdelay $0x1  }
0x36: {  	v62 =	vmov s0;
	(v2sf) =	vpush v9, $0x0  }
0x37: {  	v7 =	vshll.u32 v7, $0x8;
	v9 =	vshll.u32 v62, $0xF  }
0x38: {  	v7 =	vand.u32 $0x7F00, v7;
	v9 =	vor.u32 v3, v9  }
0x39: {  	v8 =	vsub.s32 v8, v2;
	v7 =	vor.u32 v9, v7  }
0x3a: {  	v7 =	vor.u32 v8, v7  }
0x3b: {  	s28 =	simm.s32 $0x10;
	[tilespmem:s26+$0x800] =	vst.msk vm0, v7  }
0x3c: {  	v7 =	vld [tilespmem:s28+$0x0];
	_ =	sdelay $0x4  }
0x3d: {  	v8 =	vshra.s32 v7, $0x7  }
0x3e: {  	s10 =	sadd.s32 $0x10, s0;
	vm0 =	vge.s32 v8, v2;
	vm1 =	vlt.s32 v8, v1  }
0x3f: {  	v63 =	vmov s10;
	vm0 =	vmand vm0, vm1  }
0x40: {  	v9 =	vshll.u32 v63, $0xF;
	v7 =	vshll.u32 v7, $0x8;
	v10 =	vmpcnt.ones.xlane vm0  }
0x41: {  	v9 =	vor.u32 v3, v9;
	v7 =	vand.u32 $0x7F00, v7;
	s31 =	spop (v2sf)  }
0x42: {  	v8 =	vsub.s32 v8, v2;
	v7 =	vor.u32 v9, v7;
	(v2sf) =	vpush v10, $0x0;
	s29 =	sadd.s32 s26, s31  }
0x43: {  	v7 =	vor.u32 v8, v7;
	s26 =	simm.s32 $0x80;
	p1 =	slt.s32 s29, $0x1000  }
.LBB2_3:
0x44: {  	p0 =	sne.s32 s26, $0x1FC0  }
0x45: {  	s29 =	simm.s32 @!p1 $0x1000;
	s11 =	smov.u32 s26;
	s26 =	sadd.s32 $0x40, s26  }
0x46: {  	s11 =	sshra.s32 s11, $0x2;
	[tilespmem:s29+$0x800] =	vst.msk vm0, v7  }
0x47: {  	v7 =	vld [tilespmem:s11+$0x0];
	_ =	sdelay $0x2  }
0x48: {  	s10 =	sadd.s32 $0x10, s10  }
0x49: {  	v8 =	vmov s10  }
0x4a: {  	v8 =	vshll.u32 v8, $0xF;
	v9 =	vshra.s32 v7, $0x7;
	v7 =	vshll.u32 v7, $0x8  }
0x4b: {  	vm0 =	vge.s32 v9, v2;
	vm1 =	vlt.s32 v9, v1;
	v7 =	vand.u32 $0x7F00, v7  }
0x4c: {  	v8 =	vor.u32 v3, v8;
	vm0 =	vmand vm0, vm1  }
.Ltmp2:
0x4d: {  	v7 =	vor.u32 v8, v7;
	v8 =	vsub.s32 v9, v2;
	v9 =	vmpcnt.ones.xlane vm0;
	(pc) =	sbr.rel @p0 .LBB2_3-.Ltmp2, $4  }
0x4e: {  	v7 =	vor.u32 v8, v7  }
0x4f: {  	(v2sf) =	vpush v9, $0x0;
	s11 =	spop (v2sf)  }
0x50: {  	s29 =	sadd.s32 s29, s11  }
0x51: {  	p1 =	slt.s32 s29, $0x1000  }
0x52: {  	_ =	sdelay $0x8  }
0x53: {  	s8 =	sadd.s32 $0x1, s8  }
0x54: {  	p0 =	seq.s32 s8, $0x8  }
.Ltmp3:
0x55: {  	_ = 	snop;
	(pc) =	sbr.rel @!p0 .LBB2_2-.Ltmp3, $4  }
0x56: {  	s29 =	simm.s32 @!p1 $0x1000;
	s10 =	spop (v2sf)  }
0x57: {  	s28 =	sadd.s32 s29, s10  }
0x58: {  	p1 =	slt.s32 s28, $0x1000;
	s26 =	smov.u32 s28  }
0x59: {  	s0 =	sadd.s32 $0x800, s0;
	[tilespmem:s29+$0x800] =	vst.msk vm0, v7;
	s26 =	simm.s32 @!p1 $0x1000  }
0x5a: {  	s0 =	simm.s32 $0x4;
	s8 =	simm.s32 $0x0  }
.LBB2_6:
0x5b: {  	p0 =	seq.s32 s0, $0x3D4  }
0x5c: {  	[smem:s8] =	sst s4;
	s8 =	smov.u32 s0;
	s0 =	sadd.s32 $0x4, s0  }
.Ltmp4:
0x5d: {  	(pc) =	sbr.rel @!p0 .LBB2_6-.Ltmp4, $2  }
0x5e: {  	_ =	sdelay $0x2  }
0x5f: {  	s8 =	sshra.s32 s8, $0x2  }
0x60: {  	p5 =	slt.s32 s28, $0x1  }
.Ltmp5:
0x61: {  	_ = 	snop;
	(pc) =	sbr.rel @p5 .LBB2_19-.Ltmp5, $2  }
0x62: {  	_ =	sdelay $0x2  }
0x63: {  	[smem:s8] =	sst s4  }
0x64: {  	s0 =	smov.u32 s28  }
0x65: {  	s8 =	simm.s32 $0x800;
	s0 =	simm.s32 @!p1 $0x1000  }
0x66: {  	v7 =	vld [tilespmem:s8+$0x0];
	p0 =	seq.s32 s0, $0x1  }
.Ltmp6:
0x67: {  	_ = 	snop;
	(pc) =	sbr.rel @p0 .LBB2_9-.Ltmp6, $3  }
0x68: {  	_ =	sdelay $0x1  }
0x69: {  	p2 =	por $0x0, $0x0;
	p3 =	por $0x0, $0x0  }
0x6a: {  	p4 =	por $0x0, $0x0;
	s8 =	simm.s32 $0x801;
	s0 =	sadd.s32 $0xFFFFFFFF, s0;
	(v2sf) =	vpush v7, $0x0  }
0x6b: {  	v7 =	vld [tilespmem:s8+$0x0];
	_ =	sdelay $0x4  }
0x6c: {  	(v2sf) =	vpush v7, $0x0;
	_ =	sdelay $0x6  }
0x6d: {  	p0 =	seq.s32 s0, $0x1  }
.Ltmp7:
0x6e: {  	_ = 	snop;
	(pc) =	sbr.rel @p0 .LBB2_11-.Ltmp7, $2  }
0x6f: {  	_ =	sdelay $0x2  }
0x70: {  	s0 =	sadd.s32 $0xFFFFFFFF, s0;
	s8 =	simm.s32 $0x802;
	p2 =	por $0x1, $0x1  }
0x71: {  	v7 =	vld [tilespmem:s8+$0x0];
	_ =	sdelay $0x4  }
0x72: {  	(v2sf) =	vpush v7, $0x0;
	_ =	sdelay $0x3  }
0x73: {  	p0 =	seq.s32 s0, $0x1  }
.Ltmp8:
0x74: {  	_ = 	snop;
	(pc) =	sbr.rel @p0 .LBB2_13-.Ltmp8, $2  }
0x75: {  	_ =	sdelay $0x2  }
0x76: {  	s0 =	sadd.s32 $0xFFFFFFFF, s0;
	s8 =	simm.s32 $0x803;
	p3 =	por $0x1, $0x1  }
0x77: {  	v7 =	vld [tilespmem:s8+$0x0];
	_ =	sdelay $0x4  }
0x78: {  	(v2sf) =	vpush v7, $0x0;
	_ =	sdelay $0x3  }
0x79: {  	p0 =	seq.s32 s0, $0x1  }
.Ltmp9:
0x7a: {  	_ = 	snop;
	(pc) =	sbr.rel @p0 .LBB2_15-.Ltmp9, $4  }
0x7b: {  	s31 =	spop (v2sf)  }
0x7c: {  	s8 =	sand.u32 $0xFF, s31  }
0x7d: {  	s10 =	sadd.s32 $0xFFFFFFFF, s0;
	s0 =	sld [smem:s8+$0x0]  }
0x7e: {  	s29 =	simm.s32 $0x804;
	p4 =	por $0x1, $0x1  }
.LBB2_16:
0x7f: {  	v7 =	vld [tilespmem:s29+$0x0];
	p0 =	seq.s32 s10, $0x1;
	s10 =	sadd.s32 $0xFFFFFFFF, s10  }
.Ltmp10:
0x80: {  	s0 =	sadd.s32 $0x1, s0;
	(pc) =	sbr.rel @!p0 .LBB2_16-.Ltmp10, $4  }
0x81: {  	s11 =	spop (v2sf);
	[smem:s8] =	sst s0  }
0x82: {  	s8 =	sand.u32 $0xFF, s11  }
0x83: {  	s0 =	sld [smem:s8+$0x0]  }
0x84: {  	s29 =	sadd.s32 $0x1, s29;
	(v2sf) =	vpush v7, $0x0  }
0x85: {  	_ = 	snop  }
.LBB2_18:
0x86: {  	_ = 	snop  }
0x87: {  	s0 =	sadd.s32 @p4 $0x1, s0;
	s10 =	spop @p3 (v2sf)  }
0x88: {  	[smem:s8] =	sst @p4 s0;
	s0 =	sand.u32 @p3 $0xFF, s10  }
0x89: {  	s8 =	sld @p3 [smem:s0+$0x0];
	_ =	sdelay $0x2  }
0x8a: {  	s8 =	smov.u32 @p3 s8  }
0x8b: {  	s10 =	spop @p2 (v2sf);
	s0 =	smov.u32 @p3 s0;
	s8 =	sadd.s32 @p3 $0x1, s8  }
0x8c: {  	[smem:s0] =	sst @p3 s8;
	s0 =	sand.u32 @p2 $0xFF, s10  }
0x8d: {  	s8 =	sld @p2 [smem:s0+$0x0];
	_ =	sdelay $0x2  }
0x8e: {  	s8 =	smov.u32 @p2 s8  }
0x8f: {  	s0 =	smov.u32 @p2 s0;
	s8 =	sadd.s32 @p2 $0x1, s8;
	s29 =	spop (v2sf)  }
0x90: {  	[smem:s0] =	sst @p2 s8;
	s31 =	sand.u32 $0xFF, s29  }
0x91: {  	s8 =	sld [smem:s31+$0x0];
	_ =	sdelay $0x2  }
0x92: {  	s8 =	sadd.s32 $0x1, s8  }
0x93: {  	[smem:s31] =	sst s8  }
.LBB2_19:
0x94: {  	s0 =	simm.s32 $0x0  }
0x95: {  	[smem:$0x100] =	sst s0  }
0x96: {  	[smem:$0x200] =	sst s0  }
0x97: {  	s8 =	simm.s32 $0x4;
	s10 =	sld [smem:$0x0]  }
.LBB2_20:
0x98: {  	p0 =	seq.s32 s8, $0x3D4  }
.Ltmp11:
0x99: {  	_ = 	snop;
	(pc) =	sbr.rel @!p0 .LBB2_20-.Ltmp11, $4  }
0x9a: {  	s11 =	sshra.s32 s8, $0x2;
	s0 =	sadd.s32 s0, s10  }
0x9b: {  	[smem:s11+$0x100] =	sst s0  }
0x9c: {  	[smem:s11+$0x200] =	sst s0  }
0x9d: {  	s8 =	sadd.s32 $0x4, s8;
	s10 =	sld [smem:s11+$0x0]  }
.Ltmp12:
0x9e: {  	(pc) =	sbr.rel @p5 .LBB2_25-.Ltmp12, $1  }
0x9f: {  	_ =	sdelay $0x3  }
0xa0: {  	s28 =	simm.s32 @!p1 $0x1000  }
0xa1: {  	p0 =	sne.s32 s28, $0x1  }
.Ltmp13:
0xa2: {  	_ = 	snop;
	(pc) =	sbr.rel @!p0 .LBB2_24-.Ltmp13, $3  }
0xa3: {  	_ =	sdelay $0x1  }
0xa4: {  	s0 =	simm.s32 $0x800  }
0xa5: {  	v7 =	vld [tilespmem:s0+$0x0];
	s8 =	sadd.s32 $0xFFFFFFFF, s28  }
.LBB2_23:
0xa6: {  	p1 =	sne.s32 s8, $0x1;
	_ =	sdelay $0x3  }
0xa7: {  	(v2sf) =	vpush v7, $0x0;
	_ =	sdelay $0xe  }
0xa8: {  	s10 =	spop (v2sf)  }
0xa9: {  	s10 =	sand.u32 $0xFF, s10  }
0xaa: {  	s11 =	sor.u32 $0x200, s10  }
0xab: {  	s11 =	sld [smem:s11+$0x0];
	_ =	sdelay $0x2  }
0xac: {  	s28 =	sadd.s32 $0x1, s11;
	v8 =	vmov s11  }
0xad: {  	[smem:s10+$0x200] =	sst s28  }
.Ltmp14:
0xae: {  	(pc) =	sbr.rel @p1 .LBB2_23-.Ltmp14, $3  }
0xaf: {  	v7 =	vbroadcast v7, $0x0;
	_ =	sdelay $0x1  }
0xb0: {  	s0 =	sadd.s32 $0x1, s0;
	[tilespmem:v8+s23+$0x0] =	vst.idx.msk $0x1, v7  }
0xb1: {  	s8 =	sadd.s32 $0xFFFFFFFF, s8;
	v7 =	vld [tilespmem:s0+$0x0]  }
.LBB2_24:
0xb2: {  	_ =	sdelay $0x3  }
0xb3: {  	(v2sf) =	vpush v7, $0x0;
	_ =	sdelay $0xe  }
0xb4: {  	s0 =	spop (v2sf)  }
0xb5: {  	s0 =	sand.u32 $0xFF, s0  }
0xb6: {  	s8 =	sor.u32 $0x200, s0  }
0xb7: {  	s8 =	sld [smem:s8+$0x0];
	_ =	sdelay $0x2  }
0xb8: {  	v8 =	vmov s8;
	_ =	sdelay $0x2  }
0xb9: {  	v7 =	vbroadcast v7, $0x0  }
0xba: {  	s8 =	sadd.s32 $0x1, s8  }
0xbb: {  	[smem:s0+$0x200] =	sst s8;
	[tilespmem:v8+s23+$0x0] =	vst.idx.msk $0x1, v7  }
.LBB2_25:
.Ltmp15:
0xbc: {  	(pc) =	sbr.rel .LBB2_26-.Ltmp15, $4  }
0xbd: {  	_ = 	snop  }
0xbe: {  	s0 =	simm.s32 @!p5 $0x0  }
0xbf: {  	s0 =	simm.s32 @p5 $0x1  }
0xc0: {  	s28 =	simm.s32 $0x0;
	[smem:$0x7FD] =	sst s0  }
.LBB2_32:
0xc1: {  	s28 =	sadd.s32 $0x1, s28  }
0xc2: {  	p0 =	sne.s32 s28, s7  }
.Ltmp16:
0xc3: {  	_ = 	snop;
	(pc) =	sbr.rel @!p0 .LBB2_33-.Ltmp16, $1  }
0xc4: {  	_ =	sdelay $0x3  }
.LBB2_26:
0xc5: {  	s0 =	smulhi.u32 $0xCCCCCCCD, s28;
	_ =	sdelay $0x1  }
0xc6: {  	s0 =	sshrl.u32 s0, $0x3  }
0xc7: {  	s0 =	smul.u32 $0xA, s0;
	_ =	sdelay $0x1  }
0xc8: {  	s0 =	ssub.s32 s28, s0  }
0xc9: {  	p1 =	sgt.s32 s0, $0x4  }
0xca: {  	p5 =	sgt.s32 @p1 s0, $0x6  }
0xcb: {  	p2 =	por !p5, !p1  }
0xcc: {  	s8 =	simm.s32 @!p2 $0x0;
	p0 =	seq.s32 @!p2 s0, $0x7  }
0xcd: {  	s8 =	simm.s32 @p2 $0x1;
	p3 =	por @p1 p0, !p5  }
0xce: {  	[smem:$0x7FB] =	sst s8;
	s8 =	simm.s32 @!p0 $0x0;
	p3 =	por p3, !p1  }
0xcf: {  	p4 =	sgt.s32 @!p1 s0, $0x1;
	s8 =	simm.s32 @p0 $0x1;
	p3 =	seq.s32 @!p3 s0, $0x8  }
0xd0: {  	[smem:$0x7F3] =	sst s8;
	p6 =	por @!p2 !p3, p0;
	p0 =	por !p4, p1  }
0xd1: {  	p2 =	por @p1 p6, !p5;
	p3 =	por @p1 !p6, !p5;
	p6 =	seq.s32 @!p0 s0, $0x2  }
0xd2: {  	s8 =	simm.s32 @!p0 $0x0;
	s12 =	sld [smem:$0x7F3];
	p2 =	por p2, !p1  }
0xd3: {  	s10 =	simm.s32 @!p2 $0x9;
	p2 =	por !p3, !p1;
	p3 =	por @!p1 p6, !p4  }
0xd4: {  	s8 =	simm.s32 @p0 $0x1;
	s10 =	simm.s32 @p2 $0xA;
	p2 =	por p3, p1  }
0xd5: {  	[smem:$0x7FC] =	sst s8;
	s8 =	simm.s32 @!p2 $0x0  }
0xd6: {  	s8 =	simm.s32 @p2 $0x1  }
0xd7: {  	[smem:$0x7F4] =	sst s8  }
0xd8: {  	p2 =	seq.s32 s12, $0x1;
	s13 =	sld [smem:$0x7F4]  }
0xd9: {  	p2 =	por @p1 !p2, !p5  }
0xda: {  	s8 =	simm.s32 @!p2 $0x0  }
0xdb: {  	s8 =	simm.s32 @p2 $0x1;
	p2 =	seq.s32 s13, $0x1  }
0xdc: {  	[smem:$0x7F5] =	sst s8;
	p2 =	seq.s32 @!p2 s0, $0x3  }
0xdd: {  	s14 =	sld [smem:$0x7F5];
	s8 =	simm.s32 @!p2 $0x0  }
0xde: {  	s8 =	simm.s32 @p2 $0x1  }
0xdf: {  	[smem:$0x7F6] =	sst s8  }
0xe0: {  	p2 =	seq.s32 s14, $0x1;
	s31 =	sld [smem:$0x7F6]  }
0xe1: {  	p2 =	por !p2, !p1  }
0xe2: {  	p3 =	por p5, !p1;
	s8 =	simm.s32 @!p2 $0x0  }
0xe3: {  	p3 =	seq.s32 @!p3 s0, $0x5;
	s8 =	simm.s32 @p2 $0x1;
	p2 =	seq.s32 s31, $0x1  }
0xe4: {  	p2 =	por @!p0 !p2, p6;
	p0 =	por @p1 p3, p5  }
0xe5: {  	[smem:$0x7F7] =	sst s8;
	s8 =	simm.s32 @!p0 $0x0  }
0xe6: {  	s11 =	sld [smem:$0x7F7];
	s8 =	simm.s32 @p0 $0x1  }
0xe7: {  	[smem:$0x7F8] =	sst s8  }
0xe8: {  	s12 =	sld [smem:$0x7F8];
	_ =	sdelay $0x1  }
0xe9: {  	p0 =	seq.s32 s11, $0x1  }
0xea: {  	s10 =	simm.s32 @p0 $0x8;
	p0 =	seq.s32 s12, $0x1  }
0xeb: {  	p0 =	por p0, !p1  }
0xec: {  	s8 =	simm.s32 @!p0 $0x0  }
0xed: {  	s8 =	simm.s32 @p0 $0x1;
	p0 =	por @!p1 p2, !p4  }
0xee: {  	[smem:$0x7F9] =	sst s8;
	s8 =	simm.s32 @!p0 $0x0  }
0xef: {  	s8 =	simm.s32 @p0 $0x1;
	s13 =	sld [smem:$0x7F9]  }
0xf0: {  	[smem:$0x7FA] =	sst s8  }
0xf1: {  	s14 =	sld [smem:$0x7FA];
	_ =	sdelay $0x2  }
0xf2: {  	p3 =	por @p1 !p3, p5;
	p0 =	seq.s32 s13, $0x1;
	p5 =	seq.s32 s14, $0x1  }
0xf3: {  	s31 =	sld [smem:$0x7FC];
	s11 =	simm.s32 @!p0 $0x7;
	p0 =	por p5, p1  }
0xf4: {  	s8 =	simm.s32 @!p0 $0x4;
	p0 =	por @!p1 !p2, !p4;
	p2 =	por p4, p1  }
0xf5: {  	p3 =	por !p3, !p1;
	p0 =	por !p0, p1;
	p2 =	seq.s32 @!p2 s0, $0x0  }
0xf6: {  	s12 =	sld [smem:$0x7FB];
	s8 =	simm.s32 @p0 $0x5;
	p0 =	por @!p1 p2, p4  }
0xf7: {  	s11 =	simm.s32 @p3 $0x6;
	p2 =	por @!p1 !p2, p4;
	p0 =	por p0, p1  }
0xf8: {  	p3 =	por @!p1 !p6, !p4;
	s29 =	simm.s32 @!p0 $0x2;
	p0 =	por !p2, p1  }
0xf9: {  	p3 =	por !p3, p1;
	s29 =	simm.s32 @p0 $0x1;
	p0 =	seq.s32 s12, $0x1  }
0xfa: {  	s8 =	simm.s32 @p3 $0x3;
	s10 =	smov.u32 @p0 s11;
	p0 =	seq.s32 s31, $0x1  }
0xfb: {  	s8 =	smov.u32 @p0 s29  }
0xfc: {  	s8 =	smov.u32 @p1 s10  }
0xfd: {  	_ =	swait.ge [sflag:s8], $0x2000  }
0xfe: {  	[sflag:s8] =	ssyncset.done $0x0  }
0xff: {  	[sflag:s8] =	ssyncadd.s32 $0xFFFFE000  }
0x100: {  	s10 =	sld [smem:s28+$0x100]  }
0x101: {  	s29 =	sld [smem:s28+$0x101];
	_ =	sdelay $0x2  }
0x102: {  	p0 =	sge.s32 s10, s29  }
.Ltmp17:
0x103: {  	_ = 	snop;
	(pc) =	sbr.rel @p0 .LBB2_30-.Ltmp17, $1  }
0x104: {  	_ =	sdelay $0x3  }
0x105: {  	s8 =	sshll.u32 s10, $0x2  }
0x106: {  	s8 =	sshra.s32 s8, $0x2  }
0x107: {  	s12 =	sadd.s32 $0x1880, s8  }
0x108: {  	v7 =	vld [tilespmem:s12+$0x0];
	_ =	sdelay $0x4  }
0x109: {  	(v2sf) =	vpush v7, $0x0;
	_ =	sdelay $0xe  }
0x10a: {  	p0 =	slt.s32 s28, s30;
	s8 =	smov.u32 s30;
	s11 =	spop (v2sf)  }
0x10b: {  	s8 =	smov.u32 @p0 s28;
	s31 =	sand.u32 $0xFF, s11  }
0x10c: {  	s14 =	sshra.s32 s10, $0x1F;
	s13 =	sshrl.u32 s11, $0x8;
	s31 =	ssub.s32 s31, s8  }
0x10d: {  	s14 =	sshrl.u32 s14, $0x1A;
	s13 =	sand.u32 $0x7F, s13;
	s31 =	sshll.u32 s31, $0x7  }
0x10e: {  	s14 =	sadd.s32 s14, s10;
	s13 =	sor.u32 s13, s31  }
0x10f: {  	s0 =	sshll.u32 s0, $0xD;
	s14 =	sand.u32 $0xFFFFFFC0, s14;
	v8 =	vmov s13  }
0x110: {  	p0 =	slt.s32 s10, $0x1;
	v7 =	vor.u32 s0, v0;
	s13 =	ssub.s32 s10, s14;
	v11 =	vand.u32 $0xFFFFFF80, v8  }
0x111: {  	p1 =	sne.s32 @!p0 s13, $0x0;
	v12 =	vand.u32 $0x7F, v8;
	v8 =	vadd.s32 v11, v7  }
0x112: {  	p0 =	por p1, p0;
	v9 =	vor.u32 v12, v8  }
0x113: {  	s14 =	simm.s32 @!p0 $0xB  }
0x114: {  	_ =	swait.ge @!p0 [sflag:s14], $0x2000  }
0x115: {  	[sflag:s14] =	ssyncset.done @!p0 $0x0  }
0x116: {  	v8 =	vor.u32 s0, v4;
	[sflag:s14] =	ssyncadd.s32 @!p0 $0xFFFFE000  }
0x117: {  	v10 =	vadd.s32 v11, v8;
	v13 =	vld.idx.msk [tilespmem:v9+s22+$0x0], $0xffff  }
0x118: {  	v10 =	vor.u32 v12, v10;
	_ =	sdelay $0x1  }
0x119: {  	s13 =	sshll.u32 s13, $0x9  }
0x11a: {  	s13 =	sshra.s32 s13, $0x2  }
0x11b: {  	v9 =	vor.u32 s0, v5;
	[tilespmem:s13+$0x16900] =	vst v13  }
0x11c: {  	v63 =	vadd.s32 v11, v9;
	v14 =	vld.idx.msk [tilespmem:v10+s22+$0x0], $0xffff  }
0x11d: {  	v13 =	vor.u32 v12, v63;
	_ =	sdelay $0x3  }
0x11e: {  	v10 =	vor.u32 s0, v6;
	[tilespmem:s13+$0x16910] =	vst v14  }
0x11f: {  	v11 =	vadd.s32 v11, v10;
	v13 =	vld.idx.msk [tilespmem:v13+s22+$0x0], $0xffff  }
0x120: {  	v11 =	vor.u32 v12, v11;
	_ =	sdelay $0x3  }
0x121: {  	s31 =	sadd.s32 $0x1, s10;
	[tilespmem:s13+$0x16920] =	vst v13  }
0x122: {  	p0 =	sne.s32 s29, s31;
	v11 =	vld.idx.msk [tilespmem:v11+s22+$0x0], $0xffff  }
.Ltmp18:
0x123: {  	_ = 	snop;
	(pc) =	sbr.rel @!p0 .LBB2_29-.Ltmp18, $4  }
0x124: {  	_ = 	snop  }
0x125: {  	s14 =	sshra.s32 s11, $0xB  }
0x126: {  	s0 =	sand.u32 $0x1FFFFFF0, s14  }
0x127: {  	s11 =	sadd.s32 $0x16900, s13;
	s10 =	sadd.s32 s5, s0;
	s0 =	sadd.s32 $0x1, s12;
	[tilespmem:s13+$0x16930] =	vst v11  }
.LBB2_28:
0x128: {  	[hbm4b:s10+s4] =	stream.linear.scatter [tilespmem:s11], [sflag:$0xB], $0x80, $0x38;
	[tilespmem:$0x18900] =	vst v63  }
0x129: {  	s11 =	smov.u32 s31;
	s31 =	sadd.s32 $0x1, s31;
	v11 =	vld [tilespmem:s0+$0x0]  }
0x12a: {  	p1 =	sne.s32 s29, s31;
	_ =	sdelay $0x3  }
0x12b: {  	(v2sf) =	vpush v11, $0x0;
	_ =	sdelay $0xe  }
0x12c: {  	s10 =	spop (v2sf)  }
0x12d: {  	s12 =	sand.u32 $0xFF, s10;
	s13 =	sshrl.u32 s10, $0x8;
	s10 =	sshra.s32 s10, $0xB  }
0x12e: {  	s14 =	sshra.s32 s11, $0x1F;
	s12 =	ssub.s32 s12, s8;
	s10 =	sand.u32 $0x1FFFFFF0, s10  }
0x12f: {  	s14 =	sshrl.u32 s14, $0x1A;
	s13 =	sand.u32 $0x7F, s13;
	s12 =	sshll.u32 s12, $0x7  }
0x130: {  	s12 =	sor.u32 s13, s12;
	s13 =	sadd.s32 s14, s11  }
0x131: {  	v11 =	vmov s12;
	s12 =	sand.u32 $0xFFFFFFC0, s13  }
0x132: {  	p0 =	slt.s32 s11, $0x1;
	s12 =	ssub.s32 s11, s12;
	v12 =	vand.u32 $0xFFFFFF80, v11  }
0x133: {  	v11 =	vand.u32 $0x7F, v11;
	p2 =	sne.s32 @!p0 s12, $0x0;
	v13 =	vadd.s32 v12, v7;
	s11 =	sshll.u32 s12, $0x9;
	v14 =	vadd.s32 v12, v8  }
0x134: {  	v15 =	vadd.s32 v12, v9;
	p0 =	por p2, p0;
	v13 =	vor.u32 v11, v13;
	v14 =	vor.u32 v11, v14  }
0x135: {  	v12 =	vadd.s32 v12, v10;
	v15 =	vor.u32 v11, v15;
	s12 =	simm.s32 @!p0 $0xB  }
0x136: {  	v11 =	vor.u32 v11, v12;
	_ =	swait.ge @!p0 [sflag:s12], $0x2000  }
0x137: {  	[sflag:s12] =	ssyncset.done @!p0 $0x0  }
0x138: {  	[sflag:s12] =	ssyncadd.s32 @!p0 $0xFFFFE000  }
0x139: {  	v12 =	vld.idx.msk [tilespmem:v13+s22+$0x0], $0xffff;
	_ =	sdelay $0x4  }
0x13a: {  	s12 =	sshra.s32 s11, $0x2  }
0x13b: {  	[tilespmem:s12+$0x16900] =	vst v12  }
0x13c: {  	v12 =	vld.idx.msk [tilespmem:v14+s22+$0x0], $0xffff;
	_ =	sdelay $0x5  }
0x13d: {  	[tilespmem:s12+$0x16910] =	vst v12  }
0x13e: {  	v12 =	vld.idx.msk [tilespmem:v15+s22+$0x0], $0xffff;
	_ =	sdelay $0x5  }
0x13f: {  	[tilespmem:s12+$0x16920] =	vst v12  }
0x140: {  	v11 =	vld.idx.msk [tilespmem:v11+s22+$0x0], $0xffff;
	_ =	sdelay $0x1  }
.Ltmp19:
0x141: {  	(pc) =	sbr.rel @p1 .LBB2_28-.Ltmp19, $2  }
0x142: {  	_ =	sdelay $0x2  }
0x143: {  	s0 =	sadd.s32 $0x1, s0;
	s10 =	sadd.s32 s5, s10;
	s11 =	sadd.s32 $0x16900, s12;
	[tilespmem:s12+$0x16930] =	vst v11  }
.LBB2_29:
0x144: {  	[hbm4b:s10+s4] =	stream.linear.scatter [tilespmem:s11], [sflag:$0xB], $0x80, $0x38;
	[tilespmem:$0x18900] =	vst v63  }
.LBB2_30:
0x145: {  	s0 =	sadd.s32 $0xA, s28  }
0x146: {  	p0 =	sge.u32 s0, s7  }
.Ltmp20:
0x147: {  	_ = 	snop;
	(pc) =	sbr.rel @p0 .LBB2_32-.Ltmp20, $1  }
0x148: {  	_ =	sdelay $0x3  }
0x149: {  	s8 =	smulhi.u32 $0xCCCCCCCD, s0;
	_ =	sdelay $0x1  }
0x14a: {  	s8 =	sshrl.u32 s8, $0x3  }
0x14b: {  	s8 =	smul.u32 $0xA, s8;
	_ =	sdelay $0x1  }
0x14c: {  	s8 =	ssub.s32 s0, s8  }
0x14d: {  	p0 =	slt.s32 s0, s30;
	s10 =	smov.u32 s30;
	p1 =	sgt.s32 s8, $0x4  }
0x14e: {  	s10 =	smov.u32 @p0 s0;
	p2 =	sgt.s32 @p1 s8, $0x6  }
0x14f: {  	s0 =	sadd.s32 s6, s10;
	p3 =	por !p2, !p1  }
0x150: {  	s0 =	sshll.u32 s0, $0x7;
	p4 =	seq.s32 @!p3 s8, $0x7  }
0x151: {  	s0 =	sand.u32 $0x1FFFFF80, s0;
	p0 =	por @p1 !p4, !p2  }
0x152: {  	s0 =	sadd.s32 s3, s0;
	p0 =	por p0, !p1  }
0x153: {  	s10 =	simm.s32 @!p0 $0x400;
	s11 =	simm.s32 @!p0 $0x7A1400;
	s12 =	simm.s32 @!p0 $0x10900  }
0x154: {  	[tilespmem:s12], [sflag:$0x8] =	stream.strided.gather @!p0 [hbm4b:s0+s10], $0x2000, s11, s10, $0x38;
	[tilespmem:$0x18900] =	vst v63  }
0x155: {  	p0 =	por @p1 p4, !p2  }
0x156: {  	p0 =	por p0, !p1  }
0x157: {  	p0 =	seq.s32 @!p0 s8, $0x8  }
0x158: {  	p5 =	por @!p3 !p0, p4;
	p0 =	por @!p3 p0, p4  }
0x159: {  	p5 =	por @p1 p5, !p2;
	p0 =	por @p1 p0, !p2  }
0x15a: {  	p5 =	por p5, !p1;
	p0 =	por p0, !p1  }
0x15b: {  	s10 =	simm.s32 @!p5 $0x400;
	s11 =	simm.s32 @!p5 $0x7A1400;
	s12 =	simm.s32 @!p5 $0x12900  }
0x15c: {  	[tilespmem:s12], [sflag:$0x9] =	stream.strided.gather @!p5 [hbm4b:s0+s10], $0x2000, s11, s10, $0x38;
	[tilespmem:$0x18900] =	vst v63  }
0x15d: {  	s10 =	simm.s32 @!p0 $0x400;
	s11 =	simm.s32 @!p0 $0x7A1400;
	s12 =	simm.s32 @!p0 $0x14900  }
0x15e: {  	[tilespmem:s12], [sflag:$0xA] =	stream.strided.gather @!p0 [hbm4b:s0+s10], $0x2000, s11, s10, $0x38;
	[tilespmem:$0x18900] =	vst v63  }
0x15f: {  	p0 =	por p2, !p1  }
0x160: {  	p0 =	seq.s32 @!p0 s8, $0x5  }
0x161: {  	p3 =	por @p1 !p0, p2;
	p0 =	por @p1 p0, p2  }
0x162: {  	p3 =	por p3, !p1;
	p0 =	por p0, !p1  }
0x163: {  	s10 =	simm.s32 @!p3 $0x400;
	s11 =	simm.s32 @!p3 $0x7A1400;
	s12 =	simm.s32 @!p3 $0xC900  }
0x164: {  	[tilespmem:s12], [sflag:$0x6] =	stream.strided.gather @!p3 [hbm4b:s0+s10], $0x2000, s11, s10, $0x38;
	[tilespmem:$0x18900] =	vst v63  }
0x165: {  	p2 =	sgt.s32 @!p1 s8, $0x1;
	s10 =	simm.s32 @!p0 $0x400  }
0x166: {  	s11 =	simm.s32 @!p0 $0x7A1400;
	s12 =	simm.s32 @!p0 $0xE900;
	p3 =	por !p2, p1  }
0x167: {  	[tilespmem:s12], [sflag:$0x7] =	stream.strided.gather @!p0 [hbm4b:s0+s10], $0x2000, s11, s10, $0x38;
	[tilespmem:$0x18900] =	vst v63  }
0x168: {  	p0 =	seq.s32 @!p3 s8, $0x2  }
0x169: {  	p4 =	por @!p1 !p0, !p2  }
0x16a: {  	p4 =	por p4, p1  }
0x16b: {  	s10 =	simm.s32 @!p4 $0x400;
	s11 =	simm.s32 @!p4 $0x7A1400;
	s12 =	simm.s32 @!p4 $0x6900  }
0x16c: {  	[tilespmem:s12], [sflag:$0x3] =	stream.strided.gather @!p4 [hbm4b:s0+s10], $0x2000, s11, s10, $0x38;
	[tilespmem:$0x18900] =	vst v63  }
0x16d: {  	p4 =	por @!p1 p0, !p2  }
0x16e: {  	p4 =	por p4, p1  }
0x16f: {  	p4 =	seq.s32 @!p4 s8, $0x3  }
0x170: {  	p5 =	por @!p3 !p4, p0;
	p0 =	por @!p3 p4, p0  }
0x171: {  	p5 =	por @!p1 p5, !p2;
	p0 =	por @!p1 p0, !p2  }
0x172: {  	p5 =	por p5, p1;
	p0 =	por p0, p1  }
0x173: {  	s10 =	simm.s32 @!p5 $0x400;
	s11 =	simm.s32 @!p5 $0x7A1400;
	s12 =	simm.s32 @!p5 $0x8900  }
0x174: {  	[tilespmem:s12], [sflag:$0x4] =	stream.strided.gather @!p5 [hbm4b:s0+s10], $0x2000, s11, s10, $0x38;
	[tilespmem:$0x18900] =	vst v63  }
0x175: {  	s10 =	simm.s32 @!p0 $0x400;
	s11 =	simm.s32 @!p0 $0x7A1400;
	s12 =	simm.s32 @!p0 $0xA900  }
0x176: {  	[tilespmem:s12], [sflag:$0x5] =	stream.strided.gather @!p0 [hbm4b:s0+s10], $0x2000, s11, s10, $0x38;
	[tilespmem:$0x18900] =	vst v63  }
0x177: {  	p0 =	por p2, p1  }
0x178: {  	p0 =	seq.s32 @!p0 s8, $0x0  }
0x179: {  	p3 =	por @!p1 !p0, p2;
	p0 =	por @!p1 p0, p2  }
.Ltmp21:
0x17a: {  	p3 =	por p3, p1;
	p0 =	por p0, p1;
	(pc) =	sbr.rel .LBB2_32-.Ltmp21, $4  }
0x17b: {  	s8 =	simm.s32 @!p3 $0x400;
	s10 =	simm.s32 @!p3 $0x7A1400;
	s11 =	simm.s32 @!p3 $0x2900  }
0x17c: {  	[tilespmem:s11], [sflag:$0x1] =	stream.strided.gather @!p3 [hbm4b:s0+s8], $0x2000, s10, s8, $0x38;
	[tilespmem:$0x18900] =	vst v63  }
0x17d: {  	s8 =	simm.s32 @!p0 $0x400;
	s10 =	simm.s32 @!p0 $0x7A1400;
	s11 =	simm.s32 @!p0 $0x4900  }
0x17e: {  	[tilespmem:s11], [sflag:$0x2] =	stream.strided.gather @!p0 [hbm4b:s0+s8], $0x2000, s10, s8, $0x38;
	[tilespmem:$0x18900] =	vst v63  }
.LBB2_33:
0x17f: {  	s0 =	sadd.s32 $0xFFFFFFFF, s26  }
0x180: {  	s8 =	sshra.s32 s0, $0x1F  }
0x181: {  	s31 =	sld [smem:$0x7FD];
	s8 =	sshrl.u32 s8, $0x1A  }
0x182: {  	s8 =	sadd.s32 s8, s0  }
0x183: {  	s8 =	sand.u32 $0xFFFFFFC0, s8  }
0x184: {  	p1 =	seq.s32 s31, $0x1;
	s0 =	ssub.s32 s0, s8  }
0x185: {  	p0 =	slt.s32 @!p1 s0, $0x0  }
0x186: {  	p0 =	por p1, p0  }
.Ltmp22:
0x187: {  	_ = 	snop;
	(pc) =	sbr.rel @p0 .LBB2_37-.Ltmp22, $2  }
0x188: {  	_ =	sdelay $0x2  }
0x189: {  	s8 =	simm.s32 $0xFFFFFFFF  }
0x18a: {  	s8 =	sadd.s32 $0x1, s8  }
0x18b: {  	p0 =	sgt.s32 s0, s8  }
.Ltmp23:
0x18c: {  	_ = 	snop;
	(pc) =	sbr.rel @!p0 .LBB2_36-.Ltmp23, $3  }
0x18d: {  	_ =	sdelay $0x1  }
0x18e: {  	_ =	swait.ge [sflag:s24], $0x80  }
0x18f: {  	[sflag:s24] =	ssyncset.done $0x0  }
.LBB2_35:
0x190: {  	s8 =	sadd.s32 $0x1, s8  }
0x191: {  	[sflag:s24] =	ssyncadd.s32 $0xFFFFFF80;
	p0 =	sgt.s32 s0, s8  }
.Ltmp24:
0x192: {  	(pc) =	sbr.rel @p0 .LBB2_35-.Ltmp24, $3  }
0x193: {  	_ =	sdelay $0x1  }
0x194: {  	_ =	swait.ge [sflag:s24], $0x80  }
0x195: {  	[sflag:s24] =	ssyncset.done $0x0  }
.Ltmp25:
0x196: {  	_ = 	snop;
	(pc) =	sbr.rel .LBB2_36-.Ltmp25, $1  }
0x197: {  	_ =	sdelay $0x3  }
.LBB2_9:
.Ltmp26:
0x198: {  	(pc) =	sbr.rel .LBB2_18-.Ltmp26, $2  }
0x199: {  	_ =	sdelay $0x2  }
0x19a: {  	_ = 	snop  }
.LBB2_11:
.Ltmp27:
0x19b: {  	(pc) =	sbr.rel .LBB2_18-.Ltmp27, $2  }
0x19c: {  	_ =	sdelay $0x2  }
0x19d: {  	_ = 	snop  }
.LBB2_13:
.Ltmp28:
0x19e: {  	(pc) =	sbr.rel .LBB2_18-.Ltmp28, $2  }
0x19f: {  	_ =	sdelay $0x3  }
0x1a0: {  	_ = 	snop  }
.LBB2_15:
.Ltmp29:
0x1a1: {  	(pc) =	sbr.rel .LBB2_18-.Ltmp29, $1  }
0x1a2: {  	_ =	sdelay $0x3  }
.LBB2_38:
0x1a3: {  	_ =	sfence.sel $0x180000  }
0x1a4: {  	[bflag:$0x0] =	sbarrier.arrive $0xFFFF  }
0x1a5: {  	_ =	strace $0x90000047  }
0x1a6: {  	s0 =	stileid.u32;
	[bflag:$0x2] =	sbarrier.arrive $0xFFFF  }
0x1a7: {  	p0 =	sne.s32 s0, $0x0;
	s0 =	rddreg [dreg:$0x3]  }
0x1a8: {  	s0 =	sadd.s32 @!p0 $0x100000, s0  }
0x1a9: {  	[sflag:s0] =	ssyncadd.tile.s32 @!p0 $0x1;
	_ =	shalt  }
.Lfunc_end2:
_tile_overlayer_lowered:
.L_overlay_start_2:
0x1aa: {  	(tag) =	ssettag $0x2  }
0x1ab: {  	s0 =	rddreg [dreg:$0x0];
	s2 =	stileid.u32  }
0x1ac: {  	s1 =	rddreg [dreg:$0x1];
	p0 =	sne.s32 s2, $0x0  }
0x1ad: {  	s3 =	rddreg [dreg:$0x2];
	[bflag:$0x3] =	sbarrier.arrive $0xFFFF;
	s2 =	simm.s32 @!p0 $0x1C0C  }
0x1ae: {  	[timem:s3], [sflag:s2] =	dma.local @!p0 [hbm:s0], s1  }
0x1af: {  	s0 =	simm.s32 @!p0 $0xC  }
0x1b0: {  	_ =	swait.ge @!p0 [sflag:s0], s1  }
0x1b1: {  	s1 =	ssub.s32 @!p0 $0x0, s1;
	[sflag:s0] =	ssyncset.done @!p0 $0x0  }
0x1b2: {  	[sflag:s0] =	ssyncadd.s32 @!p0 s1  }
0x1b3: {  	[bflag:$0x3] =	sbarrier.arrive $0xFFFF  }
0x1b4: {  	_ =	shalt  }

</sc_bundles>
